<compile_context>
chip_gen: v7x
topology: tpu7x:2x2x1
jax: 0.10.2.dev20260603
libtpu: 0.0.44.dev20260713+nightly
codegen_flags: <defaults>
</compile_context>

<pallas_src>
import functools

import jax
import jax.numpy as jnp
from jax import lax
from jax.experimental import pallas as pl
from jax.experimental.pallas import tpu as pltpu
from jax.experimental.pallas import tpu_sc as plsc

_B = 8
_N = 10000
_E = 640000
_NC = 2
_NS = 16
_EPT = _E // 4
_CHUNK = 4000
_NCHUNK = _EPT // _CHUNK

_NODE_CHUNKS = ((0, 2512), (2512, 2512), (5024, 2512), (7536, 2464))
_MAXL = 2512

_VMIN = 0.95
_VMAX = 1.05

_S1, _S2, _S3 = -1.0 / 6.0, 1.0 / 120.0, -1.0 / 5040.0
_C1, _C2, _C3, _C4 = -0.5, 1.0 / 24.0, -1.0 / 720.0, 1.0 / 40320.0


def _pik_body(vm_hbm, va_hbm, r_hbm, x_hbm, pb_hbm, qb_hbm, e_hbm,
              out_hbm,
              vm_ref, va_ref, acc_p, acc_q,
              i_buf0, j_buf0, r_buf0, x_buf0,
              i_buf1, j_buf1, r_buf1, x_buf1,
              rows_a, rows_b, rows_c, rows_d, bias_buf, accvec,
              shared, sem0, sem1):
    core = lax.axis_index("c")
    sub = lax.axis_index("s")
    wid = core * _NS + sub
    bl = sub // 4
    b = core * 4 + bl
    ec = lax.rem(sub, 4)

    ebase = ec * _EPT
    ebase_rx = b * _E + ec * _EPT

    slot_bufs = ((i_buf0, j_buf0, r_buf0, x_buf0),
                 (i_buf1, j_buf1, r_buf1, x_buf1))

    def _edge_copies(ci, slot, sem):
        eo = ebase + ci * _CHUNK
        ro = ebase_rx + ci * _CHUNK
        ib, jb, rb, xb = slot_bufs[slot]
        return (
            pltpu.make_async_copy(e_hbm.at[pl.ds(eo, _CHUNK)], ib, sem),
            pltpu.make_async_copy(e_hbm.at[pl.ds(_E + eo, _CHUNK)], jb, sem),
            pltpu.make_async_copy(r_hbm.at[pl.ds(ro, _CHUNK)], rb, sem),
            pltpu.make_async_copy(x_hbm.at[pl.ds(ro, _CHUNK)], xb, sem),
        )

    def _start(ci, slot, sem):
        for c in _edge_copies(ci, slot, sem):
            c.start()

    def _wait(ci, slot, sem):
        for c in _edge_copies(ci, slot, sem):
            c.wait()

    _start(0, 0, sem0)
    _start(1, 1, sem1)

    pltpu.sync_copy(vm_hbm.at[pl.ds(b * _N, _N)], vm_ref)
    pltpu.sync_copy(va_hbm.at[pl.ds(b * _N, _N)], va_ref)

    @plsc.parallel_loop(0, _N, step=16)
    def _zero(o):
        z = jnp.zeros((16,), jnp.float32)
        acc_p[pl.ds(o, 16)] = z
        acc_q[pl.ds(o, 16)] = z

    def _compute(slot):
        ib, jb, rb, xb = slot_bufs[slot]

        @plsc.parallel_loop(0, _CHUNK, step=16, unroll=10)
        def vec_body(o):
            ii = ib[pl.ds(o, 16)]
            jj = jb[pl.ds(o, 16)]
            vi = plsc.load_gather(vm_ref, [ii])
            vj = plsc.load_gather(vm_ref, [jj])
            ai = plsc.load_gather(va_ref, [ii])
            aj = plsc.load_gather(va_ref, [jj])
            r = rb[pl.ds(o, 16)]
            x = xb[pl.ds(o, 16)]
            inv = 1.0 / (r * r + x * x)
            th = ai - aj
            t = th * th
            st = th * (1.0 + t * (_S1 + t * (_S2 + t * _S3)))
            ct = 1.0 + t * (_C1 + t * (_C2 + t * (_C3 + t * _C4)))
            w = vi * vj * inv
            p = w * (r * ct - x * st)
            q = w * (r * st + x * ct)
            plsc.addupdate_scatter(acc_p, [ii], p)
            plsc.addupdate_scatter(acc_q, [ii], q)

    def pair_body(ci2, carry):
        ci = 2 * ci2
        _wait(ci, 0, sem0)
        _compute(0)

        @pl.when(ci + 2 < _NCHUNK)
        def _():
            _start(ci + 2, 0, sem0)

        _wait(ci + 1, 1, sem1)
        _compute(1)

        @pl.when(ci + 3 < _NCHUNK)
        def _():
            _start(ci + 3, 1, sem1)

        return carry

    lax.fori_loop(0, _NCHUNK // 2, pair_body, 0)

    accvec[...] = jnp.zeros((16,), jnp.float32)

    for acc_ref, bias_hbm in ((acc_p, pb_hbm), (acc_q, qb_hbm)):
        plsc.subcore_barrier()
        pltpu.sync_copy(acc_ref, shared.at[pl.ds(sub * _N, _N)])
        plsc.subcore_barrier()

        for v, (o, ln) in enumerate(_NODE_CHUNKS):
            @pl.when(ec == v)
            def _(o=o, ln=ln):
                base = 4 * bl * _N + o
                pltpu.sync_copy(shared.at[pl.ds(base, ln)],
                                rows_a.at[pl.ds(0, ln)])
                pltpu.sync_copy(shared.at[pl.ds(base + _N, ln)],
                                rows_b.at[pl.ds(0, ln)])
                pltpu.sync_copy(shared.at[pl.ds(base + 2 * _N, ln)],
                                rows_c.at[pl.ds(0, ln)])
                pltpu.sync_copy(shared.at[pl.ds(base + 3 * _N, ln)],
                                rows_d.at[pl.ds(0, ln)])
                pltpu.sync_copy(bias_hbm.at[pl.ds(b * _N + o, ln)],
                                bias_buf.at[pl.ds(0, ln)])

                def mis_body(k, a):
                    kk = k * 16
                    pc = (rows_a[pl.ds(kk, 16)] + rows_b[pl.ds(kk, 16)]
                          + rows_c[pl.ds(kk, 16)] + rows_d[pl.ds(kk, 16)])
                    d = pc - bias_buf[pl.ds(kk, 16)]
                    return a + d * d

                part = lax.fori_loop(0, ln // 16, mis_body,
                                     jnp.zeros((16,), jnp.float32))
                accvec[...] += part

    for v, (o, ln) in enumerate(_NODE_CHUNKS):
        @pl.when(ec == v)
        def _(o=o, ln=ln):
            def volt_body(k, a):
                vmv = vm_ref[pl.ds(o + k * 16, 16)]
                lo = jnp.maximum(_VMIN - vmv, 0.0)
                hi = jnp.maximum(vmv - _VMAX, 0.0)
                return a + lo * lo + hi * hi

            part = lax.fori_loop(0, ln // 16, volt_body,
                                 jnp.zeros((16,), jnp.float32))
            accvec[...] += 0.1 * part

    accvec[...] = accvec[...] * 1.25
    pltpu.sync_copy(accvec, out_hbm.at[pl.ds(wid * 16, 16)])


_pik = functools.partial(
    pl.kernel,
    out_type=jax.ShapeDtypeStruct((_NC * _NS * 16,), jnp.float32),
    mesh=plsc.VectorSubcoreMesh(core_axis_name="c", subcore_axis_name="s"),
    compiler_params=pltpu.CompilerParams(needs_layout_passes=False),
    scratch_types=[
        pltpu.VMEM((_N,), jnp.float32),
        pltpu.VMEM((_N,), jnp.float32),
        pltpu.VMEM((_N,), jnp.float32),
        pltpu.VMEM((_N,), jnp.float32),
        pltpu.VMEM((_CHUNK,), jnp.int32),
        pltpu.VMEM((_CHUNK,), jnp.int32),
        pltpu.VMEM((_CHUNK,), jnp.float32),
        pltpu.VMEM((_CHUNK,), jnp.float32),
        pltpu.VMEM((_CHUNK,), jnp.int32),
        pltpu.VMEM((_CHUNK,), jnp.int32),
        pltpu.VMEM((_CHUNK,), jnp.float32),
        pltpu.VMEM((_CHUNK,), jnp.float32),
        pltpu.VMEM((_MAXL,), jnp.float32),
        pltpu.VMEM((_MAXL,), jnp.float32),
        pltpu.VMEM((_MAXL,), jnp.float32),
        pltpu.VMEM((_MAXL,), jnp.float32),
        pltpu.VMEM((_MAXL,), jnp.float32),
        pltpu.VMEM((16,), jnp.float32),
        pltpu.VMEM_SHARED((_NS * _N,), jnp.float32),
        pltpu.SemaphoreType.DMA,
        pltpu.SemaphoreType.DMA,
    ],
)(_pik_body)


def kernel(v_mag, v_ang, r_line, x_line, p_bus, q_bus, edge_index):
    partials = _pik(v_mag.reshape(-1), v_ang.reshape(-1),
                    r_line.reshape(-1), x_line.reshape(-1),
                    p_bus.reshape(-1), q_bus.reshape(-1),
                    edge_index.reshape(-1))
    loss = jnp.sum(partials)
    return (v_mag, v_ang, loss)

# --- scband reference (transcript-rebuilt; emitter-appended) ---
"""Pipeline reference for scband-physics-informed-layer-9019431321744 (READ-ONLY COPY).

The authoritative reference and input builder live on the scoring server;
editing this copy changes nothing except your own understanding.
"""

import jax, jax.numpy as jnp
import numpy as np

B = 8
N = 10000
E = 640000
V_MIN = 0.95
V_MAX = 1.05
POWER_BALANCE_WEIGHT = 10.0


def setup_inputs(seed: int = 0) -> dict:
    key = jax.random.key(seed)
    ks = jax.random.split(key, 7)
    # voltage magnitudes around 1.0 p.u., angles small (radians)
    v_mag = 0.9 + 0.2 * jax.random.uniform(ks[0], (B, N), dtype=jnp.float32)
    v_ang = 0.1 * jax.random.normal(ks[1], (B, N), dtype=jnp.float32)
    # line impedances: strictly positive to keep z^2 = r^2 + x^2 well-conditioned
    r_line = 0.01 + 0.1 * jax.random.uniform(ks[2], (B, E), dtype=jnp.float32)
    x_line = 0.01 + 0.1 * jax.random.uniform(ks[3], (B, E), dtype=jnp.float32)
    edge_index = jax.random.randint(ks[4], (2, E), 0, N, dtype=jnp.int32)
    p_bus = 0.1 * jax.random.normal(ks[5], (B, N), dtype=jnp.float32)
    q_bus = 0.1 * jax.random.normal(ks[6], (B, N), dtype=jnp.float32)
    return {
        "v_mag": v_mag,
        "v_ang": v_ang,
        "r_line": r_line,
        "x_line": x_line,
        "p_bus": p_bus,
        "q_bus": q_bus,
        "edge_index": edge_index,
    }


def _power_mismatch(v_mag, v_ang, r_line, x_line, edge_index, p_inj, q_inj):
    # line admittances
    z_squared = r_line ** 2 + x_line ** 2
    g_line = r_line / z_squared
    b_line = -x_line / z_squared
    i = edge_index[0]
    j = edge_index[1]
    # vectorized equivalent of the per-edge torch loop: gather node quantities per edge
    v_i = v_mag[:, i]           # [B, E]
    v_j = v_mag[:, j]           # [B, E]
    theta_ij = v_ang[:, i] - v_ang[:, j]
    ct = jnp.cos(theta_ij)
    st = jnp.sin(theta_ij)
    p_ij = v_i * v_j * (g_line * ct + b_line * st)
    q_ij = v_i * v_j * (g_line * st - b_line * ct)
    # scatter-add edge flows into the from-bus accumulator (matches p_calc[:, i] += p_ij)
    p_calc = jnp.zeros_like(v_mag).at[:, i].add(p_ij)
    q_calc = jnp.zeros_like(v_mag).at[:, i].add(q_ij)
    p_mismatch = p_calc - p_inj
    q_mismatch = q_calc - q_inj
    return p_mismatch, q_mismatch


def reference(v_mag, v_ang, r_line, x_line, p_bus, q_bus, edge_index):
    # soft-constraint path of PhysicsInformedLayer.forward
    p_mismatch, q_mismatch = _power_mismatch(
        v_mag, v_ang, r_line, x_line, edge_index, p_bus, q_bus
    )
    power_loss = (p_mismatch ** 2 + q_mismatch ** 2).sum(axis=-1).mean()
    lower_violation = jax.nn.relu(V_MIN - v_mag)
    upper_violation = jax.nn.relu(v_mag - V_MAX)
    voltage_loss = (lower_violation ** 2 + upper_violation ** 2).sum(axis=-1).mean()
    constraint_loss = POWER_BALANCE_WEIGHT * power_loss + voltage_loss
    # states pass through unchanged in soft mode
    return (v_mag, v_ang, constraint_loss)

if __name__ == "__main__":
    import jax
    _d = setup_inputs()
    print(jax.jit(kernel)(*tuple(_d.values())))

</pallas_src>

<mosaic_0001>
#map = affine_map<(d0, d1) -> (0)>
module attributes {stable_mosaic.version = 14 : i64} {
  func.func @_pik_body(%arg0: i32, %arg1: i32, %arg2: memref<80000xf32, #tpu.memory_space<hbm>>, %arg3: memref<80000xf32, #tpu.memory_space<hbm>>, %arg4: memref<5120000xf32, #tpu.memory_space<hbm>>, %arg5: memref<5120000xf32, #tpu.memory_space<hbm>>, %arg6: memref<80000xf32, #tpu.memory_space<hbm>>, %arg7: memref<80000xf32, #tpu.memory_space<hbm>>, %arg8: memref<1280000xi32, #tpu.memory_space<hbm>>, %arg9: memref<512xf32, #tpu.memory_space<hbm>>, %arg10: memref<10000xf32, #tpu.memory_space<vmem>>, %arg11: memref<10000xf32, #tpu.memory_space<vmem>>, %arg12: memref<10000xf32, #tpu.memory_space<vmem>>, %arg13: memref<10000xf32, #tpu.memory_space<vmem>>, %arg14: memref<4000xi32, #tpu.memory_space<vmem>>, %arg15: memref<4000xi32, #tpu.memory_space<vmem>>, %arg16: memref<4000xf32, #tpu.memory_space<vmem>>, %arg17: memref<4000xf32, #tpu.memory_space<vmem>>, %arg18: memref<4000xi32, #tpu.memory_space<vmem>>, %arg19: memref<4000xi32, #tpu.memory_space<vmem>>, %arg20: memref<4000xf32, #tpu.memory_space<vmem>>, %arg21: memref<4000xf32, #tpu.memory_space<vmem>>, %arg22: memref<2512xf32, #tpu.memory_space<vmem>>, %arg23: memref<2512xf32, #tpu.memory_space<vmem>>, %arg24: memref<2512xf32, #tpu.memory_space<vmem>>, %arg25: memref<2512xf32, #tpu.memory_space<vmem>>, %arg26: memref<2512xf32, #tpu.memory_space<vmem>>, %arg27: memref<16xf32, #tpu.memory_space<vmem>>, %arg28: memref<160000xf32, #tpu.memory_space<vmem_shared>>, %arg29: memref<!tpu.dma_semaphore, #tpu.memory_space<semaphore_mem>>, %arg30: memref<!tpu.dma_semaphore, #tpu.memory_space<semaphore_mem>>) attributes {dimension_semantics = [#tpu.dimension_semantics<core_parallel>, #tpu.dimension_semantics<subcore_parallel>], iteration_bounds = array<i64: 2, 16>, scalar_prefetch = 0 : i64, scratch_operands = 21 : i64, tpu.core_type = #tpu.core_type<sc_vector_subcore>, window_params = [{transform_indices = #map}, {transform_indices = #map}, {transform_indices = #map}, {transform_indices = #map}, {transform_indices = #map}, {transform_indices = #map}, {transform_indices = #map}, {transform_indices = #map}]} {
    %mul3A = arith.constant 16 : i32
    %mul3A_0 = arith.muli %arg0, %mul3A : i32
    %add3A = arith.addi %mul3A_0, %arg1 : i32
    %jit3A = arith.constant 4 : i32
    %div3A = arith.divsi %arg1, %jit3A : i32
    %sign3A = arith.constant 0 : i32
    %sign3A_1 = arith.cmpi sgt, %arg1, %sign3A : i32
    %sign3A_2 = arith.extui %sign3A_1 : i1 to i32
    %sign3A_3 = arith.constant 0 : i32
    %sign3A_4 = arith.cmpi slt, %arg1, %sign3A_3 : i32
    %sign3A_5 = arith.extui %sign3A_4 : i1 to i32
    %sign3A_6 = arith.subi %sign3A_2, %sign3A_5 : i32
    %sign3A_7 = arith.constant 0 : i32
    %sign3A_8 = arith.cmpi sgt, %jit3A, %sign3A_7 : i32
    %sign3A_9 = arith.extui %sign3A_8 : i1 to i32
    %sign3A_10 = arith.constant 0 : i32
    %sign3A_11 = arith.cmpi slt, %jit3A, %sign3A_10 : i32
    %sign3A_12 = arith.extui %sign3A_11 : i1 to i32
    %sign3A_13 = arith.subi %sign3A_9, %sign3A_12 : i32
    %ne3A = arith.cmpi ne, %sign3A_6, %sign3A_13 : i32
    %rem3A = arith.remsi %arg1, %jit3A : i32
    %ne3A_14 = arith.constant 0 : i32
    %ne3A_15 = arith.cmpi ne, %rem3A, %ne3A_14 : i32
    %and3A = arith.andi %ne3A, %ne3A_15 : i1
    %sub3A = arith.constant 1 : i32
    %sub3A_16 = arith.subi %div3A, %sub3A : i32
    %select_n3A = arith.select %and3A, %sub3A_16, %div3A : i32
    %mul3A_17 = arith.constant 4 : i32
    %mul3A_18 = arith.muli %arg0, %mul3A_17 : i32
    %add3A_19 = arith.addi %mul3A_18, %select_n3A : i32
    %rem3A_20 = arith.constant 4 : i32
    %rem3A_21 = arith.remsi %arg1, %rem3A_20 : i32
    %mul3A_22 = arith.constant 160000 : i32
    %mul3A_23 = arith.muli %rem3A_21, %mul3A_22 : i32
    %mul3A_24 = arith.constant 640000 : i32
    %mul3A_25 = arith.muli %add3A_19, %mul3A_24 : i32
    %mul3A_26 = arith.constant 160000 : i32
    %mul3A_27 = arith.muli %rem3A_21, %mul3A_26 : i32
    %add3A_28 = arith.addi %mul3A_25, %mul3A_27 : i32
    %add3A_29 = arith.constant 0 : i32
    %add3A_30 = arith.addi %mul3A_23, %add3A_29 : i32
    %add3A_31 = arith.constant 0 : i32
    %add3A_32 = arith.addi %add3A_28, %add3A_31 : i32
    %add3A_33 = arith.constant 640000 : i32
    %add3A_34 = arith.addi %add3A_33, %add3A_30 : i32
    %dma_start3A = tpu.memref_slice %arg8[%add3A_30] : memref<1280000xi32, #tpu.memory_space<hbm>> -> memref<4000xi32, #tpu.memory_space<hbm>>
    %dma_start3A_35 = tpu.memref_slice %arg8[%add3A_30] : memref<1280000xi32, #tpu.memory_space<hbm>> -> memref<4000xi32, #tpu.memory_space<hbm>>
    tpu.enqueue_dma source(%dma_start3A_35 : memref<4000xi32, #tpu.memory_space<hbm>>) target(%arg14 : memref<4000xi32, #tpu.memory_space<vmem>>) target_semaphore(%arg29 : memref<!tpu.dma_semaphore, #tpu.memory_space<semaphore_mem>>)
    %dma_start3A_36 = tpu.memref_slice %arg8[%add3A_34] : memref<1280000xi32, #tpu.memory_space<hbm>> -> memref<4000xi32, #tpu.memory_space<hbm>>
    %dma_start3A_37 = tpu.memref_slice %arg8[%add3A_34] : memref<1280000xi32, #tpu.memory_space<hbm>> -> memref<4000xi32, #tpu.memory_space<hbm>>
    tpu.enqueue_dma source(%dma_start3A_37 : memref<4000xi32, #tpu.memory_space<hbm>>) target(%arg15 : memref<4000xi32, #tpu.memory_space<vmem>>) target_semaphore(%arg29 : memref<!tpu.dma_semaphore, #tpu.memory_space<semaphore_mem>>)
    %dma_start3A_38 = tpu.memref_slice %arg4[%add3A_32] : memref<5120000xf32, #tpu.memory_space<hbm>> -> memref<4000xf32, #tpu.memory_space<hbm>>
    %dma_start3A_39 = tpu.memref_slice %arg4[%add3A_32] : memref<5120000xf32, #tpu.memory_space<hbm>> -> memref<4000xf32, #tpu.memory_space<hbm>>
    tpu.enqueue_dma source(%dma_start3A_39 : memref<4000xf32, #tpu.memory_space<hbm>>) target(%arg16 : memref<4000xf32, #tpu.memory_space<vmem>>) target_semaphore(%arg29 : memref<!tpu.dma_semaphore, #tpu.memory_space<semaphore_mem>>)
    %dma_start3A_40 = tpu.memref_slice %arg5[%add3A_32] : memref<5120000xf32, #tpu.memory_space<hbm>> -> memref<4000xf32, #tpu.memory_space<hbm>>
    %dma_start3A_41 = tpu.memref_slice %arg5[%add3A_32] : memref<5120000xf32, #tpu.memory_space<hbm>> -> memref<4000xf32, #tpu.memory_space<hbm>>
    tpu.enqueue_dma source(%dma_start3A_41 : memref<4000xf32, #tpu.memory_space<hbm>>) target(%arg17 : memref<4000xf32, #tpu.memory_space<vmem>>) target_semaphore(%arg29 : memref<!tpu.dma_semaphore, #tpu.memory_space<semaphore_mem>>)
    %add3A_42 = arith.constant 4000 : i32
    %add3A_43 = arith.addi %mul3A_23, %add3A_42 : i32
    %add3A_44 = arith.constant 4000 : i32
    %add3A_45 = arith.addi %add3A_28, %add3A_44 : i32
    %add3A_46 = arith.constant 640000 : i32
    %add3A_47 = arith.addi %add3A_46, %add3A_43 : i32
    %dma_start3A_48 = tpu.memref_slice %arg8[%add3A_43] : memref<1280000xi32, #tpu.memory_space<hbm>> -> memref<4000xi32, #tpu.memory_space<hbm>>
    %dma_start3A_49 = tpu.memref_slice %arg8[%add3A_43] : memref<1280000xi32, #tpu.memory_space<hbm>> -> memref<4000xi32, #tpu.memory_space<hbm>>
    tpu.enqueue_dma source(%dma_start3A_49 : memref<4000xi32, #tpu.memory_space<hbm>>) target(%arg18 : memref<4000xi32, #tpu.memory_space<vmem>>) target_semaphore(%arg30 : memref<!tpu.dma_semaphore, #tpu.memory_space<semaphore_mem>>)
    %dma_start3A_50 = tpu.memref_slice %arg8[%add3A_47] : memref<1280000xi32, #tpu.memory_space<hbm>> -> memref<4000xi32, #tpu.memory_space<hbm>>
    %dma_start3A_51 = tpu.memref_slice %arg8[%add3A_47] : memref<1280000xi32, #tpu.memory_space<hbm>> -> memref<4000xi32, #tpu.memory_space<hbm>>
    tpu.enqueue_dma source(%dma_start3A_51 : memref<4000xi32, #tpu.memory_space<hbm>>) target(%arg19 : memref<4000xi32, #tpu.memory_space<vmem>>) target_semaphore(%arg30 : memref<!tpu.dma_semaphore, #tpu.memory_space<semaphore_mem>>)
    %dma_start3A_52 = tpu.memref_slice %arg4[%add3A_45] : memref<5120000xf32, #tpu.memory_space<hbm>> -> memref<4000xf32, #tpu.memory_space<hbm>>
    %dma_start3A_53 = tpu.memref_slice %arg4[%add3A_45] : memref<5120000xf32, #tpu.memory_space<hbm>> -> memref<4000xf32, #tpu.memory_space<hbm>>
    tpu.enqueue_dma source(%dma_start3A_53 : memref<4000xf32, #tpu.memory_space<hbm>>) target(%arg20 : memref<4000xf32, #tpu.memory_space<vmem>>) target_semaphore(%arg30 : memref<!tpu.dma_semaphore, #tpu.memory_space<semaphore_mem>>)
    %dma_start3A_54 = tpu.memref_slice %arg5[%add3A_45] : memref<5120000xf32, #tpu.memory_space<hbm>> -> memref<4000xf32, #tpu.memory_space<hbm>>
    %dma_start3A_55 = tpu.memref_slice %arg5[%add3A_45] : memref<5120000xf32, #tpu.memory_space<hbm>> -> memref<4000xf32, #tpu.memory_space<hbm>>
    tpu.enqueue_dma source(%dma_start3A_55 : memref<4000xf32, #tpu.memory_space<hbm>>) target(%arg21 : memref<4000xf32, #tpu.memory_space<vmem>>) target_semaphore(%arg30 : memref<!tpu.dma_semaphore, #tpu.memory_space<semaphore_mem>>)
    %mul3A_56 = arith.constant 10000 : i32
    %mul3A_57 = arith.muli %add3A_19, %mul3A_56 : i32
    "tpu.region"() ({
      %run_scoped3A = tpu.sem_alloc : memref<!tpu.dma_semaphore, #tpu.memory_space<semaphore_mem>>
      %dma_start3A_141 = tpu.memref_slice %arg2[%mul3A_57] : memref<80000xf32, #tpu.memory_space<hbm>> -> memref<10000xf32, #tpu.memory_space<hbm>>
      %dma_start3A_142 = tpu.memref_slice %arg2[%mul3A_57] : memref<80000xf32, #tpu.memory_space<hbm>> -> memref<10000xf32, #tpu.memory_space<hbm>>
      tpu.enqueue_dma source(%dma_start3A_142 : memref<10000xf32, #tpu.memory_space<hbm>>) target(%arg10 : memref<10000xf32, #tpu.memory_space<vmem>>) target_semaphore(%run_scoped3A : memref<!tpu.dma_semaphore, #tpu.memory_space<semaphore_mem>>)
      %dma_wait3A = tpu.memref_slice %arg2[%mul3A_57] : memref<80000xf32, #tpu.memory_space<hbm>> -> memref<10000xf32, #tpu.memory_space<hbm>>
      %dma_wait3A_143 = tpu.memref_slice %arg2[%mul3A_57] : memref<80000xf32, #tpu.memory_space<hbm>> -> memref<10000xf32, #tpu.memory_space<hbm>>
      tpu.wait_dma2 semaphore(%run_scoped3A : memref<!tpu.dma_semaphore, #tpu.memory_space<semaphore_mem>>) src(%dma_wait3A_143 : memref<10000xf32, #tpu.memory_space<hbm>>) dst(%arg10 : memref<10000xf32, #tpu.memory_space<vmem>>)
      tpu.yield
    }) : () -> ()
    %mul3A_58 = arith.constant 10000 : i32
    %mul3A_59 = arith.muli %add3A_19, %mul3A_58 : i32
    "tpu.region"() ({
      %run_scoped3A = tpu.sem_alloc : memref<!tpu.dma_semaphore, #tpu.memory_space<semaphore_mem>>
      %dma_start3A_141 = tpu.memref_slice %arg3[%mul3A_59] : memref<80000xf32, #tpu.memory_space<hbm>> -> memref<10000xf32, #tpu.memory_space<hbm>>
      %dma_start3A_142 = tpu.memref_slice %arg3[%mul3A_59] : memref<80000xf32, #tpu.memory_space<hbm>> -> memref<10000xf32, #tpu.memory_space<hbm>>
      tpu.enqueue_dma source(%dma_start3A_142 : memref<10000xf32, #tpu.memory_space<hbm>>) target(%arg11 : memref<10000xf32, #tpu.memory_space<vmem>>) target_semaphore(%run_scoped3A : memref<!tpu.dma_semaphore, #tpu.memory_space<semaphore_mem>>)
      %dma_wait3A = tpu.memref_slice %arg3[%mul3A_59] : memref<80000xf32, #tpu.memory_space<hbm>> -> memref<10000xf32, #tpu.memory_space<hbm>>
      %dma_wait3A_143 = tpu.memref_slice %arg3[%mul3A_59] : memref<80000xf32, #tpu.memory_space<hbm>> -> memref<10000xf32, #tpu.memory_space<hbm>>
      tpu.wait_dma2 semaphore(%run_scoped3A : memref<!tpu.dma_semaphore, #tpu.memory_space<semaphore_mem>>) src(%dma_wait3A_143 : memref<10000xf32, #tpu.memory_space<hbm>>) dst(%arg11 : memref<10000xf32, #tpu.memory_space<vmem>>)
      tpu.yield
    }) : () -> ()
    %parallel_loop3A = arith.constant 0 : i32
    %parallel_loop3A_60 = arith.constant 10000 : i32
    %parallel_loop3A_61 = arith.constant 16 : i32
    scf.for %parallel_loop3A_141 = %parallel_loop3A to %parallel_loop3A_60 step %parallel_loop3A_61  : i32 {
      %parallel_loop3A_142 = arith.constant 0.000000e+00 : f32
      %parallel_loop3A_143 = vector.broadcast %parallel_loop3A_142 : f32 to vector<16xf32>
      %parallel_loop3A_144 = arith.index_cast %parallel_loop3A_141 : i32 to index
      %parallel_loop3A_145 = tpu.vector_load %arg12[%parallel_loop3A_144] {strides = array<i32>} : memref<10000xf32, #tpu.memory_space<vmem>>, vector<16xf32>,
      tpu.vector_store %arg12[%parallel_loop3A_144], %parallel_loop3A_143 {strides = array<i32>} : memref<10000xf32, #tpu.memory_space<vmem>>, vector<16xf32>,
      %parallel_loop3A_146 = arith.index_cast %parallel_loop3A_141 : i32 to index
      %parallel_loop3A_147 = tpu.vector_load %arg13[%parallel_loop3A_146] {strides = array<i32>} : memref<10000xf32, #tpu.memory_space<vmem>>, vector<16xf32>,
      tpu.vector_store %arg13[%parallel_loop3A_146], %parallel_loop3A_143 {strides = array<i32>} : memref<10000xf32, #tpu.memory_space<vmem>>, vector<16xf32>,
    } {sc.loop_unroll_factor = 1 : i64, sc.parallel_access}
    %scan3A = arith.constant 0 : i32
    %scan3A_62 = arith.constant 0 : i32
    %scan3A_63 = arith.constant 20 : i32
    %scan3A_64 = arith.addi %scan3A_62, %scan3A_63 : i32
    %scan3A_65 = arith.constant 1 : i32
    scf.for %scan3A_141 = %scan3A_62 to %scan3A_64 step %scan3A_65  : i32 {
      %mul3A_142 = arith.constant 2 : i32
      %mul3A_143 = arith.muli %mul3A_142, %scan3A_141 : i32
      %mul3A_144 = arith.constant 4000 : i32
      %mul3A_145 = arith.muli %mul3A_143, %mul3A_144 : i32
      %add3A_146 = arith.addi %mul3A_23, %mul3A_145 : i32
      %mul3A_147 = arith.constant 4000 : i32
      %mul3A_148 = arith.muli %mul3A_143, %mul3A_147 : i32
      %add3A_149 = arith.addi %add3A_28, %mul3A_148 : i32
      %add3A_150 = arith.constant 640000 : i32
      %add3A_151 = arith.addi %add3A_150, %add3A_146 : i32
      %dma_wait3A = tpu.memref_slice %arg8[%add3A_146] : memref<1280000xi32, #tpu.memory_space<hbm>> -> memref<4000xi32, #tpu.memory_space<hbm>>
      %dma_wait3A_152 = tpu.memref_slice %arg8[%add3A_146] : memref<1280000xi32, #tpu.memory_space<hbm>> -> memref<4000xi32, #tpu.memory_space<hbm>>
      tpu.wait_dma2 semaphore(%arg29 : memref<!tpu.dma_semaphore, #tpu.memory_space<semaphore_mem>>) src(%dma_wait3A_152 : memref<4000xi32, #tpu.memory_space<hbm>>) dst(%arg14 : memref<4000xi32, #tpu.memory_space<vmem>>)
      %dma_wait3A_153 = tpu.memref_slice %arg8[%add3A_151] : memref<1280000xi32, #tpu.memory_space<hbm>> -> memref<4000xi32, #tpu.memory_space<hbm>>
      %dma_wait3A_154 = tpu.memref_slice %arg8[%add3A_151] : memref<1280000xi32, #tpu.memory_space<hbm>> -> memref<4000xi32, #tpu.memory_space<hbm>>
      tpu.wait_dma2 semaphore(%arg29 : memref<!tpu.dma_semaphore, #tpu.memory_space<semaphore_mem>>) src(%dma_wait3A_154 : memref<4000xi32, #tpu.memory_space<hbm>>) dst(%arg15 : memref<4000xi32, #tpu.memory_space<vmem>>)
      %dma_wait3A_155 = tpu.memref_slice %arg4[%add3A_149] : memref<5120000xf32, #tpu.memory_space<hbm>> -> memref<4000xf32, #tpu.memory_space<hbm>>
      %dma_wait3A_156 = tpu.memref_slice %arg4[%add3A_149] : memref<5120000xf32, #tpu.memory_space<hbm>> -> memref<4000xf32, #tpu.memory_space<hbm>>
      tpu.wait_dma2 semaphore(%arg29 : memref<!tpu.dma_semaphore, #tpu.memory_space<semaphore_mem>>) src(%dma_wait3A_156 : memref<4000xf32, #tpu.memory_space<hbm>>) dst(%arg16 : memref<4000xf32, #tpu.memory_space<vmem>>)
      %dma_wait3A_157 = tpu.memref_slice %arg5[%add3A_149] : memref<5120000xf32, #tpu.memory_space<hbm>> -> memref<4000xf32, #tpu.memory_space<hbm>>
      %dma_wait3A_158 = tpu.memref_slice %arg5[%add3A_149] : memref<5120000xf32, #tpu.memory_space<hbm>> -> memref<4000xf32, #tpu.memory_space<hbm>>
      tpu.wait_dma2 semaphore(%arg29 : memref<!tpu.dma_semaphore, #tpu.memory_space<semaphore_mem>>) src(%dma_wait3A_158 : memref<4000xf32, #tpu.memory_space<hbm>>) dst(%arg17 : memref<4000xf32, #tpu.memory_space<vmem>>)
      %parallel_loop3A_159 = arith.constant 0 : i32
      %parallel_loop3A_160 = arith.constant 4000 : i32
      %parallel_loop3A_161 = arith.constant 16 : i32
      scf.for %parallel_loop3A_196 = %parallel_loop3A_159 to %parallel_loop3A_160 step %parallel_loop3A_161  : i32 {
        %parallel_loop3A_197 = arith.index_cast %parallel_loop3A_196 : i32 to index
        %parallel_loop3A_198 = tpu.vector_load %arg14[%parallel_loop3A_197] {strides = array<i32>} : memref<4000xi32, #tpu.memory_space<vmem>>, vector<16xi32>,
        %parallel_loop3A_199 = arith.index_cast %parallel_loop3A_196 : i32 to index
        %parallel_loop3A_200 = tpu.vector_load %arg15[%parallel_loop3A_199] {strides = array<i32>} : memref<4000xi32, #tpu.memory_space<vmem>>, vector<16xi32>,
        %parallel_loop3A_201 = tpu.vector_load_idx %arg10[%parallel_loop3A_198] : memref<10000xf32, #tpu.memory_space<vmem>>[vector<16xi32>], vector<16xf32>,
        %parallel_loop3A_202 = tpu.vector_load_idx %arg10[%parallel_loop3A_200] : memref<10000xf32, #tpu.memory_space<vmem>>[vector<16xi32>], vector<16xf32>,
        %parallel_loop3A_203 = tpu.vector_load_idx %arg11[%parallel_loop3A_198] : memref<10000xf32, #tpu.memory_space<vmem>>[vector<16xi32>], vector<16xf32>,
        %parallel_loop3A_204 = tpu.vector_load_idx %arg11[%parallel_loop3A_200] : memref<10000xf32, #tpu.memory_space<vmem>>[vector<16xi32>], vector<16xf32>,
        %parallel_loop3A_205 = arith.index_cast %parallel_loop3A_196 : i32 to index
        %parallel_loop3A_206 = tpu.vector_load %arg16[%parallel_loop3A_205] {strides = array<i32>} : memref<4000xf32, #tpu.memory_space<vmem>>, vector<16xf32>,
        %parallel_loop3A_207 = arith.index_cast %parallel_loop3A_196 : i32 to index
        %parallel_loop3A_208 = tpu.vector_load %arg17[%parallel_loop3A_207] {strides = array<i32>} : memref<4000xf32, #tpu.memory_space<vmem>>, vector<16xf32>,
        %parallel_loop3A_209 = arith.mulf %parallel_loop3A_206, %parallel_loop3A_206 : vector<16xf32>
        %parallel_loop3A_210 = arith.mulf %parallel_loop3A_208, %parallel_loop3A_208 : vector<16xf32>
        %parallel_loop3A_211 = arith.addf %parallel_loop3A_209, %parallel_loop3A_210 : vector<16xf32>
        %parallel_loop3A_212 = arith.constant 1.000000e+00 : f32
        %parallel_loop3A_213 = vector.broadcast %parallel_loop3A_212 : f32 to vector<16xf32>
        %parallel_loop3A_214 = arith.divf %parallel_loop3A_213, %parallel_loop3A_211 : vector<16xf32>
        %parallel_loop3A_215 = arith.subf %parallel_loop3A_203, %parallel_loop3A_204 : vector<16xf32>
        %parallel_loop3A_216 = arith.mulf %parallel_loop3A_215, %parallel_loop3A_215 : vector<16xf32>
        %parallel_loop3A_217 = arith.constant -1.98412701E-4 : f32
        %parallel_loop3A_218 = vector.broadcast %parallel_loop3A_217 : f32 to vector<16xf32>
        %parallel_loop3A_219 = arith.mulf %parallel_loop3A_216, %parallel_loop3A_218 : vector<16xf32>
        %parallel_loop3A_220 = arith.constant 0.00833333377 : f32
        %parallel_loop3A_221 = vector.broadcast %parallel_loop3A_220 : f32 to vector<16xf32>
        %parallel_loop3A_222 = arith.addf %parallel_loop3A_221, %parallel_loop3A_219 : vector<16xf32>
        %parallel_loop3A_223 = arith.mulf %parallel_loop3A_216, %parallel_loop3A_222 : vector<16xf32>
        %parallel_loop3A_224 = arith.constant -0.166666672 : f32
        %parallel_loop3A_225 = vector.broadcast %parallel_loop3A_224 : f32 to vector<16xf32>
        %parallel_loop3A_226 = arith.addf %parallel_loop3A_225, %parallel_loop3A_223 : vector<16xf32>
        %parallel_loop3A_227 = arith.mulf %parallel_loop3A_216, %parallel_loop3A_226 : vector<16xf32>
        %parallel_loop3A_228 = arith.constant 1.000000e+00 : f32
        %parallel_loop3A_229 = vector.broadcast %parallel_loop3A_228 : f32 to vector<16xf32>
        %parallel_loop3A_230 = arith.addf %parallel_loop3A_229, %parallel_loop3A_227 : vector<16xf32>
        %parallel_loop3A_231 = arith.mulf %parallel_loop3A_215, %parallel_loop3A_230 : vector<16xf32>
        %parallel_loop3A_232 = arith.constant 2.48015876E-5 : f32
        %parallel_loop3A_233 = vector.broadcast %parallel_loop3A_232 : f32 to vector<16xf32>
        %parallel_loop3A_234 = arith.mulf %parallel_loop3A_216, %parallel_loop3A_233 : vector<16xf32>
        %parallel_loop3A_235 = arith.constant -0.00138888892 : f32
        %parallel_loop3A_236 = vector.broadcast %parallel_loop3A_235 : f32 to vector<16xf32>
        %parallel_loop3A_237 = arith.addf %parallel_loop3A_236, %parallel_loop3A_234 : vector<16xf32>
        %parallel_loop3A_238 = arith.mulf %parallel_loop3A_216, %parallel_loop3A_237 : vector<16xf32>
        %parallel_loop3A_239 = arith.constant 0.0416666679 : f32
        %parallel_loop3A_240 = vector.broadcast %parallel_loop3A_239 : f32 to vector<16xf32>
        %parallel_loop3A_241 = arith.addf %parallel_loop3A_240, %parallel_loop3A_238 : vector<16xf32>
        %parallel_loop3A_242 = arith.mulf %parallel_loop3A_216, %parallel_loop3A_241 : vector<16xf32>
        %parallel_loop3A_243 = arith.constant -5.000000e-01 : f32
        %parallel_loop3A_244 = vector.broadcast %parallel_loop3A_243 : f32 to vector<16xf32>
        %parallel_loop3A_245 = arith.addf %parallel_loop3A_244, %parallel_loop3A_242 : vector<16xf32>
        %parallel_loop3A_246 = arith.mulf %parallel_loop3A_216, %parallel_loop3A_245 : vector<16xf32>
        %parallel_loop3A_247 = arith.constant 1.000000e+00 : f32
        %parallel_loop3A_248 = vector.broadcast %parallel_loop3A_247 : f32 to vector<16xf32>
        %parallel_loop3A_249 = arith.addf %parallel_loop3A_248, %parallel_loop3A_246 : vector<16xf32>
        %parallel_loop3A_250 = arith.mulf %parallel_loop3A_201, %parallel_loop3A_202 : vector<16xf32>
        %parallel_loop3A_251 = arith.mulf %parallel_loop3A_250, %parallel_loop3A_214 : vector<16xf32>
        %parallel_loop3A_252 = arith.mulf %parallel_loop3A_206, %parallel_loop3A_249 : vector<16xf32>
        %parallel_loop3A_253 = arith.mulf %parallel_loop3A_208, %parallel_loop3A_231 : vector<16xf32>
        %parallel_loop3A_254 = arith.subf %parallel_loop3A_252, %parallel_loop3A_253 : vector<16xf32>
        %parallel_loop3A_255 = arith.mulf %parallel_loop3A_251, %parallel_loop3A_254 : vector<16xf32>
        %parallel_loop3A_256 = arith.mulf %parallel_loop3A_206, %parallel_loop3A_231 : vector<16xf32>
        %parallel_loop3A_257 = arith.mulf %parallel_loop3A_208, %parallel_loop3A_249 : vector<16xf32>
        %parallel_loop3A_258 = arith.addf %parallel_loop3A_256, %parallel_loop3A_257 : vector<16xf32>
        %parallel_loop3A_259 = arith.mulf %parallel_loop3A_251, %parallel_loop3A_258 : vector<16xf32>
        tpu.vector_store_idx %arg12[%parallel_loop3A_198], %parallel_loop3A_255 {add = true} : memref<10000xf32, #tpu.memory_space<vmem>>[vector<16xi32>], vector<16xf32>,
        tpu.vector_store_idx %arg13[%parallel_loop3A_198], %parallel_loop3A_259 {add = true} : memref<10000xf32, #tpu.memory_space<vmem>>[vector<16xi32>], vector<16xf32>,
      } {sc.loop_unroll_factor = 10 : i64, sc.parallel_access}
      %add3A_162 = arith.constant 2 : i32
      %add3A_163 = arith.addi %mul3A_143, %add3A_162 : i32
      %lt3A = arith.constant 40 : i32
      %lt3A_164 = arith.cmpi slt, %add3A_163, %lt3A : i32
      %convert_element_type3A_165 = arith.extui %lt3A_164 : i1 to i32
      %cond3A_166 = arith.constant 0 : i32
      %cond3A_167 = arith.cmpi ne, %convert_element_type3A_165, %cond3A_166 : i32
      scf.if %cond3A_167 {
        %add3A_196 = arith.constant 2 : i32
        %add3A_197 = arith.addi %mul3A_143, %add3A_196 : i32
        %mul3A_198 = arith.constant 4000 : i32
        %mul3A_199 = arith.muli %add3A_197, %mul3A_198 : i32
        %add3A_200 = arith.addi %mul3A_23, %mul3A_199 : i32
        %mul3A_201 = arith.constant 4000 : i32
        %mul3A_202 = arith.muli %add3A_197, %mul3A_201 : i32
        %add3A_203 = arith.addi %add3A_28, %mul3A_202 : i32
        %add3A_204 = arith.constant 640000 : i32
        %add3A_205 = arith.addi %add3A_204, %add3A_200 : i32
        %dma_start3A_206 = tpu.memref_slice %arg8[%add3A_200] : memref<1280000xi32, #tpu.memory_space<hbm>> -> memref<4000xi32, #tpu.memory_space<hbm>>
        %dma_start3A_207 = tpu.memref_slice %arg8[%add3A_200] : memref<1280000xi32, #tpu.memory_space<hbm>> -> memref<4000xi32, #tpu.memory_space<hbm>>
        tpu.enqueue_dma source(%dma_start3A_207 : memref<4000xi32, #tpu.memory_space<hbm>>) target(%arg14 : memref<4000xi32, #tpu.memory_space<vmem>>) target_semaphore(%arg29 : memref<!tpu.dma_semaphore, #tpu.memory_space<semaphore_mem>>)
        %dma_start3A_208 = tpu.memref_slice %arg8[%add3A_205] : memref<1280000xi32, #tpu.memory_space<hbm>> -> memref<4000xi32, #tpu.memory_space<hbm>>
        %dma_start3A_209 = tpu.memref_slice %arg8[%add3A_205] : memref<1280000xi32, #tpu.memory_space<hbm>> -> memref<4000xi32, #tpu.memory_space<hbm>>
        tpu.enqueue_dma source(%dma_start3A_209 : memref<4000xi32, #tpu.memory_space<hbm>>) target(%arg15 : memref<4000xi32, #tpu.memory_space<vmem>>) target_semaphore(%arg29 : memref<!tpu.dma_semaphore, #tpu.memory_space<semaphore_mem>>)
        %dma_start3A_210 = tpu.memref_slice %arg4[%add3A_203] : memref<5120000xf32, #tpu.memory_space<hbm>> -> memref<4000xf32, #tpu.memory_space<hbm>>
        %dma_start3A_211 = tpu.memref_slice %arg4[%add3A_203] : memref<5120000xf32, #tpu.memory_space<hbm>> -> memref<4000xf32, #tpu.memory_space<hbm>>
        tpu.enqueue_dma source(%dma_start3A_211 : memref<4000xf32, #tpu.memory_space<hbm>>) target(%arg16 : memref<4000xf32, #tpu.memory_space<vmem>>) target_semaphore(%arg29 : memref<!tpu.dma_semaphore, #tpu.memory_space<semaphore_mem>>)
        %dma_start3A_212 = tpu.memref_slice %arg5[%add3A_203] : memref<5120000xf32, #tpu.memory_space<hbm>> -> memref<4000xf32, #tpu.memory_space<hbm>>
        %dma_start3A_213 = tpu.memref_slice %arg5[%add3A_203] : memref<5120000xf32, #tpu.memory_space<hbm>> -> memref<4000xf32, #tpu.memory_space<hbm>>
        tpu.enqueue_dma source(%dma_start3A_213 : memref<4000xf32, #tpu.memory_space<hbm>>) target(%arg17 : memref<4000xf32, #tpu.memory_space<vmem>>) target_semaphore(%arg29 : memref<!tpu.dma_semaphore, #tpu.memory_space<semaphore_mem>>)
      } else {
      }
      %add3A_168 = arith.constant 1 : i32
      %add3A_169 = arith.addi %mul3A_143, %add3A_168 : i32
      %mul3A_170 = arith.constant 4000 : i32
      %mul3A_171 = arith.muli %add3A_169, %mul3A_170 : i32
      %add3A_172 = arith.addi %mul3A_23, %mul3A_171 : i32
      %mul3A_173 = arith.constant 4000 : i32
      %mul3A_174 = arith.muli %add3A_169, %mul3A_173 : i32
      %add3A_175 = arith.addi %add3A_28, %mul3A_174 : i32
      %add3A_176 = arith.constant 640000 : i32
      %add3A_177 = arith.addi %add3A_176, %add3A_172 : i32
      %dma_wait3A_178 = tpu.memref_slice %arg8[%add3A_172] : memref<1280000xi32, #tpu.memory_space<hbm>> -> memref<4000xi32, #tpu.memory_space<hbm>>
      %dma_wait3A_179 = tpu.memref_slice %arg8[%add3A_172] : memref<1280000xi32, #tpu.memory_space<hbm>> -> memref<4000xi32, #tpu.memory_space<hbm>>
      tpu.wait_dma2 semaphore(%arg30 : memref<!tpu.dma_semaphore, #tpu.memory_space<semaphore_mem>>) src(%dma_wait3A_179 : memref<4000xi32, #tpu.memory_space<hbm>>) dst(%arg18 : memref<4000xi32, #tpu.memory_space<vmem>>)
      %dma_wait3A_180 = tpu.memref_slice %arg8[%add3A_177] : memref<1280000xi32, #tpu.memory_space<hbm>> -> memref<4000xi32, #tpu.memory_space<hbm>>
      %dma_wait3A_181 = tpu.memref_slice %arg8[%add3A_177] : memref<1280000xi32, #tpu.memory_space<hbm>> -> memref<4000xi32, #tpu.memory_space<hbm>>
      tpu.wait_dma2 semaphore(%arg30 : memref<!tpu.dma_semaphore, #tpu.memory_space<semaphore_mem>>) src(%dma_wait3A_181 : memref<4000xi32, #tpu.memory_space<hbm>>) dst(%arg19 : memref<4000xi32, #tpu.memory_space<vmem>>)
      %dma_wait3A_182 = tpu.memref_slice %arg4[%add3A_175] : memref<5120000xf32, #tpu.memory_space<hbm>> -> memref<4000xf32, #tpu.memory_space<hbm>>
      %dma_wait3A_183 = tpu.memref_slice %arg4[%add3A_175] : memref<5120000xf32, #tpu.memory_space<hbm>> -> memref<4000xf32, #tpu.memory_space<hbm>>
      tpu.wait_dma2 semaphore(%arg30 : memref<!tpu.dma_semaphore, #tpu.memory_space<semaphore_mem>>) src(%dma_wait3A_183 : memref<4000xf32, #tpu.memory_space<hbm>>) dst(%arg20 : memref<4000xf32, #tpu.memory_space<vmem>>)
      %dma_wait3A_184 = tpu.memref_slice %arg5[%add3A_175] : memref<5120000xf32, #tpu.memory_space<hbm>> -> memref<4000xf32, #tpu.memory_space<hbm>>
      %dma_wait3A_185 = tpu.memref_slice %arg5[%add3A_175] : memref<5120000xf32, #tpu.memory_space<hbm>> -> memref<4000xf32, #tpu.memory_space<hbm>>
      tpu.wait_dma2 semaphore(%arg30 : memref<!tpu.dma_semaphore, #tpu.memory_space<semaphore_mem>>) src(%dma_wait3A_185 : memref<4000xf32, #tpu.memory_space<hbm>>) dst(%arg21 : memref<4000xf32, #tpu.memory_space<vmem>>)
      %parallel_loop3A_186 = arith.constant 0 : i32
      %parallel_loop3A_187 = arith.constant 4000 : i32
      %parallel_loop3A_188 = arith.constant 16 : i32
      scf.for %parallel_loop3A_196 = %parallel_loop3A_186 to %parallel_loop3A_187 step %parallel_loop3A_188  : i32 {
        %parallel_loop3A_197 = arith.index_cast %parallel_loop3A_196 : i32 to index
        %parallel_loop3A_198 = tpu.vector_load %arg18[%parallel_loop3A_197] {strides = array<i32>} : memref<4000xi32, #tpu.memory_space<vmem>>, vector<16xi32>,
        %parallel_loop3A_199 = arith.index_cast %parallel_loop3A_196 : i32 to index
        %parallel_loop3A_200 = tpu.vector_load %arg19[%parallel_loop3A_199] {strides = array<i32>} : memref<4000xi32, #tpu.memory_space<vmem>>, vector<16xi32>,
        %parallel_loop3A_201 = tpu.vector_load_idx %arg10[%parallel_loop3A_198] : memref<10000xf32, #tpu.memory_space<vmem>>[vector<16xi32>], vector<16xf32>,
        %parallel_loop3A_202 = tpu.vector_load_idx %arg10[%parallel_loop3A_200] : memref<10000xf32, #tpu.memory_space<vmem>>[vector<16xi32>], vector<16xf32>,
        %parallel_loop3A_203 = tpu.vector_load_idx %arg11[%parallel_loop3A_198] : memref<10000xf32, #tpu.memory_space<vmem>>[vector<16xi32>], vector<16xf32>,
        %parallel_loop3A_204 = tpu.vector_load_idx %arg11[%parallel_loop3A_200] : memref<10000xf32, #tpu.memory_space<vmem>>[vector<16xi32>], vector<16xf32>,
        %parallel_loop3A_205 = arith.index_cast %parallel_loop3A_196 : i32 to index
        %parallel_loop3A_206 = tpu.vector_load %arg20[%parallel_loop3A_205] {strides = array<i32>} : memref<4000xf32, #tpu.memory_space<vmem>>, vector<16xf32>,
        %parallel_loop3A_207 = arith.index_cast %parallel_loop3A_196 : i32 to index
        %parallel_loop3A_208 = tpu.vector_load %arg21[%parallel_loop3A_207] {strides = array<i32>} : memref<4000xf32, #tpu.memory_space<vmem>>, vector<16xf32>,
        %parallel_loop3A_209 = arith.mulf %parallel_loop3A_206, %parallel_loop3A_206 : vector<16xf32>
        %parallel_loop3A_210 = arith.mulf %parallel_loop3A_208, %parallel_loop3A_208 : vector<16xf32>
        %parallel_loop3A_211 = arith.addf %parallel_loop3A_209, %parallel_loop3A_210 : vector<16xf32>
        %parallel_loop3A_212 = arith.constant 1.000000e+00 : f32
        %parallel_loop3A_213 = vector.broadcast %parallel_loop3A_212 : f32 to vector<16xf32>
        %parallel_loop3A_214 = arith.divf %parallel_loop3A_213, %parallel_loop3A_211 : vector<16xf32>
        %parallel_loop3A_215 = arith.subf %parallel_loop3A_203, %parallel_loop3A_204 : vector<16xf32>
        %parallel_loop3A_216 = arith.mulf %parallel_loop3A_215, %parallel_loop3A_215 : vector<16xf32>
        %parallel_loop3A_217 = arith.constant -1.98412701E-4 : f32
        %parallel_loop3A_218 = vector.broadcast %parallel_loop3A_217 : f32 to vector<16xf32>
        %parallel_loop3A_219 = arith.mulf %parallel_loop3A_216, %parallel_loop3A_218 : vector<16xf32>
        %parallel_loop3A_220 = arith.constant 0.00833333377 : f32
        %parallel_loop3A_221 = vector.broadcast %parallel_loop3A_220 : f32 to vector<16xf32>
        %parallel_loop3A_222 = arith.addf %parallel_loop3A_221, %parallel_loop3A_219 : vector<16xf32>
        %parallel_loop3A_223 = arith.mulf %parallel_loop3A_216, %parallel_loop3A_222 : vector<16xf32>
        %parallel_loop3A_224 = arith.constant -0.166666672 : f32
        %parallel_loop3A_225 = vector.broadcast %parallel_loop3A_224 : f32 to vector<16xf32>
        %parallel_loop3A_226 = arith.addf %parallel_loop3A_225, %parallel_loop3A_223 : vector<16xf32>
        %parallel_loop3A_227 = arith.mulf %parallel_loop3A_216, %parallel_loop3A_226 : vector<16xf32>
        %parallel_loop3A_228 = arith.constant 1.000000e+00 : f32
        %parallel_loop3A_229 = vector.broadcast %parallel_loop3A_228 : f32 to vector<16xf32>
        %parallel_loop3A_230 = arith.addf %parallel_loop3A_229, %parallel_loop3A_227 : vector<16xf32>
        %parallel_loop3A_231 = arith.mulf %parallel_loop3A_215, %parallel_loop3A_230 : vector<16xf32>
        %parallel_loop3A_232 = arith.constant 2.48015876E-5 : f32
        %parallel_loop3A_233 = vector.broadcast %parallel_loop3A_232 : f32 to vector<16xf32>
        %parallel_loop3A_234 = arith.mulf %parallel_loop3A_216, %parallel_loop3A_233 : vector<16xf32>
        %parallel_loop3A_235 = arith.constant -0.00138888892 : f32
        %parallel_loop3A_236 = vector.broadcast %parallel_loop3A_235 : f32 to vector<16xf32>
        %parallel_loop3A_237 = arith.addf %parallel_loop3A_236, %parallel_loop3A_234 : vector<16xf32>
        %parallel_loop3A_238 = arith.mulf %parallel_loop3A_216, %parallel_loop3A_237 : vector<16xf32>
        %parallel_loop3A_239 = arith.constant 0.0416666679 : f32
        %parallel_loop3A_240 = vector.broadcast %parallel_loop3A_239 : f32 to vector<16xf32>
        %parallel_loop3A_241 = arith.addf %parallel_loop3A_240, %parallel_loop3A_238 : vector<16xf32>
        %parallel_loop3A_242 = arith.mulf %parallel_loop3A_216, %parallel_loop3A_241 : vector<16xf32>
        %parallel_loop3A_243 = arith.constant -5.000000e-01 : f32
        %parallel_loop3A_244 = vector.broadcast %parallel_loop3A_243 : f32 to vector<16xf32>
        %parallel_loop3A_245 = arith.addf %parallel_loop3A_244, %parallel_loop3A_242 : vector<16xf32>
        %parallel_loop3A_246 = arith.mulf %parallel_loop3A_216, %parallel_loop3A_245 : vector<16xf32>
        %parallel_loop3A_247 = arith.constant 1.000000e+00 : f32
        %parallel_loop3A_248 = vector.broadcast %parallel_loop3A_247 : f32 to vector<16xf32>
        %parallel_loop3A_249 = arith.addf %parallel_loop3A_248, %parallel_loop3A_246 : vector<16xf32>
        %parallel_loop3A_250 = arith.mulf %parallel_loop3A_201, %parallel_loop3A_202 : vector<16xf32>
        %parallel_loop3A_251 = arith.mulf %parallel_loop3A_250, %parallel_loop3A_214 : vector<16xf32>
        %parallel_loop3A_252 = arith.mulf %parallel_loop3A_206, %parallel_loop3A_249 : vector<16xf32>
        %parallel_loop3A_253 = arith.mulf %parallel_loop3A_208, %parallel_loop3A_231 : vector<16xf32>
        %parallel_loop3A_254 = arith.subf %parallel_loop3A_252, %parallel_loop3A_253 : vector<16xf32>
        %parallel_loop3A_255 = arith.mulf %parallel_loop3A_251, %parallel_loop3A_254 : vector<16xf32>
        %parallel_loop3A_256 = arith.mulf %parallel_loop3A_206, %parallel_loop3A_231 : vector<16xf32>
        %parallel_loop3A_257 = arith.mulf %parallel_loop3A_208, %parallel_loop3A_249 : vector<16xf32>
        %parallel_loop3A_258 = arith.addf %parallel_loop3A_256, %parallel_loop3A_257 : vector<16xf32>
        %parallel_loop3A_259 = arith.mulf %parallel_loop3A_251, %parallel_loop3A_258 : vector<16xf32>
        tpu.vector_store_idx %arg12[%parallel_loop3A_198], %parallel_loop3A_255 {add = true} : memref<10000xf32, #tpu.memory_space<vmem>>[vector<16xi32>], vector<16xf32>,
        tpu.vector_store_idx %arg13[%parallel_loop3A_198], %parallel_loop3A_259 {add = true} : memref<10000xf32, #tpu.memory_space<vmem>>[vector<16xi32>], vector<16xf32>,
      } {sc.loop_unroll_factor = 10 : i64, sc.parallel_access}
      %add3A_189 = arith.constant 3 : i32
      %add3A_190 = arith.addi %mul3A_143, %add3A_189 : i32
      %lt3A_191 = arith.constant 40 : i32
      %lt3A_192 = arith.cmpi slt, %add3A_190, %lt3A_191 : i32
      %convert_element_type3A_193 = arith.extui %lt3A_192 : i1 to i32
      %cond3A_194 = arith.constant 0 : i32
      %cond3A_195 = arith.cmpi ne, %convert_element_type3A_193, %cond3A_194 : i32
      scf.if %cond3A_195 {
        %add3A_196 = arith.constant 3 : i32
        %add3A_197 = arith.addi %mul3A_143, %add3A_196 : i32
        %mul3A_198 = arith.constant 4000 : i32
        %mul3A_199 = arith.muli %add3A_197, %mul3A_198 : i32
        %add3A_200 = arith.addi %mul3A_23, %mul3A_199 : i32
        %mul3A_201 = arith.constant 4000 : i32
        %mul3A_202 = arith.muli %add3A_197, %mul3A_201 : i32
        %add3A_203 = arith.addi %add3A_28, %mul3A_202 : i32
        %add3A_204 = arith.constant 640000 : i32
        %add3A_205 = arith.addi %add3A_204, %add3A_200 : i32
        %dma_start3A_206 = tpu.memref_slice %arg8[%add3A_200] : memref<1280000xi32, #tpu.memory_space<hbm>> -> memref<4000xi32, #tpu.memory_space<hbm>>
        %dma_start3A_207 = tpu.memref_slice %arg8[%add3A_200] : memref<1280000xi32, #tpu.memory_space<hbm>> -> memref<4000xi32, #tpu.memory_space<hbm>>
        tpu.enqueue_dma source(%dma_start3A_207 : memref<4000xi32, #tpu.memory_space<hbm>>) target(%arg18 : memref<4000xi32, #tpu.memory_space<vmem>>) target_semaphore(%arg30 : memref<!tpu.dma_semaphore, #tpu.memory_space<semaphore_mem>>)
        %dma_start3A_208 = tpu.memref_slice %arg8[%add3A_205] : memref<1280000xi32, #tpu.memory_space<hbm>> -> memref<4000xi32, #tpu.memory_space<hbm>>
        %dma_start3A_209 = tpu.memref_slice %arg8[%add3A_205] : memref<1280000xi32, #tpu.memory_space<hbm>> -> memref<4000xi32, #tpu.memory_space<hbm>>
        tpu.enqueue_dma source(%dma_start3A_209 : memref<4000xi32, #tpu.memory_space<hbm>>) target(%arg19 : memref<4000xi32, #tpu.memory_space<vmem>>) target_semaphore(%arg30 : memref<!tpu.dma_semaphore, #tpu.memory_space<semaphore_mem>>)
        %dma_start3A_210 = tpu.memref_slice %arg4[%add3A_203] : memref<5120000xf32, #tpu.memory_space<hbm>> -> memref<4000xf32, #tpu.memory_space<hbm>>
        %dma_start3A_211 = tpu.memref_slice %arg4[%add3A_203] : memref<5120000xf32, #tpu.memory_space<hbm>> -> memref<4000xf32, #tpu.memory_space<hbm>>
        tpu.enqueue_dma source(%dma_start3A_211 : memref<4000xf32, #tpu.memory_space<hbm>>) target(%arg20 : memref<4000xf32, #tpu.memory_space<vmem>>) target_semaphore(%arg30 : memref<!tpu.dma_semaphore, #tpu.memory_space<semaphore_mem>>)
        %dma_start3A_212 = tpu.memref_slice %arg5[%add3A_203] : memref<5120000xf32, #tpu.memory_space<hbm>> -> memref<4000xf32, #tpu.memory_space<hbm>>
        %dma_start3A_213 = tpu.memref_slice %arg5[%add3A_203] : memref<5120000xf32, #tpu.memory_space<hbm>> -> memref<4000xf32, #tpu.memory_space<hbm>>
        tpu.enqueue_dma source(%dma_start3A_213 : memref<4000xf32, #tpu.memory_space<hbm>>) target(%arg21 : memref<4000xf32, #tpu.memory_space<vmem>>) target_semaphore(%arg30 : memref<!tpu.dma_semaphore, #tpu.memory_space<semaphore_mem>>)
      } else {
      }
    }
    %scan3A_66 = arith.constant 20 : i32
    %broadcast_in_dim3A = arith.constant 0.000000e+00 : f32
    %broadcast_in_dim3A_67 = vector.broadcast %broadcast_in_dim3A : f32 to vector<16xf32>
    %swap3A = arith.constant 0 : index
    %swap3A_68 = tpu.vector_load %arg27[%swap3A] {strides = array<i32>} : memref<16xf32, #tpu.memory_space<vmem>>, vector<16xf32>,
    tpu.vector_store %arg27[%swap3A], %broadcast_in_dim3A_67 {strides = array<i32>} : memref<16xf32, #tpu.memory_space<vmem>>, vector<16xf32>,
    %barrier3A = arith.constant 0 : index
    tpu.barrier barrier_id(%barrier3A)
    %mul3A_69 = arith.constant 10000 : i32
    %mul3A_70 = arith.muli %arg1, %mul3A_69 : i32
    "tpu.region"() ({
      %run_scoped3A = tpu.sem_alloc : memref<!tpu.dma_semaphore, #tpu.memory_space<semaphore_mem>>
      %dma_start3A_141 = tpu.memref_slice %arg28[%mul3A_70] : memref<160000xf32, #tpu.memory_space<vmem_shared>> -> memref<10000xf32, #tpu.memory_space<vmem_shared>>
      %dma_start3A_142 = tpu.memref_slice %arg28[%mul3A_70] : memref<160000xf32, #tpu.memory_space<vmem_shared>> -> memref<10000xf32, #tpu.memory_space<vmem_shared>>
      tpu.enqueue_dma source(%arg12 : memref<10000xf32, #tpu.memory_space<vmem>>) target(%dma_start3A_142 : memref<10000xf32, #tpu.memory_space<vmem_shared>>) target_semaphore(%run_scoped3A : memref<!tpu.dma_semaphore, #tpu.memory_space<semaphore_mem>>)
      %dma_wait3A = tpu.memref_slice %arg28[%mul3A_70] : memref<160000xf32, #tpu.memory_space<vmem_shared>> -> memref<10000xf32, #tpu.memory_space<vmem_shared>>
      %dma_wait3A_143 = tpu.memref_slice %arg28[%mul3A_70] : memref<160000xf32, #tpu.memory_space<vmem_shared>> -> memref<10000xf32, #tpu.memory_space<vmem_shared>>
      tpu.wait_dma2 semaphore(%run_scoped3A : memref<!tpu.dma_semaphore, #tpu.memory_space<semaphore_mem>>) src(%arg12 : memref<10000xf32, #tpu.memory_space<vmem>>) dst(%dma_wait3A_143 : memref<10000xf32, #tpu.memory_space<vmem_shared>>)
      tpu.yield
    }) : () -> ()
    %barrier3A_71 = arith.constant 0 : index
    tpu.barrier barrier_id(%barrier3A_71)
    %eq3A = arith.constant 0 : i32
    %eq3A_72 = arith.cmpi eq, %rem3A_21, %eq3A : i32
    %convert_element_type3A = arith.extui %eq3A_72 : i1 to i32
    %cond3A = arith.constant 0 : i32
    %cond3A_73 = arith.cmpi ne, %convert_element_type3A, %cond3A : i32
    scf.if %cond3A_73 {
      %mul3A_141 = arith.constant 4 : i32
      %mul3A_142 = arith.muli %mul3A_141, %select_n3A : i32
      %mul3A_143 = arith.constant 10000 : i32
      %mul3A_144 = arith.muli %mul3A_142, %mul3A_143 : i32
      %add3A_145 = arith.constant 0 : i32
      %add3A_146 = arith.addi %mul3A_144, %add3A_145 : i32
      "tpu.region"() ({
        %run_scoped3A = tpu.sem_alloc : memref<!tpu.dma_semaphore, #tpu.memory_space<semaphore_mem>>
        %dma_start3A_170 = arith.constant 0 : i32
        %dma_start3A_171 = tpu.memref_slice %arg22[%dma_start3A_170] : memref<2512xf32, #tpu.memory_space<vmem>> -> memref<2512xf32, #tpu.memory_space<vmem>>
        %dma_start3A_172 = tpu.memref_slice %arg28[%add3A_146] : memref<160000xf32, #tpu.memory_space<vmem_shared>> -> memref<2512xf32, #tpu.memory_space<vmem_shared>>
        %dma_start3A_173 = arith.constant 0 : i32
        %dma_start3A_174 = tpu.memref_slice %arg22[%dma_start3A_173] : memref<2512xf32, #tpu.memory_space<vmem>> -> memref<2512xf32, #tpu.memory_space<vmem>>
        %dma_start3A_175 = tpu.memref_slice %arg28[%add3A_146] : memref<160000xf32, #tpu.memory_space<vmem_shared>> -> memref<2512xf32, #tpu.memory_space<vmem_shared>>
        tpu.enqueue_dma source(%dma_start3A_175 : memref<2512xf32, #tpu.memory_space<vmem_shared>>) target(%dma_start3A_174 : memref<2512xf32, #tpu.memory_space<vmem>>) target_semaphore(%run_scoped3A : memref<!tpu.dma_semaphore, #tpu.memory_space<semaphore_mem>>)
        %dma_wait3A = arith.constant 0 : i32
        %dma_wait3A_176 = tpu.memref_slice %arg22[%dma_wait3A] : memref<2512xf32, #tpu.memory_space<vmem>> -> memref<2512xf32, #tpu.memory_space<vmem>>
        %dma_wait3A_177 = tpu.memref_slice %arg28[%add3A_146] : memref<160000xf32, #tpu.memory_space<vmem_shared>> -> memref<2512xf32, #tpu.memory_space<vmem_shared>>
        %dma_wait3A_178 = arith.constant 0 : i32
        %dma_wait3A_179 = tpu.memref_slice %arg22[%dma_wait3A_178] : memref<2512xf32, #tpu.memory_space<vmem>> -> memref<2512xf32, #tpu.memory_space<vmem>>
        %dma_wait3A_180 = tpu.memref_slice %arg28[%add3A_146] : memref<160000xf32, #tpu.memory_space<vmem_shared>> -> memref<2512xf32, #tpu.memory_space<vmem_shared>>
        tpu.wait_dma2 semaphore(%run_scoped3A : memref<!tpu.dma_semaphore, #tpu.memory_space<semaphore_mem>>) src(%dma_wait3A_180 : memref<2512xf32, #tpu.memory_space<vmem_shared>>) dst(%dma_wait3A_179 : memref<2512xf32, #tpu.memory_space<vmem>>)
        tpu.yield
      }) : () -> ()
      %add3A_147 = arith.constant 10000 : i32
      %add3A_148 = arith.addi %add3A_146, %add3A_147 : i32
      "tpu.region"() ({
        %run_scoped3A = tpu.sem_alloc : memref<!tpu.dma_semaphore, #tpu.memory_space<semaphore_mem>>
        %dma_start3A_170 = arith.constant 0 : i32
        %dma_start3A_171 = tpu.memref_slice %arg23[%dma_start3A_170] : memref<2512xf32, #tpu.memory_space<vmem>> -> memref<2512xf32, #tpu.memory_space<vmem>>
        %dma_start3A_172 = tpu.memref_slice %arg28[%add3A_148] : memref<160000xf32, #tpu.memory_space<vmem_shared>> -> memref<2512xf32, #tpu.memory_space<vmem_shared>>
        %dma_start3A_173 = arith.constant 0 : i32
        %dma_start3A_174 = tpu.memref_slice %arg23[%dma_start3A_173] : memref<2512xf32, #tpu.memory_space<vmem>> -> memref<2512xf32, #tpu.memory_space<vmem>>
        %dma_start3A_175 = tpu.memref_slice %arg28[%add3A_148] : memref<160000xf32, #tpu.memory_space<vmem_shared>> -> memref<2512xf32, #tpu.memory_space<vmem_shared>>
        tpu.enqueue_dma source(%dma_start3A_175 : memref<2512xf32, #tpu.memory_space<vmem_shared>>) target(%dma_start3A_174 : memref<2512xf32, #tpu.memory_space<vmem>>) target_semaphore(%run_scoped3A : memref<!tpu.dma_semaphore, #tpu.memory_space<semaphore_mem>>)
        %dma_wait3A = arith.constant 0 : i32
        %dma_wait3A_176 = tpu.memref_slice %arg23[%dma_wait3A] : memref<2512xf32, #tpu.memory_space<vmem>> -> memref<2512xf32, #tpu.memory_space<vmem>>
        %dma_wait3A_177 = tpu.memref_slice %arg28[%add3A_148] : memref<160000xf32, #tpu.memory_space<vmem_shared>> -> memref<2512xf32, #tpu.memory_space<vmem_shared>>
        %dma_wait3A_178 = arith.constant 0 : i32
        %dma_wait3A_179 = tpu.memref_slice %arg23[%dma_wait3A_178] : memref<2512xf32, #tpu.memory_space<vmem>> -> memref<2512xf32, #tpu.memory_space<vmem>>
        %dma_wait3A_180 = tpu.memref_slice %arg28[%add3A_148] : memref<160000xf32, #tpu.memory_space<vmem_shared>> -> memref<2512xf32, #tpu.memory_space<vmem_shared>>
        tpu.wait_dma2 semaphore(%run_scoped3A : memref<!tpu.dma_semaphore, #tpu.memory_space<semaphore_mem>>) src(%dma_wait3A_180 : memref<2512xf32, #tpu.memory_space<vmem_shared>>) dst(%dma_wait3A_179 : memref<2512xf32, #tpu.memory_space<vmem>>)
        tpu.yield
      }) : () -> ()
      %add3A_149 = arith.constant 20000 : i32
      %add3A_150 = arith.addi %add3A_146, %add3A_149 : i32
      "tpu.region"() ({
        %run_scoped3A = tpu.sem_alloc : memref<!tpu.dma_semaphore, #tpu.memory_space<semaphore_mem>>
        %dma_start3A_170 = arith.constant 0 : i32
        %dma_start3A_171 = tpu.memref_slice %arg24[%dma_start3A_170] : memref<2512xf32, #tpu.memory_space<vmem>> -> memref<2512xf32, #tpu.memory_space<vmem>>
        %dma_start3A_172 = tpu.memref_slice %arg28[%add3A_150] : memref<160000xf32, #tpu.memory_space<vmem_shared>> -> memref<2512xf32, #tpu.memory_space<vmem_shared>>
        %dma_start3A_173 = arith.constant 0 : i32
        %dma_start3A_174 = tpu.memref_slice %arg24[%dma_start3A_173] : memref<2512xf32, #tpu.memory_space<vmem>> -> memref<2512xf32, #tpu.memory_space<vmem>>
        %dma_start3A_175 = tpu.memref_slice %arg28[%add3A_150] : memref<160000xf32, #tpu.memory_space<vmem_shared>> -> memref<2512xf32, #tpu.memory_space<vmem_shared>>
        tpu.enqueue_dma source(%dma_start3A_175 : memref<2512xf32, #tpu.memory_space<vmem_shared>>) target(%dma_start3A_174 : memref<2512xf32, #tpu.memory_space<vmem>>) target_semaphore(%run_scoped3A : memref<!tpu.dma_semaphore, #tpu.memory_space<semaphore_mem>>)
        %dma_wait3A = arith.constant 0 : i32
        %dma_wait3A_176 = tpu.memref_slice %arg24[%dma_wait3A] : memref<2512xf32, #tpu.memory_space<vmem>> -> memref<2512xf32, #tpu.memory_space<vmem>>
        %dma_wait3A_177 = tpu.memref_slice %arg28[%add3A_150] : memref<160000xf32, #tpu.memory_space<vmem_shared>> -> memref<2512xf32, #tpu.memory_space<vmem_shared>>
        %dma_wait3A_178 = arith.constant 0 : i32
        %dma_wait3A_179 = tpu.memref_slice %arg24[%dma_wait3A_178] : memref<2512xf32, #tpu.memory_space<vmem>> -> memref<2512xf32, #tpu.memory_space<vmem>>
        %dma_wait3A_180 = tpu.memref_slice %arg28[%add3A_150] : memref<160000xf32, #tpu.memory_space<vmem_shared>> -> memref<2512xf32, #tpu.memory_space<vmem_shared>>
        tpu.wait_dma2 semaphore(%run_scoped3A : memref<!tpu.dma_semaphore, #tpu.memory_space<semaphore_mem>>) src(%dma_wait3A_180 : memref<2512xf32, #tpu.memory_space<vmem_shared>>) dst(%dma_wait3A_179 : memref<2512xf32, #tpu.memory_space<vmem>>)
        tpu.yield
      }) : () -> ()
      %add3A_151 = arith.constant 30000 : i32
      %add3A_152 = arith.addi %add3A_146, %add3A_151 : i32
      "tpu.region"() ({
        %run_scoped3A = tpu.sem_alloc : memref<!tpu.dma_semaphore, #tpu.memory_space<semaphore_mem>>
        %dma_start3A_170 = arith.constant 0 : i32
        %dma_start3A_171 = tpu.memref_slice %arg25[%dma_start3A_170] : memref<2512xf32, #tpu.memory_space<vmem>> -> memref<2512xf32, #tpu.memory_space<vmem>>
        %dma_start3A_172 = tpu.memref_slice %arg28[%add3A_152] : memref<160000xf32, #tpu.memory_space<vmem_shared>> -> memref<2512xf32, #tpu.memory_space<vmem_shared>>
        %dma_start3A_173 = arith.constant 0 : i32
        %dma_start3A_174 = tpu.memref_slice %arg25[%dma_start3A_173] : memref<2512xf32, #tpu.memory_space<vmem>> -> memref<2512xf32, #tpu.memory_space<vmem>>
        %dma_start3A_175 = tpu.memref_slice %arg28[%add3A_152] : memref<160000xf32, #tpu.memory_space<vmem_shared>> -> memref<2512xf32, #tpu.memory_space<vmem_shared>>
        tpu.enqueue_dma source(%dma_start3A_175 : memref<2512xf32, #tpu.memory_space<vmem_shared>>) target(%dma_start3A_174 : memref<2512xf32, #tpu.memory_space<vmem>>) target_semaphore(%run_scoped3A : memref<!tpu.dma_semaphore, #tpu.memory_space<semaphore_mem>>)
        %dma_wait3A = arith.constant 0 : i32
        %dma_wait3A_176 = tpu.memref_slice %arg25[%dma_wait3A] : memref<2512xf32, #tpu.memory_space<vmem>> -> memref<2512xf32, #tpu.memory_space<vmem>>
        %dma_wait3A_177 = tpu.memref_slice %arg28[%add3A_152] : memref<160000xf32, #tpu.memory_space<vmem_shared>> -> memref<2512xf32, #tpu.memory_space<vmem_shared>>
        %dma_wait3A_178 = arith.constant 0 : i32
        %dma_wait3A_179 = tpu.memref_slice %arg25[%dma_wait3A_178] : memref<2512xf32, #tpu.memory_space<vmem>> -> memref<2512xf32, #tpu.memory_space<vmem>>
        %dma_wait3A_180 = tpu.memref_slice %arg28[%add3A_152] : memref<160000xf32, #tpu.memory_space<vmem_shared>> -> memref<2512xf32, #tpu.memory_space<vmem_shared>>
        tpu.wait_dma2 semaphore(%run_scoped3A : memref<!tpu.dma_semaphore, #tpu.memory_space<semaphore_mem>>) src(%dma_wait3A_180 : memref<2512xf32, #tpu.memory_space<vmem_shared>>) dst(%dma_wait3A_179 : memref<2512xf32, #tpu.memory_space<vmem>>)
        tpu.yield
      }) : () -> ()
      %mul3A_153 = arith.constant 10000 : i32
      %mul3A_154 = arith.muli %add3A_19, %mul3A_153 : i32
      %add3A_155 = arith.constant 0 : i32
      %add3A_156 = arith.addi %mul3A_154, %add3A_155 : i32
      "tpu.region"() ({
        %run_scoped3A = tpu.sem_alloc : memref<!tpu.dma_semaphore, #tpu.memory_space<semaphore_mem>>
        %dma_start3A_170 = arith.constant 0 : i32
        %dma_start3A_171 = tpu.memref_slice %arg26[%dma_start3A_170] : memref<2512xf32, #tpu.memory_space<vmem>> -> memref<2512xf32, #tpu.memory_space<vmem>>
        %dma_start3A_172 = tpu.memref_slice %arg6[%add3A_156] : memref<80000xf32, #tpu.memory_space<hbm>> -> memref<2512xf32, #tpu.memory_space<hbm>>
        %dma_start3A_173 = arith.constant 0 : i32
        %dma_start3A_174 = tpu.memref_slice %arg26[%dma_start3A_173] : memref<2512xf32, #tpu.memory_space<vmem>> -> memref<2512xf32, #tpu.memory_space<vmem>>
        %dma_start3A_175 = tpu.memref_slice %arg6[%add3A_156] : memref<80000xf32, #tpu.memory_space<hbm>> -> memref<2512xf32, #tpu.memory_space<hbm>>
        tpu.enqueue_dma source(%dma_start3A_175 : memref<2512xf32, #tpu.memory_space<hbm>>) target(%dma_start3A_174 : memref<2512xf32, #tpu.memory_space<vmem>>) target_semaphore(%run_scoped3A : memref<!tpu.dma_semaphore, #tpu.memory_space<semaphore_mem>>)
        %dma_wait3A = arith.constant 0 : i32
        %dma_wait3A_176 = tpu.memref_slice %arg26[%dma_wait3A] : memref<2512xf32, #tpu.memory_space<vmem>> -> memref<2512xf32, #tpu.memory_space<vmem>>
        %dma_wait3A_177 = tpu.memref_slice %arg6[%add3A_156] : memref<80000xf32, #tpu.memory_space<hbm>> -> memref<2512xf32, #tpu.memory_space<hbm>>
        %dma_wait3A_178 = arith.constant 0 : i32
        %dma_wait3A_179 = tpu.memref_slice %arg26[%dma_wait3A_178] : memref<2512xf32, #tpu.memory_space<vmem>> -> memref<2512xf32, #tpu.memory_space<vmem>>
        %dma_wait3A_180 = tpu.memref_slice %arg6[%add3A_156] : memref<80000xf32, #tpu.memory_space<hbm>> -> memref<2512xf32, #tpu.memory_space<hbm>>
        tpu.wait_dma2 semaphore(%run_scoped3A : memref<!tpu.dma_semaphore, #tpu.memory_space<semaphore_mem>>) src(%dma_wait3A_180 : memref<2512xf32, #tpu.memory_space<hbm>>) dst(%dma_wait3A_179 : memref<2512xf32, #tpu.memory_space<vmem>>)
        tpu.yield
      }) : () -> ()
      %broadcast_in_dim3A_157 = arith.constant 0.000000e+00 : f32
      %broadcast_in_dim3A_158 = vector.broadcast %broadcast_in_dim3A_157 : f32 to vector<16xf32>
      %scan3A_159 = arith.constant 0 : i32
      %scan3A_160 = arith.constant 157 : i32
      %scan3A_161 = arith.addi %scan3A_159, %scan3A_160 : i32
      %scan3A_162 = arith.constant 1 : i32
      %scan3A_163 = scf.for %scan3A_170 = %scan3A_159 to %scan3A_161 step %scan3A_162 iter_args(%scan3A_171 = %broadcast_in_dim3A_158) -> (vector<16xf32>)  : i32 {
        %mul3A_172 = arith.constant 16 : i32
        %mul3A_173 = arith.muli %scan3A_170, %mul3A_172 : i32
        %get3A_174 = arith.index_cast %mul3A_173 : i32 to index
        %get3A_175 = tpu.vector_load %arg22[%get3A_174] {strides = array<i32>} : memref<2512xf32, #tpu.memory_space<vmem>>, vector<16xf32>,
        %get3A_176 = arith.index_cast %mul3A_173 : i32 to index
        %get3A_177 = tpu.vector_load %arg23[%get3A_176] {strides = array<i32>} : memref<2512xf32, #tpu.memory_space<vmem>>, vector<16xf32>,
        %add3A_178 = arith.addf %get3A_175, %get3A_177 : vector<16xf32>
        %get3A_179 = arith.index_cast %mul3A_173 : i32 to index
        %get3A_180 = tpu.vector_load %arg24[%get3A_179] {strides = array<i32>} : memref<2512xf32, #tpu.memory_space<vmem>>, vector<16xf32>,
        %add3A_181 = arith.addf %add3A_178, %get3A_180 : vector<16xf32>
        %get3A_182 = arith.index_cast %mul3A_173 : i32 to index
        %get3A_183 = tpu.vector_load %arg25[%get3A_182] {strides = array<i32>} : memref<2512xf32, #tpu.memory_space<vmem>>, vector<16xf32>,
        %add3A_184 = arith.addf %add3A_181, %get3A_183 : vector<16xf32>
        %get3A_185 = arith.index_cast %mul3A_173 : i32 to index
        %get3A_186 = tpu.vector_load %arg26[%get3A_185] {strides = array<i32>} : memref<2512xf32, #tpu.memory_space<vmem>>, vector<16xf32>,
        %sub3A_187 = arith.subf %add3A_184, %get3A_186 : vector<16xf32>
        %mul3A_188 = arith.mulf %sub3A_187, %sub3A_187 : vector<16xf32>
        %add3A_189 = arith.addf %scan3A_171, %mul3A_188 : vector<16xf32>
        scf.yield %add3A_189 : vector<16xf32>
      }
      %scan3A_164 = arith.constant 157 : i32
      %get3A_165 = arith.constant 0 : index
      %get3A_166 = tpu.vector_load %arg27[%get3A_165] {strides = array<i32>} : memref<16xf32, #tpu.memory_space<vmem>>, vector<16xf32>,
      %add3A_167 = arith.addf %get3A_166, %scan3A_163 : vector<16xf32>
      %swap3A_168 = arith.constant 0 : index
      %swap3A_169 = tpu.vector_load %arg27[%swap3A_168] {strides = array<i32>} : memref<16xf32, #tpu.memory_space<vmem>>, vector<16xf32>,
      tpu.vector_store %arg27[%swap3A_168], %add3A_167 {strides = array<i32>} : memref<16xf32, #tpu.memory_space<vmem>>, vector<16xf32>,
    } else {
    }
    %eq3A_74 = arith.constant 1 : i32
    %eq3A_75 = arith.cmpi eq, %rem3A_21, %eq3A_74 : i32
    %convert_element_type3A_76 = arith.extui %eq3A_75 : i1 to i32
    %cond3A_77 = arith.constant 0 : i32
    %cond3A_78 = arith.cmpi ne, %convert_element_type3A_76, %cond3A_77 : i32
    scf.if %cond3A_78 {
      %mul3A_141 = arith.constant 4 : i32
      %mul3A_142 = arith.muli %mul3A_141, %select_n3A : i32
      %mul3A_143 = arith.constant 10000 : i32
      %mul3A_144 = arith.muli %mul3A_142, %mul3A_143 : i32
      %add3A_145 = arith.constant 2512 : i32
      %add3A_146 = arith.addi %mul3A_144, %add3A_145 : i32
      "tpu.region"() ({
        %run_scoped3A = tpu.sem_alloc : memref<!tpu.dma_semaphore, #tpu.memory_space<semaphore_mem>>
        %dma_start3A_170 = arith.constant 0 : i32
        %dma_start3A_171 = tpu.memref_slice %arg22[%dma_start3A_170] : memref<2512xf32, #tpu.memory_space<vmem>> -> memref<2512xf32, #tpu.memory_space<vmem>>
        %dma_start3A_172 = tpu.memref_slice %arg28[%add3A_146] : memref<160000xf32, #tpu.memory_space<vmem_shared>> -> memref<2512xf32, #tpu.memory_space<vmem_shared>>
        %dma_start3A_173 = arith.constant 0 : i32
        %dma_start3A_174 = tpu.memref_slice %arg22[%dma_start3A_173] : memref<2512xf32, #tpu.memory_space<vmem>> -> memref<2512xf32, #tpu.memory_space<vmem>>
        %dma_start3A_175 = tpu.memref_slice %arg28[%add3A_146] : memref<160000xf32, #tpu.memory_space<vmem_shared>> -> memref<2512xf32, #tpu.memory_space<vmem_shared>>
        tpu.enqueue_dma source(%dma_start3A_175 : memref<2512xf32, #tpu.memory_space<vmem_shared>>) target(%dma_start3A_174 : memref<2512xf32, #tpu.memory_space<vmem>>) target_semaphore(%run_scoped3A : memref<!tpu.dma_semaphore, #tpu.memory_space<semaphore_mem>>)
        %dma_wait3A = arith.constant 0 : i32
        %dma_wait3A_176 = tpu.memref_slice %arg22[%dma_wait3A] : memref<2512xf32, #tpu.memory_space<vmem>> -> memref<2512xf32, #tpu.memory_space<vmem>>
        %dma_wait3A_177 = tpu.memref_slice %arg28[%add3A_146] : memref<160000xf32, #tpu.memory_space<vmem_shared>> -> memref<2512xf32, #tpu.memory_space<vmem_shared>>
        %dma_wait3A_178 = arith.constant 0 : i32
        %dma_wait3A_179 = tpu.memref_slice %arg22[%dma_wait3A_178] : memref<2512xf32, #tpu.memory_space<vmem>> -> memref<2512xf32, #tpu.memory_space<vmem>>
        %dma_wait3A_180 = tpu.memref_slice %arg28[%add3A_146] : memref<160000xf32, #tpu.memory_space<vmem_shared>> -> memref<2512xf32, #tpu.memory_space<vmem_shared>>
        tpu.wait_dma2 semaphore(%run_scoped3A : memref<!tpu.dma_semaphore, #tpu.memory_space<semaphore_mem>>) src(%dma_wait3A_180 : memref<2512xf32, #tpu.memory_space<vmem_shared>>) dst(%dma_wait3A_179 : memref<2512xf32, #tpu.memory_space<vmem>>)
        tpu.yield
      }) : () -> ()
      %add3A_147 = arith.constant 10000 : i32
      %add3A_148 = arith.addi %add3A_146, %add3A_147 : i32
      "tpu.region"() ({
        %run_scoped3A = tpu.sem_alloc : memref<!tpu.dma_semaphore, #tpu.memory_space<semaphore_mem>>
        %dma_start3A_170 = arith.constant 0 : i32
        %dma_start3A_171 = tpu.memref_slice %arg23[%dma_start3A_170] : memref<2512xf32, #tpu.memory_space<vmem>> -> memref<2512xf32, #tpu.memory_space<vmem>>
        %dma_start3A_172 = tpu.memref_slice %arg28[%add3A_148] : memref<160000xf32, #tpu.memory_space<vmem_shared>> -> memref<2512xf32, #tpu.memory_space<vmem_shared>>
        %dma_start3A_173 = arith.constant 0 : i32
        %dma_start3A_174 = tpu.memref_slice %arg23[%dma_start3A_173] : memref<2512xf32, #tpu.memory_space<vmem>> -> memref<2512xf32, #tpu.memory_space<vmem>>
        %dma_start3A_175 = tpu.memref_slice %arg28[%add3A_148] : memref<160000xf32, #tpu.memory_space<vmem_shared>> -> memref<2512xf32, #tpu.memory_space<vmem_shared>>
        tpu.enqueue_dma source(%dma_start3A_175 : memref<2512xf32, #tpu.memory_space<vmem_shared>>) target(%dma_start3A_174 : memref<2512xf32, #tpu.memory_space<vmem>>) target_semaphore(%run_scoped3A : memref<!tpu.dma_semaphore, #tpu.memory_space<semaphore_mem>>)
        %dma_wait3A = arith.constant 0 : i32
        %dma_wait3A_176 = tpu.memref_slice %arg23[%dma_wait3A] : memref<2512xf32, #tpu.memory_space<vmem>> -> memref<2512xf32, #tpu.memory_space<vmem>>
        %dma_wait3A_177 = tpu.memref_slice %arg28[%add3A_148] : memref<160000xf32, #tpu.memory_space<vmem_shared>> -> memref<2512xf32, #tpu.memory_space<vmem_shared>>
        %dma_wait3A_178 = arith.constant 0 : i32
        %dma_wait3A_179 = tpu.memref_slice %arg23[%dma_wait3A_178] : memref<2512xf32, #tpu.memory_space<vmem>> -> memref<2512xf32, #tpu.memory_space<vmem>>
        %dma_wait3A_180 = tpu.memref_slice %arg28[%add3A_148] : memref<160000xf32, #tpu.memory_space<vmem_shared>> -> memref<2512xf32, #tpu.memory_space<vmem_shared>>
        tpu.wait_dma2 semaphore(%run_scoped3A : memref<!tpu.dma_semaphore, #tpu.memory_space<semaphore_mem>>) src(%dma_wait3A_180 : memref<2512xf32, #tpu.memory_space<vmem_shared>>) dst(%dma_wait3A_179 : memref<2512xf32, #tpu.memory_space<vmem>>)
        tpu.yield
      }) : () -> ()
      %add3A_149 = arith.constant 20000 : i32
      %add3A_150 = arith.addi %add3A_146, %add3A_149 : i32
      "tpu.region"() ({
        %run_scoped3A = tpu.sem_alloc : memref<!tpu.dma_semaphore, #tpu.memory_space<semaphore_mem>>
        %dma_start3A_170 = arith.constant 0 : i32
        %dma_start3A_171 = tpu.memref_slice %arg24[%dma_start3A_170] : memref<2512xf32, #tpu.memory_space<vmem>> -> memref<2512xf32, #tpu.memory_space<vmem>>
        %dma_start3A_172 = tpu.memref_slice %arg28[%add3A_150] : memref<160000xf32, #tpu.memory_space<vmem_shared>> -> memref<2512xf32, #tpu.memory_space<vmem_shared>>
        %dma_start3A_173 = arith.constant 0 : i32
        %dma_start3A_174 = tpu.memref_slice %arg24[%dma_start3A_173] : memref<2512xf32, #tpu.memory_space<vmem>> -> memref<2512xf32, #tpu.memory_space<vmem>>
        %dma_start3A_175 = tpu.memref_slice %arg28[%add3A_150] : memref<160000xf32, #tpu.memory_space<vmem_shared>> -> memref<2512xf32, #tpu.memory_space<vmem_shared>>
        tpu.enqueue_dma source(%dma_start3A_175 : memref<2512xf32, #tpu.memory_space<vmem_shared>>) target(%dma_start3A_174 : memref<2512xf32, #tpu.memory_space<vmem>>) target_semaphore(%run_scoped3A : memref<!tpu.dma_semaphore, #tpu.memory_space<semaphore_mem>>)
        %dma_wait3A = arith.constant 0 : i32
        %dma_wait3A_176 = tpu.memref_slice %arg24[%dma_wait3A] : memref<2512xf32, #tpu.memory_space<vmem>> -> memref<2512xf32, #tpu.memory_space<vmem>>
        %dma_wait3A_177 = tpu.memref_slice %arg28[%add3A_150] : memref<160000xf32, #tpu.memory_space<vmem_shared>> -> memref<2512xf32, #tpu.memory_space<vmem_shared>>
        %dma_wait3A_178 = arith.constant 0 : i32
        %dma_wait3A_179 = tpu.memref_slice %arg24[%dma_wait3A_178] : memref<2512xf32, #tpu.memory_space<vmem>> -> memref<2512xf32, #tpu.memory_space<vmem>>
        %dma_wait3A_180 = tpu.memref_slice %arg28[%add3A_150] : memref<160000xf32, #tpu.memory_space<vmem_shared>> -> memref<2512xf32, #tpu.memory_space<vmem_shared>>
        tpu.wait_dma2 semaphore(%run_scoped3A : memref<!tpu.dma_semaphore, #tpu.memory_space<semaphore_mem>>) src(%dma_wait3A_180 : memref<2512xf32, #tpu.memory_space<vmem_shared>>) dst(%dma_wait3A_179 : memref<2512xf32, #tpu.memory_space<vmem>>)
        tpu.yield
      }) : () -> ()
      %add3A_151 = arith.constant 30000 : i32
      %add3A_152 = arith.addi %add3A_146, %add3A_151 : i32
      "tpu.region"() ({
        %run_scoped3A = tpu.sem_alloc : memref<!tpu.dma_semaphore, #tpu.memory_space<semaphore_mem>>
        %dma_start3A_170 = arith.constant 0 : i32
        %dma_start3A_171 = tpu.memref_slice %arg25[%dma_start3A_170] : memref<2512xf32, #tpu.memory_space<vmem>> -> memref<2512xf32, #tpu.memory_space<vmem>>
        %dma_start3A_172 = tpu.memref_slice %arg28[%add3A_152] : memref<160000xf32, #tpu.memory_space<vmem_shared>> -> memref<2512xf32, #tpu.memory_space<vmem_shared>>
        %dma_start3A_173 = arith.constant 0 : i32
        %dma_start3A_174 = tpu.memref_slice %arg25[%dma_start3A_173] : memref<2512xf32, #tpu.memory_space<vmem>> -> memref<2512xf32, #tpu.memory_space<vmem>>
        %dma_start3A_175 = tpu.memref_slice %arg28[%add3A_152] : memref<160000xf32, #tpu.memory_space<vmem_shared>> -> memref<2512xf32, #tpu.memory_space<vmem_shared>>
        tpu.enqueue_dma source(%dma_start3A_175 : memref<2512xf32, #tpu.memory_space<vmem_shared>>) target(%dma_start3A_174 : memref<2512xf32, #tpu.memory_space<vmem>>) target_semaphore(%run_scoped3A : memref<!tpu.dma_semaphore, #tpu.memory_space<semaphore_mem>>)
        %dma_wait3A = arith.constant 0 : i32
        %dma_wait3A_176 = tpu.memref_slice %arg25[%dma_wait3A] : memref<2512xf32, #tpu.memory_space<vmem>> -> memref<2512xf32, #tpu.memory_space<vmem>>
        %dma_wait3A_177 = tpu.memref_slice %arg28[%add3A_152] : memref<160000xf32, #tpu.memory_space<vmem_shared>> -> memref<2512xf32, #tpu.memory_space<vmem_shared>>
        %dma_wait3A_178 = arith.constant 0 : i32
        %dma_wait3A_179 = tpu.memref_slice %arg25[%dma_wait3A_178] : memref<2512xf32, #tpu.memory_space<vmem>> -> memref<2512xf32, #tpu.memory_space<vmem>>
        %dma_wait3A_180 = tpu.memref_slice %arg28[%add3A_152] : memref<160000xf32, #tpu.memory_space<vmem_shared>> -> memref<2512xf32, #tpu.memory_space<vmem_shared>>
        tpu.wait_dma2 semaphore(%run_scoped3A : memref<!tpu.dma_semaphore, #tpu.memory_space<semaphore_mem>>) src(%dma_wait3A_180 : memref<2512xf32, #tpu.memory_space<vmem_shared>>) dst(%dma_wait3A_179 : memref<2512xf32, #tpu.memory_space<vmem>>)
        tpu.yield
      }) : () -> ()
      %mul3A_153 = arith.constant 10000 : i32
      %mul3A_154 = arith.muli %add3A_19, %mul3A_153 : i32
      %add3A_155 = arith.constant 2512 : i32
      %add3A_156 = arith.addi %mul3A_154, %add3A_155 : i32
      "tpu.region"() ({
        %run_scoped3A = tpu.sem_alloc : memref<!tpu.dma_semaphore, #tpu.memory_space<semaphore_mem>>
        %dma_start3A_170 = arith.constant 0 : i32
        %dma_start3A_171 = tpu.memref_slice %arg26[%dma_start3A_170] : memref<2512xf32, #tpu.memory_space<vmem>> -> memref<2512xf32, #tpu.memory_space<vmem>>
        %dma_start3A_172 = tpu.memref_slice %arg6[%add3A_156] : memref<80000xf32, #tpu.memory_space<hbm>> -> memref<2512xf32, #tpu.memory_space<hbm>>
        %dma_start3A_173 = arith.constant 0 : i32
        %dma_start3A_174 = tpu.memref_slice %arg26[%dma_start3A_173] : memref<2512xf32, #tpu.memory_space<vmem>> -> memref<2512xf32, #tpu.memory_space<vmem>>
        %dma_start3A_175 = tpu.memref_slice %arg6[%add3A_156] : memref<80000xf32, #tpu.memory_space<hbm>> -> memref<2512xf32, #tpu.memory_space<hbm>>
        tpu.enqueue_dma source(%dma_start3A_175 : memref<2512xf32, #tpu.memory_space<hbm>>) target(%dma_start3A_174 : memref<2512xf32, #tpu.memory_space<vmem>>) target_semaphore(%run_scoped3A : memref<!tpu.dma_semaphore, #tpu.memory_space<semaphore_mem>>)
        %dma_wait3A = arith.constant 0 : i32
        %dma_wait3A_176 = tpu.memref_slice %arg26[%dma_wait3A] : memref<2512xf32, #tpu.memory_space<vmem>> -> memref<2512xf32, #tpu.memory_space<vmem>>
        %dma_wait3A_177 = tpu.memref_slice %arg6[%add3A_156] : memref<80000xf32, #tpu.memory_space<hbm>> -> memref<2512xf32, #tpu.memory_space<hbm>>
        %dma_wait3A_178 = arith.constant 0 : i32
        %dma_wait3A_179 = tpu.memref_slice %arg26[%dma_wait3A_178] : memref<2512xf32, #tpu.memory_space<vmem>> -> memref<2512xf32, #tpu.memory_space<vmem>>
        %dma_wait3A_180 = tpu.memref_slice %arg6[%add3A_156] : memref<80000xf32, #tpu.memory_space<hbm>> -> memref<2512xf32, #tpu.memory_space<hbm>>
        tpu.wait_dma2 semaphore(%run_scoped3A : memref<!tpu.dma_semaphore, #tpu.memory_space<semaphore_mem>>) src(%dma_wait3A_180 : memref<2512xf32, #tpu.memory_space<hbm>>) dst(%dma_wait3A_179 : memref<2512xf32, #tpu.memory_space<vmem>>)
        tpu.yield
      }) : () -> ()
      %broadcast_in_dim3A_157 = arith.constant 0.000000e+00 : f32
      %broadcast_in_dim3A_158 = vector.broadcast %broadcast_in_dim3A_157 : f32 to vector<16xf32>
      %scan3A_159 = arith.constant 0 : i32
      %scan3A_160 = arith.constant 157 : i32
      %scan3A_161 = arith.addi %scan3A_159, %scan3A_160 : i32
      %scan3A_162 = arith.constant 1 : i32
      %scan3A_163 = scf.for %scan3A_170 = %scan3A_159 to %scan3A_161 step %scan3A_162 iter_args(%scan3A_171 = %broadcast_in_dim3A_158) -> (vector<16xf32>)  : i32 {
        %mul3A_172 = arith.constant 16 : i32
        %mul3A_173 = arith.muli %scan3A_170, %mul3A_172 : i32
        %get3A_174 = arith.index_cast %mul3A_173 : i32 to index
        %get3A_175 = tpu.vector_load %arg22[%get3A_174] {strides = array<i32>} : memref<2512xf32, #tpu.memory_space<vmem>>, vector<16xf32>,
        %get3A_176 = arith.index_cast %mul3A_173 : i32 to index
        %get3A_177 = tpu.vector_load %arg23[%get3A_176] {strides = array<i32>} : memref<2512xf32, #tpu.memory_space<vmem>>, vector<16xf32>,
        %add3A_178 = arith.addf %get3A_175, %get3A_177 : vector<16xf32>
        %get3A_179 = arith.index_cast %mul3A_173 : i32 to index
        %get3A_180 = tpu.vector_load %arg24[%get3A_179] {strides = array<i32>} : memref<2512xf32, #tpu.memory_space<vmem>>, vector<16xf32>,
        %add3A_181 = arith.addf %add3A_178, %get3A_180 : vector<16xf32>
        %get3A_182 = arith.index_cast %mul3A_173 : i32 to index
        %get3A_183 = tpu.vector_load %arg25[%get3A_182] {strides = array<i32>} : memref<2512xf32, #tpu.memory_space<vmem>>, vector<16xf32>,
        %add3A_184 = arith.addf %add3A_181, %get3A_183 : vector<16xf32>
        %get3A_185 = arith.index_cast %mul3A_173 : i32 to index
        %get3A_186 = tpu.vector_load %arg26[%get3A_185] {strides = array<i32>} : memref<2512xf32, #tpu.memory_space<vmem>>, vector<16xf32>,
        %sub3A_187 = arith.subf %add3A_184, %get3A_186 : vector<16xf32>
        %mul3A_188 = arith.mulf %sub3A_187, %sub3A_187 : vector<16xf32>
        %add3A_189 = arith.addf %scan3A_171, %mul3A_188 : vector<16xf32>
        scf.yield %add3A_189 : vector<16xf32>
      }
      %scan3A_164 = arith.constant 157 : i32
      %get3A_165 = arith.constant 0 : index
      %get3A_166 = tpu.vector_load %arg27[%get3A_165] {strides = array<i32>} : memref<16xf32, #tpu.memory_space<vmem>>, vector<16xf32>,
      %add3A_167 = arith.addf %get3A_166, %scan3A_163 : vector<16xf32>
      %swap3A_168 = arith.constant 0 : index
      %swap3A_169 = tpu.vector_load %arg27[%swap3A_168] {strides = array<i32>} : memref<16xf32, #tpu.memory_space<vmem>>, vector<16xf32>,
      tpu.vector_store %arg27[%swap3A_168], %add3A_167 {strides = array<i32>} : memref<16xf32, #tpu.memory_space<vmem>>, vector<16xf32>,
    } else {
    }
    %eq3A_79 = arith.constant 2 : i32
    %eq3A_80 = arith.cmpi eq, %rem3A_21, %eq3A_79 : i32
    %convert_element_type3A_81 = arith.extui %eq3A_80 : i1 to i32
    %cond3A_82 = arith.constant 0 : i32
    %cond3A_83 = arith.cmpi ne, %convert_element_type3A_81, %cond3A_82 : i32
    scf.if %cond3A_83 {
      %mul3A_141 = arith.constant 4 : i32
      %mul3A_142 = arith.muli %mul3A_141, %select_n3A : i32
      %mul3A_143 = arith.constant 10000 : i32
      %mul3A_144 = arith.muli %mul3A_142, %mul3A_143 : i32
      %add3A_145 = arith.constant 5024 : i32
      %add3A_146 = arith.addi %mul3A_144, %add3A_145 : i32
      "tpu.region"() ({
        %run_scoped3A = tpu.sem_alloc : memref<!tpu.dma_semaphore, #tpu.memory_space<semaphore_mem>>
        %dma_start3A_170 = arith.constant 0 : i32
        %dma_start3A_171 = tpu.memref_slice %arg22[%dma_start3A_170] : memref<2512xf32, #tpu.memory_space<vmem>> -> memref<2512xf32, #tpu.memory_space<vmem>>
        %dma_start3A_172 = tpu.memref_slice %arg28[%add3A_146] : memref<160000xf32, #tpu.memory_space<vmem_shared>> -> memref<2512xf32, #tpu.memory_space<vmem_shared>>
        %dma_start3A_173 = arith.constant 0 : i32
        %dma_start3A_174 = tpu.memref_slice %arg22[%dma_start3A_173] : memref<2512xf32, #tpu.memory_space<vmem>> -> memref<2512xf32, #tpu.memory_space<vmem>>
        %dma_start3A_175 = tpu.memref_slice %arg28[%add3A_146] : memref<160000xf32, #tpu.memory_space<vmem_shared>> -> memref<2512xf32, #tpu.memory_space<vmem_shared>>
        tpu.enqueue_dma source(%dma_start3A_175 : memref<2512xf32, #tpu.memory_space<vmem_shared>>) target(%dma_start3A_174 : memref<2512xf32, #tpu.memory_space<vmem>>) target_semaphore(%run_scoped3A : memref<!tpu.dma_semaphore, #tpu.memory_space<semaphore_mem>>)
        %dma_wait3A = arith.constant 0 : i32
        %dma_wait3A_176 = tpu.memref_slice %arg22[%dma_wait3A] : memref<2512xf32, #tpu.memory_space<vmem>> -> memref<2512xf32, #tpu.memory_space<vmem>>
        %dma_wait3A_177 = tpu.memref_slice %arg28[%add3A_146] : memref<160000xf32, #tpu.memory_space<vmem_shared>> -> memref<2512xf32, #tpu.memory_space<vmem_shared>>
        %dma_wait3A_178 = arith.constant 0 : i32
        %dma_wait3A_179 = tpu.memref_slice %arg22[%dma_wait3A_178] : memref<2512xf32, #tpu.memory_space<vmem>> -> memref<2512xf32, #tpu.memory_space<vmem>>
        %dma_wait3A_180 = tpu.memref_slice %arg28[%add3A_146] : memref<160000xf32, #tpu.memory_space<vmem_shared>> -> memref<2512xf32, #tpu.memory_space<vmem_shared>>
        tpu.wait_dma2 semaphore(%run_scoped3A : memref<!tpu.dma_semaphore, #tpu.memory_space<semaphore_mem>>) src(%dma_wait3A_180 : memref<2512xf32, #tpu.memory_space<vmem_shared>>) dst(%dma_wait3A_179 : memref<2512xf32, #tpu.memory_space<vmem>>)
        tpu.yield
      }) : () -> ()
      %add3A_147 = arith.constant 10000 : i32
      %add3A_148 = arith.addi %add3A_146, %add3A_147 : i32
      "tpu.region"() ({
        %run_scoped3A = tpu.sem_alloc : memref<!tpu.dma_semaphore, #tpu.memory_space<semaphore_mem>>
        %dma_start3A_170 = arith.constant 0 : i32
        %dma_start3A_171 = tpu.memref_slice %arg23[%dma_start3A_170] : memref<2512xf32, #tpu.memory_space<vmem>> -> memref<2512xf32, #tpu.memory_space<vmem>>
        %dma_start3A_172 = tpu.memref_slice %arg28[%add3A_148] : memref<160000xf32, #tpu.memory_space<vmem_shared>> -> memref<2512xf32, #tpu.memory_space<vmem_shared>>
        %dma_start3A_173 = arith.constant 0 : i32
        %dma_start3A_174 = tpu.memref_slice %arg23[%dma_start3A_173] : memref<2512xf32, #tpu.memory_space<vmem>> -> memref<2512xf32, #tpu.memory_space<vmem>>
        %dma_start3A_175 = tpu.memref_slice %arg28[%add3A_148] : memref<160000xf32, #tpu.memory_space<vmem_shared>> -> memref<2512xf32, #tpu.memory_space<vmem_shared>>
        tpu.enqueue_dma source(%dma_start3A_175 : memref<2512xf32, #tpu.memory_space<vmem_shared>>) target(%dma_start3A_174 : memref<2512xf32, #tpu.memory_space<vmem>>) target_semaphore(%run_scoped3A : memref<!tpu.dma_semaphore, #tpu.memory_space<semaphore_mem>>)
        %dma_wait3A = arith.constant 0 : i32
        %dma_wait3A_176 = tpu.memref_slice %arg23[%dma_wait3A] : memref<2512xf32, #tpu.memory_space<vmem>> -> memref<2512xf32, #tpu.memory_space<vmem>>
        %dma_wait3A_177 = tpu.memref_slice %arg28[%add3A_148] : memref<160000xf32, #tpu.memory_space<vmem_shared>> -> memref<2512xf32, #tpu.memory_space<vmem_shared>>
        %dma_wait3A_178 = arith.constant 0 : i32
        %dma_wait3A_179 = tpu.memref_slice %arg23[%dma_wait3A_178] : memref<2512xf32, #tpu.memory_space<vmem>> -> memref<2512xf32, #tpu.memory_space<vmem>>
        %dma_wait3A_180 = tpu.memref_slice %arg28[%add3A_148] : memref<160000xf32, #tpu.memory_space<vmem_shared>> -> memref<2512xf32, #tpu.memory_space<vmem_shared>>
        tpu.wait_dma2 semaphore(%run_scoped3A : memref<!tpu.dma_semaphore, #tpu.memory_space<semaphore_mem>>) src(%dma_wait3A_180 : memref<2512xf32, #tpu.memory_space<vmem_shared>>) dst(%dma_wait3A_179 : memref<2512xf32, #tpu.memory_space<vmem>>)
        tpu.yield
      }) : () -> ()
      %add3A_149 = arith.constant 20000 : i32
      %add3A_150 = arith.addi %add3A_146, %add3A_149 : i32
      "tpu.region"() ({
        %run_scoped3A = tpu.sem_alloc : memref<!tpu.dma_semaphore, #tpu.memory_space<semaphore_mem>>
        %dma_start3A_170 = arith.constant 0 : i32
        %dma_start3A_171 = tpu.memref_slice %arg24[%dma_start3A_170] : memref<2512xf32, #tpu.memory_space<vmem>> -> memref<2512xf32, #tpu.memory_space<vmem>>
        %dma_start3A_172 = tpu.memref_slice %arg28[%add3A_150] : memref<160000xf32, #tpu.memory_space<vmem_shared>> -> memref<2512xf32, #tpu.memory_space<vmem_shared>>
        %dma_start3A_173 = arith.constant 0 : i32
        %dma_start3A_174 = tpu.memref_slice %arg24[%dma_start3A_173] : memref<2512xf32, #tpu.memory_space<vmem>> -> memref<2512xf32, #tpu.memory_space<vmem>>
        %dma_start3A_175 = tpu.memref_slice %arg28[%add3A_150] : memref<160000xf32, #tpu.memory_space<vmem_shared>> -> memref<2512xf32, #tpu.memory_space<vmem_shared>>
        tpu.enqueue_dma source(%dma_start3A_175 : memref<2512xf32, #tpu.memory_space<vmem_shared>>) target(%dma_start3A_174 : memref<2512xf32, #tpu.memory_space<vmem>>) target_semaphore(%run_scoped3A : memref<!tpu.dma_semaphore, #tpu.memory_space<semaphore_mem>>)
        %dma_wait3A = arith.constant 0 : i32
        %dma_wait3A_176 = tpu.memref_slice %arg24[%dma_wait3A] : memref<2512xf32, #tpu.memory_space<vmem>> -> memref<2512xf32, #tpu.memory_space<vmem>>
        %dma_wait3A_177 = tpu.memref_slice %arg28[%add3A_150] : memref<160000xf32, #tpu.memory_space<vmem_shared>> -> memref<2512xf32, #tpu.memory_space<vmem_shared>>
        %dma_wait3A_178 = arith.constant 0 : i32
        %dma_wait3A_179 = tpu.memref_slice %arg24[%dma_wait3A_178] : memref<2512xf32, #tpu.memory_space<vmem>> -> memref<2512xf32, #tpu.memory_space<vmem>>
        %dma_wait3A_180 = tpu.memref_slice %arg28[%add3A_150] : memref<160000xf32, #tpu.memory_space<vmem_shared>> -> memref<2512xf32, #tpu.memory_space<vmem_shared>>
        tpu.wait_dma2 semaphore(%run_scoped3A : memref<!tpu.dma_semaphore, #tpu.memory_space<semaphore_mem>>) src(%dma_wait3A_180 : memref<2512xf32, #tpu.memory_space<vmem_shared>>) dst(%dma_wait3A_179 : memref<2512xf32, #tpu.memory_space<vmem>>)
        tpu.yield
      }) : () -> ()
      %add3A_151 = arith.constant 30000 : i32
      %add3A_152 = arith.addi %add3A_146, %add3A_151 : i32
      "tpu.region"() ({
        %run_scoped3A = tpu.sem_alloc : memref<!tpu.dma_semaphore, #tpu.memory_space<semaphore_mem>>
        %dma_start3A_170 = arith.constant 0 : i32
        %dma_start3A_171 = tpu.memref_slice %arg25[%dma_start3A_170] : memref<2512xf32, #tpu.memory_space<vmem>> -> memref<2512xf32, #tpu.memory_space<vmem>>
        %dma_start3A_172 = tpu.memref_slice %arg28[%add3A_152] : memref<160000xf32, #tpu.memory_space<vmem_shared>> -> memref<2512xf32, #tpu.memory_space<vmem_shared>>
        %dma_start3A_173 = arith.constant 0 : i32
        %dma_start3A_174 = tpu.memref_slice %arg25[%dma_start3A_173] : memref<2512xf32, #tpu.memory_space<vmem>> -> memref<2512xf32, #tpu.memory_space<vmem>>
        %dma_start3A_175 = tpu.memref_slice %arg28[%add3A_152] : memref<160000xf32, #tpu.memory_space<vmem_shared>> -> memref<2512xf32, #tpu.memory_space<vmem_shared>>
        tpu.enqueue_dma source(%dma_start3A_175 : memref<2512xf32, #tpu.memory_space<vmem_shared>>) target(%dma_start3A_174 : memref<2512xf32, #tpu.memory_space<vmem>>) target_semaphore(%run_scoped3A : memref<!tpu.dma_semaphore, #tpu.memory_space<semaphore_mem>>)
        %dma_wait3A = arith.constant 0 : i32
        %dma_wait3A_176 = tpu.memref_slice %arg25[%dma_wait3A] : memref<2512xf32, #tpu.memory_space<vmem>> -> memref<2512xf32, #tpu.memory_space<vmem>>
        %dma_wait3A_177 = tpu.memref_slice %arg28[%add3A_152] : memref<160000xf32, #tpu.memory_space<vmem_shared>> -> memref<2512xf32, #tpu.memory_space<vmem_shared>>
        %dma_wait3A_178 = arith.constant 0 : i32
        %dma_wait3A_179 = tpu.memref_slice %arg25[%dma_wait3A_178] : memref<2512xf32, #tpu.memory_space<vmem>> -> memref<2512xf32, #tpu.memory_space<vmem>>
        %dma_wait3A_180 = tpu.memref_slice %arg28[%add3A_152] : memref<160000xf32, #tpu.memory_space<vmem_shared>> -> memref<2512xf32, #tpu.memory_space<vmem_shared>>
        tpu.wait_dma2 semaphore(%run_scoped3A : memref<!tpu.dma_semaphore, #tpu.memory_space<semaphore_mem>>) src(%dma_wait3A_180 : memref<2512xf32, #tpu.memory_space<vmem_shared>>) dst(%dma_wait3A_179 : memref<2512xf32, #tpu.memory_space<vmem>>)
        tpu.yield
      }) : () -> ()
      %mul3A_153 = arith.constant 10000 : i32
      %mul3A_154 = arith.muli %add3A_19, %mul3A_153 : i32
      %add3A_155 = arith.constant 5024 : i32
      %add3A_156 = arith.addi %mul3A_154, %add3A_155 : i32
      "tpu.region"() ({
        %run_scoped3A = tpu.sem_alloc : memref<!tpu.dma_semaphore, #tpu.memory_space<semaphore_mem>>
        %dma_start3A_170 = arith.constant 0 : i32
        %dma_start3A_171 = tpu.memref_slice %arg26[%dma_start3A_170] : memref<2512xf32, #tpu.memory_space<vmem>> -> memref<2512xf32, #tpu.memory_space<vmem>>
        %dma_start3A_172 = tpu.memref_slice %arg6[%add3A_156] : memref<80000xf32, #tpu.memory_space<hbm>> -> memref<2512xf32, #tpu.memory_space<hbm>>
        %dma_start3A_173 = arith.constant 0 : i32
        %dma_start3A_174 = tpu.memref_slice %arg26[%dma_start3A_173] : memref<2512xf32, #tpu.memory_space<vmem>> -> memref<2512xf32, #tpu.memory_space<vmem>>
        %dma_start3A_175 = tpu.memref_slice %arg6[%add3A_156] : memref<80000xf32, #tpu.memory_space<hbm>> -> memref<2512xf32, #tpu.memory_space<hbm>>
        tpu.enqueue_dma source(%dma_start3A_175 : memref<2512xf32, #tpu.memory_space<hbm>>) target(%dma_start3A_174 : memref<2512xf32, #tpu.memory_space<vmem>>) target_semaphore(%run_scoped3A : memref<!tpu.dma_semaphore, #tpu.memory_space<semaphore_mem>>)
        %dma_wait3A = arith.constant 0 : i32
        %dma_wait3A_176 = tpu.memref_slice %arg26[%dma_wait3A] : memref<2512xf32, #tpu.memory_space<vmem>> -> memref<2512xf32, #tpu.memory_space<vmem>>
        %dma_wait3A_177 = tpu.memref_slice %arg6[%add3A_156] : memref<80000xf32, #tpu.memory_space<hbm>> -> memref<2512xf32, #tpu.memory_space<hbm>>
        %dma_wait3A_178 = arith.constant 0 : i32
        %dma_wait3A_179 = tpu.memref_slice %arg26[%dma_wait3A_178] : memref<2512xf32, #tpu.memory_space<vmem>> -> memref<2512xf32, #tpu.memory_space<vmem>>
        %dma_wait3A_180 = tpu.memref_slice %arg6[%add3A_156] : memref<80000xf32, #tpu.memory_space<hbm>> -> memref<2512xf32, #tpu.memory_space<hbm>>
        tpu.wait_dma2 semaphore(%run_scoped3A : memref<!tpu.dma_semaphore, #tpu.memory_space<semaphore_mem>>) src(%dma_wait3A_180 : memref<2512xf32, #tpu.memory_space<hbm>>) dst(%dma_wait3A_179 : memref<2512xf32, #tpu.memory_space<vmem>>)
        tpu.yield
      }) : () -> ()
      %broadcast_in_dim3A_157 = arith.constant 0.000000e+00 : f32
      %broadcast_in_dim3A_158 = vector.broadcast %broadcast_in_dim3A_157 : f32 to vector<16xf32>
      %scan3A_159 = arith.constant 0 : i32
      %scan3A_160 = arith.constant 157 : i32
      %scan3A_161 = arith.addi %scan3A_159, %scan3A_160 : i32
      %scan3A_162 = arith.constant 1 : i32
      %scan3A_163 = scf.for %scan3A_170 = %scan3A_159 to %scan3A_161 step %scan3A_162 iter_args(%scan3A_171 = %broadcast_in_dim3A_158) -> (vector<16xf32>)  : i32 {
        %mul3A_172 = arith.constant 16 : i32
        %mul3A_173 = arith.muli %scan3A_170, %mul3A_172 : i32
        %get3A_174 = arith.index_cast %mul3A_173 : i32 to index
        %get3A_175 = tpu.vector_load %arg22[%get3A_174] {strides = array<i32>} : memref<2512xf32, #tpu.memory_space<vmem>>, vector<16xf32>,
        %get3A_176 = arith.index_cast %mul3A_173 : i32 to index
        %get3A_177 = tpu.vector_load %arg23[%get3A_176] {strides = array<i32>} : memref<2512xf32, #tpu.memory_space<vmem>>, vector<16xf32>,
        %add3A_178 = arith.addf %get3A_175, %get3A_177 : vector<16xf32>
        %get3A_179 = arith.index_cast %mul3A_173 : i32 to index
        %get3A_180 = tpu.vector_load %arg24[%get3A_179] {strides = array<i32>} : memref<2512xf32, #tpu.memory_space<vmem>>, vector<16xf32>,
        %add3A_181 = arith.addf %add3A_178, %get3A_180 : vector<16xf32>
        %get3A_182 = arith.index_cast %mul3A_173 : i32 to index
        %get3A_183 = tpu.vector_load %arg25[%get3A_182] {strides = array<i32>} : memref<2512xf32, #tpu.memory_space<vmem>>, vector<16xf32>,
        %add3A_184 = arith.addf %add3A_181, %get3A_183 : vector<16xf32>
        %get3A_185 = arith.index_cast %mul3A_173 : i32 to index
        %get3A_186 = tpu.vector_load %arg26[%get3A_185] {strides = array<i32>} : memref<2512xf32, #tpu.memory_space<vmem>>, vector<16xf32>,
        %sub3A_187 = arith.subf %add3A_184, %get3A_186 : vector<16xf32>
        %mul3A_188 = arith.mulf %sub3A_187, %sub3A_187 : vector<16xf32>
        %add3A_189 = arith.addf %scan3A_171, %mul3A_188 : vector<16xf32>
        scf.yield %add3A_189 : vector<16xf32>
      }
      %scan3A_164 = arith.constant 157 : i32
      %get3A_165 = arith.constant 0 : index
      %get3A_166 = tpu.vector_load %arg27[%get3A_165] {strides = array<i32>} : memref<16xf32, #tpu.memory_space<vmem>>, vector<16xf32>,
      %add3A_167 = arith.addf %get3A_166, %scan3A_163 : vector<16xf32>
      %swap3A_168 = arith.constant 0 : index
      %swap3A_169 = tpu.vector_load %arg27[%swap3A_168] {strides = array<i32>} : memref<16xf32, #tpu.memory_space<vmem>>, vector<16xf32>,
      tpu.vector_store %arg27[%swap3A_168], %add3A_167 {strides = array<i32>} : memref<16xf32, #tpu.memory_space<vmem>>, vector<16xf32>,
    } else {
    }
    %eq3A_84 = arith.constant 3 : i32
    %eq3A_85 = arith.cmpi eq, %rem3A_21, %eq3A_84 : i32
    %convert_element_type3A_86 = arith.extui %eq3A_85 : i1 to i32
    %cond3A_87 = arith.constant 0 : i32
    %cond3A_88 = arith.cmpi ne, %convert_element_type3A_86, %cond3A_87 : i32
    scf.if %cond3A_88 {
      %mul3A_141 = arith.constant 4 : i32
      %mul3A_142 = arith.muli %mul3A_141, %select_n3A : i32
      %mul3A_143 = arith.constant 10000 : i32
      %mul3A_144 = arith.muli %mul3A_142, %mul3A_143 : i32
      %add3A_145 = arith.constant 7536 : i32
      %add3A_146 = arith.addi %mul3A_144, %add3A_145 : i32
      "tpu.region"() ({
        %run_scoped3A = tpu.sem_alloc : memref<!tpu.dma_semaphore, #tpu.memory_space<semaphore_mem>>
        %dma_start3A_170 = arith.constant 0 : i32
        %dma_start3A_171 = tpu.memref_slice %arg22[%dma_start3A_170] : memref<2512xf32, #tpu.memory_space<vmem>> -> memref<2464xf32, #tpu.memory_space<vmem>>
        %dma_start3A_172 = tpu.memref_slice %arg28[%add3A_146] : memref<160000xf32, #tpu.memory_space<vmem_shared>> -> memref<2464xf32, #tpu.memory_space<vmem_shared>>
        %dma_start3A_173 = arith.constant 0 : i32
        %dma_start3A_174 = tpu.memref_slice %arg22[%dma_start3A_173] : memref<2512xf32, #tpu.memory_space<vmem>> -> memref<2464xf32, #tpu.memory_space<vmem>>
        %dma_start3A_175 = tpu.memref_slice %arg28[%add3A_146] : memref<160000xf32, #tpu.memory_space<vmem_shared>> -> memref<2464xf32, #tpu.memory_space<vmem_shared>>
        tpu.enqueue_dma source(%dma_start3A_175 : memref<2464xf32, #tpu.memory_space<vmem_shared>>) target(%dma_start3A_174 : memref<2464xf32, #tpu.memory_space<vmem>>) target_semaphore(%run_scoped3A : memref<!tpu.dma_semaphore, #tpu.memory_space<semaphore_mem>>)
        %dma_wait3A = arith.constant 0 : i32
        %dma_wait3A_176 = tpu.memref_slice %arg22[%dma_wait3A] : memref<2512xf32, #tpu.memory_space<vmem>> -> memref<2464xf32, #tpu.memory_space<vmem>>
        %dma_wait3A_177 = tpu.memref_slice %arg28[%add3A_146] : memref<160000xf32, #tpu.memory_space<vmem_shared>> -> memref<2464xf32, #tpu.memory_space<vmem_shared>>
        %dma_wait3A_178 = arith.constant 0 : i32
        %dma_wait3A_179 = tpu.memref_slice %arg22[%dma_wait3A_178] : memref<2512xf32, #tpu.memory_space<vmem>> -> memref<2464xf32, #tpu.memory_space<vmem>>
        %dma_wait3A_180 = tpu.memref_slice %arg28[%add3A_146] : memref<160000xf32, #tpu.memory_space<vmem_shared>> -> memref<2464xf32, #tpu.memory_space<vmem_shared>>
        tpu.wait_dma2 semaphore(%run_scoped3A : memref<!tpu.dma_semaphore, #tpu.memory_space<semaphore_mem>>) src(%dma_wait3A_180 : memref<2464xf32, #tpu.memory_space<vmem_shared>>) dst(%dma_wait3A_179 : memref<2464xf32, #tpu.memory_space<vmem>>)
        tpu.yield
      }) : () -> ()
      %add3A_147 = arith.constant 10000 : i32
      %add3A_148 = arith.addi %add3A_146, %add3A_147 : i32
      "tpu.region"() ({
        %run_scoped3A = tpu.sem_alloc : memref<!tpu.dma_semaphore, #tpu.memory_space<semaphore_mem>>
        %dma_start3A_170 = arith.constant 0 : i32
        %dma_start3A_171 = tpu.memref_slice %arg23[%dma_start3A_170] : memref<2512xf32, #tpu.memory_space<vmem>> -> memref<2464xf32, #tpu.memory_space<vmem>>
        %dma_start3A_172 = tpu.memref_slice %arg28[%add3A_148] : memref<160000xf32, #tpu.memory_space<vmem_shared>> -> memref<2464xf32, #tpu.memory_space<vmem_shared>>
        %dma_start3A_173 = arith.constant 0 : i32
        %dma_start3A_174 = tpu.memref_slice %arg23[%dma_start3A_173] : memref<2512xf32, #tpu.memory_space<vmem>> -> memref<2464xf32, #tpu.memory_space<vmem>>
        %dma_start3A_175 = tpu.memref_slice %arg28[%add3A_148] : memref<160000xf32, #tpu.memory_space<vmem_shared>> -> memref<2464xf32, #tpu.memory_space<vmem_shared>>
        tpu.enqueue_dma source(%dma_start3A_175 : memref<2464xf32, #tpu.memory_space<vmem_shared>>) target(%dma_start3A_174 : memref<2464xf32, #tpu.memory_space<vmem>>) target_semaphore(%run_scoped3A : memref<!tpu.dma_semaphore, #tpu.memory_space<semaphore_mem>>)
        %dma_wait3A = arith.constant 0 : i32
        %dma_wait3A_176 = tpu.memref_slice %arg23[%dma_wait3A] : memref<2512xf32, #tpu.memory_space<vmem>> -> memref<2464xf32, #tpu.memory_space<vmem>>
        %dma_wait3A_177 = tpu.memref_slice %arg28[%add3A_148] : memref<160000xf32, #tpu.memory_space<vmem_shared>> -> memref<2464xf32, #tpu.memory_space<vmem_shared>>
        %dma_wait3A_178 = arith.constant 0 : i32
        %dma_wait3A_179 = tpu.memref_slice %arg23[%dma_wait3A_178] : memref<2512xf32, #tpu.memory_space<vmem>> -> memref<2464xf32, #tpu.memory_space<vmem>>
        %dma_wait3A_180 = tpu.memref_slice %arg28[%add3A_148] : memref<160000xf32, #tpu.memory_space<vmem_shared>> -> memref<2464xf32, #tpu.memory_space<vmem_shared>>
        tpu.wait_dma2 semaphore(%run_scoped3A : memref<!tpu.dma_semaphore, #tpu.memory_space<semaphore_mem>>) src(%dma_wait3A_180 : memref<2464xf32, #tpu.memory_space<vmem_shared>>) dst(%dma_wait3A_179 : memref<2464xf32, #tpu.memory_space<vmem>>)
        tpu.yield
      }) : () -> ()
      %add3A_149 = arith.constant 20000 : i32
      %add3A_150 = arith.addi %add3A_146, %add3A_149 : i32
      "tpu.region"() ({
        %run_scoped3A = tpu.sem_alloc : memref<!tpu.dma_semaphore, #tpu.memory_space<semaphore_mem>>
        %dma_start3A_170 = arith.constant 0 : i32
        %dma_start3A_171 = tpu.memref_slice %arg24[%dma_start3A_170] : memref<2512xf32, #tpu.memory_space<vmem>> -> memref<2464xf32, #tpu.memory_space<vmem>>
        %dma_start3A_172 = tpu.memref_slice %arg28[%add3A_150] : memref<160000xf32, #tpu.memory_space<vmem_shared>> -> memref<2464xf32, #tpu.memory_space<vmem_shared>>
        %dma_start3A_173 = arith.constant 0 : i32
        %dma_start3A_174 = tpu.memref_slice %arg24[%dma_start3A_173] : memref<2512xf32, #tpu.memory_space<vmem>> -> memref<2464xf32, #tpu.memory_space<vmem>>
        %dma_start3A_175 = tpu.memref_slice %arg28[%add3A_150] : memref<160000xf32, #tpu.memory_space<vmem_shared>> -> memref<2464xf32, #tpu.memory_space<vmem_shared>>
        tpu.enqueue_dma source(%dma_start3A_175 : memref<2464xf32, #tpu.memory_space<vmem_shared>>) target(%dma_start3A_174 : memref<2464xf32, #tpu.memory_space<vmem>>) target_semaphore(%run_scoped3A : memref<!tpu.dma_semaphore, #tpu.memory_space<semaphore_mem>>)
        %dma_wait3A = arith.constant 0 : i32
        %dma_wait3A_176 = tpu.memref_slice %arg24[%dma_wait3A] : memref<2512xf32, #tpu.memory_space<vmem>> -> memref<2464xf32, #tpu.memory_space<vmem>>
        %dma_wait3A_177 = tpu.memref_slice %arg28[%add3A_150] : memref<160000xf32, #tpu.memory_space<vmem_shared>> -> memref<2464xf32, #tpu.memory_space<vmem_shared>>
        %dma_wait3A_178 = arith.constant 0 : i32
        %dma_wait3A_179 = tpu.memref_slice %arg24[%dma_wait3A_178] : memref<2512xf32, #tpu.memory_space<vmem>> -> memref<2464xf32, #tpu.memory_space<vmem>>
        %dma_wait3A_180 = tpu.memref_slice %arg28[%add3A_150] : memref<160000xf32, #tpu.memory_space<vmem_shared>> -> memref<2464xf32, #tpu.memory_space<vmem_shared>>
        tpu.wait_dma2 semaphore(%run_scoped3A : memref<!tpu.dma_semaphore, #tpu.memory_space<semaphore_mem>>) src(%dma_wait3A_180 : memref<2464xf32, #tpu.memory_space<vmem_shared>>) dst(%dma_wait3A_179 : memref<2464xf32, #tpu.memory_space<vmem>>)
        tpu.yield
      }) : () -> ()
      %add3A_151 = arith.constant 30000 : i32
      %add3A_152 = arith.addi %add3A_146, %add3A_151 : i32
      "tpu.region"() ({
        %run_scoped3A = tpu.sem_alloc : memref<!tpu.dma_semaphore, #tpu.memory_space<semaphore_mem>>
        %dma_start3A_170 = arith.constant 0 : i32
        %dma_start3A_171 = tpu.memref_slice %arg25[%dma_start3A_170] : memref<2512xf32, #tpu.memory_space<vmem>> -> memref<2464xf32, #tpu.memory_space<vmem>>
        %dma_start3A_172 = tpu.memref_slice %arg28[%add3A_152] : memref<160000xf32, #tpu.memory_space<vmem_shared>> -> memref<2464xf32, #tpu.memory_space<vmem_shared>>
        %dma_start3A_173 = arith.constant 0 : i32
        %dma_start3A_174 = tpu.memref_slice %arg25[%dma_start3A_173] : memref<2512xf32, #tpu.memory_space<vmem>> -> memref<2464xf32, #tpu.memory_space<vmem>>
        %dma_start3A_175 = tpu.memref_slice %arg28[%add3A_152] : memref<160000xf32, #tpu.memory_space<vmem_shared>> -> memref<2464xf32, #tpu.memory_space<vmem_shared>>
        tpu.enqueue_dma source(%dma_start3A_175 : memref<2464xf32, #tpu.memory_space<vmem_shared>>) target(%dma_start3A_174 : memref<2464xf32, #tpu.memory_space<vmem>>) target_semaphore(%run_scoped3A : memref<!tpu.dma_semaphore, #tpu.memory_space<semaphore_mem>>)
        %dma_wait3A = arith.constant 0 : i32
        %dma_wait3A_176 = tpu.memref_slice %arg25[%dma_wait3A] : memref<2512xf32, #tpu.memory_space<vmem>> -> memref<2464xf32, #tpu.memory_space<vmem>>
        %dma_wait3A_177 = tpu.memref_slice %arg28[%add3A_152] : memref<160000xf32, #tpu.memory_space<vmem_shared>> -> memref<2464xf32, #tpu.memory_space<vmem_shared>>
        %dma_wait3A_178 = arith.constant 0 : i32
        %dma_wait3A_179 = tpu.memref_slice %arg25[%dma_wait3A_178] : memref<2512xf32, #tpu.memory_space<vmem>> -> memref<2464xf32, #tpu.memory_space<vmem>>
        %dma_wait3A_180 = tpu.memref_slice %arg28[%add3A_152] : memref<160000xf32, #tpu.memory_space<vmem_shared>> -> memref<2464xf32, #tpu.memory_space<vmem_shared>>
        tpu.wait_dma2 semaphore(%run_scoped3A : memref<!tpu.dma_semaphore, #tpu.memory_space<semaphore_mem>>) src(%dma_wait3A_180 : memref<2464xf32, #tpu.memory_space<vmem_shared>>) dst(%dma_wait3A_179 : memref<2464xf32, #tpu.memory_space<vmem>>)
        tpu.yield
      }) : () -> ()
      %mul3A_153 = arith.constant 10000 : i32
      %mul3A_154 = arith.muli %add3A_19, %mul3A_153 : i32
      %add3A_155 = arith.constant 7536 : i32
      %add3A_156 = arith.addi %mul3A_154, %add3A_155 : i32
      "tpu.region"() ({
        %run_scoped3A = tpu.sem_alloc : memref<!tpu.dma_semaphore, #tpu.memory_space<semaphore_mem>>
        %dma_start3A_170 = arith.constant 0 : i32
        %dma_start3A_171 = tpu.memref_slice %arg26[%dma_start3A_170] : memref<2512xf32, #tpu.memory_space<vmem>> -> memref<2464xf32, #tpu.memory_space<vmem>>
        %dma_start3A_172 = tpu.memref_slice %arg6[%add3A_156] : memref<80000xf32, #tpu.memory_space<hbm>> -> memref<2464xf32, #tpu.memory_space<hbm>>
        %dma_start3A_173 = arith.constant 0 : i32
        %dma_start3A_174 = tpu.memref_slice %arg26[%dma_start3A_173] : memref<2512xf32, #tpu.memory_space<vmem>> -> memref<2464xf32, #tpu.memory_space<vmem>>
        %dma_start3A_175 = tpu.memref_slice %arg6[%add3A_156] : memref<80000xf32, #tpu.memory_space<hbm>> -> memref<2464xf32, #tpu.memory_space<hbm>>
        tpu.enqueue_dma source(%dma_start3A_175 : memref<2464xf32, #tpu.memory_space<hbm>>) target(%dma_start3A_174 : memref<2464xf32, #tpu.memory_space<vmem>>) target_semaphore(%run_scoped3A : memref<!tpu.dma_semaphore, #tpu.memory_space<semaphore_mem>>)
        %dma_wait3A = arith.constant 0 : i32
        %dma_wait3A_176 = tpu.memref_slice %arg26[%dma_wait3A] : memref<2512xf32, #tpu.memory_space<vmem>> -> memref<2464xf32, #tpu.memory_space<vmem>>
        %dma_wait3A_177 = tpu.memref_slice %arg6[%add3A_156] : memref<80000xf32, #tpu.memory_space<hbm>> -> memref<2464xf32, #tpu.memory_space<hbm>>
        %dma_wait3A_178 = arith.constant 0 : i32
        %dma_wait3A_179 = tpu.memref_slice %arg26[%dma_wait3A_178] : memref<2512xf32, #tpu.memory_space<vmem>> -> memref<2464xf32, #tpu.memory_space<vmem>>
        %dma_wait3A_180 = tpu.memref_slice %arg6[%add3A_156] : memref<80000xf32, #tpu.memory_space<hbm>> -> memref<2464xf32, #tpu.memory_space<hbm>>
        tpu.wait_dma2 semaphore(%run_scoped3A : memref<!tpu.dma_semaphore, #tpu.memory_space<semaphore_mem>>) src(%dma_wait3A_180 : memref<2464xf32, #tpu.memory_space<hbm>>) dst(%dma_wait3A_179 : memref<2464xf32, #tpu.memory_space<vmem>>)
        tpu.yield
      }) : () -> ()
      %broadcast_in_dim3A_157 = arith.constant 0.000000e+00 : f32
      %broadcast_in_dim3A_158 = vector.broadcast %broadcast_in_dim3A_157 : f32 to vector<16xf32>
      %scan3A_159 = arith.constant 0 : i32
      %scan3A_160 = arith.constant 154 : i32
      %scan3A_161 = arith.addi %scan3A_159, %scan3A_160 : i32
      %scan3A_162 = arith.constant 1 : i32
      %scan3A_163 = scf.for %scan3A_170 = %scan3A_159 to %scan3A_161 step %scan3A_162 iter_args(%scan3A_171 = %broadcast_in_dim3A_158) -> (vector<16xf32>)  : i32 {
        %mul3A_172 = arith.constant 16 : i32
        %mul3A_173 = arith.muli %scan3A_170, %mul3A_172 : i32
        %get3A_174 = arith.index_cast %mul3A_173 : i32 to index
        %get3A_175 = tpu.vector_load %arg22[%get3A_174] {strides = array<i32>} : memref<2512xf32, #tpu.memory_space<vmem>>, vector<16xf32>,
        %get3A_176 = arith.index_cast %mul3A_173 : i32 to index
        %get3A_177 = tpu.vector_load %arg23[%get3A_176] {strides = array<i32>} : memref<2512xf32, #tpu.memory_space<vmem>>, vector<16xf32>,
        %add3A_178 = arith.addf %get3A_175, %get3A_177 : vector<16xf32>
        %get3A_179 = arith.index_cast %mul3A_173 : i32 to index
        %get3A_180 = tpu.vector_load %arg24[%get3A_179] {strides = array<i32>} : memref<2512xf32, #tpu.memory_space<vmem>>, vector<16xf32>,
        %add3A_181 = arith.addf %add3A_178, %get3A_180 : vector<16xf32>
        %get3A_182 = arith.index_cast %mul3A_173 : i32 to index
        %get3A_183 = tpu.vector_load %arg25[%get3A_182] {strides = array<i32>} : memref<2512xf32, #tpu.memory_space<vmem>>, vector<16xf32>,
        %add3A_184 = arith.addf %add3A_181, %get3A_183 : vector<16xf32>
        %get3A_185 = arith.index_cast %mul3A_173 : i32 to index
        %get3A_186 = tpu.vector_load %arg26[%get3A_185] {strides = array<i32>} : memref<2512xf32, #tpu.memory_space<vmem>>, vector<16xf32>,
        %sub3A_187 = arith.subf %add3A_184, %get3A_186 : vector<16xf32>
        %mul3A_188 = arith.mulf %sub3A_187, %sub3A_187 : vector<16xf32>
        %add3A_189 = arith.addf %scan3A_171, %mul3A_188 : vector<16xf32>
        scf.yield %add3A_189 : vector<16xf32>
      }
      %scan3A_164 = arith.constant 154 : i32
      %get3A_165 = arith.constant 0 : index
      %get3A_166 = tpu.vector_load %arg27[%get3A_165] {strides = array<i32>} : memref<16xf32, #tpu.memory_space<vmem>>, vector<16xf32>,
      %add3A_167 = arith.addf %get3A_166, %scan3A_163 : vector<16xf32>
      %swap3A_168 = arith.constant 0 : index
      %swap3A_169 = tpu.vector_load %arg27[%swap3A_168] {strides = array<i32>} : memref<16xf32, #tpu.memory_space<vmem>>, vector<16xf32>,
      tpu.vector_store %arg27[%swap3A_168], %add3A_167 {strides = array<i32>} : memref<16xf32, #tpu.memory_space<vmem>>, vector<16xf32>,
    } else {
    }
    %barrier3A_89 = arith.constant 0 : index
    tpu.barrier barrier_id(%barrier3A_89)
    %mul3A_90 = arith.constant 10000 : i32
    %mul3A_91 = arith.muli %arg1, %mul3A_90 : i32
    "tpu.region"() ({
      %run_scoped3A = tpu.sem_alloc : memref<!tpu.dma_semaphore, #tpu.memory_space<semaphore_mem>>
      %dma_start3A_141 = tpu.memref_slice %arg28[%mul3A_91] : memref<160000xf32, #tpu.memory_space<vmem_shared>> -> memref<10000xf32, #tpu.memory_space<vmem_shared>>
      %dma_start3A_142 = tpu.memref_slice %arg28[%mul3A_91] : memref<160000xf32, #tpu.memory_space<vmem_shared>> -> memref<10000xf32, #tpu.memory_space<vmem_shared>>
      tpu.enqueue_dma source(%arg13 : memref<10000xf32, #tpu.memory_space<vmem>>) target(%dma_start3A_142 : memref<10000xf32, #tpu.memory_space<vmem_shared>>) target_semaphore(%run_scoped3A : memref<!tpu.dma_semaphore, #tpu.memory_space<semaphore_mem>>)
      %dma_wait3A = tpu.memref_slice %arg28[%mul3A_91] : memref<160000xf32, #tpu.memory_space<vmem_shared>> -> memref<10000xf32, #tpu.memory_space<vmem_shared>>
      %dma_wait3A_143 = tpu.memref_slice %arg28[%mul3A_91] : memref<160000xf32, #tpu.memory_space<vmem_shared>> -> memref<10000xf32, #tpu.memory_space<vmem_shared>>
      tpu.wait_dma2 semaphore(%run_scoped3A : memref<!tpu.dma_semaphore, #tpu.memory_space<semaphore_mem>>) src(%arg13 : memref<10000xf32, #tpu.memory_space<vmem>>) dst(%dma_wait3A_143 : memref<10000xf32, #tpu.memory_space<vmem_shared>>)
      tpu.yield
    }) : () -> ()
    %barrier3A_92 = arith.constant 0 : index
    tpu.barrier barrier_id(%barrier3A_92)
    %eq3A_93 = arith.constant 0 : i32
    %eq3A_94 = arith.cmpi eq, %rem3A_21, %eq3A_93 : i32
    %convert_element_type3A_95 = arith.extui %eq3A_94 : i1 to i32
    %cond3A_96 = arith.constant 0 : i32
    %cond3A_97 = arith.cmpi ne, %convert_element_type3A_95, %cond3A_96 : i32
    scf.if %cond3A_97 {
      %mul3A_141 = arith.constant 4 : i32
      %mul3A_142 = arith.muli %mul3A_141, %select_n3A : i32
      %mul3A_143 = arith.constant 10000 : i32
      %mul3A_144 = arith.muli %mul3A_142, %mul3A_143 : i32
      %add3A_145 = arith.constant 0 : i32
      %add3A_146 = arith.addi %mul3A_144, %add3A_145 : i32
      "tpu.region"() ({
        %run_scoped3A = tpu.sem_alloc : memref<!tpu.dma_semaphore, #tpu.memory_space<semaphore_mem>>
        %dma_start3A_170 = arith.constant 0 : i32
        %dma_start3A_171 = tpu.memref_slice %arg22[%dma_start3A_170] : memref<2512xf32, #tpu.memory_space<vmem>> -> memref<2512xf32, #tpu.memory_space<vmem>>
        %dma_start3A_172 = tpu.memref_slice %arg28[%add3A_146] : memref<160000xf32, #tpu.memory_space<vmem_shared>> -> memref<2512xf32, #tpu.memory_space<vmem_shared>>
        %dma_start3A_173 = arith.constant 0 : i32
        %dma_start3A_174 = tpu.memref_slice %arg22[%dma_start3A_173] : memref<2512xf32, #tpu.memory_space<vmem>> -> memref<2512xf32, #tpu.memory_space<vmem>>
        %dma_start3A_175 = tpu.memref_slice %arg28[%add3A_146] : memref<160000xf32, #tpu.memory_space<vmem_shared>> -> memref<2512xf32, #tpu.memory_space<vmem_shared>>
        tpu.enqueue_dma source(%dma_start3A_175 : memref<2512xf32, #tpu.memory_space<vmem_shared>>) target(%dma_start3A_174 : memref<2512xf32, #tpu.memory_space<vmem>>) target_semaphore(%run_scoped3A : memref<!tpu.dma_semaphore, #tpu.memory_space<semaphore_mem>>)
        %dma_wait3A = arith.constant 0 : i32
        %dma_wait3A_176 = tpu.memref_slice %arg22[%dma_wait3A] : memref<2512xf32, #tpu.memory_space<vmem>> -> memref<2512xf32, #tpu.memory_space<vmem>>
        %dma_wait3A_177 = tpu.memref_slice %arg28[%add3A_146] : memref<160000xf32, #tpu.memory_space<vmem_shared>> -> memref<2512xf32, #tpu.memory_space<vmem_shared>>
        %dma_wait3A_178 = arith.constant 0 : i32
        %dma_wait3A_179 = tpu.memref_slice %arg22[%dma_wait3A_178] : memref<2512xf32, #tpu.memory_space<vmem>> -> memref<2512xf32, #tpu.memory_space<vmem>>
        %dma_wait3A_180 = tpu.memref_slice %arg28[%add3A_146] : memref<160000xf32, #tpu.memory_space<vmem_shared>> -> memref<2512xf32, #tpu.memory_space<vmem_shared>>
        tpu.wait_dma2 semaphore(%run_scoped3A : memref<!tpu.dma_semaphore, #tpu.memory_space<semaphore_mem>>) src(%dma_wait3A_180 : memref<2512xf32, #tpu.memory_space<vmem_shared>>) dst(%dma_wait3A_179 : memref<2512xf32, #tpu.memory_space<vmem>>)
        tpu.yield
      }) : () -> ()
      %add3A_147 = arith.constant 10000 : i32
      %add3A_148 = arith.addi %add3A_146, %add3A_147 : i32
      "tpu.region"() ({
        %run_scoped3A = tpu.sem_alloc : memref<!tpu.dma_semaphore, #tpu.memory_space<semaphore_mem>>
        %dma_start3A_170 = arith.constant 0 : i32
        %dma_start3A_171 = tpu.memref_slice %arg23[%dma_start3A_170] : memref<2512xf32, #tpu.memory_space<vmem>> -> memref<2512xf32, #tpu.memory_space<vmem>>
        %dma_start3A_172 = tpu.memref_slice %arg28[%add3A_148] : memref<160000xf32, #tpu.memory_space<vmem_shared>> -> memref<2512xf32, #tpu.memory_space<vmem_shared>>
        %dma_start3A_173 = arith.constant 0 : i32
        %dma_start3A_174 = tpu.memref_slice %arg23[%dma_start3A_173] : memref<2512xf32, #tpu.memory_space<vmem>> -> memref<2512xf32, #tpu.memory_space<vmem>>
        %dma_start3A_175 = tpu.memref_slice %arg28[%add3A_148] : memref<160000xf32, #tpu.memory_space<vmem_shared>> -> memref<2512xf32, #tpu.memory_space<vmem_shared>>
        tpu.enqueue_dma source(%dma_start3A_175 : memref<2512xf32, #tpu.memory_space<vmem_shared>>) target(%dma_start3A_174 : memref<2512xf32, #tpu.memory_space<vmem>>) target_semaphore(%run_scoped3A : memref<!tpu.dma_semaphore, #tpu.memory_space<semaphore_mem>>)
        %dma_wait3A = arith.constant 0 : i32
        %dma_wait3A_176 = tpu.memref_slice %arg23[%dma_wait3A] : memref<2512xf32, #tpu.memory_space<vmem>> -> memref<2512xf32, #tpu.memory_space<vmem>>
        %dma_wait3A_177 = tpu.memref_slice %arg28[%add3A_148] : memref<160000xf32, #tpu.memory_space<vmem_shared>> -> memref<2512xf32, #tpu.memory_space<vmem_shared>>
        %dma_wait3A_178 = arith.constant 0 : i32
        %dma_wait3A_179 = tpu.memref_slice %arg23[%dma_wait3A_178] : memref<2512xf32, #tpu.memory_space<vmem>> -> memref<2512xf32, #tpu.memory_space<vmem>>
        %dma_wait3A_180 = tpu.memref_slice %arg28[%add3A_148] : memref<160000xf32, #tpu.memory_space<vmem_shared>> -> memref<2512xf32, #tpu.memory_space<vmem_shared>>
        tpu.wait_dma2 semaphore(%run_scoped3A : memref<!tpu.dma_semaphore, #tpu.memory_space<semaphore_mem>>) src(%dma_wait3A_180 : memref<2512xf32, #tpu.memory_space<vmem_shared>>) dst(%dma_wait3A_179 : memref<2512xf32, #tpu.memory_space<vmem>>)
        tpu.yield
      }) : () -> ()
      %add3A_149 = arith.constant 20000 : i32
      %add3A_150 = arith.addi %add3A_146, %add3A_149 : i32
      "tpu.region"() ({
        %run_scoped3A = tpu.sem_alloc : memref<!tpu.dma_semaphore, #tpu.memory_space<semaphore_mem>>
        %dma_start3A_170 = arith.constant 0 : i32
        %dma_start3A_171 = tpu.memref_slice %arg24[%dma_start3A_170] : memref<2512xf32, #tpu.memory_space<vmem>> -> memref<2512xf32, #tpu.memory_space<vmem>>
        %dma_start3A_172 = tpu.memref_slice %arg28[%add3A_150] : memref<160000xf32, #tpu.memory_space<vmem_shared>> -> memref<2512xf32, #tpu.memory_space<vmem_shared>>
        %dma_start3A_173 = arith.constant 0 : i32
        %dma_start3A_174 = tpu.memref_slice %arg24[%dma_start3A_173] : memref<2512xf32, #tpu.memory_space<vmem>> -> memref<2512xf32, #tpu.memory_space<vmem>>
        %dma_start3A_175 = tpu.memref_slice %arg28[%add3A_150] : memref<160000xf32, #tpu.memory_space<vmem_shared>> -> memref<2512xf32, #tpu.memory_space<vmem_shared>>
        tpu.enqueue_dma source(%dma_start3A_175 : memref<2512xf32, #tpu.memory_space<vmem_shared>>) target(%dma_start3A_174 : memref<2512xf32, #tpu.memory_space<vmem>>) target_semaphore(%run_scoped3A : memref<!tpu.dma_semaphore, #tpu.memory_space<semaphore_mem>>)
        %dma_wait3A = arith.constant 0 : i32
        %dma_wait3A_176 = tpu.memref_slice %arg24[%dma_wait3A] : memref<2512xf32, #tpu.memory_space<vmem>> -> memref<2512xf32, #tpu.memory_space<vmem>>
        %dma_wait3A_177 = tpu.memref_slice %arg28[%add3A_150] : memref<160000xf32, #tpu.memory_space<vmem_shared>> -> memref<2512xf32, #tpu.memory_space<vmem_shared>>
        %dma_wait3A_178 = arith.constant 0 : i32
        %dma_wait3A_179 = tpu.memref_slice %arg24[%dma_wait3A_178] : memref<2512xf32, #tpu.memory_space<vmem>> -> memref<2512xf32, #tpu.memory_space<vmem>>
        %dma_wait3A_180 = tpu.memref_slice %arg28[%add3A_150] : memref<160000xf32, #tpu.memory_space<vmem_shared>> -> memref<2512xf32, #tpu.memory_space<vmem_shared>>
        tpu.wait_dma2 semaphore(%run_scoped3A : memref<!tpu.dma_semaphore, #tpu.memory_space<semaphore_mem>>) src(%dma_wait3A_180 : memref<2512xf32, #tpu.memory_space<vmem_shared>>) dst(%dma_wait3A_179 : memref<2512xf32, #tpu.memory_space<vmem>>)
        tpu.yield
      }) : () -> ()
      %add3A_151 = arith.constant 30000 : i32
      %add3A_152 = arith.addi %add3A_146, %add3A_151 : i32
      "tpu.region"() ({
        %run_scoped3A = tpu.sem_alloc : memref<!tpu.dma_semaphore, #tpu.memory_space<semaphore_mem>>
        %dma_start3A_170 = arith.constant 0 : i32
        %dma_start3A_171 = tpu.memref_slice %arg25[%dma_start3A_170] : memref<2512xf32, #tpu.memory_space<vmem>> -> memref<2512xf32, #tpu.memory_space<vmem>>
        %dma_start3A_172 = tpu.memref_slice %arg28[%add3A_152] : memref<160000xf32, #tpu.memory_space<vmem_shared>> -> memref<2512xf32, #tpu.memory_space<vmem_shared>>
        %dma_start3A_173 = arith.constant 0 : i32
        %dma_start3A_174 = tpu.memref_slice %arg25[%dma_start3A_173] : memref<2512xf32, #tpu.memory_space<vmem>> -> memref<2512xf32, #tpu.memory_space<vmem>>
        %dma_start3A_175 = tpu.memref_slice %arg28[%add3A_152] : memref<160000xf32, #tpu.memory_space<vmem_shared>> -> memref<2512xf32, #tpu.memory_space<vmem_shared>>
        tpu.enqueue_dma source(%dma_start3A_175 : memref<2512xf32, #tpu.memory_space<vmem_shared>>) target(%dma_start3A_174 : memref<2512xf32, #tpu.memory_space<vmem>>) target_semaphore(%run_scoped3A : memref<!tpu.dma_semaphore, #tpu.memory_space<semaphore_mem>>)
        %dma_wait3A = arith.constant 0 : i32
        %dma_wait3A_176 = tpu.memref_slice %arg25[%dma_wait3A] : memref<2512xf32, #tpu.memory_space<vmem>> -> memref<2512xf32, #tpu.memory_space<vmem>>
        %dma_wait3A_177 = tpu.memref_slice %arg28[%add3A_152] : memref<160000xf32, #tpu.memory_space<vmem_shared>> -> memref<2512xf32, #tpu.memory_space<vmem_shared>>
        %dma_wait3A_178 = arith.constant 0 : i32
        %dma_wait3A_179 = tpu.memref_slice %arg25[%dma_wait3A_178] : memref<2512xf32, #tpu.memory_space<vmem>> -> memref<2512xf32, #tpu.memory_space<vmem>>
        %dma_wait3A_180 = tpu.memref_slice %arg28[%add3A_152] : memref<160000xf32, #tpu.memory_space<vmem_shared>> -> memref<2512xf32, #tpu.memory_space<vmem_shared>>
        tpu.wait_dma2 semaphore(%run_scoped3A : memref<!tpu.dma_semaphore, #tpu.memory_space<semaphore_mem>>) src(%dma_wait3A_180 : memref<2512xf32, #tpu.memory_space<vmem_shared>>) dst(%dma_wait3A_179 : memref<2512xf32, #tpu.memory_space<vmem>>)
        tpu.yield
      }) : () -> ()
      %mul3A_153 = arith.constant 10000 : i32
      %mul3A_154 = arith.muli %add3A_19, %mul3A_153 : i32
      %add3A_155 = arith.constant 0 : i32
      %add3A_156 = arith.addi %mul3A_154, %add3A_155 : i32
      "tpu.region"() ({
        %run_scoped3A = tpu.sem_alloc : memref<!tpu.dma_semaphore, #tpu.memory_space<semaphore_mem>>
        %dma_start3A_170 = arith.constant 0 : i32
        %dma_start3A_171 = tpu.memref_slice %arg26[%dma_start3A_170] : memref<2512xf32, #tpu.memory_space<vmem>> -> memref<2512xf32, #tpu.memory_space<vmem>>
        %dma_start3A_172 = tpu.memref_slice %arg7[%add3A_156] : memref<80000xf32, #tpu.memory_space<hbm>> -> memref<2512xf32, #tpu.memory_space<hbm>>
        %dma_start3A_173 = arith.constant 0 : i32
        %dma_start3A_174 = tpu.memref_slice %arg26[%dma_start3A_173] : memref<2512xf32, #tpu.memory_space<vmem>> -> memref<2512xf32, #tpu.memory_space<vmem>>
        %dma_start3A_175 = tpu.memref_slice %arg7[%add3A_156] : memref<80000xf32, #tpu.memory_space<hbm>> -> memref<2512xf32, #tpu.memory_space<hbm>>
        tpu.enqueue_dma source(%dma_start3A_175 : memref<2512xf32, #tpu.memory_space<hbm>>) target(%dma_start3A_174 : memref<2512xf32, #tpu.memory_space<vmem>>) target_semaphore(%run_scoped3A : memref<!tpu.dma_semaphore, #tpu.memory_space<semaphore_mem>>)
        %dma_wait3A = arith.constant 0 : i32
        %dma_wait3A_176 = tpu.memref_slice %arg26[%dma_wait3A] : memref<2512xf32, #tpu.memory_space<vmem>> -> memref<2512xf32, #tpu.memory_space<vmem>>
        %dma_wait3A_177 = tpu.memref_slice %arg7[%add3A_156] : memref<80000xf32, #tpu.memory_space<hbm>> -> memref<2512xf32, #tpu.memory_space<hbm>>
        %dma_wait3A_178 = arith.constant 0 : i32
        %dma_wait3A_179 = tpu.memref_slice %arg26[%dma_wait3A_178] : memref<2512xf32, #tpu.memory_space<vmem>> -> memref<2512xf32, #tpu.memory_space<vmem>>
        %dma_wait3A_180 = tpu.memref_slice %arg7[%add3A_156] : memref<80000xf32, #tpu.memory_space<hbm>> -> memref<2512xf32, #tpu.memory_space<hbm>>
        tpu.wait_dma2 semaphore(%run_scoped3A : memref<!tpu.dma_semaphore, #tpu.memory_space<semaphore_mem>>) src(%dma_wait3A_180 : memref<2512xf32, #tpu.memory_space<hbm>>) dst(%dma_wait3A_179 : memref<2512xf32, #tpu.memory_space<vmem>>)
        tpu.yield
      }) : () -> ()
      %broadcast_in_dim3A_157 = arith.constant 0.000000e+00 : f32
      %broadcast_in_dim3A_158 = vector.broadcast %broadcast_in_dim3A_157 : f32 to vector<16xf32>
      %scan3A_159 = arith.constant 0 : i32
      %scan3A_160 = arith.constant 157 : i32
      %scan3A_161 = arith.addi %scan3A_159, %scan3A_160 : i32
      %scan3A_162 = arith.constant 1 : i32
      %scan3A_163 = scf.for %scan3A_170 = %scan3A_159 to %scan3A_161 step %scan3A_162 iter_args(%scan3A_171 = %broadcast_in_dim3A_158) -> (vector<16xf32>)  : i32 {
        %mul3A_172 = arith.constant 16 : i32
        %mul3A_173 = arith.muli %scan3A_170, %mul3A_172 : i32
        %get3A_174 = arith.index_cast %mul3A_173 : i32 to index
        %get3A_175 = tpu.vector_load %arg22[%get3A_174] {strides = array<i32>} : memref<2512xf32, #tpu.memory_space<vmem>>, vector<16xf32>,
        %get3A_176 = arith.index_cast %mul3A_173 : i32 to index
        %get3A_177 = tpu.vector_load %arg23[%get3A_176] {strides = array<i32>} : memref<2512xf32, #tpu.memory_space<vmem>>, vector<16xf32>,
        %add3A_178 = arith.addf %get3A_175, %get3A_177 : vector<16xf32>
        %get3A_179 = arith.index_cast %mul3A_173 : i32 to index
        %get3A_180 = tpu.vector_load %arg24[%get3A_179] {strides = array<i32>} : memref<2512xf32, #tpu.memory_space<vmem>>, vector<16xf32>,
        %add3A_181 = arith.addf %add3A_178, %get3A_180 : vector<16xf32>
        %get3A_182 = arith.index_cast %mul3A_173 : i32 to index
        %get3A_183 = tpu.vector_load %arg25[%get3A_182] {strides = array<i32>} : memref<2512xf32, #tpu.memory_space<vmem>>, vector<16xf32>,
        %add3A_184 = arith.addf %add3A_181, %get3A_183 : vector<16xf32>
        %get3A_185 = arith.index_cast %mul3A_173 : i32 to index
        %get3A_186 = tpu.vector_load %arg26[%get3A_185] {strides = array<i32>} : memref<2512xf32, #tpu.memory_space<vmem>>, vector<16xf32>,
        %sub3A_187 = arith.subf %add3A_184, %get3A_186 : vector<16xf32>
        %mul3A_188 = arith.mulf %sub3A_187, %sub3A_187 : vector<16xf32>
        %add3A_189 = arith.addf %scan3A_171, %mul3A_188 : vector<16xf32>
        scf.yield %add3A_189 : vector<16xf32>
      }
      %scan3A_164 = arith.constant 157 : i32
      %get3A_165 = arith.constant 0 : index
      %get3A_166 = tpu.vector_load %arg27[%get3A_165] {strides = array<i32>} : memref<16xf32, #tpu.memory_space<vmem>>, vector<16xf32>,
      %add3A_167 = arith.addf %get3A_166, %scan3A_163 : vector<16xf32>
      %swap3A_168 = arith.constant 0 : index
      %swap3A_169 = tpu.vector_load %arg27[%swap3A_168] {strides = array<i32>} : memref<16xf32, #tpu.memory_space<vmem>>, vector<16xf32>,
      tpu.vector_store %arg27[%swap3A_168], %add3A_167 {strides = array<i32>} : memref<16xf32, #tpu.memory_space<vmem>>, vector<16xf32>,
    } else {
    }
    %eq3A_98 = arith.constant 1 : i32
    %eq3A_99 = arith.cmpi eq, %rem3A_21, %eq3A_98 : i32
    %convert_element_type3A_100 = arith.extui %eq3A_99 : i1 to i32
    %cond3A_101 = arith.constant 0 : i32
    %cond3A_102 = arith.cmpi ne, %convert_element_type3A_100, %cond3A_101 : i32
    scf.if %cond3A_102 {
      %mul3A_141 = arith.constant 4 : i32
      %mul3A_142 = arith.muli %mul3A_141, %select_n3A : i32
      %mul3A_143 = arith.constant 10000 : i32
      %mul3A_144 = arith.muli %mul3A_142, %mul3A_143 : i32
      %add3A_145 = arith.constant 2512 : i32
      %add3A_146 = arith.addi %mul3A_144, %add3A_145 : i32
      "tpu.region"() ({
        %run_scoped3A = tpu.sem_alloc : memref<!tpu.dma_semaphore, #tpu.memory_space<semaphore_mem>>
        %dma_start3A_170 = arith.constant 0 : i32
        %dma_start3A_171 = tpu.memref_slice %arg22[%dma_start3A_170] : memref<2512xf32, #tpu.memory_space<vmem>> -> memref<2512xf32, #tpu.memory_space<vmem>>
        %dma_start3A_172 = tpu.memref_slice %arg28[%add3A_146] : memref<160000xf32, #tpu.memory_space<vmem_shared>> -> memref<2512xf32, #tpu.memory_space<vmem_shared>>
        %dma_start3A_173 = arith.constant 0 : i32
        %dma_start3A_174 = tpu.memref_slice %arg22[%dma_start3A_173] : memref<2512xf32, #tpu.memory_space<vmem>> -> memref<2512xf32, #tpu.memory_space<vmem>>
        %dma_start3A_175 = tpu.memref_slice %arg28[%add3A_146] : memref<160000xf32, #tpu.memory_space<vmem_shared>> -> memref<2512xf32, #tpu.memory_space<vmem_shared>>
        tpu.enqueue_dma source(%dma_start3A_175 : memref<2512xf32, #tpu.memory_space<vmem_shared>>) target(%dma_start3A_174 : memref<2512xf32, #tpu.memory_space<vmem>>) target_semaphore(%run_scoped3A : memref<!tpu.dma_semaphore, #tpu.memory_space<semaphore_mem>>)
        %dma_wait3A = arith.constant 0 : i32
        %dma_wait3A_176 = tpu.memref_slice %arg22[%dma_wait3A] : memref<2512xf32, #tpu.memory_space<vmem>> -> memref<2512xf32, #tpu.memory_space<vmem>>
        %dma_wait3A_177 = tpu.memref_slice %arg28[%add3A_146] : memref<160000xf32, #tpu.memory_space<vmem_shared>> -> memref<2512xf32, #tpu.memory_space<vmem_shared>>
        %dma_wait3A_178 = arith.constant 0 : i32
        %dma_wait3A_179 = tpu.memref_slice %arg22[%dma_wait3A_178] : memref<2512xf32, #tpu.memory_space<vmem>> -> memref<2512xf32, #tpu.memory_space<vmem>>
        %dma_wait3A_180 = tpu.memref_slice %arg28[%add3A_146] : memref<160000xf32, #tpu.memory_space<vmem_shared>> -> memref<2512xf32, #tpu.memory_space<vmem_shared>>
        tpu.wait_dma2 semaphore(%run_scoped3A : memref<!tpu.dma_semaphore, #tpu.memory_space<semaphore_mem>>) src(%dma_wait3A_180 : memref<2512xf32, #tpu.memory_space<vmem_shared>>) dst(%dma_wait3A_179 : memref<2512xf32, #tpu.memory_space<vmem>>)
        tpu.yield
      }) : () -> ()
      %add3A_147 = arith.constant 10000 : i32
      %add3A_148 = arith.addi %add3A_146, %add3A_147 : i32
      "tpu.region"() ({
        %run_scoped3A = tpu.sem_alloc : memref<!tpu.dma_semaphore, #tpu.memory_space<semaphore_mem>>
        %dma_start3A_170 = arith.constant 0 : i32
        %dma_start3A_171 = tpu.memref_slice %arg23[%dma_start3A_170] : memref<2512xf32, #tpu.memory_space<vmem>> -> memref<2512xf32, #tpu.memory_space<vmem>>
        %dma_start3A_172 = tpu.memref_slice %arg28[%add3A_148] : memref<160000xf32, #tpu.memory_space<vmem_shared>> -> memref<2512xf32, #tpu.memory_space<vmem_shared>>
        %dma_start3A_173 = arith.constant 0 : i32
        %dma_start3A_174 = tpu.memref_slice %arg23[%dma_start3A_173] : memref<2512xf32, #tpu.memory_space<vmem>> -> memref<2512xf32, #tpu.memory_space<vmem>>
        %dma_start3A_175 = tpu.memref_slice %arg28[%add3A_148] : memref<160000xf32, #tpu.memory_space<vmem_shared>> -> memref<2512xf32, #tpu.memory_space<vmem_shared>>
        tpu.enqueue_dma source(%dma_start3A_175 : memref<2512xf32, #tpu.memory_space<vmem_shared>>) target(%dma_start3A_174 : memref<2512xf32, #tpu.memory_space<vmem>>) target_semaphore(%run_scoped3A : memref<!tpu.dma_semaphore, #tpu.memory_space<semaphore_mem>>)
        %dma_wait3A = arith.constant 0 : i32
        %dma_wait3A_176 = tpu.memref_slice %arg23[%dma_wait3A] : memref<2512xf32, #tpu.memory_space<vmem>> -> memref<2512xf32, #tpu.memory_space<vmem>>
        %dma_wait3A_177 = tpu.memref_slice %arg28[%add3A_148] : memref<160000xf32, #tpu.memory_space<vmem_shared>> -> memref<2512xf32, #tpu.memory_space<vmem_shared>>
        %dma_wait3A_178 = arith.constant 0 : i32
        %dma_wait3A_179 = tpu.memref_slice %arg23[%dma_wait3A_178] : memref<2512xf32, #tpu.memory_space<vmem>> -> memref<2512xf32, #tpu.memory_space<vmem>>
        %dma_wait3A_180 = tpu.memref_slice %arg28[%add3A_148] : memref<160000xf32, #tpu.memory_space<vmem_shared>> -> memref<2512xf32, #tpu.memory_space<vmem_shared>>
        tpu.wait_dma2 semaphore(%run_scoped3A : memref<!tpu.dma_semaphore, #tpu.memory_space<semaphore_mem>>) src(%dma_wait3A_180 : memref<2512xf32, #tpu.memory_space<vmem_shared>>) dst(%dma_wait3A_179 : memref<2512xf32, #tpu.memory_space<vmem>>)
        tpu.yield
      }) : () -> ()
      %add3A_149 = arith.constant 20000 : i32
      %add3A_150 = arith.addi %add3A_146, %add3A_149 : i32
      "tpu.region"() ({
        %run_scoped3A = tpu.sem_alloc : memref<!tpu.dma_semaphore, #tpu.memory_space<semaphore_mem>>
        %dma_start3A_170 = arith.constant 0 : i32
        %dma_start3A_171 = tpu.memref_slice %arg24[%dma_start3A_170] : memref<2512xf32, #tpu.memory_space<vmem>> -> memref<2512xf32, #tpu.memory_space<vmem>>
        %dma_start3A_172 = tpu.memref_slice %arg28[%add3A_150] : memref<160000xf32, #tpu.memory_space<vmem_shared>> -> memref<2512xf32, #tpu.memory_space<vmem_shared>>
        %dma_start3A_173 = arith.constant 0 : i32
        %dma_start3A_174 = tpu.memref_slice %arg24[%dma_start3A_173] : memref<2512xf32, #tpu.memory_space<vmem>> -> memref<2512xf32, #tpu.memory_space<vmem>>
        %dma_start3A_175 = tpu.memref_slice %arg28[%add3A_150] : memref<160000xf32, #tpu.memory_space<vmem_shared>> -> memref<2512xf32, #tpu.memory_space<vmem_shared>>
        tpu.enqueue_dma source(%dma_start3A_175 : memref<2512xf32, #tpu.memory_space<vmem_shared>>) target(%dma_start3A_174 : memref<2512xf32, #tpu.memory_space<vmem>>) target_semaphore(%run_scoped3A : memref<!tpu.dma_semaphore, #tpu.memory_space<semaphore_mem>>)
        %dma_wait3A = arith.constant 0 : i32
        %dma_wait3A_176 = tpu.memref_slice %arg24[%dma_wait3A] : memref<2512xf32, #tpu.memory_space<vmem>> -> memref<2512xf32, #tpu.memory_space<vmem>>
        %dma_wait3A_177 = tpu.memref_slice %arg28[%add3A_150] : memref<160000xf32, #tpu.memory_space<vmem_shared>> -> memref<2512xf32, #tpu.memory_space<vmem_shared>>
        %dma_wait3A_178 = arith.constant 0 : i32
        %dma_wait3A_179 = tpu.memref_slice %arg24[%dma_wait3A_178] : memref<2512xf32, #tpu.memory_space<vmem>> -> memref<2512xf32, #tpu.memory_space<vmem>>
        %dma_wait3A_180 = tpu.memref_slice %arg28[%add3A_150] : memref<160000xf32, #tpu.memory_space<vmem_shared>> -> memref<2512xf32, #tpu.memory_space<vmem_shared>>
        tpu.wait_dma2 semaphore(%run_scoped3A : memref<!tpu.dma_semaphore, #tpu.memory_space<semaphore_mem>>) src(%dma_wait3A_180 : memref<2512xf32, #tpu.memory_space<vmem_shared>>) dst(%dma_wait3A_179 : memref<2512xf32, #tpu.memory_space<vmem>>)
        tpu.yield
      }) : () -> ()
      %add3A_151 = arith.constant 30000 : i32
      %add3A_152 = arith.addi %add3A_146, %add3A_151 : i32
      "tpu.region"() ({
        %run_scoped3A = tpu.sem_alloc : memref<!tpu.dma_semaphore, #tpu.memory_space<semaphore_mem>>
        %dma_start3A_170 = arith.constant 0 : i32
        %dma_start3A_171 = tpu.memref_slice %arg25[%dma_start3A_170] : memref<2512xf32, #tpu.memory_space<vmem>> -> memref<2512xf32, #tpu.memory_space<vmem>>
        %dma_start3A_172 = tpu.memref_slice %arg28[%add3A_152] : memref<160000xf32, #tpu.memory_space<vmem_shared>> -> memref<2512xf32, #tpu.memory_space<vmem_shared>>
        %dma_start3A_173 = arith.constant 0 : i32
        %dma_start3A_174 = tpu.memref_slice %arg25[%dma_start3A_173] : memref<2512xf32, #tpu.memory_space<vmem>> -> memref<2512xf32, #tpu.memory_space<vmem>>
        %dma_start3A_175 = tpu.memref_slice %arg28[%add3A_152] : memref<160000xf32, #tpu.memory_space<vmem_shared>> -> memref<2512xf32, #tpu.memory_space<vmem_shared>>
        tpu.enqueue_dma source(%dma_start3A_175 : memref<2512xf32, #tpu.memory_space<vmem_shared>>) target(%dma_start3A_174 : memref<2512xf32, #tpu.memory_space<vmem>>) target_semaphore(%run_scoped3A : memref<!tpu.dma_semaphore, #tpu.memory_space<semaphore_mem>>)
        %dma_wait3A = arith.constant 0 : i32
        %dma_wait3A_176 = tpu.memref_slice %arg25[%dma_wait3A] : memref<2512xf32, #tpu.memory_space<vmem>> -> memref<2512xf32, #tpu.memory_space<vmem>>
        %dma_wait3A_177 = tpu.memref_slice %arg28[%add3A_152] : memref<160000xf32, #tpu.memory_space<vmem_shared>> -> memref<2512xf32, #tpu.memory_space<vmem_shared>>
        %dma_wait3A_178 = arith.constant 0 : i32
        %dma_wait3A_179 = tpu.memref_slice %arg25[%dma_wait3A_178] : memref<2512xf32, #tpu.memory_space<vmem>> -> memref<2512xf32, #tpu.memory_space<vmem>>
        %dma_wait3A_180 = tpu.memref_slice %arg28[%add3A_152] : memref<160000xf32, #tpu.memory_space<vmem_shared>> -> memref<2512xf32, #tpu.memory_space<vmem_shared>>
        tpu.wait_dma2 semaphore(%run_scoped3A : memref<!tpu.dma_semaphore, #tpu.memory_space<semaphore_mem>>) src(%dma_wait3A_180 : memref<2512xf32, #tpu.memory_space<vmem_shared>>) dst(%dma_wait3A_179 : memref<2512xf32, #tpu.memory_space<vmem>>)
        tpu.yield
      }) : () -> ()
      %mul3A_153 = arith.constant 10000 : i32
      %mul3A_154 = arith.muli %add3A_19, %mul3A_153 : i32
      %add3A_155 = arith.constant 2512 : i32
      %add3A_156 = arith.addi %mul3A_154, %add3A_155 : i32
      "tpu.region"() ({
        %run_scoped3A = tpu.sem_alloc : memref<!tpu.dma_semaphore, #tpu.memory_space<semaphore_mem>>
        %dma_start3A_170 = arith.constant 0 : i32
        %dma_start3A_171 = tpu.memref_slice %arg26[%dma_start3A_170] : memref<2512xf32, #tpu.memory_space<vmem>> -> memref<2512xf32, #tpu.memory_space<vmem>>
        %dma_start3A_172 = tpu.memref_slice %arg7[%add3A_156] : memref<80000xf32, #tpu.memory_space<hbm>> -> memref<2512xf32, #tpu.memory_space<hbm>>
        %dma_start3A_173 = arith.constant 0 : i32
        %dma_start3A_174 = tpu.memref_slice %arg26[%dma_start3A_173] : memref<2512xf32, #tpu.memory_space<vmem>> -> memref<2512xf32, #tpu.memory_space<vmem>>
        %dma_start3A_175 = tpu.memref_slice %arg7[%add3A_156] : memref<80000xf32, #tpu.memory_space<hbm>> -> memref<2512xf32, #tpu.memory_space<hbm>>
        tpu.enqueue_dma source(%dma_start3A_175 : memref<2512xf32, #tpu.memory_space<hbm>>) target(%dma_start3A_174 : memref<2512xf32, #tpu.memory_space<vmem>>) target_semaphore(%run_scoped3A : memref<!tpu.dma_semaphore, #tpu.memory_space<semaphore_mem>>)
        %dma_wait3A = arith.constant 0 : i32
        %dma_wait3A_176 = tpu.memref_slice %arg26[%dma_wait3A] : memref<2512xf32, #tpu.memory_space<vmem>> -> memref<2512xf32, #tpu.memory_space<vmem>>
        %dma_wait3A_177 = tpu.memref_slice %arg7[%add3A_156] : memref<80000xf32, #tpu.memory_space<hbm>> -> memref<2512xf32, #tpu.memory_space<hbm>>
        %dma_wait3A_178 = arith.constant 0 : i32
        %dma_wait3A_179 = tpu.memref_slice %arg26[%dma_wait3A_178] : memref<2512xf32, #tpu.memory_space<vmem>> -> memref<2512xf32, #tpu.memory_space<vmem>>
        %dma_wait3A_180 = tpu.memref_slice %arg7[%add3A_156] : memref<80000xf32, #tpu.memory_space<hbm>> -> memref<2512xf32, #tpu.memory_space<hbm>>
        tpu.wait_dma2 semaphore(%run_scoped3A : memref<!tpu.dma_semaphore, #tpu.memory_space<semaphore_mem>>) src(%dma_wait3A_180 : memref<2512xf32, #tpu.memory_space<hbm>>) dst(%dma_wait3A_179 : memref<2512xf32, #tpu.memory_space<vmem>>)
        tpu.yield
      }) : () -> ()
      %broadcast_in_dim3A_157 = arith.constant 0.000000e+00 : f32
      %broadcast_in_dim3A_158 = vector.broadcast %broadcast_in_dim3A_157 : f32 to vector<16xf32>
      %scan3A_159 = arith.constant 0 : i32
      %scan3A_160 = arith.constant 157 : i32
      %scan3A_161 = arith.addi %scan3A_159, %scan3A_160 : i32
      %scan3A_162 = arith.constant 1 : i32
      %scan3A_163 = scf.for %scan3A_170 = %scan3A_159 to %scan3A_161 step %scan3A_162 iter_args(%scan3A_171 = %broadcast_in_dim3A_158) -> (vector<16xf32>)  : i32 {
        %mul3A_172 = arith.constant 16 : i32
        %mul3A_173 = arith.muli %scan3A_170, %mul3A_172 : i32
        %get3A_174 = arith.index_cast %mul3A_173 : i32 to index
        %get3A_175 = tpu.vector_load %arg22[%get3A_174] {strides = array<i32>} : memref<2512xf32, #tpu.memory_space<vmem>>, vector<16xf32>,
        %get3A_176 = arith.index_cast %mul3A_173 : i32 to index
        %get3A_177 = tpu.vector_load %arg23[%get3A_176] {strides = array<i32>} : memref<2512xf32, #tpu.memory_space<vmem>>, vector<16xf32>,
        %add3A_178 = arith.addf %get3A_175, %get3A_177 : vector<16xf32>
        %get3A_179 = arith.index_cast %mul3A_173 : i32 to index
        %get3A_180 = tpu.vector_load %arg24[%get3A_179] {strides = array<i32>} : memref<2512xf32, #tpu.memory_space<vmem>>, vector<16xf32>,
        %add3A_181 = arith.addf %add3A_178, %get3A_180 : vector<16xf32>
        %get3A_182 = arith.index_cast %mul3A_173 : i32 to index
        %get3A_183 = tpu.vector_load %arg25[%get3A_182] {strides = array<i32>} : memref<2512xf32, #tpu.memory_space<vmem>>, vector<16xf32>,
        %add3A_184 = arith.addf %add3A_181, %get3A_183 : vector<16xf32>
        %get3A_185 = arith.index_cast %mul3A_173 : i32 to index
        %get3A_186 = tpu.vector_load %arg26[%get3A_185] {strides = array<i32>} : memref<2512xf32, #tpu.memory_space<vmem>>, vector<16xf32>,
        %sub3A_187 = arith.subf %add3A_184, %get3A_186 : vector<16xf32>
        %mul3A_188 = arith.mulf %sub3A_187, %sub3A_187 : vector<16xf32>
        %add3A_189 = arith.addf %scan3A_171, %mul3A_188 : vector<16xf32>
        scf.yield %add3A_189 : vector<16xf32>
      }
      %scan3A_164 = arith.constant 157 : i32
      %get3A_165 = arith.constant 0 : index
      %get3A_166 = tpu.vector_load %arg27[%get3A_165] {strides = array<i32>} : memref<16xf32, #tpu.memory_space<vmem>>, vector<16xf32>,
      %add3A_167 = arith.addf %get3A_166, %scan3A_163 : vector<16xf32>
      %swap3A_168 = arith.constant 0 : index
      %swap3A_169 = tpu.vector_load %arg27[%swap3A_168] {strides = array<i32>} : memref<16xf32, #tpu.memory_space<vmem>>, vector<16xf32>,
      tpu.vector_store %arg27[%swap3A_168], %add3A_167 {strides = array<i32>} : memref<16xf32, #tpu.memory_space<vmem>>, vector<16xf32>,
    } else {
    }
    %eq3A_103 = arith.constant 2 : i32
    %eq3A_104 = arith.cmpi eq, %rem3A_21, %eq3A_103 : i32
    %convert_element_type3A_105 = arith.extui %eq3A_104 : i1 to i32
    %cond3A_106 = arith.constant 0 : i32
    %cond3A_107 = arith.cmpi ne, %convert_element_type3A_105, %cond3A_106 : i32
    scf.if %cond3A_107 {
      %mul3A_141 = arith.constant 4 : i32
      %mul3A_142 = arith.muli %mul3A_141, %select_n3A : i32
      %mul3A_143 = arith.constant 10000 : i32
      %mul3A_144 = arith.muli %mul3A_142, %mul3A_143 : i32
      %add3A_145 = arith.constant 5024 : i32
      %add3A_146 = arith.addi %mul3A_144, %add3A_145 : i32
      "tpu.region"() ({
        %run_scoped3A = tpu.sem_alloc : memref<!tpu.dma_semaphore, #tpu.memory_space<semaphore_mem>>
        %dma_start3A_170 = arith.constant 0 : i32
        %dma_start3A_171 = tpu.memref_slice %arg22[%dma_start3A_170] : memref<2512xf32, #tpu.memory_space<vmem>> -> memref<2512xf32, #tpu.memory_space<vmem>>
        %dma_start3A_172 = tpu.memref_slice %arg28[%add3A_146] : memref<160000xf32, #tpu.memory_space<vmem_shared>> -> memref<2512xf32, #tpu.memory_space<vmem_shared>>
        %dma_start3A_173 = arith.constant 0 : i32
        %dma_start3A_174 = tpu.memref_slice %arg22[%dma_start3A_173] : memref<2512xf32, #tpu.memory_space<vmem>> -> memref<2512xf32, #tpu.memory_space<vmem>>
        %dma_start3A_175 = tpu.memref_slice %arg28[%add3A_146] : memref<160000xf32, #tpu.memory_space<vmem_shared>> -> memref<2512xf32, #tpu.memory_space<vmem_shared>>
        tpu.enqueue_dma source(%dma_start3A_175 : memref<2512xf32, #tpu.memory_space<vmem_shared>>) target(%dma_start3A_174 : memref<2512xf32, #tpu.memory_space<vmem>>) target_semaphore(%run_scoped3A : memref<!tpu.dma_semaphore, #tpu.memory_space<semaphore_mem>>)
        %dma_wait3A = arith.constant 0 : i32
        %dma_wait3A_176 = tpu.memref_slice %arg22[%dma_wait3A] : memref<2512xf32, #tpu.memory_space<vmem>> -> memref<2512xf32, #tpu.memory_space<vmem>>
        %dma_wait3A_177 = tpu.memref_slice %arg28[%add3A_146] : memref<160000xf32, #tpu.memory_space<vmem_shared>> -> memref<2512xf32, #tpu.memory_space<vmem_shared>>
        %dma_wait3A_178 = arith.constant 0 : i32
        %dma_wait3A_179 = tpu.memref_slice %arg22[%dma_wait3A_178] : memref<2512xf32, #tpu.memory_space<vmem>> -> memref<2512xf32, #tpu.memory_space<vmem>>
        %dma_wait3A_180 = tpu.memref_slice %arg28[%add3A_146] : memref<160000xf32, #tpu.memory_space<vmem_shared>> -> memref<2512xf32, #tpu.memory_space<vmem_shared>>
        tpu.wait_dma2 semaphore(%run_scoped3A : memref<!tpu.dma_semaphore, #tpu.memory_space<semaphore_mem>>) src(%dma_wait3A_180 : memref<2512xf32, #tpu.memory_space<vmem_shared>>) dst(%dma_wait3A_179 : memref<2512xf32, #tpu.memory_space<vmem>>)
        tpu.yield
      }) : () -> ()
      %add3A_147 = arith.constant 10000 : i32
      %add3A_148 = arith.addi %add3A_146, %add3A_147 : i32
      "tpu.region"() ({
        %run_scoped3A = tpu.sem_alloc : memref<!tpu.dma_semaphore, #tpu.memory_space<semaphore_mem>>
        %dma_start3A_170 = arith.constant 0 : i32
        %dma_start3A_171 = tpu.memref_slice %arg23[%dma_start3A_170] : memref<2512xf32, #tpu.memory_space<vmem>> -> memref<2512xf32, #tpu.memory_space<vmem>>
        %dma_start3A_172 = tpu.memref_slice %arg28[%add3A_148] : memref<160000xf32, #tpu.memory_space<vmem_shared>> -> memref<2512xf32, #tpu.memory_space<vmem_shared>>
        %dma_start3A_173 = arith.constant 0 : i32
        %dma_start3A_174 = tpu.memref_slice %arg23[%dma_start3A_173] : memref<2512xf32, #tpu.memory_space<vmem>> -> memref<2512xf32, #tpu.memory_space<vmem>>
        %dma_start3A_175 = tpu.memref_slice %arg28[%add3A_148] : memref<160000xf32, #tpu.memory_space<vmem_shared>> -> memref<2512xf32, #tpu.memory_space<vmem_shared>>
        tpu.enqueue_dma source(%dma_start3A_175 : memref<2512xf32, #tpu.memory_space<vmem_shared>>) target(%dma_start3A_174 : memref<2512xf32, #tpu.memory_space<vmem>>) target_semaphore(%run_scoped3A : memref<!tpu.dma_semaphore, #tpu.memory_space<semaphore_mem>>)
        %dma_wait3A = arith.constant 0 : i32
        %dma_wait3A_176 = tpu.memref_slice %arg23[%dma_wait3A] : memref<2512xf32, #tpu.memory_space<vmem>> -> memref<2512xf32, #tpu.memory_space<vmem>>
        %dma_wait3A_177 = tpu.memref_slice %arg28[%add3A_148] : memref<160000xf32, #tpu.memory_space<vmem_shared>> -> memref<2512xf32, #tpu.memory_space<vmem_shared>>
        %dma_wait3A_178 = arith.constant 0 : i32
        %dma_wait3A_179 = tpu.memref_slice %arg23[%dma_wait3A_178] : memref<2512xf32, #tpu.memory_space<vmem>> -> memref<2512xf32, #tpu.memory_space<vmem>>
        %dma_wait3A_180 = tpu.memref_slice %arg28[%add3A_148] : memref<160000xf32, #tpu.memory_space<vmem_shared>> -> memref<2512xf32, #tpu.memory_space<vmem_shared>>
        tpu.wait_dma2 semaphore(%run_scoped3A : memref<!tpu.dma_semaphore, #tpu.memory_space<semaphore_mem>>) src(%dma_wait3A_180 : memref<2512xf32, #tpu.memory_space<vmem_shared>>) dst(%dma_wait3A_179 : memref<2512xf32, #tpu.memory_space<vmem>>)
        tpu.yield
      }) : () -> ()
      %add3A_149 = arith.constant 20000 : i32
      %add3A_150 = arith.addi %add3A_146, %add3A_149 : i32
      "tpu.region"() ({
        %run_scoped3A = tpu.sem_alloc : memref<!tpu.dma_semaphore, #tpu.memory_space<semaphore_mem>>
        %dma_start3A_170 = arith.constant 0 : i32
        %dma_start3A_171 = tpu.memref_slice %arg24[%dma_start3A_170] : memref<2512xf32, #tpu.memory_space<vmem>> -> memref<2512xf32, #tpu.memory_space<vmem>>
        %dma_start3A_172 = tpu.memref_slice %arg28[%add3A_150] : memref<160000xf32, #tpu.memory_space<vmem_shared>> -> memref<2512xf32, #tpu.memory_space<vmem_shared>>
        %dma_start3A_173 = arith.constant 0 : i32
        %dma_start3A_174 = tpu.memref_slice %arg24[%dma_start3A_173] : memref<2512xf32, #tpu.memory_space<vmem>> -> memref<2512xf32, #tpu.memory_space<vmem>>
        %dma_start3A_175 = tpu.memref_slice %arg28[%add3A_150] : memref<160000xf32, #tpu.memory_space<vmem_shared>> -> memref<2512xf32, #tpu.memory_space<vmem_shared>>
        tpu.enqueue_dma source(%dma_start3A_175 : memref<2512xf32, #tpu.memory_space<vmem_shared>>) target(%dma_start3A_174 : memref<2512xf32, #tpu.memory_space<vmem>>) target_semaphore(%run_scoped3A : memref<!tpu.dma_semaphore, #tpu.memory_space<semaphore_mem>>)
        %dma_wait3A = arith.constant 0 : i32
        %dma_wait3A_176 = tpu.memref_slice %arg24[%dma_wait3A] : memref<2512xf32, #tpu.memory_space<vmem>> -> memref<2512xf32, #tpu.memory_space<vmem>>
        %dma_wait3A_177 = tpu.memref_slice %arg28[%add3A_150] : memref<160000xf32, #tpu.memory_space<vmem_shared>> -> memref<2512xf32, #tpu.memory_space<vmem_shared>>
        %dma_wait3A_178 = arith.constant 0 : i32
        %dma_wait3A_179 = tpu.memref_slice %arg24[%dma_wait3A_178] : memref<2512xf32, #tpu.memory_space<vmem>> -> memref<2512xf32, #tpu.memory_space<vmem>>
        %dma_wait3A_180 = tpu.memref_slice %arg28[%add3A_150] : memref<160000xf32, #tpu.memory_space<vmem_shared>> -> memref<2512xf32, #tpu.memory_space<vmem_shared>>
        tpu.wait_dma2 semaphore(%run_scoped3A : memref<!tpu.dma_semaphore, #tpu.memory_space<semaphore_mem>>) src(%dma_wait3A_180 : memref<2512xf32, #tpu.memory_space<vmem_shared>>) dst(%dma_wait3A_179 : memref<2512xf32, #tpu.memory_space<vmem>>)
        tpu.yield
      }) : () -> ()
      %add3A_151 = arith.constant 30000 : i32
      %add3A_152 = arith.addi %add3A_146, %add3A_151 : i32
      "tpu.region"() ({
        %run_scoped3A = tpu.sem_alloc : memref<!tpu.dma_semaphore, #tpu.memory_space<semaphore_mem>>
        %dma_start3A_170 = arith.constant 0 : i32
        %dma_start3A_171 = tpu.memref_slice %arg25[%dma_start3A_170] : memref<2512xf32, #tpu.memory_space<vmem>> -> memref<2512xf32, #tpu.memory_space<vmem>>
        %dma_start3A_172 = tpu.memref_slice %arg28[%add3A_152] : memref<160000xf32, #tpu.memory_space<vmem_shared>> -> memref<2512xf32, #tpu.memory_space<vmem_shared>>
        %dma_start3A_173 = arith.constant 0 : i32
        %dma_start3A_174 = tpu.memref_slice %arg25[%dma_start3A_173] : memref<2512xf32, #tpu.memory_space<vmem>> -> memref<2512xf32, #tpu.memory_space<vmem>>
        %dma_start3A_175 = tpu.memref_slice %arg28[%add3A_152] : memref<160000xf32, #tpu.memory_space<vmem_shared>> -> memref<2512xf32, #tpu.memory_space<vmem_shared>>
        tpu.enqueue_dma source(%dma_start3A_175 : memref<2512xf32, #tpu.memory_space<vmem_shared>>) target(%dma_start3A_174 : memref<2512xf32, #tpu.memory_space<vmem>>) target_semaphore(%run_scoped3A : memref<!tpu.dma_semaphore, #tpu.memory_space<semaphore_mem>>)
        %dma_wait3A = arith.constant 0 : i32
        %dma_wait3A_176 = tpu.memref_slice %arg25[%dma_wait3A] : memref<2512xf32, #tpu.memory_space<vmem>> -> memref<2512xf32, #tpu.memory_space<vmem>>
        %dma_wait3A_177 = tpu.memref_slice %arg28[%add3A_152] : memref<160000xf32, #tpu.memory_space<vmem_shared>> -> memref<2512xf32, #tpu.memory_space<vmem_shared>>
        %dma_wait3A_178 = arith.constant 0 : i32
        %dma_wait3A_179 = tpu.memref_slice %arg25[%dma_wait3A_178] : memref<2512xf32, #tpu.memory_space<vmem>> -> memref<2512xf32, #tpu.memory_space<vmem>>
        %dma_wait3A_180 = tpu.memref_slice %arg28[%add3A_152] : memref<160000xf32, #tpu.memory_space<vmem_shared>> -> memref<2512xf32, #tpu.memory_space<vmem_shared>>
        tpu.wait_dma2 semaphore(%run_scoped3A : memref<!tpu.dma_semaphore, #tpu.memory_space<semaphore_mem>>) src(%dma_wait3A_180 : memref<2512xf32, #tpu.memory_space<vmem_shared>>) dst(%dma_wait3A_179 : memref<2512xf32, #tpu.memory_space<vmem>>)
        tpu.yield
      }) : () -> ()
      %mul3A_153 = arith.constant 10000 : i32
      %mul3A_154 = arith.muli %add3A_19, %mul3A_153 : i32
      %add3A_155 = arith.constant 5024 : i32
      %add3A_156 = arith.addi %mul3A_154, %add3A_155 : i32
      "tpu.region"() ({
        %run_scoped3A = tpu.sem_alloc : memref<!tpu.dma_semaphore, #tpu.memory_space<semaphore_mem>>
        %dma_start3A_170 = arith.constant 0 : i32
        %dma_start3A_171 = tpu.memref_slice %arg26[%dma_start3A_170] : memref<2512xf32, #tpu.memory_space<vmem>> -> memref<2512xf32, #tpu.memory_space<vmem>>
        %dma_start3A_172 = tpu.memref_slice %arg7[%add3A_156] : memref<80000xf32, #tpu.memory_space<hbm>> -> memref<2512xf32, #tpu.memory_space<hbm>>
        %dma_start3A_173 = arith.constant 0 : i32
        %dma_start3A_174 = tpu.memref_slice %arg26[%dma_start3A_173] : memref<2512xf32, #tpu.memory_space<vmem>> -> memref<2512xf32, #tpu.memory_space<vmem>>
        %dma_start3A_175 = tpu.memref_slice %arg7[%add3A_156] : memref<80000xf32, #tpu.memory_space<hbm>> -> memref<2512xf32, #tpu.memory_space<hbm>>
        tpu.enqueue_dma source(%dma_start3A_175 : memref<2512xf32, #tpu.memory_space<hbm>>) target(%dma_start3A_174 : memref<2512xf32, #tpu.memory_space<vmem>>) target_semaphore(%run_scoped3A : memref<!tpu.dma_semaphore, #tpu.memory_space<semaphore_mem>>)
        %dma_wait3A = arith.constant 0 : i32
        %dma_wait3A_176 = tpu.memref_slice %arg26[%dma_wait3A] : memref<2512xf32, #tpu.memory_space<vmem>> -> memref<2512xf32, #tpu.memory_space<vmem>>
        %dma_wait3A_177 = tpu.memref_slice %arg7[%add3A_156] : memref<80000xf32, #tpu.memory_space<hbm>> -> memref<2512xf32, #tpu.memory_space<hbm>>
        %dma_wait3A_178 = arith.constant 0 : i32
        %dma_wait3A_179 = tpu.memref_slice %arg26[%dma_wait3A_178] : memref<2512xf32, #tpu.memory_space<vmem>> -> memref<2512xf32, #tpu.memory_space<vmem>>
        %dma_wait3A_180 = tpu.memref_slice %arg7[%add3A_156] : memref<80000xf32, #tpu.memory_space<hbm>> -> memref<2512xf32, #tpu.memory_space<hbm>>
        tpu.wait_dma2 semaphore(%run_scoped3A : memref<!tpu.dma_semaphore, #tpu.memory_space<semaphore_mem>>) src(%dma_wait3A_180 : memref<2512xf32, #tpu.memory_space<hbm>>) dst(%dma_wait3A_179 : memref<2512xf32, #tpu.memory_space<vmem>>)
        tpu.yield
      }) : () -> ()
      %broadcast_in_dim3A_157 = arith.constant 0.000000e+00 : f32
      %broadcast_in_dim3A_158 = vector.broadcast %broadcast_in_dim3A_157 : f32 to vector<16xf32>
      %scan3A_159 = arith.constant 0 : i32
      %scan3A_160 = arith.constant 157 : i32
      %scan3A_161 = arith.addi %scan3A_159, %scan3A_160 : i32
      %scan3A_162 = arith.constant 1 : i32
      %scan3A_163 = scf.for %scan3A_170 = %scan3A_159 to %scan3A_161 step %scan3A_162 iter_args(%scan3A_171 = %broadcast_in_dim3A_158) -> (vector<16xf32>)  : i32 {
        %mul3A_172 = arith.constant 16 : i32
        %mul3A_173 = arith.muli %scan3A_170, %mul3A_172 : i32
        %get3A_174 = arith.index_cast %mul3A_173 : i32 to index
        %get3A_175 = tpu.vector_load %arg22[%get3A_174] {strides = array<i32>} : memref<2512xf32, #tpu.memory_space<vmem>>, vector<16xf32>,
        %get3A_176 = arith.index_cast %mul3A_173 : i32 to index
        %get3A_177 = tpu.vector_load %arg23[%get3A_176] {strides = array<i32>} : memref<2512xf32, #tpu.memory_space<vmem>>, vector<16xf32>,
        %add3A_178 = arith.addf %get3A_175, %get3A_177 : vector<16xf32>
        %get3A_179 = arith.index_cast %mul3A_173 : i32 to index
        %get3A_180 = tpu.vector_load %arg24[%get3A_179] {strides = array<i32>} : memref<2512xf32, #tpu.memory_space<vmem>>, vector<16xf32>,
        %add3A_181 = arith.addf %add3A_178, %get3A_180 : vector<16xf32>
        %get3A_182 = arith.index_cast %mul3A_173 : i32 to index
        %get3A_183 = tpu.vector_load %arg25[%get3A_182] {strides = array<i32>} : memref<2512xf32, #tpu.memory_space<vmem>>, vector<16xf32>,
        %add3A_184 = arith.addf %add3A_181, %get3A_183 : vector<16xf32>
        %get3A_185 = arith.index_cast %mul3A_173 : i32 to index
        %get3A_186 = tpu.vector_load %arg26[%get3A_185] {strides = array<i32>} : memref<2512xf32, #tpu.memory_space<vmem>>, vector<16xf32>,
        %sub3A_187 = arith.subf %add3A_184, %get3A_186 : vector<16xf32>
        %mul3A_188 = arith.mulf %sub3A_187, %sub3A_187 : vector<16xf32>
        %add3A_189 = arith.addf %scan3A_171, %mul3A_188 : vector<16xf32>
        scf.yield %add3A_189 : vector<16xf32>
      }
      %scan3A_164 = arith.constant 157 : i32
      %get3A_165 = arith.constant 0 : index
      %get3A_166 = tpu.vector_load %arg27[%get3A_165] {strides = array<i32>} : memref<16xf32, #tpu.memory_space<vmem>>, vector<16xf32>,
      %add3A_167 = arith.addf %get3A_166, %scan3A_163 : vector<16xf32>
      %swap3A_168 = arith.constant 0 : index
      %swap3A_169 = tpu.vector_load %arg27[%swap3A_168] {strides = array<i32>} : memref<16xf32, #tpu.memory_space<vmem>>, vector<16xf32>,
      tpu.vector_store %arg27[%swap3A_168], %add3A_167 {strides = array<i32>} : memref<16xf32, #tpu.memory_space<vmem>>, vector<16xf32>,
    } else {
    }
    %eq3A_108 = arith.constant 3 : i32
    %eq3A_109 = arith.cmpi eq, %rem3A_21, %eq3A_108 : i32
    %convert_element_type3A_110 = arith.extui %eq3A_109 : i1 to i32
    %cond3A_111 = arith.constant 0 : i32
    %cond3A_112 = arith.cmpi ne, %convert_element_type3A_110, %cond3A_111 : i32
    scf.if %cond3A_112 {
      %mul3A_141 = arith.constant 4 : i32
      %mul3A_142 = arith.muli %mul3A_141, %select_n3A : i32
      %mul3A_143 = arith.constant 10000 : i32
      %mul3A_144 = arith.muli %mul3A_142, %mul3A_143 : i32
      %add3A_145 = arith.constant 7536 : i32
      %add3A_146 = arith.addi %mul3A_144, %add3A_145 : i32
      "tpu.region"() ({
        %run_scoped3A = tpu.sem_alloc : memref<!tpu.dma_semaphore, #tpu.memory_space<semaphore_mem>>
        %dma_start3A_170 = arith.constant 0 : i32
        %dma_start3A_171 = tpu.memref_slice %arg22[%dma_start3A_170] : memref<2512xf32, #tpu.memory_space<vmem>> -> memref<2464xf32, #tpu.memory_space<vmem>>
        %dma_start3A_172 = tpu.memref_slice %arg28[%add3A_146] : memref<160000xf32, #tpu.memory_space<vmem_shared>> -> memref<2464xf32, #tpu.memory_space<vmem_shared>>
        %dma_start3A_173 = arith.constant 0 : i32
        %dma_start3A_174 = tpu.memref_slice %arg22[%dma_start3A_173] : memref<2512xf32, #tpu.memory_space<vmem>> -> memref<2464xf32, #tpu.memory_space<vmem>>
        %dma_start3A_175 = tpu.memref_slice %arg28[%add3A_146] : memref<160000xf32, #tpu.memory_space<vmem_shared>> -> memref<2464xf32, #tpu.memory_space<vmem_shared>>
        tpu.enqueue_dma source(%dma_start3A_175 : memref<2464xf32, #tpu.memory_space<vmem_shared>>) target(%dma_start3A_174 : memref<2464xf32, #tpu.memory_space<vmem>>) target_semaphore(%run_scoped3A : memref<!tpu.dma_semaphore, #tpu.memory_space<semaphore_mem>>)
        %dma_wait3A = arith.constant 0 : i32
        %dma_wait3A_176 = tpu.memref_slice %arg22[%dma_wait3A] : memref<2512xf32, #tpu.memory_space<vmem>> -> memref<2464xf32, #tpu.memory_space<vmem>>
        %dma_wait3A_177 = tpu.memref_slice %arg28[%add3A_146] : memref<160000xf32, #tpu.memory_space<vmem_shared>> -> memref<2464xf32, #tpu.memory_space<vmem_shared>>
        %dma_wait3A_178 = arith.constant 0 : i32
        %dma_wait3A_179 = tpu.memref_slice %arg22[%dma_wait3A_178] : memref<2512xf32, #tpu.memory_space<vmem>> -> memref<2464xf32, #tpu.memory_space<vmem>>
        %dma_wait3A_180 = tpu.memref_slice %arg28[%add3A_146] : memref<160000xf32, #tpu.memory_space<vmem_shared>> -> memref<2464xf32, #tpu.memory_space<vmem_shared>>
        tpu.wait_dma2 semaphore(%run_scoped3A : memref<!tpu.dma_semaphore, #tpu.memory_space<semaphore_mem>>) src(%dma_wait3A_180 : memref<2464xf32, #tpu.memory_space<vmem_shared>>) dst(%dma_wait3A_179 : memref<2464xf32, #tpu.memory_space<vmem>>)
        tpu.yield
      }) : () -> ()
      %add3A_147 = arith.constant 10000 : i32
      %add3A_148 = arith.addi %add3A_146, %add3A_147 : i32
      "tpu.region"() ({
        %run_scoped3A = tpu.sem_alloc : memref<!tpu.dma_semaphore, #tpu.memory_space<semaphore_mem>>
        %dma_start3A_170 = arith.constant 0 : i32
        %dma_start3A_171 = tpu.memref_slice %arg23[%dma_start3A_170] : memref<2512xf32, #tpu.memory_space<vmem>> -> memref<2464xf32, #tpu.memory_space<vmem>>
        %dma_start3A_172 = tpu.memref_slice %arg28[%add3A_148] : memref<160000xf32, #tpu.memory_space<vmem_shared>> -> memref<2464xf32, #tpu.memory_space<vmem_shared>>
        %dma_start3A_173 = arith.constant 0 : i32
        %dma_start3A_174 = tpu.memref_slice %arg23[%dma_start3A_173] : memref<2512xf32, #tpu.memory_space<vmem>> -> memref<2464xf32, #tpu.memory_space<vmem>>
        %dma_start3A_175 = tpu.memref_slice %arg28[%add3A_148] : memref<160000xf32, #tpu.memory_space<vmem_shared>> -> memref<2464xf32, #tpu.memory_space<vmem_shared>>
        tpu.enqueue_dma source(%dma_start3A_175 : memref<2464xf32, #tpu.memory_space<vmem_shared>>) target(%dma_start3A_174 : memref<2464xf32, #tpu.memory_space<vmem>>) target_semaphore(%run_scoped3A : memref<!tpu.dma_semaphore, #tpu.memory_space<semaphore_mem>>)
        %dma_wait3A = arith.constant 0 : i32
        %dma_wait3A_176 = tpu.memref_slice %arg23[%dma_wait3A] : memref<2512xf32, #tpu.memory_space<vmem>> -> memref<2464xf32, #tpu.memory_space<vmem>>
        %dma_wait3A_177 = tpu.memref_slice %arg28[%add3A_148] : memref<160000xf32, #tpu.memory_space<vmem_shared>> -> memref<2464xf32, #tpu.memory_space<vmem_shared>>
        %dma_wait3A_178 = arith.constant 0 : i32
        %dma_wait3A_179 = tpu.memref_slice %arg23[%dma_wait3A_178] : memref<2512xf32, #tpu.memory_space<vmem>> -> memref<2464xf32, #tpu.memory_space<vmem>>
        %dma_wait3A_180 = tpu.memref_slice %arg28[%add3A_148] : memref<160000xf32, #tpu.memory_space<vmem_shared>> -> memref<2464xf32, #tpu.memory_space<vmem_shared>>
        tpu.wait_dma2 semaphore(%run_scoped3A : memref<!tpu.dma_semaphore, #tpu.memory_space<semaphore_mem>>) src(%dma_wait3A_180 : memref<2464xf32, #tpu.memory_space<vmem_shared>>) dst(%dma_wait3A_179 : memref<2464xf32, #tpu.memory_space<vmem>>)
        tpu.yield
      }) : () -> ()
      %add3A_149 = arith.constant 20000 : i32
      %add3A_150 = arith.addi %add3A_146, %add3A_149 : i32
      "tpu.region"() ({
        %run_scoped3A = tpu.sem_alloc : memref<!tpu.dma_semaphore, #tpu.memory_space<semaphore_mem>>
        %dma_start3A_170 = arith.constant 0 : i32
        %dma_start3A_171 = tpu.memref_slice %arg24[%dma_start3A_170] : memref<2512xf32, #tpu.memory_space<vmem>> -> memref<2464xf32, #tpu.memory_space<vmem>>
        %dma_start3A_172 = tpu.memref_slice %arg28[%add3A_150] : memref<160000xf32, #tpu.memory_space<vmem_shared>> -> memref<2464xf32, #tpu.memory_space<vmem_shared>>
        %dma_start3A_173 = arith.constant 0 : i32
        %dma_start3A_174 = tpu.memref_slice %arg24[%dma_start3A_173] : memref<2512xf32, #tpu.memory_space<vmem>> -> memref<2464xf32, #tpu.memory_space<vmem>>
        %dma_start3A_175 = tpu.memref_slice %arg28[%add3A_150] : memref<160000xf32, #tpu.memory_space<vmem_shared>> -> memref<2464xf32, #tpu.memory_space<vmem_shared>>
        tpu.enqueue_dma source(%dma_start3A_175 : memref<2464xf32, #tpu.memory_space<vmem_shared>>) target(%dma_start3A_174 : memref<2464xf32, #tpu.memory_space<vmem>>) target_semaphore(%run_scoped3A : memref<!tpu.dma_semaphore, #tpu.memory_space<semaphore_mem>>)
        %dma_wait3A = arith.constant 0 : i32
        %dma_wait3A_176 = tpu.memref_slice %arg24[%dma_wait3A] : memref<2512xf32, #tpu.memory_space<vmem>> -> memref<2464xf32, #tpu.memory_space<vmem>>
        %dma_wait3A_177 = tpu.memref_slice %arg28[%add3A_150] : memref<160000xf32, #tpu.memory_space<vmem_shared>> -> memref<2464xf32, #tpu.memory_space<vmem_shared>>
        %dma_wait3A_178 = arith.constant 0 : i32
        %dma_wait3A_179 = tpu.memref_slice %arg24[%dma_wait3A_178] : memref<2512xf32, #tpu.memory_space<vmem>> -> memref<2464xf32, #tpu.memory_space<vmem>>
        %dma_wait3A_180 = tpu.memref_slice %arg28[%add3A_150] : memref<160000xf32, #tpu.memory_space<vmem_shared>> -> memref<2464xf32, #tpu.memory_space<vmem_shared>>
        tpu.wait_dma2 semaphore(%run_scoped3A : memref<!tpu.dma_semaphore, #tpu.memory_space<semaphore_mem>>) src(%dma_wait3A_180 : memref<2464xf32, #tpu.memory_space<vmem_shared>>) dst(%dma_wait3A_179 : memref<2464xf32, #tpu.memory_space<vmem>>)
        tpu.yield
      }) : () -> ()
      %add3A_151 = arith.constant 30000 : i32
      %add3A_152 = arith.addi %add3A_146, %add3A_151 : i32
      "tpu.region"() ({
        %run_scoped3A = tpu.sem_alloc : memref<!tpu.dma_semaphore, #tpu.memory_space<semaphore_mem>>
        %dma_start3A_170 = arith.constant 0 : i32
        %dma_start3A_171 = tpu.memref_slice %arg25[%dma_start3A_170] : memref<2512xf32, #tpu.memory_space<vmem>> -> memref<2464xf32, #tpu.memory_space<vmem>>
        %dma_start3A_172 = tpu.memref_slice %arg28[%add3A_152] : memref<160000xf32, #tpu.memory_space<vmem_shared>> -> memref<2464xf32, #tpu.memory_space<vmem_shared>>
        %dma_start3A_173 = arith.constant 0 : i32
        %dma_start3A_174 = tpu.memref_slice %arg25[%dma_start3A_173] : memref<2512xf32, #tpu.memory_space<vmem>> -> memref<2464xf32, #tpu.memory_space<vmem>>
        %dma_start3A_175 = tpu.memref_slice %arg28[%add3A_152] : memref<160000xf32, #tpu.memory_space<vmem_shared>> -> memref<2464xf32, #tpu.memory_space<vmem_shared>>
        tpu.enqueue_dma source(%dma_start3A_175 : memref<2464xf32, #tpu.memory_space<vmem_shared>>) target(%dma_start3A_174 : memref<2464xf32, #tpu.memory_space<vmem>>) target_semaphore(%run_scoped3A : memref<!tpu.dma_semaphore, #tpu.memory_space<semaphore_mem>>)
        %dma_wait3A = arith.constant 0 : i32
        %dma_wait3A_176 = tpu.memref_slice %arg25[%dma_wait3A] : memref<2512xf32, #tpu.memory_space<vmem>> -> memref<2464xf32, #tpu.memory_space<vmem>>
        %dma_wait3A_177 = tpu.memref_slice %arg28[%add3A_152] : memref<160000xf32, #tpu.memory_space<vmem_shared>> -> memref<2464xf32, #tpu.memory_space<vmem_shared>>
        %dma_wait3A_178 = arith.constant 0 : i32
        %dma_wait3A_179 = tpu.memref_slice %arg25[%dma_wait3A_178] : memref<2512xf32, #tpu.memory_space<vmem>> -> memref<2464xf32, #tpu.memory_space<vmem>>
        %dma_wait3A_180 = tpu.memref_slice %arg28[%add3A_152] : memref<160000xf32, #tpu.memory_space<vmem_shared>> -> memref<2464xf32, #tpu.memory_space<vmem_shared>>
        tpu.wait_dma2 semaphore(%run_scoped3A : memref<!tpu.dma_semaphore, #tpu.memory_space<semaphore_mem>>) src(%dma_wait3A_180 : memref<2464xf32, #tpu.memory_space<vmem_shared>>) dst(%dma_wait3A_179 : memref<2464xf32, #tpu.memory_space<vmem>>)
        tpu.yield
      }) : () -> ()
      %mul3A_153 = arith.constant 10000 : i32
      %mul3A_154 = arith.muli %add3A_19, %mul3A_153 : i32
      %add3A_155 = arith.constant 7536 : i32
      %add3A_156 = arith.addi %mul3A_154, %add3A_155 : i32
      "tpu.region"() ({
        %run_scoped3A = tpu.sem_alloc : memref<!tpu.dma_semaphore, #tpu.memory_space<semaphore_mem>>
        %dma_start3A_170 = arith.constant 0 : i32
        %dma_start3A_171 = tpu.memref_slice %arg26[%dma_start3A_170] : memref<2512xf32, #tpu.memory_space<vmem>> -> memref<2464xf32, #tpu.memory_space<vmem>>
        %dma_start3A_172 = tpu.memref_slice %arg7[%add3A_156] : memref<80000xf32, #tpu.memory_space<hbm>> -> memref<2464xf32, #tpu.memory_space<hbm>>
        %dma_start3A_173 = arith.constant 0 : i32
        %dma_start3A_174 = tpu.memref_slice %arg26[%dma_start3A_173] : memref<2512xf32, #tpu.memory_space<vmem>> -> memref<2464xf32, #tpu.memory_space<vmem>>
        %dma_start3A_175 = tpu.memref_slice %arg7[%add3A_156] : memref<80000xf32, #tpu.memory_space<hbm>> -> memref<2464xf32, #tpu.memory_space<hbm>>
        tpu.enqueue_dma source(%dma_start3A_175 : memref<2464xf32, #tpu.memory_space<hbm>>) target(%dma_start3A_174 : memref<2464xf32, #tpu.memory_space<vmem>>) target_semaphore(%run_scoped3A : memref<!tpu.dma_semaphore, #tpu.memory_space<semaphore_mem>>)
        %dma_wait3A = arith.constant 0 : i32
        %dma_wait3A_176 = tpu.memref_slice %arg26[%dma_wait3A] : memref<2512xf32, #tpu.memory_space<vmem>> -> memref<2464xf32, #tpu.memory_space<vmem>>
        %dma_wait3A_177 = tpu.memref_slice %arg7[%add3A_156] : memref<80000xf32, #tpu.memory_space<hbm>> -> memref<2464xf32, #tpu.memory_space<hbm>>
        %dma_wait3A_178 = arith.constant 0 : i32
        %dma_wait3A_179 = tpu.memref_slice %arg26[%dma_wait3A_178] : memref<2512xf32, #tpu.memory_space<vmem>> -> memref<2464xf32, #tpu.memory_space<vmem>>
        %dma_wait3A_180 = tpu.memref_slice %arg7[%add3A_156] : memref<80000xf32, #tpu.memory_space<hbm>> -> memref<2464xf32, #tpu.memory_space<hbm>>
        tpu.wait_dma2 semaphore(%run_scoped3A : memref<!tpu.dma_semaphore, #tpu.memory_space<semaphore_mem>>) src(%dma_wait3A_180 : memref<2464xf32, #tpu.memory_space<hbm>>) dst(%dma_wait3A_179 : memref<2464xf32, #tpu.memory_space<vmem>>)
        tpu.yield
      }) : () -> ()
      %broadcast_in_dim3A_157 = arith.constant 0.000000e+00 : f32
      %broadcast_in_dim3A_158 = vector.broadcast %broadcast_in_dim3A_157 : f32 to vector<16xf32>
      %scan3A_159 = arith.constant 0 : i32
      %scan3A_160 = arith.constant 154 : i32
      %scan3A_161 = arith.addi %scan3A_159, %scan3A_160 : i32
      %scan3A_162 = arith.constant 1 : i32
      %scan3A_163 = scf.for %scan3A_170 = %scan3A_159 to %scan3A_161 step %scan3A_162 iter_args(%scan3A_171 = %broadcast_in_dim3A_158) -> (vector<16xf32>)  : i32 {
        %mul3A_172 = arith.constant 16 : i32
        %mul3A_173 = arith.muli %scan3A_170, %mul3A_172 : i32
        %get3A_174 = arith.index_cast %mul3A_173 : i32 to index
        %get3A_175 = tpu.vector_load %arg22[%get3A_174] {strides = array<i32>} : memref<2512xf32, #tpu.memory_space<vmem>>, vector<16xf32>,
        %get3A_176 = arith.index_cast %mul3A_173 : i32 to index
        %get3A_177 = tpu.vector_load %arg23[%get3A_176] {strides = array<i32>} : memref<2512xf32, #tpu.memory_space<vmem>>, vector<16xf32>,
        %add3A_178 = arith.addf %get3A_175, %get3A_177 : vector<16xf32>
        %get3A_179 = arith.index_cast %mul3A_173 : i32 to index
        %get3A_180 = tpu.vector_load %arg24[%get3A_179] {strides = array<i32>} : memref<2512xf32, #tpu.memory_space<vmem>>, vector<16xf32>,
        %add3A_181 = arith.addf %add3A_178, %get3A_180 : vector<16xf32>
        %get3A_182 = arith.index_cast %mul3A_173 : i32 to index
        %get3A_183 = tpu.vector_load %arg25[%get3A_182] {strides = array<i32>} : memref<2512xf32, #tpu.memory_space<vmem>>, vector<16xf32>,
        %add3A_184 = arith.addf %add3A_181, %get3A_183 : vector<16xf32>
        %get3A_185 = arith.index_cast %mul3A_173 : i32 to index
        %get3A_186 = tpu.vector_load %arg26[%get3A_185] {strides = array<i32>} : memref<2512xf32, #tpu.memory_space<vmem>>, vector<16xf32>,
        %sub3A_187 = arith.subf %add3A_184, %get3A_186 : vector<16xf32>
        %mul3A_188 = arith.mulf %sub3A_187, %sub3A_187 : vector<16xf32>
        %add3A_189 = arith.addf %scan3A_171, %mul3A_188 : vector<16xf32>
        scf.yield %add3A_189 : vector<16xf32>
      }
      %scan3A_164 = arith.constant 154 : i32
      %get3A_165 = arith.constant 0 : index
      %get3A_166 = tpu.vector_load %arg27[%get3A_165] {strides = array<i32>} : memref<16xf32, #tpu.memory_space<vmem>>, vector<16xf32>,
      %add3A_167 = arith.addf %get3A_166, %scan3A_163 : vector<16xf32>
      %swap3A_168 = arith.constant 0 : index
      %swap3A_169 = tpu.vector_load %arg27[%swap3A_168] {strides = array<i32>} : memref<16xf32, #tpu.memory_space<vmem>>, vector<16xf32>,
      tpu.vector_store %arg27[%swap3A_168], %add3A_167 {strides = array<i32>} : memref<16xf32, #tpu.memory_space<vmem>>, vector<16xf32>,
    } else {
    }
    %eq3A_113 = arith.constant 0 : i32
    %eq3A_114 = arith.cmpi eq, %rem3A_21, %eq3A_113 : i32
    %convert_element_type3A_115 = arith.extui %eq3A_114 : i1 to i32
    %cond3A_116 = arith.constant 0 : i32
    %cond3A_117 = arith.cmpi ne, %convert_element_type3A_115, %cond3A_116 : i32
    scf.if %cond3A_117 {
      %broadcast_in_dim3A_141 = arith.constant 0.000000e+00 : f32
      %broadcast_in_dim3A_142 = vector.broadcast %broadcast_in_dim3A_141 : f32 to vector<16xf32>
      %scan3A_143 = arith.constant 0 : i32
      %scan3A_144 = arith.constant 157 : i32
      %scan3A_145 = arith.addi %scan3A_143, %scan3A_144 : i32
      %scan3A_146 = arith.constant 1 : i32
      %scan3A_147 = scf.for %scan3A_157 = %scan3A_143 to %scan3A_145 step %scan3A_146 iter_args(%scan3A_158 = %broadcast_in_dim3A_142) -> (vector<16xf32>)  : i32 {
        %mul3A_159 = arith.constant 16 : i32
        %mul3A_160 = arith.muli %scan3A_157, %mul3A_159 : i32
        %add3A_161 = arith.constant 0 : i32
        %add3A_162 = arith.addi %add3A_161, %mul3A_160 : i32
        %get3A_163 = arith.index_cast %add3A_162 : i32 to index
        %get3A_164 = tpu.vector_load %arg10[%get3A_163] {strides = array<i32>} : memref<10000xf32, #tpu.memory_space<vmem>>, vector<16xf32>,
        %sub3A_165 = arith.constant 0.949999988 : f32
        %sub3A_166 = vector.broadcast %sub3A_165 : f32 to vector<16xf32>
        %sub3A_167 = arith.subf %sub3A_166, %get3A_164 : vector<16xf32>
        %max3A = arith.constant 0.000000e+00 : f32
        %max3A_168 = vector.broadcast %max3A : f32 to vector<16xf32>
        %max3A_169 = arith.maximumf %sub3A_167, %max3A_168 : vector<16xf32>
        %sub3A_170 = arith.constant 1.050000e+00 : f32
        %sub3A_171 = vector.broadcast %sub3A_170 : f32 to vector<16xf32>
        %sub3A_172 = arith.subf %get3A_164, %sub3A_171 : vector<16xf32>
        %max3A_173 = arith.constant 0.000000e+00 : f32
        %max3A_174 = vector.broadcast %max3A_173 : f32 to vector<16xf32>
        %max3A_175 = arith.maximumf %sub3A_172, %max3A_174 : vector<16xf32>
        %mul3A_176 = arith.mulf %max3A_169, %max3A_169 : vector<16xf32>
        %add3A_177 = arith.addf %scan3A_158, %mul3A_176 : vector<16xf32>
        %mul3A_178 = arith.mulf %max3A_175, %max3A_175 : vector<16xf32>
        %add3A_179 = arith.addf %add3A_177, %mul3A_178 : vector<16xf32>
        scf.yield %add3A_179 : vector<16xf32>
      }
      %scan3A_148 = arith.constant 157 : i32
      %get3A_149 = arith.constant 0 : index
      %get3A_150 = tpu.vector_load %arg27[%get3A_149] {strides = array<i32>} : memref<16xf32, #tpu.memory_space<vmem>>, vector<16xf32>,
      %mul3A_151 = arith.constant 1.000000e-01 : f32
      %mul3A_152 = vector.broadcast %mul3A_151 : f32 to vector<16xf32>
      %mul3A_153 = arith.mulf %mul3A_152, %scan3A_147 : vector<16xf32>
      %add3A_154 = arith.addf %get3A_150, %mul3A_153 : vector<16xf32>
      %swap3A_155 = arith.constant 0 : index
      %swap3A_156 = tpu.vector_load %arg27[%swap3A_155] {strides = array<i32>} : memref<16xf32, #tpu.memory_space<vmem>>, vector<16xf32>,
      tpu.vector_store %arg27[%swap3A_155], %add3A_154 {strides = array<i32>} : memref<16xf32, #tpu.memory_space<vmem>>, vector<16xf32>,
    } else {
    }
    %eq3A_118 = arith.constant 1 : i32
    %eq3A_119 = arith.cmpi eq, %rem3A_21, %eq3A_118 : i32
    %convert_element_type3A_120 = arith.extui %eq3A_119 : i1 to i32
    %cond3A_121 = arith.constant 0 : i32
    %cond3A_122 = arith.cmpi ne, %convert_element_type3A_120, %cond3A_121 : i32
    scf.if %cond3A_122 {
      %broadcast_in_dim3A_141 = arith.constant 0.000000e+00 : f32
      %broadcast_in_dim3A_142 = vector.broadcast %broadcast_in_dim3A_141 : f32 to vector<16xf32>
      %scan3A_143 = arith.constant 0 : i32
      %scan3A_144 = arith.constant 157 : i32
      %scan3A_145 = arith.addi %scan3A_143, %scan3A_144 : i32
      %scan3A_146 = arith.constant 1 : i32
      %scan3A_147 = scf.for %scan3A_157 = %scan3A_143 to %scan3A_145 step %scan3A_146 iter_args(%scan3A_158 = %broadcast_in_dim3A_142) -> (vector<16xf32>)  : i32 {
        %mul3A_159 = arith.constant 16 : i32
        %mul3A_160 = arith.muli %scan3A_157, %mul3A_159 : i32
        %add3A_161 = arith.constant 2512 : i32
        %add3A_162 = arith.addi %add3A_161, %mul3A_160 : i32
        %get3A_163 = arith.index_cast %add3A_162 : i32 to index
        %get3A_164 = tpu.vector_load %arg10[%get3A_163] {strides = array<i32>} : memref<10000xf32, #tpu.memory_space<vmem>>, vector<16xf32>,
        %sub3A_165 = arith.constant 0.949999988 : f32
        %sub3A_166 = vector.broadcast %sub3A_165 : f32 to vector<16xf32>
        %sub3A_167 = arith.subf %sub3A_166, %get3A_164 : vector<16xf32>
        %max3A = arith.constant 0.000000e+00 : f32
        %max3A_168 = vector.broadcast %max3A : f32 to vector<16xf32>
        %max3A_169 = arith.maximumf %sub3A_167, %max3A_168 : vector<16xf32>
        %sub3A_170 = arith.constant 1.050000e+00 : f32
        %sub3A_171 = vector.broadcast %sub3A_170 : f32 to vector<16xf32>
        %sub3A_172 = arith.subf %get3A_164, %sub3A_171 : vector<16xf32>
        %max3A_173 = arith.constant 0.000000e+00 : f32
        %max3A_174 = vector.broadcast %max3A_173 : f32 to vector<16xf32>
        %max3A_175 = arith.maximumf %sub3A_172, %max3A_174 : vector<16xf32>
        %mul3A_176 = arith.mulf %max3A_169, %max3A_169 : vector<16xf32>
        %add3A_177 = arith.addf %scan3A_158, %mul3A_176 : vector<16xf32>
        %mul3A_178 = arith.mulf %max3A_175, %max3A_175 : vector<16xf32>
        %add3A_179 = arith.addf %add3A_177, %mul3A_178 : vector<16xf32>
        scf.yield %add3A_179 : vector<16xf32>
      }
      %scan3A_148 = arith.constant 157 : i32
      %get3A_149 = arith.constant 0 : index
      %get3A_150 = tpu.vector_load %arg27[%get3A_149] {strides = array<i32>} : memref<16xf32, #tpu.memory_space<vmem>>, vector<16xf32>,
      %mul3A_151 = arith.constant 1.000000e-01 : f32
      %mul3A_152 = vector.broadcast %mul3A_151 : f32 to vector<16xf32>
      %mul3A_153 = arith.mulf %mul3A_152, %scan3A_147 : vector<16xf32>
      %add3A_154 = arith.addf %get3A_150, %mul3A_153 : vector<16xf32>
      %swap3A_155 = arith.constant 0 : index
      %swap3A_156 = tpu.vector_load %arg27[%swap3A_155] {strides = array<i32>} : memref<16xf32, #tpu.memory_space<vmem>>, vector<16xf32>,
      tpu.vector_store %arg27[%swap3A_155], %add3A_154 {strides = array<i32>} : memref<16xf32, #tpu.memory_space<vmem>>, vector<16xf32>,
    } else {
    }
    %eq3A_123 = arith.constant 2 : i32
    %eq3A_124 = arith.cmpi eq, %rem3A_21, %eq3A_123 : i32
    %convert_element_type3A_125 = arith.extui %eq3A_124 : i1 to i32
    %cond3A_126 = arith.constant 0 : i32
    %cond3A_127 = arith.cmpi ne, %convert_element_type3A_125, %cond3A_126 : i32
    scf.if %cond3A_127 {
      %broadcast_in_dim3A_141 = arith.constant 0.000000e+00 : f32
      %broadcast_in_dim3A_142 = vector.broadcast %broadcast_in_dim3A_141 : f32 to vector<16xf32>
      %scan3A_143 = arith.constant 0 : i32
      %scan3A_144 = arith.constant 157 : i32
      %scan3A_145 = arith.addi %scan3A_143, %scan3A_144 : i32
      %scan3A_146 = arith.constant 1 : i32
      %scan3A_147 = scf.for %scan3A_157 = %scan3A_143 to %scan3A_145 step %scan3A_146 iter_args(%scan3A_158 = %broadcast_in_dim3A_142) -> (vector<16xf32>)  : i32 {
        %mul3A_159 = arith.constant 16 : i32
        %mul3A_160 = arith.muli %scan3A_157, %mul3A_159 : i32
        %add3A_161 = arith.constant 5024 : i32
        %add3A_162 = arith.addi %add3A_161, %mul3A_160 : i32
        %get3A_163 = arith.index_cast %add3A_162 : i32 to index
        %get3A_164 = tpu.vector_load %arg10[%get3A_163] {strides = array<i32>} : memref<10000xf32, #tpu.memory_space<vmem>>, vector<16xf32>,
        %sub3A_165 = arith.constant 0.949999988 : f32
        %sub3A_166 = vector.broadcast %sub3A_165 : f32 to vector<16xf32>
        %sub3A_167 = arith.subf %sub3A_166, %get3A_164 : vector<16xf32>
        %max3A = arith.constant 0.000000e+00 : f32
        %max3A_168 = vector.broadcast %max3A : f32 to vector<16xf32>
        %max3A_169 = arith.maximumf %sub3A_167, %max3A_168 : vector<16xf32>
        %sub3A_170 = arith.constant 1.050000e+00 : f32
        %sub3A_171 = vector.broadcast %sub3A_170 : f32 to vector<16xf32>
        %sub3A_172 = arith.subf %get3A_164, %sub3A_171 : vector<16xf32>
        %max3A_173 = arith.constant 0.000000e+00 : f32
        %max3A_174 = vector.broadcast %max3A_173 : f32 to vector<16xf32>
        %max3A_175 = arith.maximumf %sub3A_172, %max3A_174 : vector<16xf32>
        %mul3A_176 = arith.mulf %max3A_169, %max3A_169 : vector<16xf32>
        %add3A_177 = arith.addf %scan3A_158, %mul3A_176 : vector<16xf32>
        %mul3A_178 = arith.mulf %max3A_175, %max3A_175 : vector<16xf32>
        %add3A_179 = arith.addf %add3A_177, %mul3A_178 : vector<16xf32>
        scf.yield %add3A_179 : vector<16xf32>
      }
      %scan3A_148 = arith.constant 157 : i32
      %get3A_149 = arith.constant 0 : index
      %get3A_150 = tpu.vector_load %arg27[%get3A_149] {strides = array<i32>} : memref<16xf32, #tpu.memory_space<vmem>>, vector<16xf32>,
      %mul3A_151 = arith.constant 1.000000e-01 : f32
      %mul3A_152 = vector.broadcast %mul3A_151 : f32 to vector<16xf32>
      %mul3A_153 = arith.mulf %mul3A_152, %scan3A_147 : vector<16xf32>
      %add3A_154 = arith.addf %get3A_150, %mul3A_153 : vector<16xf32>
      %swap3A_155 = arith.constant 0 : index
      %swap3A_156 = tpu.vector_load %arg27[%swap3A_155] {strides = array<i32>} : memref<16xf32, #tpu.memory_space<vmem>>, vector<16xf32>,
      tpu.vector_store %arg27[%swap3A_155], %add3A_154 {strides = array<i32>} : memref<16xf32, #tpu.memory_space<vmem>>, vector<16xf32>,
    } else {
    }
    %eq3A_128 = arith.constant 3 : i32
    %eq3A_129 = arith.cmpi eq, %rem3A_21, %eq3A_128 : i32
    %convert_element_type3A_130 = arith.extui %eq3A_129 : i1 to i32
    %cond3A_131 = arith.constant 0 : i32
    %cond3A_132 = arith.cmpi ne, %convert_element_type3A_130, %cond3A_131 : i32
    scf.if %cond3A_132 {
      %broadcast_in_dim3A_141 = arith.constant 0.000000e+00 : f32
      %broadcast_in_dim3A_142 = vector.broadcast %broadcast_in_dim3A_141 : f32 to vector<16xf32>
      %scan3A_143 = arith.constant 0 : i32
      %scan3A_144 = arith.constant 154 : i32
      %scan3A_145 = arith.addi %scan3A_143, %scan3A_144 : i32
      %scan3A_146 = arith.constant 1 : i32
      %scan3A_147 = scf.for %scan3A_157 = %scan3A_143 to %scan3A_145 step %scan3A_146 iter_args(%scan3A_158 = %broadcast_in_dim3A_142) -> (vector<16xf32>)  : i32 {
        %mul3A_159 = arith.constant 16 : i32
        %mul3A_160 = arith.muli %scan3A_157, %mul3A_159 : i32
        %add3A_161 = arith.constant 7536 : i32
        %add3A_162 = arith.addi %add3A_161, %mul3A_160 : i32
        %get3A_163 = arith.index_cast %add3A_162 : i32 to index
        %get3A_164 = tpu.vector_load %arg10[%get3A_163] {strides = array<i32>} : memref<10000xf32, #tpu.memory_space<vmem>>, vector<16xf32>,
        %sub3A_165 = arith.constant 0.949999988 : f32
        %sub3A_166 = vector.broadcast %sub3A_165 : f32 to vector<16xf32>
        %sub3A_167 = arith.subf %sub3A_166, %get3A_164 : vector<16xf32>
        %max3A = arith.constant 0.000000e+00 : f32
        %max3A_168 = vector.broadcast %max3A : f32 to vector<16xf32>
        %max3A_169 = arith.maximumf %sub3A_167, %max3A_168 : vector<16xf32>
        %sub3A_170 = arith.constant 1.050000e+00 : f32
        %sub3A_171 = vector.broadcast %sub3A_170 : f32 to vector<16xf32>
        %sub3A_172 = arith.subf %get3A_164, %sub3A_171 : vector<16xf32>
        %max3A_173 = arith.constant 0.000000e+00 : f32
        %max3A_174 = vector.broadcast %max3A_173 : f32 to vector<16xf32>
        %max3A_175 = arith.maximumf %sub3A_172, %max3A_174 : vector<16xf32>
        %mul3A_176 = arith.mulf %max3A_169, %max3A_169 : vector<16xf32>
        %add3A_177 = arith.addf %scan3A_158, %mul3A_176 : vector<16xf32>
        %mul3A_178 = arith.mulf %max3A_175, %max3A_175 : vector<16xf32>
        %add3A_179 = arith.addf %add3A_177, %mul3A_178 : vector<16xf32>
        scf.yield %add3A_179 : vector<16xf32>
      }
      %scan3A_148 = arith.constant 154 : i32
      %get3A_149 = arith.constant 0 : index
      %get3A_150 = tpu.vector_load %arg27[%get3A_149] {strides = array<i32>} : memref<16xf32, #tpu.memory_space<vmem>>, vector<16xf32>,
      %mul3A_151 = arith.constant 1.000000e-01 : f32
      %mul3A_152 = vector.broadcast %mul3A_151 : f32 to vector<16xf32>
      %mul3A_153 = arith.mulf %mul3A_152, %scan3A_147 : vector<16xf32>
      %add3A_154 = arith.addf %get3A_150, %mul3A_153 : vector<16xf32>
      %swap3A_155 = arith.constant 0 : index
      %swap3A_156 = tpu.vector_load %arg27[%swap3A_155] {strides = array<i32>} : memref<16xf32, #tpu.memory_space<vmem>>, vector<16xf32>,
      tpu.vector_store %arg27[%swap3A_155], %add3A_154 {strides = array<i32>} : memref<16xf32, #tpu.memory_space<vmem>>, vector<16xf32>,
    } else {
    }
    %get3A = arith.constant 0 : index
    %get3A_133 = tpu.vector_load %arg27[%get3A] {strides = array<i32>} : memref<16xf32, #tpu.memory_space<vmem>>, vector<16xf32>,
    %mul3A_134 = arith.constant 1.250000e+00 : f32
    %mul3A_135 = vector.broadcast %mul3A_134 : f32 to vector<16xf32>
    %mul3A_136 = arith.mulf %get3A_133, %mul3A_135 : vector<16xf32>
    %swap3A_137 = arith.constant 0 : index
    %swap3A_138 = tpu.vector_load %arg27[%swap3A_137] {strides = array<i32>} : memref<16xf32, #tpu.memory_space<vmem>>, vector<16xf32>,
    tpu.vector_store %arg27[%swap3A_137], %mul3A_136 {strides = array<i32>} : memref<16xf32, #tpu.memory_space<vmem>>, vector<16xf32>,
    %mul3A_139 = arith.constant 16 : i32
    %mul3A_140 = arith.muli %add3A, %mul3A_139 : i32
    "tpu.region"() ({
      %run_scoped3A = tpu.sem_alloc : memref<!tpu.dma_semaphore, #tpu.memory_space<semaphore_mem>>
      %dma_start3A_141 = tpu.memref_slice %arg9[%mul3A_140] : memref<512xf32, #tpu.memory_space<hbm>> -> memref<16xf32, #tpu.memory_space<hbm>>
      %dma_start3A_142 = tpu.memref_slice %arg9[%mul3A_140] : memref<512xf32, #tpu.memory_space<hbm>> -> memref<16xf32, #tpu.memory_space<hbm>>
      tpu.enqueue_dma source(%arg27 : memref<16xf32, #tpu.memory_space<vmem>>) target(%dma_start3A_142 : memref<16xf32, #tpu.memory_space<hbm>>) target_semaphore(%run_scoped3A : memref<!tpu.dma_semaphore, #tpu.memory_space<semaphore_mem>>)
      %dma_wait3A = tpu.memref_slice %arg9[%mul3A_140] : memref<512xf32, #tpu.memory_space<hbm>> -> memref<16xf32, #tpu.memory_space<hbm>>
      %dma_wait3A_143 = tpu.memref_slice %arg9[%mul3A_140] : memref<512xf32, #tpu.memory_space<hbm>> -> memref<16xf32, #tpu.memory_space<hbm>>
      tpu.wait_dma2 semaphore(%run_scoped3A : memref<!tpu.dma_semaphore, #tpu.memory_space<semaphore_mem>>) src(%arg27 : memref<16xf32, #tpu.memory_space<vmem>>) dst(%dma_wait3A_143 : memref<16xf32, #tpu.memory_space<hbm>>)
      tpu.yield
    }) : () -> ()
    return
  }
}

</mosaic_0001>

<sc_bundles>
// kernel: kernel.3.cloned.1.call-start
scs
__scs_entry_jumppad:
0x0: {  	(pc) =	sbr.rel $0x88, $3  }
0x1: {  	(tag) =	ssettag $0x0;
	lr =	simm.s32 $0x1  }
0x2: {  	[smem:$0x3F9A] =	sst lr;
	_ =	strace $0xD0000000  }
0x3: {  	_ = 	snop  }
0x4: {  	_ = 	snop  }
0x5: {  	_ = 	snop  }
0x6: {  	_ = 	snop  }
0x7: {  	_ = 	snop  }
__scs_overlays_trampoline_lowered:
0x8: {  	[smem:$0x3FA9] =	sst s0  }
0x9: {  	[smem:$0x3FAA] =	sst s1  }
0xa: {  	[smem:$0x3FAB] =	sst s2  }
0xb: {  	[smem:$0x3FAC] =	sst s3  }
0xc: {  	[smem:$0x3FAD] =	sst s4  }
0xd: {  	[smem:$0x3FAE] =	sst s5  }
0xe: {  	[smem:$0x3FAF] =	sst s6  }
0xf: {  	[smem:$0x3FB0] =	sst s7  }
0x10: {  	[smem:$0x3FB1] =	sst s8  }
0x11: {  	[smem:$0x3FB2] =	sst s9;
	s0 =	simm.s32 @!p0 $0x0  }
0x12: {  	s1 =	sld [smem:$0x3F98];
	s0 =	simm.s32 @p0 $0x1  }
0x13: {  	[smem:$0x3FB3] =	sst s0;
	s0 =	simm.s32 @!p1 $0x0  }
0x14: {  	s2 =	sld [smem:$0x3F97];
	s0 =	simm.s32 @p1 $0x1  }
0x15: {  	[smem:$0x3FB4] =	sst s0;
	s0 =	simm.s32 @!p2 $0x0  }
0x16: {  	s3 =	sld [smem:$0x3FDB];
	s0 =	simm.s32 @p2 $0x1  }
0x17: {  	s4 =	simm.s32 $0x1BF5;
	[smem:$0x3FB6] =	sst s0  }
0x18: {  	s0 =	sld [smem:$0x3F99];
	_ =	swait.ge [sflag:s4], $0x0  }
0x19: {  	s7 =	sld [smem:$0x3F9A]  }
0x1a: {  	s8 =	sadd.s32 $0xFFFFE003, lr  }
0x1b: {  	s9 =	sadd.s32 $0xFFFFFEF7, lr;
	s5 =	simm.s32 $0xFFFFFFFF;
	p2 =	slt.u32 s8, $0xFFFFF086  }
0x1c: {  	p1 =	slt.u32 s9, $0xF7A;
	s5 =	simm.s32 @!p2 $0x0  }
0x1d: {  	s5 =	simm.s32 @p1 $0x1;
	p0 =	seq.s32 s7, s2  }
0x1e: {  	s7 =	smul.u32 @!p0 $0xF7A, s2;
	p2 =	seq.s32 @!p0 s5, $0x0  }
0x1f: {  	s9 =	smul.u32 $0xF7A, s1;
	s8 =	simm.s32 @!p0 $0x1BF5;
	p2 =	por !p2, p0  }
0x20: {  	[sflag:s8] =	ssyncset.s32 @!p0 $0xFFFFF086;
	s6 =	sadd.s32 @!p0 s3, s7;
	s7 =	simm.s32 @!p0 $0x108  }
0x21: {  	s3 =	sadd.s32 s3, s9;
	s6 =	sadd.s32 @!p0 $0x88, s6;
	s7 =	simm.s32 @p2 $0x1082  }
0x22: {  	[simem:s7], [sflag:s8] =	dma.local @!p0 [hbm:s6], $0xF7A  }
0x23: {  	s9 =	sor.u32 $0xD0000000, s2;
	s6 =	simm.s32 $0x108;
	_ =	swait.ge @!p0 [sflag:s8], $0x0  }
0x24: {  	s3 =	sadd.s32 $0x88, s3;
	s6 =	simm.s32 @!p1 $0x1082;
	[sflag:s4] =	ssyncset.s32 $0xFFFFF086  }
0x25: {  	[simem:s6], [sflag:s4] =	dma.local [hbm:s3], $0xF7A  }
0x26: {  	[smem:$0x3F9A] =	sst s1;
	(tag) =	ssettag s2;
	_ =	strace s9  }
0x27: {  	s1 =	sld [smem:$0x3FAA]  }
0x28: {  	s2 =	sld [smem:$0x3FAB]  }
0x29: {  	s4 =	sld [smem:$0x3FAD]  }
0x2a: {  	p0 =	seq.s32 s5, $0x0;
	s5 =	sld [smem:$0x3FAE]  }
0x2b: {  	s6 =	sld [smem:$0x3FAF]  }
0x2c: {  	s7 =	sld [smem:$0x3FB0]  }
0x2d: {  	s3 =	simm.s32 $0x108;
	s8 =	sld [smem:$0x3FB1]  }
0x2e: {  	s3 =	simm.s32 @!p0 $0x1082;
	s9 =	sld [smem:$0x3FB2]  }
0x2f: {  	lr =	sadd.s32 s0, s3;
	s0 =	sld [smem:$0x3FA9]  }
0x30: {  	s3 =	sld [smem:$0x3FAC]  }
0x31: {  	[smem:$0x3FB5] =	sst s10  }
0x32: {  	s10 =	sld [smem:$0x3FB3];
	_ =	sdelay $0x3  }
0x33: {  	p0 =	seq.s32 s10, $0x1;
	s10 =	sld [smem:$0x3FB5];
	_ =	sdelay $0x3  }
0x34: {  	[smem:$0x3FB5] =	sst s10  }
0x35: {  	s10 =	sld [smem:$0x3FB4];
	_ =	sdelay $0x3  }
0x36: {  	p1 =	seq.s32 s10, $0x1;
	s10 =	sld [smem:$0x3FB5];
	_ =	sdelay $0x3  }
0x37: {  	[smem:$0x3FB5] =	sst s10  }
0x38: {  	s10 =	sld [smem:$0x3FB6]  }
0x39: {  	_ = 	snop;
	(pc) =	sbr.ind lr, $3  }
0x3a: {  	_ = 	snop  }
0x3b: {  	_ = 	snop  }
0x3c: {  	p2 =	seq.s32 s10, $0x1;
	s10 =	sld [smem:$0x3FB5]  }
0x3d: {  	_ =	shalt  }
0x3e: {  	_ =	shalt  }
0x3f: {  	_ =	shalt  }
0x40: {  	_ =	shalt  }
0x41: {  	_ =	shalt  }
0x42: {  	_ =	shalt  }
0x43: {  	_ =	shalt  }
0x44: {  	_ =	shalt  }
0x45: {  	_ =	shalt  }
0x46: {  	_ =	shalt  }
0x47: {  	_ =	shalt  }
0x48: {  	_ =	shalt  }
0x49: {  	_ =	shalt  }
0x4a: {  	_ =	shalt  }
0x4b: {  	_ =	shalt  }
0x4c: {  	_ =	shalt  }
0x4d: {  	_ =	shalt  }
0x4e: {  	_ =	shalt  }
0x4f: {  	_ =	shalt  }
0x50: {  	_ =	shalt  }
0x51: {  	_ =	shalt  }
0x52: {  	_ =	shalt  }
0x53: {  	_ =	shalt  }
0x54: {  	_ =	shalt  }
0x55: {  	_ =	shalt  }
0x56: {  	_ =	shalt  }
0x57: {  	_ =	shalt  }
0x58: {  	_ =	shalt  }
0x59: {  	_ =	shalt  }
0x5a: {  	_ =	shalt  }
0x5b: {  	_ =	shalt  }
0x5c: {  	_ =	shalt  }
0x5d: {  	_ =	shalt  }
0x5e: {  	_ =	shalt  }
0x5f: {  	_ =	shalt  }
0x60: {  	_ =	shalt  }
0x61: {  	_ =	shalt  }
0x62: {  	_ =	shalt  }
0x63: {  	_ =	shalt  }
0x64: {  	_ =	shalt  }
0x65: {  	_ =	shalt  }
0x66: {  	_ =	shalt  }
0x67: {  	_ =	shalt  }
0x68: {  	_ =	shalt  }
0x69: {  	_ =	shalt  }
0x6a: {  	_ =	shalt  }
0x6b: {  	_ =	shalt  }
0x6c: {  	_ =	shalt  }
0x6d: {  	_ =	shalt  }
0x6e: {  	_ =	shalt  }
0x6f: {  	_ =	shalt  }
0x70: {  	_ =	shalt  }
0x71: {  	_ =	shalt  }
0x72: {  	_ =	shalt  }
0x73: {  	_ =	shalt  }
0x74: {  	_ =	shalt  }
0x75: {  	_ =	shalt  }
0x76: {  	_ =	shalt  }
0x77: {  	_ =	shalt  }
0x78: {  	_ =	shalt  }
0x79: {  	_ =	shalt  }
0x7a: {  	_ =	shalt  }
0x7b: {  	_ =	shalt  }
0x7c: {  	_ =	shalt  }
0x7d: {  	_ =	shalt  }
0x7e: {  	_ =	shalt  }
0x7f: {  	_ =	shalt  }
0x80: {  	_ =	shalt  }
0x81: {  	_ =	shalt  }
0x82: {  	_ =	shalt  }
0x83: {  	_ =	shalt  }
0x84: {  	_ =	shalt  }
0x85: {  	_ =	shalt  }
0x86: {  	_ =	shalt  }
0x87: {  	_ =	shalt  }
.Lfunc_end0:
.L_simem_size_0:
called_computation_lowered:
.L_overlay_start_0:
0x88: {  	s2 =	sld [smem:$0x3FD9]  }
0x89: {  	s3 =	sld [smem:$0x3FFE];
	_ =	sdelay $0x1  }
0x8a: {  	s1 =	srdreg.scid  }
0x8b: {  	s0 =	sand.u32 $0x1, s1  }
0x8c: {  	s14 =	sshll.u32 s0, $0xA;
	s2 =	sadd.s32 s3, s2  }
0x8d: {  	s2 =	sadd.s32 s2, s14  }
0x8e: {  	[smem:$0x3FC1] =	sst s2  }
0x8f: {  	_ = 	snop  }
0x90: {  	s2 =	sld [smem:$0x3FD0];
	_ =	sdelay $0x2  }
0x91: {  	s15 =	simm.s32 $0xA;
	s4 =	simm.s32 $0x10  }
0x92: {  	[smem:s4], [sflag:s15] =	dma.local [hbm:s2], $0x1  }
0x93: {  	_ =	swait.eq [sflag:s15], $0x1  }
0x94: {  	[sflag:s15] =	ssyncset.done $0x0  }
0x95: {  	s16 =	sld [smem:$0x10];
	[sflag:s15] =	ssyncadd.s32 $0xFFFFFFFF  }
0x96: {  	s17 =	sld [smem:$0x11];
	(tm) =	ssettm $0x1  }
0x97: {  	s18 =	sld [smem:$0x3FFB];
	_ =	sdelay $0x3  }
0x98: {  	_ =	strace s18  }
0x99: {  	s4 =	sld [smem:$0x3FFC];
	_ =	sdelay $0x3  }
0x9a: {  	_ =	strace s4  }
0x9b: {  	s4 =	sld [smem:$0x3FFD];
	_ =	sdelay $0x3  }
0x9c: {  	_ =	strace s4  }
0x9d: {  	_ =	strace $0x8FFFFFFF  }
0x9e: {  	s19 =	sld [smem:$0x3FDB];
	_ =	sdelay $0x1  }
0x9f: {  	s5 =	simm.s32 $_scs_section_size  }
0xa0: {  	s6 =	simm.s32 $_size__tile_overlayer_lowered;
	s7 =	simm.s32 $_tile_overlayer_lowered  }
0xa1: {  	s22 =	simm.s32 $0x1BFF;
	s21 =	sshll.u32 s7, $0x1;
	s4 =	sadd.s32 s5, s19  }
0xa2: {  	s8 =	simm.s32 $0x0;
	s20 =	sshll.u32 s6, $0x1;
	s6 =	sadd.s32 s21, s4  }
0xa3: {  	[timem:s8], [sflag:s22] =	dma.local [hbm:s6], s20  }
0xa4: {  	_ =	swait.ge [sflag:s22], s20  }
0xa5: {  	s5 =	ssub.s32 $0x0, s20;
	[sflag:s22] =	ssyncset.done $0x0  }
0xa6: {  	[sflag:s22] =	ssyncadd.s32 s5;
	_ =	sdelay $0x1  }
0xa7: {  	s23 =	simm.s32 $0x1B8B  }
0xa8: {  	_ =	swait.ge [sflag:s23], $0x1  }
0xa9: {  	[sflag:s23] =	ssyncset.done $0x0  }
0xaa: {  	s25 =	simm.s32 $0x1B8E;
	s24 =	sld [smem:$0x3FFE];
	[sflag:s23] =	ssyncadd.s32 $0xFFFFFFFF  }
0xab: {  	s26 =	simm.s32 $execute0_lowered;
	[smem:$0x3FD2] =	sst s25  }
0xac: {  	s6 =	sshll.u32 s26, $0x1;
	_ =	strace $0x80000046;
	[dreg:$0x1] =	wrdreg $0xFFFFFFFF  }
0xad: {  	s28 =	simm.s32 $_size_execute0_lowered;
	s4 =	sadd.s32 s4, s6;
	[dreg:$0x0] =	wrdreg $0x0  }
0xae: {  	s6 =	sshll.u32 s28, $0x1;
	[dreg:$0x2] =	wrdreg s4  }
0xaf: {  	[dreg:$0x3] =	wrdreg s6  }
0xb0: {  	[dreg:$0x4] =	wrdreg $0xC0  }
0xb1: {  	_ =	task [dreg:s8], $0x5FFFF  }
0xb2: {  	[dreg:$0x1] =	wrdreg $0xFFFFFFFF  }
0xb3: {  	[dreg:$0x0] =	wrdreg $0x60  }
0xb4: {  	[dreg:$0x2] =	wrdreg s17  }
0xb5: {  	[dreg:$0x3] =	wrdreg s16  }
0xb6: {  	[dreg:$0x4] =	wrdreg s24  }
0xb7: {  	[dreg:$0x5] =	wrdreg $0x150800  }
0xb8: {  	[dreg:$0x6] =	wrdreg $0x9  }
0xb9: {  	_ =	task.clear_ibuf [dreg:s8], $0x7FFFF;
	_ =	strace $0x90000046  }
0xba: {  	s29 =	simm.s32 $0x9;
	_ =	strace $0x80000048  }
0xbb: {  	_ =	swait.ge [sflag:s29], $0x1  }
0xbc: {  	[sflag:s29] =	ssyncadd.s32 $0xFFFFFFFF  }
0xbd: {  	_ =	strace $0x90000048  }
0xbe: {  	_ =	sfence  }
0xbf: {  	s30 =	sld [smem:$0x0];
	_ =	sdelay $0x2  }
0xc0: {  	s31 =	sshll.u32 s1, $0xD;
	s1 =	sshrl.u32 s1, $0x2  }
0xc1: {  	s3 =	sand.u32 $0x4000, s31;
	s1 =	sadd.s32 s1, s30  }
0xc2: {  	s0 =	sor.u32 s3, s0;
	s1 =	sshll.u32 s1, $0x11  }
0xc3: {  	s0 =	sor.u32 s1, s0  }
0xc4: {  	s0 =	sadd.s32 $0x8F2B, s0  }
0xc5: {  	[sflag:s0] =	ssyncadd.remote.s32 $0x1  }
0xc6: {  	_ =	sfence.sel $0xFFFF  }
0xc7: {  	[dreg:$0x0] =	wrdreg $0xFFFFFFFF;
	(pc) =	sbr.abs _section_cstart, $3  }
0xc8: {  	[dreg:$0x1] =	wrdreg $0xFFFFFFFF  }
0xc9: {  	_ =	task.clear_ibuf [dreg:s8], $0x2FFFF;
	_ =	strace $0x9FFFFFFF  }
0xca: {  	(tm) =	ssettm $0x7FFFFFFF  }
0xcb: {  	_ =	shalt  }
tec
execute0_lowered:
.L_overlay_start_1:
0x0: {  	(tag) =	ssettag $0x1  }
0x1: {  	s0 =	rddreg [dreg:$0x0]  }
0x2: {  	s2 =	rddreg [dreg:$0x1]  }
0x3: {  	s7 =	rddreg [dreg:$0x2]  }
0x4: {  	s8 =	rddreg [dreg:$0x3];
	s1 =	simm.s32 $0x0;
	s4 =	srdreg.scid  }
0x5: {  	s18 =	stileid.u32;
	s31 =	simm.s32 $0x4F00;
	[smem:$0x7FF] =	sst s1  }
0x6: {  	s11 =	sand.u32 $0x1, s4;
	s10 =	sshrl.u32 s18, $0x2;
	s12 =	sand.u32 $0x3, s18  }
0x7: {  	s16 =	sshll.u32 s18, $0x1;
	s18 =	smul.u32 $0x9C40, s18;
	s4 =	sshll.u32 s11, $0x2  }
0x8: {  	s9 =	sadd.s32 $0x160C00, s7;
	s14 =	sor.u32 s10, s4;
	s10 =	smul.u32 $0x27100, s10  }
0x9: {  	s3 =	sadd.s32 $0x1200, s7;
	s13 =	sadd.s32 $0x163400, s7;
	s15 =	smul.u32 $0x9C400, s14  }
0xa: {  	_ =	strace $0x80000047;
	s17 =	ssub.s32 $0x2, s11;
	s14 =	smul.u32 $0x2710, s14  }
0xb: {  	p0 =	sgt.s32 s12, $0x1;
	p1 =	seq.s32 s12, $0x0;
	s21 =	sshrl.u32 s10, $0x2  }
0xc: {  	s20 =	sshrl.u32 s18, $0x2;
	s14 =	sshrl.u32 s14, $0x3;
	s18 =	sadd.s32 s21, s8  }
0xd: {  	p2 =	seq.s32 s12, $0x2;
	s0 =	sadd.s32 s0, s14;
	[dreg:$0x7] =	wrdreg s18  }
0xe: {  	s19 =	sadd.s32 s2, s14;
	s22 =	sadd.s32 s9, s14;
	[dreg:$0x5] =	wrdreg s0  }
0xf: {  	s23 =	sadd.s32 $0x13A, s14;
	s24 =	sadd.s32 $0x274, s14;
	[dreg:$0x6] =	wrdreg s19  }
0x10: {  	s25 =	sadd.s32 $0x3AE, s14;
	s14 =	sadd.s32 s13, s14;
	[dreg:$0x8] =	wrdreg s22  }
0x11: {  	s10 =	sadd.s32 s20, s8;
	s8 =	sadd.s32 $0x4E20, s18;
	[dreg:$0xc] =	wrdreg s14  }
0x12: {  	s4 =	smul.u32 $0x27100, s12;
	s12 =	sadd.s32 $0x30E0, s18;
	[dreg:$0x15] =	wrdreg s8  }
0x13: {  	s26 =	sshrl.u32 s17, $0x1;
	s19 =	sadd.s32 s9, s23;
	[dreg:$0x18] =	wrdreg s12  }
0x14: {  	s17 =	ssub.s32 s17, s26;
	s26 =	sadd.s32 s9, s24;
	[dreg:$0x9] =	wrdreg s19  }
0x15: {  	s5 =	sadd.s32 $0x9D600, s7;
	s9 =	sadd.s32 s9, s25;
	[dreg:$0xa] =	wrdreg s26  }
0x16: {  	s6 =	sadd.s32 $0x139A00, s7;
	s0 =	sadd.s32 s13, s23;
	[dreg:$0xb] =	wrdreg s9  }
0x17: {  	s16 =	sadd.s32 s16, s7;
	s20 =	sadd.s32 s13, s25;
	[dreg:$0xd] =	wrdreg s0  }
0x18: {  	s22 =	sshll.u32 s11, $0x5;
	s11 =	sadd.s32 $0x9D0, s18;
	[dreg:$0xf] =	wrdreg s20  }
0x19: {  	s7 =	sadd.s32 s4, s15;
	s14 =	sadd.s32 $0x7F00, s18;
	[dreg:$0x17] =	wrdreg s11  }
0x1a: {  	s21 =	sshrl.u32 s7, $0x3;
	s19 =	sadd.s32 s13, s24;
	[dreg:$0x1a] =	wrdreg s14  }
0x1b: {  	s15 =	sshrl.u32 s4, $0x3;
	s24 =	sadd.s32 s3, s21;
	[dreg:$0xe] =	wrdreg s19  }
0x1c: {  	s23 =	sadd.s32 $0x1F4, s21;
	s0 =	sadd.s32 s5, s21;
	[dreg:$0x10] =	wrdreg s24  }
0x1d: {  	s20 =	sadd.s32 s6, s15;
	s25 =	sadd.s32 s3, s23;
	[dreg:$0x11] =	wrdreg s0  }
0x1e: {  	s2 =	sadd.s32 s22, s16;
	s26 =	sadd.s32 s5, s23;
	[dreg:$0x12] =	wrdreg s25  }
0x1f: {  	s9 =	sadd.s32 $0x7530, s18;
	s13 =	sadd.s32 $0x57F0, s18;
	[dreg:$0x13] =	wrdreg s26  }
0x20: {  	s15 =	sadd.s32 $0x13A0, s18;
	s16 =	sadd.s32 $0x3AB0, s18;
	[dreg:$0x16] =	wrdreg s9  }
0x21: {  	s21 =	sadd.s32 $0x1D70, s18;
	s22 =	sadd.s32 $0x4480, s18;
	[dreg:$0x19] =	wrdreg s13  }
0x22: {  	s23 =	sadd.s32 $0x6B90, s18;
	s14 =	simm.s32 $0xEE00;
	[dreg:$0x1b] =	wrdreg s15  }
0x23: {  	s11 =	simm.s32 $0x0;
	s25 =	sadd.s32 $0x165C00, s2;
	[dreg:$0x1c] =	wrdreg s16  }
0x24: {  	s26 =	smax.u32 s17, $0x1;
	s28 =	sadd.s32 $0x13880, s20;
	[dreg:$0x1f] =	wrdreg s21  }
0x25: {  	s29 =	sadd.s32 $0x1F4, s20;
	s30 =	sadd.s32 $0x13A74, s20;
	[smem:$0x7FB] =	sst s22  }
0x26: {  	s2 =	sadd.s32 $0x2710, s18;
	s17 =	sadd.s32 $0x61C0, s18;
	[smem:$0x7FC] =	sst s23  }
.Ltmp0:
0x27: {  	s19 =	sadd.s32 $0x88D0, s18;
	[dreg:$0x14] =	wrdreg s2;
	(pc) =	sbr.rel .LBB2_1-.Ltmp0, $4  }
0x28: {  	s24 =	sadd.s32 $0x92A0, s18;
	s13 =	simm.s32 $0xDE00;
	[dreg:$0x1d] =	wrdreg s17  }
0x29: {  	s15 =	simm.s32 $0xFE00;
	s16 =	simm.s32 $0x10E00;
	[dreg:$0x1e] =	wrdreg s19  }
0x2a: {  	s18 =	simm.s32 $0x2780;
	s0 =	simm.s32 $0x7680;
	[smem:$0x7FD] =	sst s24  }
0x2b: {  	v9 =	vimm.f32 $0.0e+00;
	s17 =	simm.s32 $0x3;
	s19 =	simm.s32 $0x1;
	s2 =	simm.s32 $0x2  }
.LBB2_48:
0x2c: {  	v1 =	vld [tilespmem:$0x15000];
	_ =	sdelay $0x2  }
0x2d: {  	v0 =	vmul.f32 $1.000000010e-01, v0;
	_ =	sdelay $0x1  }
0x2e: {  	v0 =	vadd.f32 v1, v0;
	_ =	sdelay $0x1  }
0x2f: {  	s11 =	sadd.s32 $0x1, s11;
	v0 =	vmul.f32 $1.250000000e+00, v0  }
0x30: {  	p3 =	seq.s32 s11, s26  }
.Ltmp1:
0x31: {  	s8 =	simm.s32 $0x15000;
	[tilespmem:$0x15000] =	vst v0;
	(pc) =	sbr.rel @p3 .LBB2_49-.Ltmp1, $4  }
0x32: {  	[hbm4b:s25+s1] =	stream.linear.scatter [tilespmem:s8], [sflag:$0x3], $0x10, $0x38;
	[tilespmem:$0x17790] =	vst v63  }
0x33: {  	_ =	swait.ge [sflag:s17], $0x10  }
0x34: {  	[sflag:s17] =	ssyncset.done $0x0  }
0x35: {  	[sflag:s17] =	ssyncadd.s32 $0xFFFFFFF0  }
.LBB2_1:
0x36: {  	s8 =	simm.s32 $0x9E00  }
0x37: {  	[tilespmem:s8], [sflag:$0x1] =	stream.linear.gather [hbm4b:s20+s1], $0xFA0, $0x38;
	[tilespmem:$0x17790] =	vst v63  }
0x38: {  	s23 =	simm.s32 $0xAE00  }
0x39: {  	[tilespmem:s23], [sflag:$0x1] =	stream.linear.gather [hbm4b:s28+s1], $0xFA0, $0x38;
	[tilespmem:$0x17790] =	vst v63  }
0x3a: {  	s24 =	rddreg [dreg:$0x10];
	s9 =	simm.s32 $0xBE00  }
0x3b: {  	[tilespmem:s9], [sflag:$0x1] =	stream.linear.gather [hbm4b:s24+s1], $0xFA0, $0x38;
	[tilespmem:$0x17790] =	vst v63  }
0x3c: {  	s12 =	simm.s32 $0xCE00;
	s9 =	rddreg [dreg:$0x11]  }
0x3d: {  	[tilespmem:s12], [sflag:$0x1] =	stream.linear.gather [hbm4b:s9+s1], $0xFA0, $0x38;
	[tilespmem:$0x17790] =	vst v63  }
0x3e: {  	_ = 	snop  }
0x3f: {  	[tilespmem:s13], [sflag:$0x2] =	stream.linear.gather [hbm4b:s29+s1], $0xFA0, $0x38;
	[tilespmem:$0x17790] =	vst v63  }
0x40: {  	_ = 	snop  }
0x41: {  	[tilespmem:s14], [sflag:$0x2] =	stream.linear.gather [hbm4b:s30+s1], $0xFA0, $0x38;
	[tilespmem:$0x17790] =	vst v63  }
0x42: {  	s21 =	rddreg [dreg:$0x12]  }
0x43: {  	[tilespmem:s15], [sflag:$0x2] =	stream.linear.gather [hbm4b:s21+s1], $0xFA0, $0x38;
	[tilespmem:$0x17790] =	vst v63  }
0x44: {  	s22 =	rddreg [dreg:$0x13]  }
0x45: {  	[tilespmem:s16], [sflag:$0x2] =	stream.linear.gather [hbm4b:s22+s1], $0xFA0, $0x38;
	[tilespmem:$0x17790] =	vst v63  }
0x46: {  	s23 =	rddreg [dreg:$0x5]  }
0x47: {  	[tilespmem:s1], [sflag:$0x3] =	stream.linear.gather [hbm4b:s23+s1], $0x2710, $0x38;
	[tilespmem:$0x17790] =	vst v63  }
0x48: {  	_ =	swait.ge [sflag:s17], $0x2710  }
0x49: {  	[sflag:s17] =	ssyncset.done $0x0  }
0x4a: {  	s24 =	rddreg [dreg:$0x6];
	[sflag:s17] =	ssyncadd.s32 $0xFFFFD8F0  }
0x4b: {  	[tilespmem:s18], [sflag:$0x3] =	stream.linear.gather [hbm4b:s24+s1], $0x2710, $0x38;
	[tilespmem:$0x17790] =	vst v63  }
0x4c: {  	_ =	swait.ge [sflag:s17], $0x2710  }
0x4d: {  	[sflag:s17] =	ssyncset.done $0x0  }
0x4e: {  	[sflag:s17] =	ssyncadd.s32 $0xFFFFD8F0  }
0x4f: {  	s8 =	simm.s32 $0x0;
	s9 =	simm.s32 $0x7680;
	s21 =	simm.s32 $0x4F00;
	[tilespmem:s31+$0x0] =	vst v9  }
.LBB2_2:
0x50: {  	s8 =	sadd.s32 $0x10, s8  }
0x51: {  	[tilespmem:s9+$0x0] =	vst v9;
	s9 =	sadd.s32 $0x10, s9;
	s21 =	sadd.s32 $0x10, s21;
	p3 =	slt.u32 s8, $0x2700  }
.Ltmp2:
0x52: {  	(pc) =	sbr.rel @p3 .LBB2_2-.Ltmp2, $2  }
0x53: {  	_ =	sdelay $0x2  }
0x54: {  	s12 =	simm.s32 $0x0;
	[tilespmem:s21+$0x0] =	vst v9  }
0x55: {  	[tilespmem:s9+$0x0] =	vst v9  }
.LBB2_4:
0x56: {  	_ =	swait.ge [sflag:s19], $0xFA0  }
0x57: {  	[sflag:s19] =	ssyncset.done $0x0  }
0x58: {  	[sflag:s19] =	ssyncadd.s32 $0xFFFFF060  }
0x59: {  	_ =	swait.ge [sflag:s19], $0xFA0  }
0x5a: {  	[sflag:s19] =	ssyncset.done $0x0  }
0x5b: {  	[sflag:s19] =	ssyncadd.s32 $0xFFFFF060  }
0x5c: {  	_ =	swait.ge [sflag:s19], $0xFA0  }
0x5d: {  	[sflag:s19] =	ssyncset.done $0x0  }
0x5e: {  	[sflag:s19] =	ssyncadd.s32 $0xFFFFF060  }
0x5f: {  	_ =	swait.ge [sflag:s19], $0xFA0  }
0x60: {  	s8 =	simm.s32 $0x0;
	[sflag:s19] =	ssyncset.done $0x0  }
0x61: {  	s8 =	sand.u32 $0xFE0, s8;
	[sflag:s19] =	ssyncadd.s32 $0xFFFFF060  }
0x62: {  	v1 =	vld [tilespmem:s8+$0x9E80]  }
0x63: {  	v0 =	vld [tilespmem:s8+$0xAE80]  }
0x64: {  	s9 =	simm.s32 $0xA0;
	v6 =	vld [tilespmem:s8+$0xBE80]  }
0x65: {  	s23 =	sand.u32 $0xFE0, s9;
	v7 =	vld [tilespmem:s8+$0xCE80]  }
0x66: {  	v8 =	vld [tilespmem:s23+$0xBE80]  }
0x67: {  	v39 =	vld [tilespmem:s23+$0x9E80]  }
0x68: {  	v3 =	vld [tilespmem:s23+$0xAE80]  }
0x69: {  	s22 =	simm.s32 $0xAE50;
	v9 =	vld [tilespmem:s23+$0xCE80]  }
0x6a: {  	s21 =	simm.s32 $0x9E50;
	v19 =	vld [tilespmem:s22+$0x40]  }
0x6b: {  	v60 =	vld [tilespmem:s21+$0xFFFFFFB0]  }
0x6c: {  	v63 =	vld [tilespmem:s21+$0xFFFFFFC0]  }
0x6d: {  	v2 =	vld.idx.msk [tilespmem:v1+s18+$0x0], $0xffff  }
0x6e: {  	v4 =	vld.idx.msk [tilespmem:v0+s18+$0x0], $0xffff  }
0x6f: {  	s24 =	simm.s32 $0x140;
	v62 =	vld [tilespmem:s21+$0xFFFFFFD0]  }
0x70: {  	s23 =	sand.u32 $0xFE0, s24;
	v61 =	vld [tilespmem:s22+$0xFFFFFFD0]  }
0x71: {  	v24 =	vld [tilespmem:s23+$0xBE80]  }
0x72: {  	v26 =	vld [tilespmem:s23+$0xCE80]  }
0x73: {  	v10 =	vld.idx.msk [tilespmem:v1+s1+$0x0], $0xffff;
	v11 =	vsub.f32 v2, v4  }
0x74: {  	v12 =	vld.idx.msk [tilespmem:v0+s1+$0x0], $0xffff  }
0x75: {  	v2 =	vld [tilespmem:s21+$0x40];
	v13 =	vmul.f32 v11, v11  }
0x76: {  	v0 =	vld.idx.msk [tilespmem:v39+s18+$0x0], $0xffff  }
0x77: {  	v5 =	vmul.f32 v7, v7;
	v14 =	vld.idx.msk [tilespmem:v3+s18+$0x0], $0xffff;
	v4 =	vmul.f32 $2.480158760e-05, v13  }
0x78: {  	v18 =	vld.idx.msk [tilespmem:v3+s1+$0x0], $0xffff;
	v3 =	vmul.f32 v6, v6;
	v15 =	vmul.f32 $1.984127010e-04, v13  }
0x79: {  	v17 =	vld.idx.msk [tilespmem:v39+s1+$0x0], $0xffff;
	v4 =	vadd.f32 $-1.388888920e-03, v4  }
0x7a: {  	v16 =	vmul.f32 v8, v8;
	v23 =	vld.idx.msk [tilespmem:v19+s18+$0x0], $0xffff;
	v3 =	vadd.f32 v5, v3;
	v5 =	vsub.f32 $8.333333770e-03, v15  }
0x7b: {  	v20 =	vmul.f32 v9, v9;
	v15 =	vmul.f32 v4, v13;
	v4 =	vld [tilespmem:s22+$0xFFFFFFB0]  }
0x7c: {  	(erf) = vrcp.f32 v3;
	v3 =	vmul.f32 v5, v13;
	v5 =	vld [tilespmem:s22+$0xFFFFFFC0]  }
0x7d: {  	v22 =	vld.idx.msk [tilespmem:v2+s18+$0x0], $0xffff;
	[tilespmem:$0x1FDE0] =	vst v24  }
0x7e: {  	v20 =	vadd.f32 v20, v16;
	v16 =	vld [tilespmem:s21+$0xFFFFFFE0];
	[tilespmem:$0x1FDF0] =	vst v26  }
0x7f: {  	v34 =	vld [tilespmem:s22+$0xFFFFFFE0];
	_ =	sdelay $0x4  }
0x80: {  	[tilespmem:$0x1FEF0] =	vst v34  }
0x81: {  	v14 =	vsub.f32 v0, v14;
	v0 =	vld [tilespmem:s21+$0xFFFFFFF0];
	_ =	sdelay $0x4  }
0x82: {  	[tilespmem:$0x1FF30] =	vst v0  }
0x83: {  	(erf) = vrcp.f32 v20;
	v3 =	vadd.f32 $-1.666666720e-01, v3;
	v20 =	vld [tilespmem:s22+$0xFFFFFFF0];
	_ =	sdelay $0x1  }
0x84: {  	v3 =	vmul.f32 v3, v13  }
0x85: {  	v15 =	vadd.f32 $4.166666790e-02, v15  }
0x86: {  	v3 =	vadd.f32 $1.000000000e+00, v3  }
0x87: {  	v21 =	vmul.f32 v14, v14;
	v15 =	vmul.f32 v15, v13;
	[tilespmem:$0x1FF00] =	vst v20  }
0x88: {  	v11 =	vmul.f32 v3, v11;
	v3 =	vld [tilespmem:s21+$0x0]  }
0x89: {  	v25 =	vmul.f32 $2.480158760e-05, v21;
	v15 =	vadd.f32 $-5.000000000e-01, v15;
	_ =	sdelay $0x1  }
0x8a: {  	v13 =	vmul.f32 v15, v13  }
0x8b: {  	v10 =	vmul.f32 v12, v10;
	v12 =	vmul.f32 $1.984127010e-04, v21;
	v15 =	vadd.f32 $-1.388888920e-03, v25  }
0x8c: {  	v25 =	vpop (erf);
	v13 =	vadd.f32 $1.000000000e+00, v13;
	[tilespmem:$0x1FF50] =	vst v3  }
0x8d: {  	v12 =	vsub.f32 $8.333333770e-03, v12;
	v10 =	vmul.f32 v25, v10;
	v15 =	vmul.f32 v15, v21;
	v35 =	vld [tilespmem:s22+$0x0]  }
0x8e: {  	v27 =	vmul.f32 v11, v7;
	v25 =	vmul.f32 v13, v6  }
0x8f: {  	v6 =	vmul.f32 v11, v6;
	v11 =	vmul.f32 v12, v21;
	v12 =	vadd.f32 $4.166666790e-02, v15  }
0x90: {  	v24 =	vmul.f32 v24, v24;
	v23 =	vsub.f32 v22, v23  }
0x91: {  	v26 =	vmul.f32 v26, v26;
	v11 =	vadd.f32 $-1.666666720e-01, v11;
	v12 =	vmul.f32 v12, v21  }
0x92: {  	s8 =	simm.s32 $0xBE50;
	v7 =	vmul.f32 v13, v7;
	v13 =	vmul.f32 v23, v23;
	[tilespmem:$0x1FF20] =	vst v35  }
0x93: {  	s9 =	simm.s32 $0xCE50;
	v11 =	vmul.f32 v11, v21;
	v12 =	vadd.f32 $-5.000000000e-01, v12;
	v28 =	vld [tilespmem:s8+$0x40]  }
0x94: {  	v22 =	vadd.f32 v26, v24;
	v15 =	vsub.f32 v25, v27;
	v26 =	vmul.f32 $2.480158760e-05, v13;
	v25 =	vld [tilespmem:s9+$0x40]  }
0x95: {  	v11 =	vadd.f32 $1.000000000e+00, v11;
	v12 =	vmul.f32 v12, v21;
	v24 =	vld.idx.msk [tilespmem:v60+s18+$0x0], $0xffff  }
0x96: {  	v17 =	vmul.f32 v18, v17;
	(erf) = vrcp.f32 v22;
	v26 =	vadd.f32 $-1.388888920e-03, v26;
	v27 =	vld.idx.msk [tilespmem:v4+s18+$0x0], $0xffff  }
0x97: {  	v31 =	vpop (erf);
	v18 =	vmul.f32 $1.984127010e-04, v13;
	v11 =	vmul.f32 v11, v14;
	v12 =	vadd.f32 $1.000000000e+00, v12;
	v22 =	vld.idx.msk [tilespmem:v63+s18+$0x0], $0xffff  }
0x98: {  	v6 =	vadd.f32 v7, v6;
	v26 =	vmul.f32 v26, v13;
	v14 =	vmul.f32 v31, v17;
	v29 =	vld.idx.msk [tilespmem:v5+s18+$0x0], $0xffff  }
0x99: {  	v18 =	vsub.f32 $8.333333770e-03, v18;
	v7 =	vmul.f32 v12, v8;
	v31 =	vmul.f32 v11, v9;
	v30 =	vld.idx.msk [tilespmem:v62+s18+$0x0], $0xffff  }
0x9a: {  	v33 =	vld.idx.msk [tilespmem:v2+s1+$0x0], $0xffff;
	v21 =	vmul.f32 v28, v28;
	v32 =	vmul.f32 v25, v25  }
0x9b: {  	v18 =	vmul.f32 v18, v13;
	v8 =	vmul.f32 v11, v8;
	v7 =	vsub.f32 v7, v31;
	v17 =	vld.idx.msk [tilespmem:v19+s1+$0x0], $0xffff  }
0x9c: {  	v9 =	vmul.f32 v12, v9;
	v58 =	vld.idx.msk [tilespmem:v16+s18+$0x0], $0xffff;
	v19 =	vadd.f32 v32, v21;
	v21 =	vadd.f32 $4.166666790e-02, v26  }
0x9d: {  	v15 =	vmul.f32 v15, v10;
	v18 =	vadd.f32 $-1.666666720e-01, v18;
	v12 =	vld.idx.msk [tilespmem:v0+s18+$0x0], $0xffff  }
0x9e: {  	v0 =	vmul.f32 v7, v14;
	v7 =	vadd.f32 v9, v8;
	v26 =	vld.idx.msk [tilespmem:v61+s18+$0x0], $0xffff;
	v21 =	vmul.f32 v21, v13  }
0x9f: {  	(erf) = vrcp.f32 v19;
	v19 =	vld.idx.msk [tilespmem:v34+s18+$0x0], $0xffff;
	v34 =	vmul.f32 v6, v10  }
0xa0: {  	v10 =	vmul.f32 v18, v13;
	v18 =	vld.idx.msk [tilespmem:v20+s18+$0x0], $0xffff;
	[tilespmem:$0x1FEB0] =	vst v0;
	v0 =	vmul.f32 v7, v14  }
0xa1: {  	v8 =	vld.idx.msk [tilespmem:v3+s18+$0x0], $0xffff;
	v11 =	vadd.f32 $-5.000000000e-01, v21  }
0xa2: {  	v22 =	vsub.f32 v22, v29;
	v31 =	vld.idx.msk [tilespmem:v35+s18+$0x0], $0xffff;
	[tilespmem:$0x1FEC0] =	vst v0  }
0xa3: {  	v9 =	vadd.f32 $1.000000000e+00, v10;
	v7 =	vld [tilespmem:s8+$0xFFFFFFB0];
	v10 =	vmul.f32 v11, v13  }
0xa4: {  	v43 =	vmul.f32 v22, v22;
	v3 =	vld [tilespmem:s9+$0xFFFFFFB0];
	v13 =	vpop (erf)  }
0xa5: {  	v40 =	vld [tilespmem:s8+$0xFFFFFFC0];
	v14 =	vmul.f32 v9, v23;
	[tilespmem:$0x1FE00] =	vst v13;
	v10 =	vadd.f32 $1.000000000e+00, v10  }
0xa6: {  	v44 =	vmul.f32 $2.480158760e-05, v43;
	v13 =	vld [tilespmem:s9+$0xFFFFFFC0]  }
0xa7: {  	v21 =	vsub.f32 v24, v27;
	v29 =	vmul.f32 v14, v25;
	v41 =	vld [tilespmem:s8+$0xFFFFFFD0];
	v27 =	vmul.f32 v10, v28  }
0xa8: {  	v17 =	vmul.f32 v17, v33;
	v44 =	vadd.f32 $-1.388888920e-03, v44;
	v23 =	vsub.f32 v30, v26;
	v42 =	vld [tilespmem:s8+$0xFFFFFFF0]  }
0xa9: {  	v11 =	vmul.f32 v21, v21;
	v24 =	vsub.f32 v58, v19;
	v19 =	vsub.f32 v27, v29;
	v27 =	vld [tilespmem:s9+$0x0]  }
0xaa: {  	v26 =	vmul.f32 v14, v28;
	v6 =	vld [tilespmem:s9+$0xFFFFFFF0];
	v10 =	vmul.f32 v10, v25  }
0xab: {  	v44 =	vmul.f32 v44, v43;
	v45 =	vmul.f32 v23, v23;
	v25 =	vsub.f32 v12, v18;
	v18 =	vld [tilespmem:s9+$0xFFFFFFE0];
	v14 =	vpop (erf)  }
0xac: {  	v36 =	vmul.f32 $2.480158760e-05, v11;
	v28 =	vmul.f32 v14, v17;
	v14 =	vld [tilespmem:s9+$0xFFFFFFD0];
	v10 =	vadd.f32 v10, v26  }
0xad: {  	v46 =	vmul.f32 v24, v24;
	v12 =	vmul.f32 $2.480158760e-05, v45;
	v17 =	vld [tilespmem:s8+$0xFFFFFFE0]  }
0xae: {  	v44 =	vadd.f32 $4.166666790e-02, v44;
	v38 =	vmul.f32 v19, v28;
	v37 =	vmul.f32 v10, v28;
	v28 =	vld [tilespmem:s8+$0x0];
	[tilespmem:$0x1FF40] =	vst v27  }
0xaf: {  	v59 =	vmul.f32 v3, v3;
	v48 =	vmul.f32 v40, v40;
	v9 =	vld [tilespmem:s8+$0x10]  }
0xb0: {  	v56 =	vmul.f32 $1.984127010e-04, v45;
	v44 =	vmul.f32 v44, v43  }
0xb1: {  	v35 =	vsub.f32 v8, v31;
	v47 =	vmul.f32 v25, v25;
	v26 =	vmul.f32 v7, v7  }
0xb2: {  	v12 =	vadd.f32 $-1.388888920e-03, v12;
	v49 =	vmul.f32 v13, v13;
	v50 =	vmul.f32 v41, v41  }
0xb3: {  	v53 =	vmul.f32 v42, v42;
	v54 =	vmul.f32 v6, v6;
	v26 =	vadd.f32 v59, v26  }
0xb4: {  	v36 =	vadd.f32 $-1.388888920e-03, v36;
	v10 =	vmul.f32 $2.480158760e-05, v46;
	v12 =	vmul.f32 v12, v45;
	[tilespmem:$0x1FF60] =	vst v9  }
0xb5: {  	v52 =	vmul.f32 v18, v18;
	v48 =	vadd.f32 v49, v48;
	(erf) = vrcp.f32 v26;
	v32 =	vld [tilespmem:s9+$0x10]  }
0xb6: {  	v10 =	vadd.f32 $-1.388888920e-03, v10;
	v51 =	vmul.f32 v14, v14;
	v8 =	vmul.f32 v17, v17  }
0xb7: {  	v12 =	vadd.f32 $4.166666790e-02, v12;
	v58 =	vmul.f32 v27, v27;
	(erf) = vrcp.f32 v48;
	v20 =	vld [tilespmem:s8+$0x20]  }
0xb8: {  	v44 =	vadd.f32 $-5.000000000e-01, v44;
	v10 =	vmul.f32 v10, v46;
	v57 =	vmul.f32 v28, v28;
	v0 =	vld [tilespmem:s9+$0x20]  }
0xb9: {  	v12 =	vmul.f32 v12, v45;
	v50 =	vadd.f32 v51, v50;
	v8 =	vadd.f32 v52, v8;
	v19 =	vld [tilespmem:s21+$0x10]  }
0xba: {  	v49 =	vadd.f32 v58, v57;
	v59 =	vmul.f32 v9, v9;
	v27 =	vld [tilespmem:s21+$0x20];
	v57 =	vmul.f32 v32, v32  }
0xbb: {  	v33 =	vmovc v18;
	v52 =	vadd.f32 v54, v53;
	v53 =	vmul.f32 $1.984127010e-04, v11;
	v10 =	vadd.f32 $4.166666790e-02, v10;
	v18 =	vld [tilespmem:s22+$0x10]  }
0xbc: {  	(erf) = vrcp.f32 v50;
	v48 =	vadd.f32 v57, v59;
	v59 =	vmul.f32 v36, v11;
	v36 =	vld [tilespmem:s22+$0x20]  }
0xbd: {  	v51 =	vmul.f32 $1.984127010e-04, v43;
	v12 =	vadd.f32 $-5.000000000e-01, v12;
	(erf) = vrcp.f32 v8  }
0xbe: {  	v10 =	vmul.f32 v10, v46;
	(erf) = vrcp.f32 v52;
	v52 =	vadd.f32 $4.166666790e-02, v59  }
0xbf: {  	v51 =	vsub.f32 $8.333333770e-03, v51;
	v58 =	vmul.f32 v20, v20;
	v8 =	vmul.f32 v0, v0  }
0xc0: {  	(erf) = vrcp.f32 v49;
	v49 =	vsub.f32 $8.333333770e-03, v56;
	v52 =	vmul.f32 v52, v11  }
0xc1: {  	v51 =	vmul.f32 v51, v43;
	v10 =	vadd.f32 $-5.000000000e-01, v10;
	v8 =	vadd.f32 v8, v58;
	v57 =	vld.idx.msk [tilespmem:v19+s18+$0x0], $0xffff  }
0xc2: {  	v49 =	vmul.f32 v49, v45;
	(erf) = vrcp.f32 v48;
	v48 =	vld.idx.msk [tilespmem:v27+s18+$0x0], $0xffff;
	v52 =	vadd.f32 $-5.000000000e-01, v52  }
0xc3: {  	v51 =	vadd.f32 $-1.666666720e-01, v51;
	v59 =	vmul.f32 $1.984127010e-04, v46;
	(erf) = vrcp.f32 v8;
	v8 =	vld.idx.msk [tilespmem:v18+s18+$0x0], $0xffff  }
0xc4: {  	v31 =	vmovc v17;
	v10 =	vmul.f32 v10, v46;
	v49 =	vadd.f32 $-1.666666720e-01, v49;
	v17 =	vmul.f32 v52, v11;
	v52 =	vld.idx.msk [tilespmem:v36+s18+$0x0], $0xffff  }
0xc5: {  	v51 =	vmul.f32 v51, v43;
	v58 =	vsub.f32 $8.333333770e-03, v53;
	v53 =	vsub.f32 $8.333333770e-03, v59  }
0xc6: {  	v43 =	vmul.f32 v44, v43;
	v49 =	vmul.f32 v49, v45  }
0xc7: {  	v45 =	vmul.f32 v12, v45;
	v12 =	vmul.f32 v53, v46  }
0xc8: {  	v30 =	vld [tilespmem:s23+$0x9E80];
	v53 =	vmul.f32 v35, v35;
	v8 =	vsub.f32 v57, v8;
	v57 =	vmul.f32 $2.480158760e-05, v47  }
0xc9: {  	v4 =	vld.idx.msk [tilespmem:v4+s1+$0x0], $0xffff;
	v50 =	vmul.f32 v58, v11;
	v59 =	vmul.f32 $1.984127010e-04, v47;
	v52 =	vsub.f32 v48, v52  }
0xca: {  	[tilespmem:v1+s31+$0x0] =	vst.idx.add.f32.msk $0xffff, v15;
	v12 =	vadd.f32 $-1.666666720e-01, v12;
	v54 =	vmul.f32 $2.480158760e-05, v53;
	v58 =	vadd.f32 $-1.388888920e-03, v57  }
0xcb: {  	[tilespmem:v2+s31+$0x0] =	vst.idx.add.f32.msk $0xffff, v38;
	v55 =	vmul.f32 v8, v8;
	v56 =	vmul.f32 v52, v52  }
0xcc: {  	[tilespmem:v1+s0+$0x0] =	vst.idx.add.f32.msk $0xffff, v34;
	v12 =	vmul.f32 v12, v46;
	v46 =	vadd.f32 $-1.388888920e-03, v54;
	v44 =	vmul.f32 v58, v47  }
0xcd: {  	[tilespmem:v2+s0+$0x0] =	vst.idx.add.f32.msk $0xffff, v37;
	v57 =	vmul.f32 $2.480158760e-05, v55;
	v58 =	vmul.f32 $2.480158760e-05, v56  }
0xce: {  	v9 =	vld [tilespmem:s23+$0xAE80];
	[tilespmem:$0x1FE10] =	vst v4;
	v15 =	vmul.f32 v46, v53;
	v48 =	vsub.f32 $8.333333770e-03, v59  }
0xcf: {  	v5 =	vld.idx.msk [tilespmem:v5+s1+$0x0], $0xffff;
	v54 =	vadd.f32 $-1.388888920e-03, v57;
	v57 =	vadd.f32 $-1.388888920e-03, v58;
	v58 =	vmul.f32 $1.984127010e-04, v53  }
0xd0: {  	v48 =	vmul.f32 v48, v47  }
0xd1: {  	v15 =	vadd.f32 $4.166666790e-02, v15;
	v1 =	vsub.f32 $8.333333770e-03, v58  }
0xd2: {  	v48 =	vadd.f32 $-1.666666720e-01, v48  }
0xd3: {  	s23 =	simm.s32 $0x1E0;
	v15 =	vmul.f32 v15, v53;
	v1 =	vmul.f32 v1, v53  }
0xd4: {  	s24 =	sand.u32 $0xFE0, s23;
	[tilespmem:$0x1FE20] =	vst v5  }
0xd5: {  	v29 =	vld [tilespmem:s24+$0xCE80];
	v15 =	vadd.f32 $-5.000000000e-01, v15;
	v1 =	vadd.f32 $-1.666666720e-01, v1  }
0xd6: {  	v50 =	vadd.f32 $-1.666666720e-01, v50;
	v58 =	vmul.f32 v48, v47;
	v48 =	vmov v28;
	v28 =	vld [tilespmem:s24+$0xBE80]  }
0xd7: {  	v37 =	vmul.f32 v15, v53;
	v1 =	vmul.f32 v1, v53;
	v53 =	vld.idx.msk [tilespmem:v30+s18+$0x0], $0xffff;
	[tilespmem:$0x1FE30] =	vst v9  }
0xd8: {  	v50 =	vmul.f32 v50, v11;
	v11 =	vld.idx.msk [tilespmem:v9+s18+$0x0], $0xffff;
	[tilespmem:$0x1FE40] =	vst v60  }
0xd9: {  	v9 =	vld.idx.msk [tilespmem:v60+s1+$0x0], $0xffff;
	_ =	sdelay $0x3  }
0xda: {  	v44 =	vadd.f32 $4.166666790e-02, v44;
	[tilespmem:$0x1FE60] =	vst v63  }
0xdb: {  	[tilespmem:$0x1FE50] =	vst v9  }
0xdc: {  	v59 =	vmul.f32 $1.984127010e-04, v55;
	v44 =	vmul.f32 v44, v47;
	v9 =	vld.idx.msk [tilespmem:v63+s1+$0x0], $0xffff  }
0xdd: {  	v46 =	vmul.f32 v54, v55;
	v57 =	vmul.f32 v57, v56  }
0xde: {  	v34 =	vsub.f32 $8.333333770e-03, v59;
	v44 =	vadd.f32 $-5.000000000e-01, v44  }
0xdf: {  	v54 =	vmul.f32 $1.984127010e-04, v56;
	v46 =	vadd.f32 $4.166666790e-02, v46;
	v2 =	vadd.f32 $4.166666790e-02, v57  }
0xe0: {  	v34 =	vmul.f32 v34, v55;
	v44 =	vmul.f32 v44, v47;
	[tilespmem:$0x1FE80] =	vst v62  }
0xe1: {  	v47 =	vmul.f32 v46, v55;
	v2 =	vmul.f32 v2, v56;
	[tilespmem:$0x1FE70] =	vst v9  }
0xe2: {  	v59 =	vsub.f32 $8.333333770e-03, v54;
	v34 =	vadd.f32 $-1.666666720e-01, v34;
	v9 =	vld.idx.msk [tilespmem:v62+s1+$0x0], $0xffff  }
0xe3: {  	v5 =	vadd.f32 $-5.000000000e-01, v47;
	v2 =	vadd.f32 $-5.000000000e-01, v2  }
0xe4: {  	v4 =	vmul.f32 v59, v56;
	v15 =	vmul.f32 v34, v55  }
0xe5: {  	v34 =	vmul.f32 v5, v55;
	v55 =	vmul.f32 v2, v56;
	v2 =	vadd.f32 $1.000000000e+00, v12  }
0xe6: {  	v5 =	vadd.f32 $1.000000000e+00, v50;
	v1 =	vadd.f32 $1.000000000e+00, v1  }
0xe7: {  	v4 =	vadd.f32 $-1.666666720e-01, v4;
	v60 =	vmul.f32 v2, v24;
	v2 =	vadd.f32 $1.000000000e+00, v15;
	[tilespmem:$0x1FE90] =	vst v9  }
0xe8: {  	v21 =	vmul.f32 v5, v21;
	v5 =	vadd.f32 $1.000000000e+00, v58;
	v58 =	vmul.f32 v1, v35;
	v1 =	vld.idx.msk [tilespmem:v61+s1+$0x0], $0xffff  }
0xe9: {  	v4 =	vmul.f32 v4, v56;
	v56 =	vmul.f32 v2, v8;
	v2 =	vld [tilespmem:$0x1FEB0];
	_ =	sdelay $0x3  }
0xea: {  	[tilespmem:$0x1FEA0] =	vst v1  }
0xeb: {  	[tilespmem:v39+s31+$0x0] =	vst.idx.add.f32.msk $0xffff, v2  }
0xec: {  	v2 =	vld [tilespmem:$0x1FEC0];
	_ =	sdelay $0x3  }
0xed: {  	v1 =	vadd.f32 $1.000000000e+00, v43  }
0xee: {  	[tilespmem:v39+s0+$0x0] =	vst.idx.add.f32.msk $0xffff, v2  }
0xef: {  	v15 =	vmul.f32 v1, v40;
	v24 =	vmul.f32 v1, v13;
	v1 =	vld [tilespmem:$0x1FEF0]  }
0xf0: {  	[tilespmem:$0x1FED0] =	vst v16  }
0xf1: {  	v2 =	vld.idx.msk [tilespmem:v16+s1+$0x0], $0xffff;
	_ =	sdelay $0x4  }
0xf2: {  	[tilespmem:$0x1FEE0] =	vst v2  }
0xf3: {  	v62 =	vld.idx.msk [tilespmem:v1+s1+$0x0], $0xffff  }
0xf4: {  	v1 =	vld [tilespmem:$0x1FF00];
	_ =	sdelay $0x7  }
0xf5: {  	v1 =	vld.idx.msk [tilespmem:v1+s1+$0x0], $0xffff;
	_ =	sdelay $0x4  }
0xf6: {  	[tilespmem:$0x1FF10] =	vst v1;
	v1 =	vld [tilespmem:$0x1FF20];
	_ =	sdelay $0x3  }
0xf7: {  	v12 =	vmul.f32 v5, v25;
	v5 =	vadd.f32 $1.000000000e+00, v17  }
0xf8: {  	v50 =	vadd.f32 $1.000000000e+00, v51  }
0xf9: {  	v17 =	vmul.f32 v21, v3;
	v25 =	vmul.f32 v5, v3;
	v3 =	vadd.f32 $1.000000000e+00, v44  }
0xfa: {  	v22 =	vmul.f32 v50, v22  }
0xfb: {  	v57 =	vadd.f32 $1.000000000e+00, v49;
	v49 =	vmul.f32 v3, v42;
	v26 =	vld.idx.msk [tilespmem:v1+s1+$0x0], $0xffff  }
0xfc: {  	v1 =	vmul.f32 v22, v40;
	v40 =	vmul.f32 v3, v6;
	v3 =	vld [tilespmem:$0x1FF50];
	_ =	sdelay $0x3  }
0xfd: {  	v23 =	vmul.f32 v57, v23;
	v4 =	vadd.f32 $1.000000000e+00, v4  }
0xfe: {  	v2 =	vld [tilespmem:$0x1FF30]  }
0xff: {  	v59 =	vadd.f32 $1.000000000e+00, v10;
	v50 =	vmul.f32 v4, v52;
	v10 =	vmul.f32 v21, v7  }
0x100: {  	v38 =	vmul.f32 v22, v13;
	v4 =	vmul.f32 v5, v7  }
0x101: {  	v7 =	vmul.f32 v23, v41;
	v13 =	vmul.f32 v23, v14;
	v23 =	vmov v42;
	v42 =	vld.idx.msk [tilespmem:v3+s1+$0x0], $0xffff  }
0x102: {  	v3 =	vld [tilespmem:$0x1FF60]  }
0x103: {  	v8 =	vadd.f32 $1.000000000e+00, v45  }
0x104: {  	v63 =	vld.idx.msk [tilespmem:v18+s1+$0x0], $0xffff  }
0x105: {  	v51 =	vmul.f32 v8, v14;
	v14 =	vadd.f32 $1.000000000e+00, v34;
	v39 =	vld.idx.msk [tilespmem:v36+s1+$0x0], $0xffff  }
0x106: {  	v18 =	vadd.f32 $1.000000000e+00, v55;
	v5 =	vld.idx.msk [tilespmem:v2+s1+$0x0], $0xffff;
	v2 =	vsub.f32 v53, v11  }
0x107: {  	v34 =	vmul.f32 v14, v32;
	v11 =	vld [tilespmem:$0x1FF40];
	[tilespmem:$0x1FF70] =	vst v19;
	v35 =	vmul.f32 v14, v3  }
0x108: {  	v9 =	vmov v0;
	v52 =	vld.idx.msk [tilespmem:v19+s1+$0x0], $0xffff;
	[tilespmem:$0x1FF80] =	vst v2;
	v14 =	vmul.f32 v18, v0;
	v0 =	vmul.f32 v28, v28  }
0x109: {  	v61 =	vmul.f32 v8, v41;
	v16 =	vadd.f32 $1.000000000e+00, v37;
	[tilespmem:$0x1FF90] =	vst v27  }
0x10a: {  	v45 =	vpop (erf);
	v41 =	vmul.f32 v2, v2;
	v55 =	vld.idx.msk [tilespmem:v27+s1+$0x0], $0xffff;
	[tilespmem:$0x1FFB0] =	vst v0;
	v0 =	vmul.f32 v29, v29  }
0x10b: {  	v47 =	vpop (erf);
	[tilespmem:$0x1FFA0] =	vst v28  }
0x10c: {  	v44 =	vpop (erf);
	[tilespmem:$0x1FFD0] =	vst v0;
	v0 =	vmul.f32 $1.984127010e-04, v41  }
0x10d: {  	v37 =	vmul.f32 v16, v48;
	v36 =	vmul.f32 v16, v11;
	v16 =	vpop (erf);
	[tilespmem:$0x1FFC0] =	vst v29  }
0x10e: {  	v8 =	vmov v20;
	v21 =	vmul.f32 v18, v20;
	v46 =	vpop (erf);
	v20 =	vld [tilespmem:s24+$0x9E80];
	[tilespmem:$0x1FFE0] =	vst v0;
	v0 =	vmul.f32 $2.480158760e-05, v41  }
0x10f: {  	v53 =	vpop (erf)  }
0x110: {  	v57 =	vmul.f32 v59, v33;
	v43 =	vmul.f32 v59, v31;
	v29 =	vmov v3;
	v3 =	vpop (erf);
	[tilespmem:$0x1FFF0] =	vst v0  }
0x111: {  	v27 =	vmov v11;
	v11 =	vsub.f32 v4, v17;
	v28 =	vmov v32;
	v4 =	vpop (erf);
	v59 =	vld [tilespmem:s24+$0xAE80]  }
.LBB2_5:
0x112: {  	v2 =	vld [tilespmem:$0x1FE30];
	_ =	sdelay $0x5  }
0x113: {  	v25 =	vadd.f32 v25, v10;
	v10 =	vmul.f32 v60, v33  }
0x114: {  	v17 =	vmul.f32 v60, v31;
	v19 =	vmul.f32 v12, v6;
	v6 =	vld [tilespmem:$0x1FE50]  }
0x115: {  	v33 =	vmul.f32 v50, v9;
	v31 =	vmul.f32 v50, v8;
	v50 =	vld.idx.msk [tilespmem:v2+s1+$0x0], $0xffff  }
0x116: {  	v2 =	vld [tilespmem:$0x1FE10];
	_ =	sdelay $0x4  }
0x117: {  	v15 =	vsub.f32 v15, v38;
	v38 =	vmul.f32 v2, v6;
	v2 =	vld [tilespmem:$0x1FE20]  }
0x118: {  	v6 =	vld [tilespmem:$0x1FE70];
	_ =	sdelay $0x2  }
0x119: {  	v0 =	vmov v20  }
0x11a: {  	[tilespmem:$0x1FDD0] =	vst v0;
	v0 =	vld [tilespmem:$0x1FE90]  }
0x11b: {  	v13 =	vsub.f32 v61, v13;
	v61 =	vmul.f32 v2, v6;
	v2 =	vld [tilespmem:$0x1FEA0];
	_ =	sdelay $0x3  }
0x11c: {  	v22 =	vmul.f32 v39, v55  }
0x11d: {  	v55 =	vmul.f32 v45, v38;
	v0 =	vmul.f32 v2, v0  }
0x11e: {  	v18 =	vadd.f32 v24, v1;
	v24 =	vmul.f32 v58, v27;
	v27 =	vmul.f32 v58, v48  }
0x11f: {  	v58 =	vmul.f32 v44, v0;
	v0 =	vmul.f32 v11, v55;
	_ =	sdelay $0x1  }
0x120: {  	v17 =	vadd.f32 v57, v17;
	v57 =	vmul.f32 v47, v61;
	[tilespmem:$0x1FBC0] =	vst v0;
	v0 =	vmul.f32 v25, v55  }
0x121: {  	v2 =	vld [tilespmem:$0x1FEE0]  }
0x122: {  	[tilespmem:$0x1FBD0] =	vst v0;
	v0 =	vmul.f32 v15, v57;
	_ =	sdelay $0x1  }
0x123: {  	[tilespmem:$0x1FBE0] =	vst v0;
	v0 =	vmul.f32 v18, v57  }
0x124: {  	v6 =	vld [tilespmem:$0x1FF10]  }
0x125: {  	v32 =	vadd.f32 v51, v7;
	v2 =	vmul.f32 v62, v2;
	[tilespmem:$0x1FBF0] =	vst v0;
	v0 =	vmul.f32 v13, v58;
	_ =	sdelay $0x1  }
0x126: {  	v43 =	vsub.f32 v43, v10;
	v16 =	vmul.f32 v16, v2;
	[tilespmem:$0x1FC10] =	vst v0;
	v0 =	vmul.f32 v32, v58;
	_ =	sdelay $0x1  }
0x127: {  	v6 =	vmul.f32 v6, v5;
	[tilespmem:$0x1FC20] =	vst v0;
	v0 =	vmul.f32 v43, v16  }
0x128: {  	v12 =	vmul.f32 v12, v23  }
0x129: {  	v19 =	vsub.f32 v49, v19;
	v6 =	vmul.f32 v46, v6;
	[tilespmem:$0x1FC30] =	vst v0;
	v0 =	vmul.f32 v17, v16;
	_ =	sdelay $0x1  }
0x12a: {  	v9 =	vmul.f32 v26, v42;
	v40 =	vadd.f32 v40, v12;
	[tilespmem:$0x1FC40] =	vst v0;
	v0 =	vmul.f32 v19, v6;
	_ =	sdelay $0x1  }
0x12b: {  	v9 =	vmul.f32 v53, v9;
	v24 =	vsub.f32 v37, v24;
	[tilespmem:$0x1FC50] =	vst v0;
	v0 =	vmul.f32 v40, v6;
	_ =	sdelay $0x1  }
0x12c: {  	[tilespmem:$0x1FC60] =	vst v0;
	v0 =	vmul.f32 v24, v9;
	_ =	sdelay $0x1  }
0x12d: {  	[tilespmem:$0x1FC70] =	vst v0;
	v0 =	vld [tilespmem:$0x1FFF0];
	_ =	sdelay $0x1  }
0x12e: {  	v28 =	vmul.f32 v56, v28  }
0x12f: {  	v12 =	vmul.f32 v63, v52;
	v27 =	vadd.f32 v36, v27  }
0x130: {  	v29 =	vmul.f32 v56, v29;
	v28 =	vsub.f32 v35, v28  }
0x131: {  	v3 =	vmul.f32 v3, v12;
	v15 =	vadd.f32 $-1.388888920e-03, v0;
	v0 =	vmul.f32 v27, v9;
	_ =	sdelay $0x1  }
0x132: {  	v29 =	vadd.f32 v34, v29;
	[tilespmem:$0x1FC80] =	vst v0;
	v0 =	vmul.f32 v28, v3;
	_ =	sdelay $0x1  }
0x133: {  	s21 =	sadd.s32 $0xA0, s21;
	v21 =	vsub.f32 v21, v33;
	v4 =	vmul.f32 v4, v22;
	[tilespmem:$0x1FC90] =	vst v0;
	v0 =	vmul.f32 v29, v3  }
0x134: {  	s22 =	sadd.s32 $0xA0, s22;
	v7 =	vld [tilespmem:s21+$0x40]  }
0x135: {  	v10 =	vld [tilespmem:s22+$0x40];
	[tilespmem:$0x1FCB0] =	vst v0;
	v0 =	vmul.f32 v21, v4  }
0x136: {  	[tilespmem:$0x1FDA0] =	vst v30;
	v30 =	vld.idx.msk [tilespmem:v30+s1+$0x0], $0xffff  }
0x137: {  	s23 =	sadd.s32 $0xA0, s23;
	[tilespmem:$0x1FCD0] =	vst v0;
	v0 =	vld [tilespmem:$0x1FFE0]  }
0x138: {  	v54 =	vld.idx.msk [tilespmem:v20+s18+$0x0], $0xffff;
	s24 =	sand.u32 $0xFE0, s23  }
0x139: {  	v60 =	vld [tilespmem:s24+$0xBE80]  }
0x13a: {  	v14 =	vadd.f32 v14, v31;
	v56 =	vld.idx.msk [tilespmem:v59+s18+$0x0], $0xffff;
	v5 =	vmov v59  }
0x13b: {  	[tilespmem:$0x1FE30] =	vst v5;
	v5 =	vld [tilespmem:$0x1FFB0]  }
0x13c: {  	v11 =	vld.idx.msk [tilespmem:v7+s18+$0x0], $0xffff;
	v3 =	vsub.f32 $8.333333770e-03, v0;
	v0 =	vmul.f32 v14, v4  }
0x13d: {  	v13 =	vld.idx.msk [tilespmem:v10+s18+$0x0], $0xffff  }
0x13e: {  	[tilespmem:$0x1FCF0] =	vst v0;
	v0 =	vld [tilespmem:$0x1FFD0]  }
0x13f: {  	v23 =	vld [tilespmem:s21+$0xFFFFFFB0];
	v15 =	vmul.f32 v15, v41  }
0x140: {  	v39 =	vld [tilespmem:s22+$0xFFFFFFF0]  }
0x141: {  	s8 =	sadd.s32 $0xA0, s8;
	v26 =	vld [tilespmem:s21+$0x0];
	v4 =	vmul.f32 v60, v60;
	v14 =	vadd.f32 $4.166666790e-02, v15;
	v15 =	vsub.f32 v54, v56  }
0x142: {  	v51 =	vld [tilespmem:s8+$0xFFFFFFE0];
	v11 =	vsub.f32 v11, v13  }
0x143: {  	v1 =	vld [tilespmem:s24+$0xCE80];
	v13 =	vadd.f32 v0, v5;
	v0 =	vmovc v4;
	v4 =	vmul.f32 v14, v41;
	v14 =	vmul.f32 v15, v15  }
0x144: {  	v35 =	vld [tilespmem:s22+$0xFFFFFFB0];
	v3 =	vmul.f32 v3, v41  }
0x145: {  	v22 =	vld [tilespmem:s21+$0xFFFFFFE0];
	[tilespmem:$0x1FFB0] =	vst v0;
	v0 =	vmul.f32 $1.984127010e-04, v14  }
0x146: {  	v31 =	vld [tilespmem:s21+$0x10];
	v3 =	vadd.f32 $-1.666666720e-01, v3  }
0x147: {  	[tilespmem:$0x1FFE0] =	vst v0;
	v0 =	vld [tilespmem:$0x1FF80]  }
0x148: {  	v63 =	vld [tilespmem:s22+$0x10];
	v3 =	vmul.f32 v3, v41  }
0x149: {  	v37 =	vld [tilespmem:s22+$0xFFFFFFE0]  }
0x14a: {  	v36 =	vld [tilespmem:s21+$0x20];
	v3 =	vadd.f32 $1.000000000e+00, v3  }
0x14b: {  	v12 =	vld [tilespmem:s22+$0xFFFFFFD0]  }
0x14c: {  	v3 =	vmul.f32 v3, v0;
	v0 =	vld [tilespmem:$0x1FE00]  }
0x14d: {  	v45 =	vld [tilespmem:s22+$0x20]  }
0x14e: {  	v61 =	vld [tilespmem:s21+$0xFFFFFFD0]  }
0x14f: {  	s9 =	sadd.s32 $0xA0, s9;
	v16 =	vld [tilespmem:s8+$0x40];
	v19 =	vmul.f32 v50, v30;
	v5 =	vmul.f32 v1, v1  }
0x150: {  	(erf) = vrcp.f32 v13;
	v13 =	vld [tilespmem:s9+$0x40]  }
0x151: {  	[tilespmem:$0x1FFD0] =	vst v5;
	v4 =	vadd.f32 $-5.000000000e-01, v4;
	v5 =	vld [tilespmem:$0x1FDF0];
	v19 =	vmul.f32 v0, v19;
	v0 =	vmov v15  }
0x152: {  	v17 =	vmul.f32 v11, v11;
	[tilespmem:$0x1FF80] =	vst v0;
	v0 =	vld [tilespmem:$0x1FDE0]  }
0x153: {  	v59 =	vld [tilespmem:s21+$0xFFFFFFC0];
	v4 =	vmul.f32 v4, v41  }
0x154: {  	v62 =	vld [tilespmem:s22+$0x0];
	v18 =	vmul.f32 $2.480158760e-05, v17  }
0x155: {  	v2 =	vld [tilespmem:s22+$0xFFFFFFC0];
	v24 =	vmul.f32 v16, v16;
	v4 =	vadd.f32 $1.000000000e+00, v4;
	v25 =	vmul.f32 v13, v13  }
0x156: {  	v10 =	vld.idx.msk [tilespmem:v10+s1+$0x0], $0xffff;
	v20 =	vmul.f32 $1.984127010e-04, v17;
	v18 =	vadd.f32 $-1.388888920e-03, v18  }
0x157: {  	v6 =	vld [tilespmem:s21+$0xFFFFFFF0];
	v24 =	vadd.f32 v25, v24;
	v28 =	vmul.f32 v3, v5;
	v25 =	vmul.f32 v4, v0  }
0x158: {  	v40 =	vmov v23;
	v20 =	vsub.f32 $8.333333770e-03, v20;
	v18 =	vmul.f32 v18, v17;
	v21 =	vld.idx.msk [tilespmem:v23+s18+$0x0], $0xffff  }
0x159: {  	v23 =	vpop (erf);
	(erf) = vrcp.f32 v24;
	v24 =	vsub.f32 v25, v28;
	v25 =	vmul.f32 v3, v0;
	v0 =	vld [tilespmem:$0x1FFA0]  }
0x15a: {  	v30 =	vld.idx.msk [tilespmem:v7+s1+$0x0], $0xffff;
	v20 =	vmul.f32 v20, v17  }
0x15b: {  	v18 =	vadd.f32 $4.166666790e-02, v18;
	v9 =	vmov v14;
	v14 =	vld.idx.msk [tilespmem:v35+s18+$0x0], $0xffff  }
0x15c: {  	v27 =	vld.idx.msk [tilespmem:v59+s18+$0x0], $0xffff  }
0x15d: {  	v18 =	vmul.f32 v18, v17;
	v15 =	vld.idx.msk [tilespmem:v2+s18+$0x0], $0xffff  }
0x15e: {  	v8 =	vadd.f32 $-1.666666720e-01, v20;
	v29 =	vld.idx.msk [tilespmem:v61+s18+$0x0], $0xffff;
	v20 =	vmov v0;
	v0 =	vmov v60  }
0x15f: {  	v18 =	vadd.f32 $-5.000000000e-01, v18;
	[tilespmem:$0x1FFA0] =	vst v0;
	v0 =	vld [tilespmem:$0x1FFC0]  }
0x160: {  	v4 =	vmul.f32 v4, v5;
	v5 =	vsub.f32 v21, v14;
	v14 =	vld.idx.msk [tilespmem:v12+s18+$0x0], $0xffff;
	v21 =	vmul.f32 v8, v17  }
0x161: {  	v8 =	vmul.f32 $2.480158760e-05, v9;
	v17 =	vmul.f32 v18, v17;
	v18 =	vld.idx.msk [tilespmem:v6+s18+$0x0], $0xffff  }
0x162: {  	v50 =	vld [tilespmem:s8+$0xFFFFFFF0];
	[tilespmem:$0x1FDE0] =	vst v20;
	v20 =	vmul.f32 v24, v19;
	v24 =	vadd.f32 v4, v25;
	v4 =	vsub.f32 v27, v15  }
0x163: {  	[tilespmem:$0x1FFF0] =	vst v8;
	v8 =	vld.idx.msk [tilespmem:v37+s18+$0x0], $0xffff;
	v15 =	vadd.f32 $1.000000000e+00, v21  }
0x164: {  	v25 =	vld.idx.msk [tilespmem:v22+s18+$0x0], $0xffff;
	[tilespmem:$0x1FCC0] =	vst v4;
	v46 =	vmul.f32 v4, v4;
	v3 =	vmov v0  }
0x165: {  	v11 =	vmul.f32 v15, v11;
	v4 =	vld [tilespmem:s8+$0x0];
	[tilespmem:$0x1FDF0] =	vst v3;
	v3 =	vmul.f32 v24, v19  }
0x166: {  	v10 =	vmul.f32 v10, v30;
	v0 =	vmov v1;
	v1 =	vld.idx.msk [tilespmem:v39+s18+$0x0], $0xffff  }
0x167: {  	v44 =	vmul.f32 v5, v5;
	v28 =	vmul.f32 v11, v13;
	v15 =	vpop (erf);
	v19 =	vld.idx.msk [tilespmem:v26+s18+$0x0], $0xffff;
	[tilespmem:$0x1FDC0] =	vst v3;
	v3 =	vadd.f32 $1.000000000e+00, v17  }
0x168: {  	v11 =	vmul.f32 v11, v16;
	v10 =	vmul.f32 v15, v10;
	v24 =	vld.idx.msk [tilespmem:v62+s18+$0x0], $0xffff  }
0x169: {  	[tilespmem:$0x1FFC0] =	vst v0;
	v0 =	vsub.f32 v29, v14;
	v29 =	vld.idx.msk [tilespmem:v31+s18+$0x0], $0xffff;
	v27 =	vmul.f32 v3, v16  }
0x16a: {  	[tilespmem:$0x1FE00] =	vst v23;
	v17 =	vmul.f32 $2.480158760e-05, v44;
	v13 =	vmul.f32 v3, v13;
	v3 =	vsub.f32 v25, v8;
	v8 =	vld.idx.msk [tilespmem:v63+s18+$0x0], $0xffff  }
0x16b: {  	v32 =	vmul.f32 v4, v4;
	v1 =	vsub.f32 v18, v1;
	v15 =	vsub.f32 v27, v28;
	v27 =	vld.idx.msk [tilespmem:v36+s18+$0x0], $0xffff  }
0x16c: {  	[tilespmem:$0x1FCE0] =	vst v0;
	v53 =	vmul.f32 v0, v0;
	v17 =	vadd.f32 $-1.388888920e-03, v17;
	v11 =	vadd.f32 v13, v11;
	v13 =	vld.idx.msk [tilespmem:v45+s18+$0x0], $0xffff  }
0x16d: {  	v0 =	vld [tilespmem:s8+$0xFFFFFFB0];
	v25 =	vmul.f32 $2.480158760e-05, v46;
	[tilespmem:$0x1FD10] =	vst v1;
	v56 =	vmul.f32 v1, v1;
	v1 =	vsub.f32 v19, v24  }
0x16e: {  	v23 =	vld [tilespmem:s8+$0xFFFFFFD0];
	[tilespmem:$0x1FD00] =	vst v3;
	v16 =	vmul.f32 v3, v3;
	v48 =	vmul.f32 v17, v44  }
0x16f: {  	v3 =	vld [tilespmem:s9+$0xFFFFFFB0];
	v15 =	vmul.f32 v15, v10;
	[tilespmem:$0x1FD20] =	vst v1;
	v57 =	vmul.f32 v1, v1;
	v1 =	vsub.f32 v29, v8  }
0x170: {  	[tilespmem:$0x1FBB0] =	vst v31;
	v14 =	vmov v36;
	v36 =	vld [tilespmem:s9+$0x0];
	v10 =	vmul.f32 v11, v10;
	v28 =	vmul.f32 $2.480158760e-05, v16  }
0x171: {  	v19 =	vmul.f32 $2.480158760e-05, v56;
	v11 =	vld [tilespmem:s9+$0xFFFFFFC0];
	[tilespmem:$0x1FD30] =	vst v1;
	v58 =	vmul.f32 v1, v1;
	v1 =	vsub.f32 v27, v13  }
0x172: {  	v18 =	vadd.f32 $-1.388888920e-03, v25;
	[tilespmem:$0x1FD50] =	vst v0;
	v30 =	vmul.f32 $1.984127010e-04, v16;
	v38 =	vmul.f32 $1.984127010e-04, v56;
	v8 =	vld [tilespmem:s8+$0x10]  }
0x173: {  	[tilespmem:$0x1FD40] =	vst v1;
	v60 =	vmul.f32 v1, v1;
	v1 =	vmul.f32 v0, v0;
	v0 =	vld.idx.msk [tilespmem:v40+s1+$0x0], $0xffff  }
0x174: {  	v54 =	vmul.f32 v18, v46;
	v48 =	vadd.f32 $4.166666790e-02, v48;
	v29 =	vmul.f32 $1.984127010e-04, v53;
	[tilespmem:v7+s31+$0x0] =	vst.idx.add.f32.msk $0xffff, v15  }
0x175: {  	v15 =	vmul.f32 $1.984127010e-04, v44;
	v28 =	vadd.f32 $-1.388888920e-03, v28;
	v31 =	vmul.f32 $2.480158760e-05, v57;
	[tilespmem:v7+s0+$0x0] =	vst.idx.add.f32.msk $0xffff, v10  }
0x176: {  	v49 =	vmovc v61;
	v43 =	vmovc v59;
	v33 =	vmul.f32 $1.984127010e-04, v57;
	v48 =	vmul.f32 v48, v44;
	v10 =	vld [tilespmem:s8+$0xFFFFFFC0];
	v27 =	vadd.f32 $-1.388888920e-03, v19  }
0x177: {  	[tilespmem:$0x1FC00] =	vst v9;
	v21 =	vmovc v26;
	v13 =	vld [tilespmem:s9+$0xFFFFFFD0];
	v26 =	vsub.f32 $8.333333770e-03, v29;
	v19 =	vmul.f32 v3, v3;
	v29 =	vmul.f32 v23, v23  }
0x178: {  	v61 =	vmul.f32 v28, v16;
	v18 =	vsub.f32 $8.333333770e-03, v33;
	v33 =	vmul.f32 v36, v36;
	[tilespmem:$0x1FE50] =	vst v0;
	v0 =	vld.idx.msk [tilespmem:v35+s1+$0x0], $0xffff  }
0x179: {  	v31 =	vadd.f32 $-1.388888920e-03, v31;
	v59 =	vmul.f32 $2.480158760e-05, v58;
	v34 =	vmul.f32 $1.984127010e-04, v58  }
0x17a: {  	v47 =	vmovc v63;
	[tilespmem:$0x1FCA0] =	vst v5;
	v5 =	vsub.f32 $8.333333770e-03, v30;
	v7 =	vld [tilespmem:s9+$0xFFFFFFE0];
	v63 =	vmul.f32 v27, v56;
	v28 =	vmul.f32 v11, v11  }
0x17b: {  	v12 =	vld.idx.msk [tilespmem:v12+s1+$0x0], $0xffff;
	[tilespmem:$0x1FDB0] =	vst v20;
	v17 =	vsub.f32 $8.333333770e-03, v38;
	v20 =	vmul.f32 v31, v57;
	v31 =	vmul.f32 v50, v50  }
0x17c: {  	[tilespmem:$0x1FD80] =	vst v23;
	v9 =	vmovc v6;
	v6 =	vld [tilespmem:s9+$0xFFFFFFF0];
	v23 =	vmul.f32 v8, v8;
	v18 =	vmul.f32 v18, v57;
	v41 =	vadd.f32 $-1.388888920e-03, v59  }
0x17d: {  	v42 =	vmul.f32 $2.480158760e-05, v60;
	v59 =	vmul.f32 $1.984127010e-04, v60;
	[tilespmem:$0x1FE10] =	vst v0;
	v0 =	vld.idx.msk [tilespmem:v43+s1+$0x0], $0xffff  }
0x17e: {  	[tilespmem:$0x1FBA0] =	vst v62;
	v38 =	vld [tilespmem:s9+$0x20];
	v52 =	vsub.f32 $8.333333770e-03, v34;
	v1 =	vadd.f32 v19, v1;
	v27 =	vmul.f32 v10, v10  }
0x17f: {  	[tilespmem:$0x1FD60] =	vst v3;
	v3 =	vld.idx.msk [tilespmem:v49+s1+$0x0], $0xffff;
	v62 =	vmul.f32 v13, v13;
	v30 =	vmul.f32 v7, v7;
	v55 =	vadd.f32 $-1.388888920e-03, v42  }
0x180: {  	[tilespmem:$0x1FEA0] =	vst v12;
	v34 =	vld [tilespmem:s9+$0x10];
	v42 =	vmul.f32 v51, v51;
	(erf) = vrcp.f32 v1;
	v12 =	vadd.f32 v28, v27  }
0x181: {  	[tilespmem:$0x1FD70] =	vst v10;
	v10 =	vld [tilespmem:s8+$0x20];
	v35 =	vadd.f32 $4.166666790e-02, v61;
	v61 =	vmul.f32 v6, v6;
	v28 =	vadd.f32 v62, v29  }
0x182: {  	v41 =	vmul.f32 v41, v58;
	v29 =	vadd.f32 v30, v42;
	(erf) = vrcp.f32 v12;
	[tilespmem:$0x1FE70] =	vst v0;
	v0 =	vld.idx.msk [tilespmem:v2+s1+$0x0], $0xffff  }
0x183: {  	v59 =	vsub.f32 $8.333333770e-03, v59;
	v31 =	vadd.f32 v61, v31;
	(erf) = vrcp.f32 v28  }
0x184: {  	v32 =	vadd.f32 v33, v32;
	v30 =	vmul.f32 v52, v58;
	(erf) = vrcp.f32 v29  }
0x185: {  	v1 =	vadd.f32 $-1.666666720e-01, v18;
	v59 =	vmul.f32 v59, v60;
	(erf) = vrcp.f32 v31;
	v31 =	vld [tilespmem:$0x1FE60]  }
0x186: {  	[tilespmem:$0x1FE90] =	vst v3;
	v3 =	vadd.f32 $4.166666790e-02, v41;
	v41 =	vmul.f32 v38, v38;
	v2 =	vmul.f32 v34, v34  }
0x187: {  	v18 =	vadd.f32 $-1.666666720e-01, v30;
	v30 =	vadd.f32 $-1.666666720e-01, v59;
	v59 =	vld [tilespmem:$0x1FE80];
	[tilespmem:$0x1FE20] =	vst v0;
	v0 =	vmul.f32 v10, v10  }
0x188: {  	v24 =	vmul.f32 $1.984127010e-04, v46;
	v12 =	vadd.f32 $-5.000000000e-01, v48;
	v48 =	vmovc v4;
	v4 =	vld [tilespmem:$0x1FBE0];
	v2 =	vadd.f32 v2, v23  }
0x189: {  	v15 =	vsub.f32 $8.333333770e-03, v15;
	(erf) = vrcp.f32 v32;
	v0 =	vadd.f32 v41, v0  }
0x18a: {  	(erf) = vrcp.f32 v2;
	v2 =	vld [tilespmem:$0x1FC10]  }
0x18b: {  	v24 =	vsub.f32 $8.333333770e-03, v24;
	v15 =	vmul.f32 v15, v44;
	(erf) = vrcp.f32 v0;
	v0 =	vld [tilespmem:$0x1FC20];
	_ =	sdelay $0x1  }
0x18c: {  	v19 =	vmul.f32 v24, v46;
	v24 =	vmul.f32 v26, v53;
	v15 =	vadd.f32 $-1.666666720e-01, v15;
	[tilespmem:v31+s31+$0x0] =	vst.idx.add.f32.msk $0xffff, v4  }
0x18d: {  	v4 =	vld [tilespmem:$0x1FBF0]  }
0x18e: {  	v24 =	vadd.f32 $-1.666666720e-01, v24;
	v15 =	vmul.f32 v15, v44;
	[tilespmem:v59+s31+$0x0] =	vst.idx.add.f32.msk $0xffff, v2  }
0x18f: {  	[tilespmem:v59+s0+$0x0] =	vst.idx.add.f32.msk $0xffff, v0;
	v0 =	vmov v49  }
0x190: {  	[tilespmem:$0x1FE80] =	vst v0;
	v0 =	vadd.f32 $1.000000000e+00, v15;
	v15 =	vmul.f32 v24, v53;
	v24 =	vld [tilespmem:$0x1FED0];
	_ =	sdelay $0x1  }
0x191: {  	[tilespmem:v31+s0+$0x0] =	vst.idx.add.f32.msk $0xffff, v4  }
0x192: {  	v4 =	vld [tilespmem:$0x1FC30];
	_ =	sdelay $0x2  }
0x193: {  	v37 =	vld.idx.msk [tilespmem:v37+s1+$0x0], $0xffff  }
0x194: {  	v26 =	vld.idx.msk [tilespmem:v22+s1+$0x0], $0xffff  }
0x195: {  	[tilespmem:v24+s31+$0x0] =	vst.idx.add.f32.msk $0xffff, v4  }
0x196: {  	v4 =	vld [tilespmem:$0x1FC40];
	_ =	sdelay $0x4  }
0x197: {  	[tilespmem:v24+s0+$0x0] =	vst.idx.add.f32.msk $0xffff, v4  }
0x198: {  	v24 =	vmul.f32 v30, v60;
	v30 =	vld [tilespmem:$0x1FF30];
	_ =	sdelay $0x2  }
0x199: {  	v4 =	vld [tilespmem:$0x1FC50];
	_ =	sdelay $0x2  }
0x19a: {  	[tilespmem:$0x1FD90] =	vst v50;
	v50 =	vld.idx.msk [tilespmem:v9+s1+$0x0], $0xffff  }
0x19b: {  	v62 =	vmov v9;
	v9 =	vld.idx.msk [tilespmem:v39+s1+$0x0], $0xffff  }
0x19c: {  	[tilespmem:v30+s31+$0x0] =	vst.idx.add.f32.msk $0xffff, v4  }
0x19d: {  	v4 =	vld [tilespmem:$0x1FC60];
	_ =	sdelay $0x2  }
0x19e: {  	v25 =	vmul.f32 $2.480158760e-05, v53;
	v27 =	vmul.f32 v5, v16;
	v5 =	vld [tilespmem:$0x1FBA0];
	_ =	sdelay $0x1  }
0x19f: {  	v25 =	vadd.f32 $-1.388888920e-03, v25;
	[tilespmem:v30+s0+$0x0] =	vst.idx.add.f32.msk $0xffff, v4  }
0x1a0: {  	v30 =	vld [tilespmem:$0x1FF50]  }
0x1a1: {  	v25 =	vmul.f32 v25, v53;
	_ =	sdelay $0x1  }
0x1a2: {  	v25 =	vadd.f32 $4.166666790e-02, v25;
	v4 =	vld [tilespmem:$0x1FC70]  }
0x1a3: {  	v63 =	vadd.f32 $4.166666790e-02, v63;
	v42 =	vld.idx.msk [tilespmem:v21+s1+$0x0], $0xffff  }
0x1a4: {  	v5 =	vld.idx.msk [tilespmem:v5+s1+$0x0], $0xffff;
	v23 =	vmul.f32 v25, v53  }
0x1a5: {  	v54 =	vadd.f32 $4.166666790e-02, v54;
	v25 =	vmul.f32 v35, v16;
	v35 =	vmul.f32 v63, v56;
	v63 =	vld.idx.msk [tilespmem:v47+s1+$0x0], $0xffff  }
0x1a6: {  	v55 =	vmul.f32 v55, v60;
	v47 =	vld [tilespmem:$0x1FE40]  }
0x1a7: {  	v33 =	vmul.f32 v54, v46;
	[tilespmem:v30+s31+$0x0] =	vst.idx.add.f32.msk $0xffff, v4  }
0x1a8: {  	v55 =	vadd.f32 $4.166666790e-02, v55;
	v4 =	vld [tilespmem:$0x1FC80];
	_ =	sdelay $0x1  }
0x1a9: {  	[tilespmem:$0x1FF10] =	vst v9;
	v9 =	vld [tilespmem:$0x1FBC0];
	v41 =	vmul.f32 v55, v60  }
0x1aa: {  	v28 =	vadd.f32 $-5.000000000e-01, v33;
	v33 =	vmov v7;
	v7 =	vld [tilespmem:$0x1FBD0];
	v31 =	vmov v43  }
0x1ab: {  	v12 =	vmul.f32 v12, v44;
	[tilespmem:$0x1FE60] =	vst v31;
	v31 =	vadd.f32 $-5.000000000e-01, v41  }
0x1ac: {  	[tilespmem:v30+s0+$0x0] =	vst.idx.add.f32.msk $0xffff, v4  }
0x1ad: {  	v30 =	vmul.f32 v31, v60;
	v31 =	vadd.f32 $1.000000000e+00, v12;
	v12 =	vld [tilespmem:$0x1FF90]  }
0x1ae: {  	[tilespmem:v47+s31+$0x0] =	vst.idx.add.f32.msk $0xffff, v9  }
0x1af: {  	[tilespmem:v47+s0+$0x0] =	vst.idx.add.f32.msk $0xffff, v7  }
0x1b0: {  	v7 =	vld [tilespmem:$0x1FCD0];
	_ =	sdelay $0x2  }
0x1b1: {  	v39 =	vld.idx.msk [tilespmem:v45+s1+$0x0], $0xffff  }
0x1b2: {  	v55 =	vld.idx.msk [tilespmem:v14+s1+$0x0], $0xffff  }
0x1b3: {  	[tilespmem:v12+s31+$0x0] =	vst.idx.add.f32.msk $0xffff, v7  }
0x1b4: {  	v7 =	vld [tilespmem:$0x1FCE0];
	_ =	sdelay $0x2  }
0x1b5: {  	v15 =	vadd.f32 $1.000000000e+00, v15  }
0x1b6: {  	v19 =	vadd.f32 $-1.666666720e-01, v19;
	v3 =	vmul.f32 v3, v58  }
0x1b7: {  	v27 =	vadd.f32 $-1.666666720e-01, v27;
	v29 =	vmov v40;
	v32 =	vmul.f32 v15, v7;
	v7 =	vld [tilespmem:$0x1FCF0]  }
0x1b8: {  	v54 =	vld [tilespmem:$0x1FBB0];
	v3 =	vadd.f32 $-5.000000000e-01, v3;
	[tilespmem:$0x1FE40] =	vst v29;
	v29 =	vadd.f32 $-5.000000000e-01, v35;
	v2 =	vmul.f32 v19, v46  }
0x1b9: {  	v19 =	vmul.f32 v27, v16;
	v27 =	vmul.f32 v28, v46;
	v60 =	vld [tilespmem:$0x1FF70]  }
0x1ba: {  	v28 =	vmul.f32 v29, v56;
	v29 =	vmul.f32 v3, v58;
	v3 =	vld [tilespmem:$0x1FC90]  }
0x1bb: {  	v4 =	vld [tilespmem:$0x1FCB0]  }
0x1bc: {  	[tilespmem:v12+s0+$0x0] =	vst.idx.add.f32.msk $0xffff, v7  }
0x1bd: {  	v7 =	vld [tilespmem:$0x1FD00];
	_ =	sdelay $0x2  }
0x1be: {  	v17 =	vmul.f32 v17, v56;
	v52 =	vld.idx.msk [tilespmem:v54+s1+$0x0], $0xffff;
	v19 =	vadd.f32 $1.000000000e+00, v19  }
0x1bf: {  	[tilespmem:v60+s31+$0x0] =	vst.idx.add.f32.msk $0xffff, v3  }
0x1c0: {  	v17 =	vadd.f32 $-1.666666720e-01, v17;
	[tilespmem:v60+s0+$0x0] =	vst.idx.add.f32.msk $0xffff, v4;
	v60 =	vmul.f32 v19, v7;
	v7 =	vmov v62  }
0x1c1: {  	[tilespmem:$0x1FF30] =	vst v7;
	v7 =	vld [tilespmem:$0x1FD10]  }
0x1c2: {  	v17 =	vmul.f32 v17, v56;
	_ =	sdelay $0x1  }
0x1c3: {  	v17 =	vadd.f32 $1.000000000e+00, v17;
	v61 =	vmov v21  }
0x1c4: {  	v12 =	vmov v61  }
0x1c5: {  	[tilespmem:$0x1FF50] =	vst v12;
	v12 =	vmul.f32 v17, v7;
	v7 =	vld [tilespmem:$0x1FD20]  }
0x1c6: {  	v1 =	vmul.f32 v1, v57;
	_ =	sdelay $0x1  }
0x1c7: {  	v1 =	vadd.f32 $1.000000000e+00, v1;
	_ =	sdelay $0x1  }
0x1c8: {  	v20 =	vadd.f32 $4.166666790e-02, v20;
	v18 =	vmul.f32 v18, v58;
	v58 =	vmul.f32 v1, v7;
	v7 =	vmovc v54  }
0x1c9: {  	[tilespmem:$0x1FF70] =	vst v7;
	v7 =	vld [tilespmem:$0x1FD30]  }
0x1ca: {  	v20 =	vmul.f32 v20, v57  }
0x1cb: {  	v25 =	vadd.f32 $-5.000000000e-01, v25  }
0x1cc: {  	v20 =	vadd.f32 $-5.000000000e-01, v20;
	v18 =	vadd.f32 $1.000000000e+00, v18;
	v9 =	vmov v22;
	v22 =	vld [tilespmem:$0x1FD50]  }
0x1cd: {  	v25 =	vmul.f32 v25, v16;
	v1 =	vadd.f32 $1.000000000e+00, v30;
	v30 =	vld [tilespmem:$0x1FD70]  }
0x1ce: {  	v20 =	vmul.f32 v20, v57;
	v56 =	vmul.f32 v18, v7;
	v7 =	vld [tilespmem:$0x1FD40]  }
0x1cf: {  	v21 =	vadd.f32 $1.000000000e+00, v25;
	v18 =	vld [tilespmem:$0x1FD60]  }
0x1d0: {  	[tilespmem:$0x1FEE0] =	vst v26;
	v26 =	vmov v14;
	v14 =	vadd.f32 $1.000000000e+00, v20  }
0x1d1: {  	v57 =	vmul.f32 v21, v33;
	v27 =	vadd.f32 $1.000000000e+00, v27;
	v24 =	vadd.f32 $1.000000000e+00, v24  }
0x1d2: {  	v15 =	vmovc v26;
	v62 =	vmov v37;
	v37 =	vmul.f32 v14, v48;
	v17 =	vmul.f32 v31, v22  }
0x1d3: {  	v3 =	vld [tilespmem:$0x1FCA0];
	v26 =	vmovc v5;
	v5 =	vmov v50;
	[tilespmem:$0x1FF90] =	vst v15;
	v15 =	vmul.f32 v27, v30;
	v50 =	vmul.f32 v24, v7  }
0x1d4: {  	v25 =	vmul.f32 v31, v18;
	v24 =	vmul.f32 v27, v11  }
0x1d5: {  	v31 =	vmovc v51;
	v27 =	vmov v36;
	v36 =	vmul.f32 v14, v36;
	v14 =	vmul.f32 v1, v38  }
0x1d6: {  	v43 =	vmul.f32 v21, v31;
	v21 =	vmul.f32 v1, v10;
	v1 =	vld [tilespmem:$0x1FDA0]  }
0x1d7: {  	v23 =	vadd.f32 $-5.000000000e-01, v23;
	v19 =	vadd.f32 $1.000000000e+00, v29  }
0x1d8: {  	v0 =	vmul.f32 v0, v3;
	v54 =	vld [tilespmem:$0x1FD80]  }
0x1d9: {  	v23 =	vmul.f32 v23, v53;
	v35 =	vmul.f32 v19, v8;
	v7 =	vld [tilespmem:$0x1FDB0]  }
0x1da: {  	v29 =	vmovc v8;
	v8 =	vmov v10;
	v18 =	vmul.f32 v0, v18;
	v10 =	vmul.f32 v0, v22;
	v0 =	vld [tilespmem:$0x1FDC0]  }
0x1db: {  	v20 =	vld [tilespmem:s24+$0x9E80];
	v23 =	vadd.f32 $1.000000000e+00, v23  }
0x1dc: {  	v4 =	vld [tilespmem:$0x1FCC0]  }
0x1dd: {  	v45 =	vpop (erf);
	v61 =	vmul.f32 v23, v54;
	v51 =	vmul.f32 v23, v13;
	v23 =	vld [tilespmem:$0x1FD90]  }
0x1de: {  	v47 =	vpop (erf);
	[tilespmem:v1+s31+$0x0] =	vst.idx.add.f32.msk $0xffff, v7  }
0x1df: {  	v2 =	vadd.f32 $1.000000000e+00, v2;
	v44 =	vpop (erf);
	[tilespmem:v1+s0+$0x0] =	vst.idx.add.f32.msk $0xffff, v0  }
0x1e0: {  	p3 =	slt.u32 s23, $0xF00;
	v28 =	vadd.f32 $1.000000000e+00, v28;
	v16 =	vpop (erf);
	v0 =	vld [tilespmem:$0x1FDD0]  }
.Ltmp3:
0x1e1: {  	v46 =	vpop (erf);
	v2 =	vmul.f32 v2, v4;
	(pc) =	sbr.rel @p3 .LBB2_5-.Ltmp3, $4  }
0x1e2: {  	v40 =	vmul.f32 v28, v6;
	v53 =	vpop (erf)  }
0x1e3: {  	[tilespmem:$0x1FED0] =	vst v9;
	v9 =	vmov v38;
	v3 =	vpop (erf);
	v38 =	vmul.f32 v2, v11;
	v13 =	vmul.f32 v32, v13  }
0x1e4: {  	v41 =	vld [tilespmem:$0x1FC00];
	v4 =	vpop (erf);
	v49 =	vmul.f32 v28, v23;
	v28 =	vmov v34;
	v34 =	vmul.f32 v19, v34  }
0x1e5: {  	v11 =	vsub.f32 v17, v18;
	v7 =	vmul.f32 v32, v54;
	v1 =	vmul.f32 v2, v30;
	v59 =	vld [tilespmem:s24+$0xAE80];
	v30 =	vmovc v0  }
0x1e6: {  	v0 =	vld [tilespmem:$0x1FE30];
	_ =	sdelay $0x6  }
0x1e7: {  	v18 =	vmul.f32 v12, v6;
	[tilespmem:$0x1F810] =	vst v20;
	v6 =	vld [tilespmem:$0x1FE50]  }
0x1e8: {  	v20 =	vmul.f32 v58, v27;
	v27 =	vld.idx.msk [tilespmem:v0+s1+$0x0], $0xffff  }
0x1e9: {  	v0 =	vld [tilespmem:$0x1FE10];
	_ =	sdelay $0x4  }
0x1ea: {  	v19 =	vmul.f32 v0, v6;
	v0 =	vld [tilespmem:$0x1FE20]  }
0x1eb: {  	v6 =	vld [tilespmem:$0x1FE70];
	_ =	sdelay $0x4  }
0x1ec: {  	v10 =	vadd.f32 v25, v10;
	v25 =	vmul.f32 v0, v6;
	v0 =	vld [tilespmem:$0x1FE90]  }
0x1ed: {  	v6 =	vld [tilespmem:$0x1FEA0];
	_ =	sdelay $0x3  }
0x1ee: {  	v12 =	vmul.f32 v12, v23;
	v23 =	vmul.f32 v58, v48  }
0x1ef: {  	v48 =	vmul.f32 v50, v8;
	v8 =	vsub.f32 v15, v38;
	v15 =	vmul.f32 v6, v0;
	v0 =	vld [tilespmem:$0x1FEE0]  }
0x1f0: {  	s23 =	sadd.s32 $0xA0, s21  }
0x1f1: {  	s22 =	sadd.s32 $0xA0, s22;
	v58 =	vld [tilespmem:s23+$0x40]  }
0x1f2: {  	v17 =	vmul.f32 v60, v31;
	v31 =	vmul.f32 v50, v9;
	v50 =	vld [tilespmem:s22+$0x40]  }
0x1f3: {  	v54 =	vld.idx.msk [tilespmem:v30+s1+$0x0], $0xffff  }
0x1f4: {  	v2 =	vmul.f32 v60, v33;
	v60 =	vmul.f32 v62, v0;
	v62 =	vld [tilespmem:s23+$0xFFFFFFB0]  }
0x1f5: {  	v0 =	vld [tilespmem:$0x1FF10];
	[tilespmem:$0x1FDA0] =	vst v30  }
0x1f6: {  	v30 =	vld [tilespmem:s22+$0xFFFFFFB0]  }
0x1f7: {  	v32 =	vmul.f32 v45, v19;
	v19 =	vld [tilespmem:s22+$0xFFFFFFC0]  }
0x1f8: {  	v24 =	vadd.f32 v24, v1;
	v1 =	vld [tilespmem:s23+$0xFFFFFFD0]  }
0x1f9: {  	v33 =	vsub.f32 v43, v2;
	v2 =	vmul.f32 v11, v32;
	v25 =	vmul.f32 v47, v25;
	v47 =	vld.idx.msk [tilespmem:v58+s18+$0x0], $0xffff  }
0x1fa: {  	v6 =	vmul.f32 v0, v5;
	v0 =	vld [tilespmem:s23+$0xFFFFFFC0];
	[tilespmem:$0x1F500] =	vst v58  }
0x1fb: {  	[tilespmem:$0x1F530] =	vst v2;
	v2 =	vmul.f32 v10, v32  }
0x1fc: {  	v11 =	vld.idx.msk [tilespmem:v50+s18+$0x0], $0xffff  }
0x1fd: {  	v7 =	vadd.f32 v51, v7;
	v51 =	vsub.f32 v49, v18;
	v18 =	vld [tilespmem:s22+$0xFFFFFFD0];
	[tilespmem:$0x1F540] =	vst v2;
	v2 =	vmul.f32 v8, v25  }
0x1fe: {  	v13 =	vsub.f32 v61, v13;
	v22 =	vmul.f32 v63, v52;
	v15 =	vmul.f32 v44, v15  }
0x1ff: {  	[tilespmem:$0x1F550] =	vst v2;
	v2 =	vmul.f32 v24, v25  }
0x200: {  	v22 =	vmul.f32 v3, v22;
	v3 =	vmul.f32 v13, v15  }
0x201: {  	[tilespmem:$0x1F560] =	vst v2  }
0x202: {  	v16 =	vmul.f32 v16, v60;
	v2 =	vld [tilespmem:s23+$0xFFFFFFE0];
	[tilespmem:$0x1F570] =	vst v3;
	v3 =	vmul.f32 v7, v15;
	_ =	sdelay $0x1  }
0x203: {  	v17 =	vadd.f32 v57, v17;
	[tilespmem:$0x1F580] =	vst v3;
	v3 =	vmul.f32 v33, v16  }
0x204: {  	v9 =	vmul.f32 v26, v42;
	v26 =	vmul.f32 v39, v55  }
0x205: {  	v46 =	vmul.f32 v46, v6;
	v8 =	vld [tilespmem:s22+$0xFFFFFFE0];
	[tilespmem:$0x1F590] =	vst v3;
	v3 =	vmul.f32 v17, v16;
	_ =	sdelay $0x1  }
0x206: {  	v26 =	vmul.f32 v4, v26;
	v4 =	vmul.f32 v51, v46;
	[tilespmem:$0x1F5A0] =	vst v3  }
0x207: {  	v33 =	vld [tilespmem:s23+$0xFFFFFFF0]  }
0x208: {  	[tilespmem:$0x1F5B0] =	vst v4;
	v4 =	vld [tilespmem:$0x1FFF0];
	_ =	sdelay $0x2  }
0x209: {  	v12 =	vadd.f32 v40, v12  }
0x20a: {  	v9 =	vmul.f32 v53, v9;
	v5 =	vld [tilespmem:$0x1FFE0]  }
0x20b: {  	v10 =	vsub.f32 v37, v20;
	v13 =	vadd.f32 $-1.388888920e-03, v4;
	v4 =	vmul.f32 v12, v46;
	_ =	sdelay $0x1  }
0x20c: {  	v28 =	vmul.f32 v56, v28;
	v20 =	vadd.f32 v36, v23;
	v6 =	vld [tilespmem:s22+$0xFFFFFFF0];
	[tilespmem:$0x1F5C0] =	vst v4;
	v4 =	vmul.f32 v10, v9  }
0x20d: {  	v29 =	vmul.f32 v56, v29  }
0x20e: {  	v7 =	vsub.f32 v35, v28;
	v10 =	vsub.f32 $8.333333770e-03, v5;
	v5 =	vmul.f32 v20, v9;
	[tilespmem:$0x1F5D0] =	vst v4  }
0x20f: {  	s8 =	sadd.s32 $0xA0, s8;
	v32 =	vld [tilespmem:s23+$0x0]  }
0x210: {  	v15 =	vadd.f32 v34, v29;
	v17 =	vld [tilespmem:s8+$0x40];
	[tilespmem:$0x1F5E0] =	vst v5;
	v5 =	vmul.f32 v7, v22;
	_ =	sdelay $0x1  }
0x211: {  	s9 =	sadd.s32 $0xA0, s9;
	v15 =	vmul.f32 v15, v22;
	v16 =	vsub.f32 v21, v31;
	[tilespmem:$0x1F5F0] =	vst v5  }
0x212: {  	v7 =	vld [tilespmem:s9+$0x40]  }
0x213: {  	v20 =	vld.idx.msk [tilespmem:v62+s18+$0x0], $0xffff;
	[tilespmem:$0x1F600] =	vst v15;
	v15 =	vmul.f32 v16, v26  }
0x214: {  	[tilespmem:$0x1F690] =	vst v62  }
0x215: {  	v14 =	vadd.f32 v14, v48;
	[tilespmem:$0x1F610] =	vst v15  }
0x216: {  	v24 =	vld.idx.msk [tilespmem:v30+s18+$0x0], $0xffff  }
0x217: {  	v36 =	vmov v0;
	v25 =	vld.idx.msk [tilespmem:v0+s18+$0x0], $0xffff;
	[tilespmem:$0x1F6C0] =	vst v0;
	v0 =	vmul.f32 v14, v26  }
0x218: {  	v14 =	vld [tilespmem:$0x1FFB0]  }
0x219: {  	[tilespmem:$0x1F620] =	vst v0;
	v0 =	vld [tilespmem:$0x1FFD0];
	_ =	sdelay $0x1  }
0x21a: {  	v9 =	vmul.f32 v10, v41;
	_ =	sdelay $0x1  }
0x21b: {  	v9 =	vadd.f32 $-1.666666720e-01, v9  }
0x21c: {  	v5 =	vmov v41;
	v14 =	vadd.f32 v0, v14;
	v0 =	vld [tilespmem:$0x1FF80]  }
0x21d: {  	v9 =	vmul.f32 v9, v5  }
0x21e: {  	v11 =	vsub.f32 v47, v11  }
0x21f: {  	v12 =	vmul.f32 v13, v41;
	v16 =	vadd.f32 $1.000000000e+00, v9  }
0x220: {  	v13 =	vmul.f32 v11, v11  }
0x221: {  	v10 =	vadd.f32 $4.166666790e-02, v12;
	v16 =	vmul.f32 v16, v0;
	v0 =	vld [tilespmem:$0x1FE00]  }
0x222: {  	v12 =	vmul.f32 $2.480158760e-05, v13  }
0x223: {  	v10 =	vmul.f32 v10, v5;
	v15 =	vmul.f32 $1.984127010e-04, v13;
	v26 =	vld.idx.msk [tilespmem:v19+s18+$0x0], $0xffff  }
0x224: {  	v12 =	vadd.f32 $-1.388888920e-03, v12;
	v28 =	vld.idx.msk [tilespmem:v1+s18+$0x0], $0xffff;
	(erf) = vrcp.f32 v14;
	v14 =	vmul.f32 v27, v54  }
0x225: {  	v35 =	vmov v1;
	v10 =	vadd.f32 $-5.000000000e-01, v10;
	[tilespmem:$0x1F6F0] =	vst v1;
	v1 =	vld [tilespmem:$0x1FDF0]  }
0x226: {  	v12 =	vmul.f32 v12, v13;
	v15 =	vsub.f32 $8.333333770e-03, v15;
	v31 =	vmul.f32 v0, v14;
	v0 =	vld [tilespmem:$0x1FDE0]  }
0x227: {  	v21 =	vmul.f32 v17, v17;
	v10 =	vmul.f32 v10, v5  }
0x228: {  	v12 =	vadd.f32 $4.166666790e-02, v12;
	v29 =	vmul.f32 v7, v7;
	v15 =	vmul.f32 v15, v13  }
0x229: {  	v23 =	vld.idx.msk [tilespmem:v58+s1+$0x0], $0xffff;
	v22 =	vadd.f32 $1.000000000e+00, v10  }
0x22a: {  	v12 =	vmul.f32 v12, v13;
	v9 =	vld [tilespmem:s8+$0xFFFFFFB0];
	v29 =	vadd.f32 v29, v21;
	v15 =	vadd.f32 $-1.666666720e-01, v15  }
0x22b: {  	v10 =	vld [tilespmem:s9+$0xFFFFFFB0];
	v54 =	vmul.f32 v16, v1;
	v53 =	vmul.f32 v22, v0  }
0x22c: {  	v12 =	vadd.f32 $-5.000000000e-01, v12;
	v52 =	vld.idx.msk [tilespmem:v18+s18+$0x0], $0xffff;
	v15 =	vmul.f32 v15, v13;
	(erf) = vrcp.f32 v29  }
0x22d: {  	v55 =	vld.idx.msk [tilespmem:v2+s18+$0x0], $0xffff;
	v16 =	vmul.f32 v16, v0;
	v22 =	vmul.f32 v22, v1;
	v37 =	vsub.f32 v53, v54  }
0x22e: {  	v12 =	vmul.f32 v12, v13;
	v27 =	vld.idx.msk [tilespmem:v50+s1+$0x0], $0xffff;
	[tilespmem:$0x1F720] =	vst v2  }
0x22f: {  	v15 =	vadd.f32 $1.000000000e+00, v15;
	v21 =	vld [tilespmem:s9+$0xFFFFFFC0];
	v16 =	vadd.f32 v22, v16;
	v0 =	vmul.f32 v37, v31  }
0x230: {  	v56 =	vmul.f32 v9, v9;
	v13 =	vld [tilespmem:s8+$0xFFFFFFD0];
	v57 =	vmul.f32 v10, v10  }
0x231: {  	v11 =	vmul.f32 v15, v11;
	v14 =	vld [tilespmem:s8+$0xFFFFFFC0];
	[tilespmem:$0x1F630] =	vst v0;
	v0 =	vmul.f32 v16, v31  }
0x232: {  	v12 =	vadd.f32 $1.000000000e+00, v12;
	v29 =	vadd.f32 v57, v56  }
0x233: {  	v60 =	vmul.f32 v11, v17;
	v11 =	vmul.f32 v11, v7;
	v22 =	vld [tilespmem:s9+$0xFFFFFFD0];
	[tilespmem:$0x1F640] =	vst v0  }
0x234: {  	(erf) = vrcp.f32 v29;
	v29 =	vmul.f32 v12, v17;
	v16 =	vld [tilespmem:s8+$0xFFFFFFE0]  }
0x235: {  	v58 =	vmul.f32 v27, v23;
	v43 =	vpop (erf);
	v23 =	vld [tilespmem:s9+$0xFFFFFFE0]  }
0x236: {  	v38 =	vsub.f32 v28, v52;
	v27 =	vmul.f32 v21, v21;
	v11 =	vsub.f32 v29, v11;
	v52 =	vpop (erf);
	v15 =	vld [tilespmem:s8+$0xFFFFFFF0]  }
0x237: {  	v45 =	vmul.f32 v52, v58;
	v31 =	vsub.f32 v20, v24;
	v24 =	vmul.f32 v14, v14;
	v20 =	vld [tilespmem:s9+$0xFFFFFFF0]  }
0x238: {  	v12 =	vmul.f32 v12, v7;
	v37 =	vsub.f32 v25, v26;
	v25 =	vld.idx.msk [tilespmem:v8+s18+$0x0], $0xffff  }
0x239: {  	v1 =	vmul.f32 v11, v45;
	v24 =	vadd.f32 v27, v24;
	v27 =	vmul.f32 v13, v13;
	v17 =	vld [tilespmem:s8+$0x0]  }
0x23a: {  	v46 =	vmul.f32 v31, v31;
	v26 =	vld [tilespmem:s9+$0x0];
	v61 =	vmul.f32 v22, v22  }
0x23b: {  	v41 =	vmov v62;
	v39 =	vld [tilespmem:s22+$0x0];
	v28 =	vmul.f32 v16, v16;
	v62 =	vmul.f32 v23, v23  }
0x23c: {  	v49 =	vmul.f32 v37, v37;
	(erf) = vrcp.f32 v24;
	v24 =	vld [tilespmem:s8+$0x10];
	v63 =	vadd.f32 v61, v27  }
0x23d: {  	v57 =	vmul.f32 $2.480158760e-05, v46;
	v27 =	vld [tilespmem:s9+$0x10];
	v53 =	vmul.f32 v15, v15;
	v28 =	vadd.f32 v62, v28  }
0x23e: {  	v54 =	vmul.f32 v20, v20;
	v44 =	vsub.f32 v55, v25;
	v25 =	vld [tilespmem:s8+$0x20];
	(erf) = vrcp.f32 v63  }
0x23f: {  	v42 =	vadd.f32 $-1.388888920e-03, v57;
	v29 =	vmul.f32 v17, v17;
	(erf) = vrcp.f32 v28;
	v28 =	vld [tilespmem:s9+$0x20]  }
0x240: {  	v0 =	vld [tilespmem:s23+$0x10];
	v56 =	vmul.f32 v26, v26;
	v61 =	vmul.f32 $1.984127010e-04, v46;
	v55 =	vadd.f32 v54, v53  }
0x241: {  	v12 =	vadd.f32 v12, v60;
	v40 =	vld [tilespmem:s22+$0x10];
	v42 =	vmul.f32 v42, v46;
	v58 =	vmul.f32 v24, v24  }
0x242: {  	v48 =	vld.idx.msk [tilespmem:v33+s18+$0x0], $0xffff;
	v29 =	vadd.f32 v56, v29;
	[tilespmem:$0x1F750] =	vst v33;
	(erf) = vrcp.f32 v55;
	v60 =	vmul.f32 v27, v27  }
0x243: {  	v42 =	vadd.f32 $4.166666790e-02, v42;
	v62 =	vmul.f32 v25, v25;
	v56 =	vld.idx.msk [tilespmem:v6+s18+$0x0], $0xffff;
	[tilespmem:$0x1F510] =	vst v1;
	v1 =	vmul.f32 v12, v45  }
0x244: {  	v47 =	vadd.f32 v60, v58;
	v60 =	vmul.f32 $2.480158760e-05, v49;
	v63 =	vmul.f32 v28, v28  }
0x245: {  	(erf) = vrcp.f32 v29;
	v29 =	vsub.f32 $8.333333770e-03, v61;
	v58 =	vmul.f32 $1.984127010e-04, v49  }
0x246: {  	v42 =	vmul.f32 v42, v46;
	v12 =	vadd.f32 $-1.388888920e-03, v60;
	v51 =	vadd.f32 v63, v62;
	v62 =	vld.idx.msk [tilespmem:v32+s18+$0x0], $0xffff;
	[tilespmem:$0x1F780] =	vst v32  }
0x247: {  	v54 =	vmul.f32 v38, v38;
	v61 =	vmul.f32 v29, v46;
	v52 =	vsub.f32 $8.333333770e-03, v58;
	[tilespmem:$0x1F520] =	vst v1  }
0x248: {  	v42 =	vadd.f32 $-5.000000000e-01, v42;
	(erf) = vrcp.f32 v47;
	v12 =	vmul.f32 v12, v49;
	v63 =	vld.idx.msk [tilespmem:v39+s18+$0x0], $0xffff  }
0x249: {  	v57 =	vadd.f32 $-1.666666720e-01, v61;
	v61 =	vmul.f32 v52, v49;
	(erf) = vrcp.f32 v51;
	v51 =	vld.idx.msk [tilespmem:v0+s18+$0x0], $0xffff;
	[tilespmem:$0x1F7B0] =	vst v0  }
0x24a: {  	v42 =	vmul.f32 v42, v46;
	v12 =	vadd.f32 $4.166666790e-02, v12;
	v50 =	vld.idx.msk [tilespmem:v40+s18+$0x0], $0xffff  }
0x24b: {  	v60 =	vmul.f32 $2.480158760e-05, v54;
	v47 =	vmul.f32 v57, v46;
	v46 =	vadd.f32 $-1.666666720e-01, v61  }
0x24c: {  	v55 =	vmul.f32 v44, v44;
	v48 =	vsub.f32 v48, v56;
	v12 =	vmul.f32 v12, v49  }
0x24d: {  	v11 =	vld [tilespmem:s23+$0x20];
	v46 =	vmul.f32 v46, v49;
	v45 =	vsub.f32 v62, v63;
	v62 =	vadd.f32 $-1.388888920e-03, v60  }
0x24e: {  	v53 =	vld [tilespmem:s22+$0x20];
	v63 =	vmul.f32 $2.480158760e-05, v55;
	v60 =	vmul.f32 $1.984127010e-04, v54;
	v12 =	vadd.f32 $-5.000000000e-01, v12  }
0x24f: {  	v50 =	vsub.f32 v51, v50;
	v51 =	vmul.f32 v48, v48;
	v52 =	vmul.f32 v62, v54  }
0x250: {  	v56 =	vadd.f32 $-1.388888920e-03, v63;
	v57 =	vsub.f32 $8.333333770e-03, v60;
	v60 =	vmul.f32 $1.984127010e-04, v55  }
0x251: {  	v12 =	vmul.f32 v12, v49;
	v58 =	vmul.f32 $2.480158760e-05, v51;
	v52 =	vadd.f32 $4.166666790e-02, v52  }
0x252: {  	v56 =	vmul.f32 v56, v55;
	v57 =	vmul.f32 v57, v54  }
0x253: {  	v61 =	vadd.f32 $-1.388888920e-03, v58;
	v58 =	vsub.f32 $8.333333770e-03, v60;
	v52 =	vmul.f32 v52, v54  }
0x254: {  	v63 =	vmul.f32 $1.984127010e-04, v51;
	v56 =	vadd.f32 $4.166666790e-02, v56;
	v57 =	vadd.f32 $-1.666666720e-01, v57  }
0x255: {  	v60 =	vld.idx.msk [tilespmem:v11+s18+$0x0], $0xffff;
	[tilespmem:$0x1F7E0] =	vst v11;
	v49 =	vmul.f32 v61, v51;
	v58 =	vmul.f32 v58, v55;
	v52 =	vadd.f32 $-5.000000000e-01, v52  }
0x256: {  	v29 =	vmovc v0;
	v63 =	vsub.f32 $8.333333770e-03, v63;
	v0 =	vld.idx.msk [tilespmem:v53+s18+$0x0], $0xffff;
	v56 =	vmul.f32 v56, v55;
	v57 =	vmul.f32 v57, v54  }
0x257: {  	v49 =	vadd.f32 $4.166666790e-02, v49;
	v52 =	vmul.f32 v52, v54;
	v62 =	vadd.f32 $-1.666666720e-01, v58  }
0x258: {  	v58 =	vmul.f32 v63, v51;
	v56 =	vadd.f32 $-5.000000000e-01, v56;
	v63 =	vmul.f32 v45, v45  }
0x259: {  	v46 =	vadd.f32 $1.000000000e+00, v46;
	v49 =	vmul.f32 v49, v51;
	v54 =	vmul.f32 v62, v55  }
0x25a: {  	v55 =	vmul.f32 v56, v55;
	v56 =	vmul.f32 v50, v50  }
0x25b: {  	v37 =	vmul.f32 v46, v37;
	v5 =	vsub.f32 v60, v0;
	v58 =	vadd.f32 $-1.666666720e-01, v58  }
0x25c: {  	v60 =	vmul.f32 $2.480158760e-05, v63;
	v49 =	vadd.f32 $-5.000000000e-01, v49;
	v1 =	vmul.f32 $2.480158760e-05, v56  }
0x25d: {  	v42 =	vadd.f32 $1.000000000e+00, v42;
	v0 =	vmul.f32 v5, v5;
	v58 =	vmul.f32 v58, v51  }
0x25e: {  	v34 =	vmovc v2;
	v47 =	vadd.f32 $1.000000000e+00, v47;
	v2 =	vmul.f32 $1.984127010e-04, v56;
	v49 =	vmul.f32 v49, v51  }
0x25f: {  	v51 =	vadd.f32 $-1.388888920e-03, v60;
	v3 =	vadd.f32 $-1.388888920e-03, v1;
	v1 =	vmul.f32 $2.480158760e-05, v0  }
0x260: {  	v7 =	vld.idx.msk [tilespmem:v6+s1+$0x0], $0xffff;
	v6 =	vadd.f32 $1.000000000e+00, v12;
	v12 =	vmul.f32 v42, v9;
	v60 =	vmul.f32 $1.984127010e-04, v63  }
0x261: {  	v2 =	vsub.f32 $8.333333770e-03, v2;
	v51 =	vmul.f32 v51, v63;
	v4 =	vadd.f32 $-1.388888920e-03, v1  }
0x262: {  	v3 =	vmul.f32 v3, v56;
	v60 =	vsub.f32 $8.333333770e-03, v60;
	v1 =	vmul.f32 $1.984127010e-04, v0  }
0x263: {  	v2 =	vmul.f32 v2, v56;
	v51 =	vadd.f32 $4.166666790e-02, v51;
	v4 =	vmul.f32 v4, v0  }
0x264: {  	v3 =	vadd.f32 $4.166666790e-02, v3;
	v60 =	vmul.f32 v60, v63;
	v1 =	vsub.f32 $8.333333770e-03, v1  }
0x265: {  	v2 =	vadd.f32 $-1.666666720e-01, v2;
	v51 =	vmul.f32 v51, v63;
	v4 =	vadd.f32 $4.166666790e-02, v4  }
0x266: {  	v3 =	vmul.f32 v3, v56;
	v60 =	vadd.f32 $-1.666666720e-01, v60;
	v1 =	vmul.f32 v1, v0  }
0x267: {  	v2 =	vmul.f32 v2, v56;
	v51 =	vadd.f32 $-5.000000000e-01, v51;
	v4 =	vmul.f32 v4, v0  }
0x268: {  	v3 =	vadd.f32 $-5.000000000e-01, v3;
	v60 =	vmul.f32 v60, v63;
	v1 =	vadd.f32 $-1.666666720e-01, v1  }
0x269: {  	v2 =	vadd.f32 $1.000000000e+00, v2;
	v51 =	vmul.f32 v51, v63;
	v4 =	vadd.f32 $-5.000000000e-01, v4  }
0x26a: {  	v30 =	vld.idx.msk [tilespmem:v30+s1+$0x0], $0xffff;
	v3 =	vmul.f32 v3, v56;
	v63 =	vadd.f32 $1.000000000e+00, v57;
	v1 =	vmul.f32 v1, v0  }
0x26b: {  	v19 =	vld.idx.msk [tilespmem:v19+s1+$0x0], $0xffff;
	v56 =	vadd.f32 $1.000000000e+00, v58;
	v2 =	vmul.f32 v2, v50;
	v0 =	vmul.f32 v4, v0  }
0x26c: {  	v18 =	vld.idx.msk [tilespmem:v18+s1+$0x0], $0xffff;
	v4 =	vmul.f32 v47, v31;
	v38 =	vmul.f32 v63, v38  }
0x26d: {  	v8 =	vld.idx.msk [tilespmem:v8+s1+$0x0], $0xffff;
	v58 =	vadd.f32 $1.000000000e+00, v55;
	v46 =	vmul.f32 v56, v48;
	v47 =	vmul.f32 v6, v14  }
0x26e: {  	v39 =	vld.idx.msk [tilespmem:v39+s1+$0x0], $0xffff;
	v31 =	vadd.f32 $1.000000000e+00, v54;
	v6 =	vmul.f32 v6, v21;
	v21 =	vmul.f32 v37, v21  }
0x26f: {  	v40 =	vld.idx.msk [tilespmem:v40+s1+$0x0], $0xffff;
	v57 =	vadd.f32 $1.000000000e+00, v60;
	v14 =	vmul.f32 v37, v14;
	v54 =	vmul.f32 v58, v16  }
0x270: {  	v61 =	vld.idx.msk [tilespmem:v11+s1+$0x0], $0xffff;
	v1 =	vadd.f32 $1.000000000e+00, v1;
	v37 =	vmul.f32 v58, v23;
	v31 =	vmul.f32 v31, v44  }
0x271: {  	v62 =	vld [tilespmem:$0x1F810];
	v3 =	vadd.f32 $1.000000000e+00, v3;
	v44 =	vmul.f32 v57, v45;
	v45 =	vmul.f32 v42, v10  }
0x272: {  	s22 =	sadd.s32 $0xA0, s22;
	v48 =	vld.idx.msk [tilespmem:v53+s1+$0x0], $0xffff;
	v10 =	vmul.f32 v4, v10;
	v4 =	vmul.f32 v4, v9;
	v9 =	vadd.f32 $1.000000000e+00, v52  }
0x273: {  	v56 =	vld [tilespmem:s22+$0x40];
	v1 =	vmul.f32 v1, v5;
	v60 =	vmul.f32 v3, v27  }
0x274: {  	v42 =	vld.idx.msk [tilespmem:v59+s18+$0x0], $0xffff;
	v5 =	vmul.f32 v2, v27;
	v50 =	vmul.f32 v9, v13  }
0x275: {  	v52 =	vld.idx.msk [tilespmem:v41+s1+$0x0], $0xffff;
	v0 =	vadd.f32 $1.000000000e+00, v0;
	v53 =	vmul.f32 v9, v22;
	v22 =	vmul.f32 v38, v22  }
0x276: {  	v9 =	vld.idx.msk [tilespmem:v59+s1+$0x0], $0xffff;
	v13 =	vmul.f32 v38, v13;
	v59 =	vadd.f32 $1.000000000e+00, v49;
	v23 =	vmul.f32 v31, v23  }
0x277: {  	v41 =	vld.idx.msk [tilespmem:v33+s1+$0x0], $0xffff;
	v16 =	vmul.f32 v31, v16;
	v63 =	vmul.f32 v0, v25  }
0x278: {  	v31 =	vadd.f32 $1.000000000e+00, v51;
	v51 =	vld.idx.msk [tilespmem:v36+s1+$0x0], $0xffff;
	v55 =	vmul.f32 v59, v15;
	v38 =	vmul.f32 v59, v20  }
0x279: {  	v59 =	vmul.f32 v3, v24;
	v24 =	vmul.f32 v2, v24;
	v2 =	vld.idx.msk [tilespmem:v29+s1+$0x0], $0xffff  }
0x27a: {  	v27 =	vld.idx.msk [tilespmem:v32+s1+$0x0], $0xffff;
	v0 =	vmul.f32 v0, v28;
	v28 =	vmul.f32 v1, v28  }
0x27b: {  	v49 =	vld.idx.msk [tilespmem:v62+s18+$0x0], $0xffff;
	v25 =	vmul.f32 v1, v25;
	v1 =	vmul.f32 v30, v52;
	v30 =	vpop (erf)  }
0x27c: {  	v20 =	vmul.f32 v46, v20;
	v15 =	vmul.f32 v46, v15;
	v46 =	vld.idx.msk [tilespmem:v35+s1+$0x0], $0xffff;
	v35 =	vpop (erf)  }
0x27d: {  	v10 =	vsub.f32 v12, v10;
	v12 =	vld.idx.msk [tilespmem:v56+s1+$0x0], $0xffff;
	v52 =	vpop (erf)  }
0x27e: {  	s24 =	sadd.s32 $0xA0, s23;
	v19 =	vmul.f32 v19, v51;
	v51 =	vld.idx.msk [tilespmem:v56+s18+$0x0], $0xffff;
	v56 =	vpop (erf);
	v2 =	vmul.f32 v40, v2  }
0x27f: {  	v32 =	vld [tilespmem:s24+$0x40];
	v7 =	vmul.f32 v7, v41;
	v30 =	vmul.f32 v30, v1;
	v1 =	vpop (erf)  }
0x280: {  	v11 =	vld [tilespmem:s24+$0xFFFFFFB0];
	v41 =	vpop (erf)  }
0x281: {  	v36 =	vld.idx.msk [tilespmem:v34+s1+$0x0], $0xffff;
	v58 =	vmul.f32 v48, v61;
	v7 =	vmul.f32 v1, v7;
	v1 =	vpop (erf)  }
0x282: {  	v4 =	vadd.f32 v45, v4;
	v48 =	vld [tilespmem:s22+$0xFFFFFFB0];
	v3 =	vsub.f32 v49, v42;
	v49 =	vmul.f32 v1, v2;
	v2 =	vpop (erf)  }
0x283: {  	v61 =	vld [tilespmem:s22+$0xFFFFFFC0];
	v22 =	vsub.f32 v50, v22;
	v50 =	vmul.f32 v2, v58;
	v2 =	vmul.f32 v10, v30  }
0x284: {  	v40 =	vld.idx.msk [tilespmem:v62+s1+$0x0], $0xffff  }
0x285: {  	v21 =	vsub.f32 v47, v21;
	v19 =	vmul.f32 v35, v19;
	v62 =	vld [tilespmem:s24+$0xFFFFFFC0];
	[tilespmem:$0x1F6A0] =	vst v2;
	v2 =	vmul.f32 v4, v30  }
0x286: {  	v14 =	vadd.f32 v6, v14;
	v57 =	vmul.f32 v31, v17;
	v18 =	vmul.f32 v18, v46  }
0x287: {  	v31 =	vmul.f32 v31, v26;
	v10 =	vld.idx.msk [tilespmem:v32+s18+$0x0], $0xffff;
	[tilespmem:$0x1F6B0] =	vst v2;
	v2 =	vmul.f32 v21, v19  }
0x288: {  	v17 =	vmul.f32 v44, v17;
	v13 =	vadd.f32 v53, v13;
	v18 =	vmul.f32 v52, v18;
	[tilespmem:$0x1F660] =	vst v32  }
0x289: {  	v8 =	vmul.f32 v8, v36;
	v1 =	vmov v32;
	v32 =	vld [tilespmem:s24+$0xFFFFFFD0];
	[tilespmem:$0x1F6D0] =	vst v2;
	v2 =	vmul.f32 v14, v19  }
0x28a: {  	v23 =	vsub.f32 v54, v23;
	v30 =	vmul.f32 v3, v3;
	v4 =	vmul.f32 v22, v18  }
0x28b: {  	v16 =	vadd.f32 v37, v16;
	v8 =	vmul.f32 v56, v8;
	v14 =	vadd.f32 v31, v17;
	[tilespmem:$0x1F6E0] =	vst v2  }
0x28c: {  	v17 =	vsub.f32 v59, v5;
	v5 =	vmul.f32 v13, v18;
	v2 =	vld [tilespmem:s22+$0xFFFFFFD0];
	[tilespmem:$0x1F700] =	vst v4;
	v4 =	vmul.f32 $2.480158760e-05, v30  }
0x28d: {  	v20 =	vsub.f32 v55, v20;
	v6 =	vmul.f32 v23, v8  }
0x28e: {  	v18 =	vsub.f32 v10, v51;
	v31 =	vld [tilespmem:s24+$0xFFFFFFE0];
	[tilespmem:$0x1F710] =	vst v5;
	v10 =	vadd.f32 $-1.388888920e-03, v4;
	v4 =	vmul.f32 v16, v8  }
0x28f: {  	v27 =	vmul.f32 v39, v27;
	v5 =	vld [tilespmem:s22+$0xFFFFFFE0];
	[tilespmem:$0x1F730] =	vst v6  }
0x290: {  	v26 =	vmul.f32 v44, v26;
	v15 =	vadd.f32 v38, v15;
	v54 =	vld [tilespmem:s24+$0xFFFFFFF0];
	[tilespmem:$0x1F740] =	vst v4;
	v4 =	vmul.f32 v20, v7  }
0x291: {  	v27 =	vmul.f32 v41, v27  }
0x292: {  	v26 =	vsub.f32 v57, v26;
	v13 =	vmul.f32 $1.984127010e-04, v30;
	v6 =	vmul.f32 v15, v7;
	[tilespmem:$0x1F760] =	vst v4  }
0x293: {  	v4 =	vld [tilespmem:s22+$0xFFFFFFF0]  }
0x294: {  	v8 =	vsub.f32 $8.333333770e-03, v13;
	v52 =	vld [tilespmem:s24+$0x0];
	[tilespmem:$0x1F770] =	vst v6;
	v6 =	vmul.f32 v26, v27  }
0x295: {  	s21 =	sadd.s32 $0xA0, s8;
	v10 =	vmul.f32 v10, v30  }
0x296: {  	v7 =	vmul.f32 v8, v30;
	v8 =	vld [tilespmem:s21+$0x40];
	[tilespmem:$0x1F790] =	vst v6;
	v6 =	vmul.f32 v14, v27  }
0x297: {  	s8 =	sadd.s32 $0xA0, s9;
	v10 =	vadd.f32 $4.166666790e-02, v10  }
0x298: {  	v13 =	vadd.f32 v60, v24;
	v21 =	vld [tilespmem:s8+$0x40];
	[tilespmem:$0x1F7A0] =	vst v6;
	v6 =	vmul.f32 v17, v49  }
0x299: {  	v16 =	vmul.f32 v18, v18;
	v10 =	vmul.f32 v10, v30  }
0x29a: {  	v53 =	vld [tilespmem:$0x1FFA0];
	[tilespmem:$0x1F7C0] =	vst v6;
	v6 =	vmul.f32 v13, v49  }
0x29b: {  	v19 =	vsub.f32 v63, v28;
	v15 =	vmul.f32 $2.480158760e-05, v16;
	v10 =	vadd.f32 $-5.000000000e-01, v10;
	v20 =	vld.idx.msk [tilespmem:v11+s18+$0x0], $0xffff;
	[tilespmem:$0x1F840] =	vst v11  }
0x29c: {  	v0 =	vadd.f32 v0, v25;
	v55 =	vld [tilespmem:$0x1FFC0];
	v7 =	vadd.f32 $-1.666666720e-01, v7;
	[tilespmem:$0x1F7D0] =	vst v6  }
0x29d: {  	v10 =	vmul.f32 v10, v30;
	v13 =	vadd.f32 $-1.388888920e-03, v15;
	v6 =	vmul.f32 v19, v50;
	v22 =	vld.idx.msk [tilespmem:v48+s18+$0x0], $0xffff  }
0x29e: {  	v0 =	vmul.f32 v0, v50;
	v7 =	vmul.f32 v7, v30;
	v23 =	vld.idx.msk [tilespmem:v62+s18+$0x0], $0xffff;
	[tilespmem:$0x1F850] =	vst v62  }
0x29f: {  	v10 =	vadd.f32 $1.000000000e+00, v10;
	v13 =	vmul.f32 v13, v16;
	[tilespmem:$0x1F7F0] =	vst v6  }
0x2a0: {  	v14 =	vmul.f32 $1.984127010e-04, v16;
	v19 =	vld.idx.msk [tilespmem:v61+s18+$0x0], $0xffff;
	[tilespmem:$0x1F800] =	vst v0;
	v0 =	vadd.f32 $1.000000000e+00, v7  }
0x2a1: {  	v15 =	vmul.f32 v21, v21;
	v25 =	vmul.f32 v10, v53;
	v13 =	vadd.f32 $4.166666790e-02, v13  }
0x2a2: {  	v10 =	vmul.f32 v10, v55;
	v7 =	vsub.f32 $8.333333770e-03, v14;
	v26 =	vld.idx.msk [tilespmem:v32+s18+$0x0], $0xffff;
	[tilespmem:$0x1F870] =	vst v32;
	v0 =	vmul.f32 v0, v3  }
0x2a3: {  	v14 =	vmul.f32 v9, v40;
	v13 =	vmul.f32 v13, v16;
	v24 =	vld.idx.msk [tilespmem:v1+s1+$0x0], $0xffff  }
0x2a4: {  	v3 =	vmul.f32 v7, v16;
	v9 =	vld [tilespmem:s21+$0xFFFFFFB0];
	v28 =	vmul.f32 v0, v55  }
0x2a5: {  	v17 =	vmul.f32 v43, v14;
	v7 =	vld [tilespmem:s8+$0xFFFFFFB0];
	v0 =	vmul.f32 v0, v53  }
0x2a6: {  	v14 =	vmul.f32 v8, v8;
	v27 =	vld.idx.msk [tilespmem:v2+s18+$0x0], $0xffff;
	v13 =	vadd.f32 $-5.000000000e-01, v13;
	v25 =	vsub.f32 v25, v28  }
0x2a7: {  	v30 =	vld.idx.msk [tilespmem:v31+s18+$0x0], $0xffff;
	[tilespmem:$0x1F880] =	vst v31;
	v3 =	vadd.f32 $-1.666666720e-01, v3;
	v0 =	vadd.f32 v10, v0  }
0x2a8: {  	v6 =	vmovc v31;
	v31 =	vadd.f32 v15, v14;
	v15 =	vld [tilespmem:s21+$0xFFFFFFC0];
	v13 =	vmul.f32 v13, v16;
	v1 =	vmul.f32 v25, v17  }
0x2a9: {  	v14 =	vld [tilespmem:s8+$0xFFFFFFC0];
	v3 =	vmul.f32 v3, v16;
	v0 =	vmul.f32 v0, v17  }
0x2aa: {  	v10 =	vld [tilespmem:s21+$0xFFFFFFD0];
	v16 =	vmul.f32 v9, v9;
	v56 =	vmul.f32 v7, v7;
	[tilespmem:$0x1F820] =	vst v1  }
0x2ab: {  	v28 =	vld [tilespmem:s8+$0xFFFFFFD0];
	[tilespmem:$0x1F830] =	vst v0  }
0x2ac: {  	v0 =	vadd.f32 v56, v16;
	v17 =	vld [tilespmem:s21+$0xFFFFFFE0]  }
0x2ad: {  	(erf) = vrcp.f32 v31;
	v37 =	vld [tilespmem:s8+$0xFFFFFFE0]  }
0x2ae: {  	v31 =	vadd.f32 $1.000000000e+00, v13;
	v3 =	vadd.f32 $1.000000000e+00, v3;
	v42 =	vld [tilespmem:s21+$0xFFFFFFF0];
	(erf) = vrcp.f32 v0  }
0x2af: {  	v12 =	vmul.f32 v12, v24;
	v24 =	vsub.f32 v20, v22;
	v20 =	vmul.f32 v14, v14;
	v16 =	vld [tilespmem:s8+$0xFFFFFFF0]  }
0x2b0: {  	v25 =	vsub.f32 v23, v19;
	v3 =	vmul.f32 v3, v18;
	v18 =	vmul.f32 v15, v15;
	v19 =	vld.idx.msk [tilespmem:v5+s18+$0x0], $0xffff  }
0x2b1: {  	v23 =	vmul.f32 v10, v10;
	v0 =	vmul.f32 v31, v8;
	v49 =	vld [tilespmem:s21+$0x0]  }
0x2b2: {  	v22 =	vsub.f32 v26, v27;
	v8 =	vmul.f32 v3, v8;
	v3 =	vmul.f32 v3, v21;
	v27 =	vld [tilespmem:s8+$0x0]  }
0x2b3: {  	v18 =	vadd.f32 v20, v18;
	v31 =	vmul.f32 v31, v21;
	v50 =	vld [tilespmem:s21+$0x10];
	v58 =	vmul.f32 v28, v28  }
0x2b4: {  	v40 =	vld [tilespmem:s8+$0x10];
	v26 =	vmul.f32 v17, v17;
	v59 =	vmul.f32 v37, v37  }
0x2b5: {  	v63 =	vmovc v32;
	(erf) = vrcp.f32 v18;
	v13 =	vld [tilespmem:$0x1F500];
	v0 =	vsub.f32 v0, v3;
	v32 =	vadd.f32 v58, v23  }
0x2b6: {  	v51 =	vld [tilespmem:s21+$0x20];
	v34 =	vmul.f32 v42, v42;
	v18 =	vadd.f32 v59, v26;
	v35 =	vmul.f32 v16, v16  }
0x2b7: {  	v44 =	vld [tilespmem:s8+$0x20];
	v23 =	vsub.f32 v30, v19;
	v3 =	vmul.f32 v49, v49;
	(erf) = vrcp.f32 v32  }
0x2b8: {  	v1 =	vld [tilespmem:$0x1F510];
	v26 =	vpop (erf);
	v19 =	vadd.f32 v35, v34;
	(erf) = vrcp.f32 v18;
	v18 =	vmul.f32 v24, v24  }
0x2b9: {  	v38 =	vld [tilespmem:s22+$0x0];
	v12 =	vmul.f32 v26, v12;
	v26 =	vmul.f32 v27, v27  }
0x2ba: {  	v20 =	vld [tilespmem:s24+$0x10];
	(erf) = vrcp.f32 v19;
	v19 =	vmul.f32 $2.480158760e-05, v18  }
0x2bb: {  	v45 =	vld [tilespmem:s22+$0x10];
	[tilespmem:$0x1F8D0] =	vst v54;
	v8 =	vadd.f32 v31, v8;
	v30 =	vmul.f32 v40, v40;
	v3 =	vadd.f32 v26, v3  }
0x2bc: {  	v43 =	vld.idx.msk [tilespmem:v4+s18+$0x0], $0xffff;
	v26 =	vmul.f32 v50, v50;
	v0 =	vmul.f32 v0, v12;
	v19 =	vadd.f32 $-1.388888920e-03, v19  }
0x2bd: {  	[tilespmem:v13+s31+$0x0] =	vst.idx.add.f32.msk $0xffff, v1;
	v1 =	vmul.f32 v8, v12  }
0x2be: {  	v26 =	vadd.f32 v30, v26;
	v30 =	vld.idx.msk [tilespmem:v54+s18+$0x0], $0xffff;
	[tilespmem:$0x1F670] =	vst v0;
	v19 =	vmul.f32 v19, v18  }
0x2bf: {  	[tilespmem:$0x1F910] =	vst v52  }
0x2c0: {  	v0 =	vadd.f32 $4.166666790e-02, v19;
	v19 =	vld.idx.msk [tilespmem:v52+s18+$0x0], $0xffff;
	[tilespmem:$0x1F680] =	vst v1  }
0x2c1: {  	v12 =	vld.idx.msk [tilespmem:v38+s18+$0x0], $0xffff  }
0x2c2: {  	v60 =	vmov v48;
	v48 =	vld.idx.msk [tilespmem:v20+s18+$0x0], $0xffff  }
0x2c3: {  	v1 =	vmov v20;
	[tilespmem:$0x1F940] =	vst v20;
	v20 =	vld [tilespmem:$0x1F520];
	_ =	sdelay $0x4  }
0x2c4: {  	[tilespmem:v13+s0+$0x0] =	vst.idx.add.f32.msk $0xffff, v20  }
0x2c5: {  	v13 =	vld [tilespmem:$0x1FE40];
	_ =	sdelay $0x2  }
0x2c6: {  	v20 =	vld [tilespmem:$0x1F530];
	_ =	sdelay $0x4  }
0x2c7: {  	[tilespmem:v13+s31+$0x0] =	vst.idx.add.f32.msk $0xffff, v20  }
0x2c8: {  	v20 =	vld [tilespmem:$0x1F540];
	_ =	sdelay $0x4  }
0x2c9: {  	[tilespmem:v13+s0+$0x0] =	vst.idx.add.f32.msk $0xffff, v20  }
0x2ca: {  	v13 =	vld [tilespmem:$0x1FE60];
	_ =	sdelay $0x2  }
0x2cb: {  	v20 =	vld [tilespmem:$0x1F550];
	_ =	sdelay $0x4  }
0x2cc: {  	[tilespmem:v13+s31+$0x0] =	vst.idx.add.f32.msk $0xffff, v20  }
0x2cd: {  	v20 =	vld [tilespmem:$0x1F560];
	_ =	sdelay $0x4  }
0x2ce: {  	[tilespmem:v13+s0+$0x0] =	vst.idx.add.f32.msk $0xffff, v20  }
0x2cf: {  	v13 =	vld [tilespmem:$0x1FE80];
	_ =	sdelay $0x2  }
0x2d0: {  	v20 =	vld [tilespmem:$0x1F570];
	_ =	sdelay $0x4  }
0x2d1: {  	[tilespmem:v13+s31+$0x0] =	vst.idx.add.f32.msk $0xffff, v20  }
0x2d2: {  	v20 =	vld [tilespmem:$0x1F580];
	_ =	sdelay $0x4  }
0x2d3: {  	[tilespmem:v13+s0+$0x0] =	vst.idx.add.f32.msk $0xffff, v20  }
0x2d4: {  	v13 =	vld [tilespmem:$0x1FED0];
	_ =	sdelay $0x1  }
0x2d5: {  	v39 =	vmul.f32 v51, v51;
	v41 =	vmul.f32 v44, v44  }
0x2d6: {  	v20 =	vld [tilespmem:$0x1F590]  }
0x2d7: {  	v57 =	vmov v11;
	v11 =	vadd.f32 v41, v39;
	(erf) = vrcp.f32 v3  }
0x2d8: {  	(erf) = vrcp.f32 v26;
	v21 =	vld [tilespmem:s24+$0x20]  }
0x2d9: {  	(erf) = vrcp.f32 v11;
	v11 =	vsub.f32 v30, v43;
	v30 =	vld.idx.msk [tilespmem:v45+s18+$0x0], $0xffff  }
0x2da: {  	v46 =	vmul.f32 v22, v22  }
0x2db: {  	v29 =	vmul.f32 v23, v23;
	[tilespmem:v13+s31+$0x0] =	vst.idx.add.f32.msk $0xffff, v20  }
0x2dc: {  	v56 =	vmul.f32 $1.984127010e-04, v46;
	v47 =	vmul.f32 v11, v11;
	v20 =	vld [tilespmem:$0x1F5A0]  }
0x2dd: {  	v55 =	vmul.f32 $2.480158760e-05, v29  }
0x2de: {  	v58 =	vmul.f32 $2.480158760e-05, v47;
	v30 =	vsub.f32 v48, v30;
	v48 =	vsub.f32 $8.333333770e-03, v56  }
0x2df: {  	v41 =	vld [tilespmem:s22+$0x20]  }
0x2e0: {  	v43 =	vadd.f32 $-1.388888920e-03, v55;
	v55 =	vadd.f32 $-1.388888920e-03, v58;
	v58 =	vmul.f32 v48, v46;
	v48 =	vld.idx.msk [tilespmem:v21+s18+$0x0], $0xffff;
	[tilespmem:$0x1F950] =	vst v21  }
0x2e1: {  	[tilespmem:v13+s0+$0x0] =	vst.idx.add.f32.msk $0xffff, v20  }
0x2e2: {  	v13 =	vld [tilespmem:$0x1FF30];
	_ =	sdelay $0x2  }
0x2e3: {  	v20 =	vld [tilespmem:$0x1F5B0];
	_ =	sdelay $0x4  }
0x2e4: {  	[tilespmem:v13+s31+$0x0] =	vst.idx.add.f32.msk $0xffff, v20  }
0x2e5: {  	v20 =	vld [tilespmem:$0x1F5C0];
	_ =	sdelay $0x4  }
0x2e6: {  	[tilespmem:v13+s0+$0x0] =	vst.idx.add.f32.msk $0xffff, v20  }
0x2e7: {  	v13 =	vld [tilespmem:$0x1FF50];
	_ =	sdelay $0x2  }
0x2e8: {  	v20 =	vld [tilespmem:$0x1F5D0];
	_ =	sdelay $0x4  }
0x2e9: {  	[tilespmem:v13+s31+$0x0] =	vst.idx.add.f32.msk $0xffff, v20  }
0x2ea: {  	v20 =	vld [tilespmem:$0x1F5E0];
	_ =	sdelay $0x4  }
0x2eb: {  	[tilespmem:v13+s0+$0x0] =	vst.idx.add.f32.msk $0xffff, v20  }
0x2ec: {  	v13 =	vld [tilespmem:$0x1FF70];
	_ =	sdelay $0x2  }
0x2ed: {  	v20 =	vld [tilespmem:$0x1F5F0];
	_ =	sdelay $0x4  }
0x2ee: {  	[tilespmem:v13+s31+$0x0] =	vst.idx.add.f32.msk $0xffff, v20  }
0x2ef: {  	v20 =	vld [tilespmem:$0x1F600];
	_ =	sdelay $0x1  }
0x2f0: {  	v36 =	vmul.f32 $1.984127010e-04, v18  }
0x2f1: {  	v32 =	vmul.f32 v25, v25  }
0x2f2: {  	v3 =	vsub.f32 $8.333333770e-03, v36  }
0x2f3: {  	v26 =	vmul.f32 $2.480158760e-05, v32;
	[tilespmem:v13+s0+$0x0] =	vst.idx.add.f32.msk $0xffff, v20  }
0x2f4: {  	v3 =	vmul.f32 v3, v18;
	v13 =	vld [tilespmem:$0x1FF90]  }
0x2f5: {  	v53 =	vmul.f32 $2.480158760e-05, v46;
	v8 =	vadd.f32 $-1.388888920e-03, v26  }
0x2f6: {  	v3 =	vadd.f32 $-1.666666720e-01, v3;
	v26 =	vmul.f32 $1.984127010e-04, v32;
	v0 =	vmul.f32 v0, v18  }
0x2f7: {  	v59 =	vmul.f32 $1.984127010e-04, v29;
	v8 =	vmul.f32 v8, v32;
	v20 =	vld [tilespmem:$0x1F610]  }
0x2f8: {  	v26 =	vsub.f32 $8.333333770e-03, v26;
	v3 =	vmul.f32 v3, v18;
	v0 =	vadd.f32 $-5.000000000e-01, v0  }
0x2f9: {  	v43 =	vmul.f32 v43, v29;
	v8 =	vadd.f32 $4.166666790e-02, v8;
	v19 =	vsub.f32 v19, v12  }
0x2fa: {  	v12 =	vmul.f32 v0, v18;
	v0 =	vmul.f32 v26, v32;
	v18 =	vadd.f32 $-1.388888920e-03, v53  }
0x2fb: {  	v43 =	vadd.f32 $4.166666790e-02, v43;
	v8 =	vmul.f32 v8, v32;
	v56 =	vsub.f32 $8.333333770e-03, v59  }
0x2fc: {  	v59 =	vmul.f32 $1.984127010e-04, v47;
	v18 =	vmul.f32 v18, v46;
	v0 =	vadd.f32 $-1.666666720e-01, v0;
	[tilespmem:v13+s31+$0x0] =	vst.idx.add.f32.msk $0xffff, v20  }
0x2fd: {  	v43 =	vmul.f32 v43, v29;
	v8 =	vadd.f32 $-5.000000000e-01, v8;
	v33 =	vmul.f32 v56, v29;
	v20 =	vld [tilespmem:$0x1F620]  }
0x2fe: {  	v59 =	vsub.f32 $8.333333770e-03, v59;
	v18 =	vadd.f32 $4.166666790e-02, v18;
	v0 =	vmul.f32 v0, v32  }
0x2ff: {  	v8 =	vmul.f32 v8, v32;
	v32 =	vmul.f32 v55, v47;
	v36 =	vadd.f32 $-1.666666720e-01, v58  }
0x300: {  	v43 =	vadd.f32 $-5.000000000e-01, v43;
	v33 =	vadd.f32 $-1.666666720e-01, v33;
	v18 =	vmul.f32 v18, v46;
	v58 =	vld.idx.msk [tilespmem:v41+s18+$0x0], $0xffff  }
0x301: {  	v35 =	vmul.f32 v59, v47;
	v32 =	vadd.f32 $4.166666790e-02, v32;
	v36 =	vmul.f32 v36, v46  }
0x302: {  	v33 =	vmul.f32 v33, v29;
	v29 =	vmul.f32 v43, v29;
	v18 =	vadd.f32 $-5.000000000e-01, v18;
	[tilespmem:v13+s0+$0x0] =	vst.idx.add.f32.msk $0xffff, v20  }
0x303: {  	v3 =	vadd.f32 $1.000000000e+00, v3;
	v43 =	vmul.f32 v30, v30;
	v32 =	vmul.f32 v32, v47;
	v13 =	vld [tilespmem:$0x1FDA0]  }
0x304: {  	s22 =	sadd.s32 $0xA0, s22;
	v12 =	vadd.f32 $1.000000000e+00, v12;
	v18 =	vmul.f32 v18, v46;
	v46 =	vmul.f32 v19, v19;
	v31 =	vld.idx.msk [tilespmem:v60+s1+$0x0], $0xffff  }
0x305: {  	v3 =	vmul.f32 v3, v24;
	v35 =	vadd.f32 $-1.666666720e-01, v35;
	v60 =	vld [tilespmem:s22+$0x40];
	v48 =	vsub.f32 v48, v58  }
0x306: {  	v39 =	vmul.f32 $2.480158760e-05, v43;
	v32 =	vadd.f32 $-5.000000000e-01, v32;
	v53 =	vmul.f32 $2.480158760e-05, v46;
	v20 =	vld [tilespmem:$0x1F630]  }
0x307: {  	v0 =	vadd.f32 $1.000000000e+00, v0;
	v34 =	vmul.f32 v35, v47;
	v56 =	vmul.f32 v48, v48  }
0x308: {  	v32 =	vmul.f32 v32, v47;
	v59 =	vadd.f32 $-1.388888920e-03, v53;
	v53 =	vmul.f32 $1.984127010e-04, v46  }
0x309: {  	v47 =	vadd.f32 $-1.388888920e-03, v39;
	v39 =	vmul.f32 $1.984127010e-04, v43;
	v26 =	vld.idx.msk [tilespmem:v5+s1+$0x0], $0xffff;
	v55 =	vmul.f32 $2.480158760e-05, v56  }
0x30a: {  	v25 =	vmul.f32 v0, v25;
	v35 =	vmul.f32 v59, v46;
	v53 =	vsub.f32 $8.333333770e-03, v53;
	v45 =	vld.idx.msk [tilespmem:v45+s1+$0x0], $0xffff  }
0x30b: {  	v58 =	vsub.f32 $8.333333770e-03, v39;
	v39 =	vmul.f32 $1.984127010e-04, v56;
	v55 =	vadd.f32 $-1.388888920e-03, v55;
	[tilespmem:v13+s31+$0x0] =	vst.idx.add.f32.msk $0xffff, v20  }
0x30c: {  	v36 =	vadd.f32 $1.000000000e+00, v36;
	v24 =	vadd.f32 $1.000000000e+00, v33;
	v53 =	vmul.f32 v53, v46;
	v20 =	vld [tilespmem:$0x1F640]  }
0x30d: {  	v35 =	vadd.f32 $4.166666790e-02, v35;
	v41 =	vld.idx.msk [tilespmem:v41+s1+$0x0], $0xffff;
	v59 =	vsub.f32 $8.333333770e-03, v39;
	v55 =	vmul.f32 v55, v56  }
0x30e: {  	v22 =	vmul.f32 v36, v22;
	v47 =	vmul.f32 v47, v43;
	v53 =	vadd.f32 $-1.666666720e-01, v53;
	v36 =	vld.idx.msk [tilespmem:v60+s18+$0x0], $0xffff  }
0x30f: {  	v35 =	vmul.f32 v35, v46;
	v0 =	vld.idx.msk [tilespmem:v60+s1+$0x0], $0xffff;
	v59 =	vmul.f32 v59, v56;
	v55 =	vadd.f32 $4.166666790e-02, v55  }
0x310: {  	v47 =	vadd.f32 $4.166666790e-02, v47;
	v53 =	vmul.f32 v53, v46;
	v58 =	vmul.f32 v58, v43;
	v39 =	vld.idx.msk [tilespmem:v61+s1+$0x0], $0xffff  }
0x311: {  	v35 =	vadd.f32 $-5.000000000e-01, v35;
	v61 =	vadd.f32 $-1.666666720e-01, v59;
	v55 =	vmul.f32 v55, v56;
	[tilespmem:v13+s0+$0x0] =	vst.idx.add.f32.msk $0xffff, v20  }
0x312: {  	v24 =	vmul.f32 v24, v23;
	v23 =	vadd.f32 $1.000000000e+00, v53;
	v58 =	vadd.f32 $-1.666666720e-01, v58;
	v20 =	vld.idx.msk [tilespmem:v2+s1+$0x0], $0xffff  }
0x313: {  	v35 =	vmul.f32 v35, v46;
	v46 =	vmul.f32 v61, v56;
	v55 =	vadd.f32 $-5.000000000e-01, v55;
	v13 =	vld.idx.msk [tilespmem:v4+s1+$0x0], $0xffff  }
0x314: {  	v19 =	vmul.f32 v23, v19;
	v23 =	vadd.f32 $1.000000000e+00, v29;
	v58 =	vmul.f32 v58, v43;
	v2 =	vld.idx.msk [tilespmem:v38+s1+$0x0], $0xffff;
	[tilespmem:$0x1F650] =	vst v0  }
0x315: {  	v61 =	vadd.f32 $1.000000000e+00, v46;
	v38 =	vmul.f32 v55, v56;
	v56 =	vadd.f32 $1.000000000e+00, v34;
	v46 =	vld.idx.msk [tilespmem:v57+s1+$0x0], $0xffff  }
0x316: {  	v47 =	vmul.f32 v47, v43;
	v29 =	vmul.f32 v23, v17;
	v59 =	vadd.f32 $1.000000000e+00, v58;
	v55 =	vld.idx.msk [tilespmem:v62+s1+$0x0], $0xffff  }
0x317: {  	v58 =	vmul.f32 v12, v9;
	v11 =	vmul.f32 v56, v11;
	v56 =	vld.idx.msk [tilespmem:v63+s1+$0x0], $0xffff  }
0x318: {  	v8 =	vadd.f32 $1.000000000e+00, v8;
	v12 =	vmul.f32 v12, v7;
	v53 =	vmul.f32 v59, v30;
	v59 =	vld.idx.msk [tilespmem:v6+s1+$0x0], $0xffff  }
0x319: {  	v7 =	vmul.f32 v3, v7;
	v3 =	vmul.f32 v3, v9;
	v9 =	vadd.f32 $1.000000000e+00, v18;
	v18 =	vld.idx.msk [tilespmem:v54+s1+$0x0], $0xffff  }
0x31a: {  	v60 =	vmul.f32 v8, v15;
	v0 =	vmul.f32 v23, v37;
	v23 =	vld [tilespmem:s22+$0xFFFFFFB0]  }
0x31b: {  	v8 =	vmul.f32 v8, v14;
	v48 =	vmul.f32 v61, v48;
	v61 =	vld.idx.msk [tilespmem:v52+s1+$0x0], $0xffff  }
0x31c: {  	s9 =	sadd.s32 $0xA0, s24;
	v14 =	vmul.f32 v25, v14;
	v15 =	vmul.f32 v25, v15;
	v25 =	vld.idx.msk [tilespmem:v1+s1+$0x0], $0xffff  }
0x31d: {  	v62 =	vmul.f32 v9, v10;
	v9 =	vmul.f32 v9, v28;
	v34 =	vld [tilespmem:s9+$0x40]  }
0x31e: {  	v28 =	vmul.f32 v22, v28;
	v10 =	vmul.f32 v22, v10;
	v22 =	vadd.f32 $1.000000000e+00, v32;
	v63 =	vld.idx.msk [tilespmem:v21+s1+$0x0], $0xffff  }
0x31f: {  	v17 =	vmul.f32 v24, v17;
	v37 =	vmul.f32 v24, v37;
	v54 =	vld [tilespmem:s9+$0xFFFFFFB0];
	[tilespmem:$0x1F8A0] =	vst v23  }
0x320: {  	v24 =	vadd.f32 $1.000000000e+00, v35;
	v35 =	vmul.f32 v22, v42;
	v1 =	vmul.f32 v22, v16;
	v22 =	vld [tilespmem:s22+$0xFFFFFFC0];
	_ =	sdelay $0x1  }
0x321: {  	v47 =	vadd.f32 $-5.000000000e-01, v47;
	_ =	sdelay $0x1  }
0x322: {  	v43 =	vmul.f32 v47, v43  }
0x323: {  	v52 =	vld [tilespmem:s9+$0xFFFFFFC0];
	[tilespmem:$0x1F8B0] =	vst v22  }
0x324: {  	v33 =	vadd.f32 $1.000000000e+00, v43;
	v43 =	vmul.f32 v24, v49;
	v4 =	vmul.f32 v24, v27;
	v24 =	vld [tilespmem:s22+$0xFFFFFFD0];
	_ =	sdelay $0x3  }
0x325: {  	v27 =	vmul.f32 v19, v27;
	v49 =	vmul.f32 v19, v49;
	v19 =	vadd.f32 $1.000000000e+00, v38  }
0x326: {  	v47 =	vmul.f32 v33, v50;
	v5 =	vmul.f32 v53, v50;
	v57 =	vld [tilespmem:s9+$0xFFFFFFD0];
	[tilespmem:$0x1F8C0] =	vst v24  }
0x327: {  	v50 =	vmul.f32 v19, v51;
	v6 =	vmul.f32 v19, v44;
	v19 =	vld [tilespmem:s22+$0xFFFFFFE0];
	_ =	sdelay $0x3  }
0x328: {  	v14 =	vsub.f32 v60, v14;
	v16 =	vmul.f32 v11, v16;
	v11 =	vmul.f32 v11, v42;
	v38 =	vld.idx.msk [tilespmem:v34+s18+$0x0], $0xffff  }
0x329: {  	v8 =	vadd.f32 v8, v15;
	v42 =	vmul.f32 v33, v40;
	v40 =	vmul.f32 v53, v40;
	v53 =	vld [tilespmem:s9+$0xFFFFFFE0];
	[tilespmem:$0x1F900] =	vst v19  }
0x32a: {  	v3 =	vadd.f32 v12, v3;
	v60 =	vmul.f32 v48, v51;
	v44 =	vmul.f32 v48, v44;
	v12 =	vld [tilespmem:s22+$0x0]  }
0x32b: {  	v7 =	vsub.f32 v58, v7;
	v31 =	vmul.f32 v31, v46;
	v15 =	vmul.f32 v39, v55;
	v39 =	vpop (erf)  }
0x32c: {  	v48 =	vsub.f32 v62, v28;
	v20 =	vmul.f32 v20, v56;
	v21 =	vmul.f32 v26, v59;
	v28 =	vpop (erf)  }
0x32d: {  	v9 =	vadd.f32 v9, v10;
	v13 =	vmul.f32 v13, v18;
	v10 =	vmul.f32 v2, v61;
	v56 =	vpop (erf);
	v58 =	vld [tilespmem:s9+$0xFFFFFFF0]  }
0x32e: {  	v25 =	vmul.f32 v45, v25;
	v41 =	vmul.f32 v41, v63;
	v59 =	vpop (erf);
	v55 =	vld [tilespmem:s22+$0xFFFFFFF0]  }
0x32f: {  	v0 =	vadd.f32 v0, v17;
	v31 =	vmul.f32 v39, v31;
	v15 =	vmul.f32 v28, v15;
	v28 =	vpop (erf);
	v33 =	vld [tilespmem:s9+$0x0];
	[tilespmem:$0x1F980] =	vst v12  }
0x330: {  	s21 =	sadd.s32 $0xA0, s21;
	v20 =	vmul.f32 v56, v20;
	v17 =	vmul.f32 v59, v21;
	v21 =	vpop (erf);
	v38 =	vsub.f32 v38, v36;
	v32 =	vld [tilespmem:s9+$0x10]  }
0x331: {  	s8 =	sadd.s32 $0xA0, s8;
	v16 =	vsub.f32 v35, v16;
	v8 =	vmul.f32 v8, v15;
	v10 =	vmul.f32 v21, v10;
	v21 =	vpop (erf);
	v63 =	vld [tilespmem:s21+$0x40]  }
0x332: {  	v1 =	vadd.f32 v1, v11;
	v11 =	vmul.f32 v21, v25;
	v21 =	vpop (erf);
	v62 =	vmul.f32 v38, v38;
	v59 =	vld [tilespmem:s8+$0x40]  }
0x333: {  	v35 =	vsub.f32 v43, v27;
	v13 =	vmul.f32 v28, v13;
	v43 =	vmul.f32 v21, v41;
	v61 =	vld.idx.msk [tilespmem:v54+s18+$0x0], $0xffff  }
0x334: {  	v28 =	vmul.f32 $2.480158760e-05, v62;
	v21 =	vmul.f32 $1.984127010e-04, v62;
	v56 =	vld.idx.msk [tilespmem:v23+s18+$0x0], $0xffff  }
0x335: {  	v39 =	vmul.f32 v7, v31;
	v45 =	vmul.f32 v3, v31;
	v2 =	vld.idx.msk [tilespmem:v52+s18+$0x0], $0xffff  }
0x336: {  	v46 =	vmul.f32 v14, v15;
	v3 =	vadd.f32 $-1.388888920e-03, v28;
	v7 =	vld.idx.msk [tilespmem:v22+s18+$0x0], $0xffff;
	[tilespmem:$0x1F860] =	vst v8;
	v8 =	vsub.f32 $8.333333770e-03, v21  }
0x337: {  	v4 =	vadd.f32 v4, v49;
	v0 =	vmul.f32 v0, v17;
	v1 =	vmul.f32 v1, v13;
	v15 =	vld.idx.msk [tilespmem:v57+s18+$0x0], $0xffff  }
0x338: {  	v31 =	vsub.f32 v47, v40;
	v3 =	vmul.f32 v3, v62;
	v14 =	vld.idx.msk [tilespmem:v34+s1+$0x0], $0xffff;
	v8 =	vmul.f32 v8, v62  }
0x339: {  	v47 =	vmul.f32 v9, v20;
	v16 =	vmul.f32 v16, v13;
	v9 =	vld.idx.msk [tilespmem:v24+s18+$0x0], $0xffff;
	[tilespmem:$0x1F890] =	vst v0  }
0x33a: {  	v0 =	vadd.f32 $4.166666790e-02, v3;
	v3 =	vld.idx.msk [tilespmem:v53+s18+$0x0], $0xffff;
	[tilespmem:$0x1F8F0] =	vst v1;
	v1 =	vadd.f32 $-1.666666720e-01, v8;
	v8 =	vmul.f32 v35, v10  }
0x33b: {  	v37 =	vsub.f32 v29, v37;
	v4 =	vmul.f32 v4, v10;
	[tilespmem:$0x1F8E0] =	vst v16  }
0x33c: {  	v5 =	vadd.f32 v42, v5;
	v16 =	vld.idx.msk [tilespmem:v19+s18+$0x0], $0xffff;
	[tilespmem:$0x1F920] =	vst v8  }
0x33d: {  	v49 =	vmul.f32 v37, v17;
	v8 =	vsub.f32 v50, v44;
	v42 =	vld.idx.msk [tilespmem:v58+s18+$0x0], $0xffff;
	[tilespmem:$0x1F930] =	vst v4  }
0x33e: {  	v0 =	vmul.f32 v0, v62;
	v50 =	vmul.f32 v31, v11;
	v35 =	vld [tilespmem:s21+$0xFFFFFFB0]  }
0x33f: {  	v6 =	vadd.f32 v6, v60;
	v31 =	vmul.f32 v5, v11;
	v36 =	vld [tilespmem:s8+$0xFFFFFFB0];
	v5 =	vmul.f32 v8, v43  }
0x340: {  	v10 =	vmul.f32 v59, v59;
	v4 =	vmul.f32 v63, v63;
	v37 =	vld [tilespmem:s21+$0xFFFFFFC0]  }
0x341: {  	v41 =	vld [tilespmem:s8+$0xFFFFFFC0];
	[tilespmem:$0x1F960] =	vst v5;
	v5 =	vmul.f32 v6, v43  }
0x342: {  	v0 =	vadd.f32 $-5.000000000e-01, v0;
	v4 =	vadd.f32 v10, v4;
	v6 =	vld [tilespmem:$0x1F650]  }
0x343: {  	v1 =	vmul.f32 v1, v62;
	[tilespmem:$0x1F970] =	vst v5  }
0x344: {  	v0 =	vmul.f32 v0, v62;
	(erf) = vrcp.f32 v4;
	v40 =	vld [tilespmem:s21+$0xFFFFFFD0]  }
0x345: {  	v1 =	vadd.f32 $1.000000000e+00, v1;
	v62 =	vld [tilespmem:s8+$0xFFFFFFD0];
	v4 =	vmul.f32 v35, v35;
	v5 =	vmul.f32 v36, v36;
	_ =	sdelay $0x1  }
0x346: {  	v1 =	vmul.f32 v1, v38;
	v17 =	vmul.f32 v6, v14;
	v4 =	vadd.f32 v5, v4  }
0x347: {  	v43 =	vld [tilespmem:s21+$0xFFFFFFE0];
	v5 =	vmul.f32 v37, v37;
	v6 =	vmul.f32 v41, v41  }
0x348: {  	v38 =	vsub.f32 v2, v7;
	v0 =	vadd.f32 $1.000000000e+00, v0;
	v26 =	vld [tilespmem:s8+$0xFFFFFFE0];
	(erf) = vrcp.f32 v4  }
0x349: {  	v27 =	vld [tilespmem:s21+$0xFFFFFFF0];
	v2 =	vadd.f32 v6, v5;
	v4 =	vmul.f32 v40, v40;
	v5 =	vmul.f32 v62, v62  }
0x34a: {  	v51 =	vld [tilespmem:s8+$0xFFFFFFF0]  }
0x34b: {  	v24 =	vsub.f32 v3, v16;
	v60 =	vmul.f32 v0, v63;
	v3 =	vadd.f32 v5, v4;
	v5 =	vld [tilespmem:$0x1F660]  }
0x34c: {  	v63 =	vmul.f32 v1, v63;
	v0 =	vmul.f32 v0, v59;
	v23 =	vld [tilespmem:s21+$0x0]  }
0x34d: {  	v22 =	vld [tilespmem:s8+$0x0];
	v4 =	vpop (erf)  }
0x34e: {  	v56 =	vsub.f32 v61, v56;
	v61 =	vmul.f32 v4, v17;
	v4 =	vadd.f32 v0, v63;
	v0 =	vld [tilespmem:$0x1F670]  }
0x34f: {  	v21 =	vld [tilespmem:s21+$0x10]  }
0x350: {  	v19 =	vld [tilespmem:s8+$0x10]  }
0x351: {  	v1 =	vmul.f32 v1, v59;
	v18 =	vld [tilespmem:s21+$0x20]  }
0x352: {  	v25 =	vsub.f32 v15, v9;
	v14 =	vld [tilespmem:s8+$0x20];
	v9 =	vmul.f32 v43, v43;
	v15 =	vmul.f32 v26, v26  }
0x353: {  	v16 =	vmul.f32 v22, v22;
	(erf) = vrcp.f32 v2;
	[tilespmem:v5+s31+$0x0] =	vst.idx.add.f32.msk $0xffff, v0  }
0x354: {  	v2 =	vadd.f32 v15, v9;
	v9 =	vmul.f32 v27, v27;
	v15 =	vmul.f32 v51, v51;
	v6 =	vld [tilespmem:$0x1F680]  }
0x355: {  	v59 =	vmul.f32 v21, v21;
	(erf) = vrcp.f32 v3  }
0x356: {  	v3 =	vadd.f32 v15, v9;
	v9 =	vmul.f32 v56, v56;
	v15 =	vmul.f32 v23, v23  }
0x357: {  	(erf) = vrcp.f32 v2;
	v63 =	vmul.f32 v19, v19  }
0x358: {  	v2 =	vmul.f32 v14, v14;
	(erf) = vrcp.f32 v3;
	v15 =	vadd.f32 v16, v15  }
0x359: {  	v3 =	vmul.f32 v18, v18;
	v0 =	vmul.f32 v38, v38;
	[tilespmem:v5+s0+$0x0] =	vst.idx.add.f32.msk $0xffff, v6  }
0x35a: {  	v60 =	vsub.f32 v60, v1;
	v1 =	vmul.f32 $1.984127010e-04, v9;
	v59 =	vadd.f32 v63, v59;
	v7 =	vld [tilespmem:$0x1F690]  }
0x35b: {  	(erf) = vrcp.f32 v15;
	v2 =	vadd.f32 v2, v3;
	v3 =	vmul.f32 $2.480158760e-05, v0  }
0x35c: {  	(erf) = vrcp.f32 v59  }
0x35d: {  	v1 =	vsub.f32 $8.333333770e-03, v1;
	(erf) = vrcp.f32 v2;
	v2 =	vadd.f32 $-1.388888920e-03, v3;
	v3 =	vld [tilespmem:$0x1F6A0];
	_ =	sdelay $0x1  }
0x35e: {  	v29 =	vld [tilespmem:s22+$0x10];
	v1 =	vmul.f32 v1, v9;
	_ =	sdelay $0x1  }
0x35f: {  	v11 =	vmul.f32 v4, v61;
	v4 =	vadd.f32 $-1.666666720e-01, v1;
	v1 =	vmul.f32 $1.984127010e-04, v0  }
0x360: {  	[tilespmem:v7+s31+$0x0] =	vst.idx.add.f32.msk $0xffff, v3  }
0x361: {  	v3 =	vsub.f32 $8.333333770e-03, v1;
	v1 =	vld [tilespmem:$0x1F6B0];
	_ =	sdelay $0x2  }
0x362: {  	v59 =	vmul.f32 v60, v61;
	v60 =	vld.idx.msk [tilespmem:v32+s18+$0x0], $0xffff  }
0x363: {  	v6 =	vld.idx.msk [tilespmem:v29+s18+$0x0], $0xffff;
	v2 =	vmul.f32 v2, v0  }
0x364: {  	[tilespmem:v7+s0+$0x0] =	vst.idx.add.f32.msk $0xffff, v1  }
0x365: {  	v1 =	vadd.f32 $4.166666790e-02, v2;
	v2 =	vmul.f32 v3, v0;
	v3 =	vld [tilespmem:$0x1F6C0];
	_ =	sdelay $0x2  }
0x366: {  	v10 =	vsub.f32 v60, v6;
	v6 =	vld [tilespmem:$0x1F6D0]  }
0x367: {  	v17 =	vld [tilespmem:s9+$0x20]  }
0x368: {  	v30 =	vld [tilespmem:s22+$0x20];
	_ =	sdelay $0x2  }
0x369: {  	[tilespmem:v3+s31+$0x0] =	vst.idx.add.f32.msk $0xffff, v6  }
0x36a: {  	v6 =	vld [tilespmem:$0x1F6E0];
	_ =	sdelay $0x2  }
0x36b: {  	v61 =	vld.idx.msk [tilespmem:v17+s18+$0x0], $0xffff  }
0x36c: {  	v5 =	vld.idx.msk [tilespmem:v30+s18+$0x0], $0xffff  }
0x36d: {  	[tilespmem:v3+s0+$0x0] =	vst.idx.add.f32.msk $0xffff, v6  }
0x36e: {  	v3 =	vld [tilespmem:$0x1F6F0];
	_ =	sdelay $0x2  }
0x36f: {  	v7 =	vsub.f32 v61, v5;
	v5 =	vld [tilespmem:$0x1F700];
	_ =	sdelay $0x4  }
0x370: {  	[tilespmem:v3+s31+$0x0] =	vst.idx.add.f32.msk $0xffff, v5  }
0x371: {  	v5 =	vld [tilespmem:$0x1F710];
	_ =	sdelay $0x4  }
0x372: {  	[tilespmem:v3+s0+$0x0] =	vst.idx.add.f32.msk $0xffff, v5  }
0x373: {  	v3 =	vld [tilespmem:$0x1F720];
	_ =	sdelay $0x2  }
0x374: {  	v6 =	vld [tilespmem:$0x1F730]  }
0x375: {  	v44 =	vld.idx.msk [tilespmem:v55+s18+$0x0], $0xffff;
	_ =	sdelay $0x3  }
0x376: {  	[tilespmem:v3+s31+$0x0] =	vst.idx.add.f32.msk $0xffff, v6  }
0x377: {  	v13 =	vsub.f32 v42, v44;
	v42 =	vmul.f32 $2.480158760e-05, v9;
	v6 =	vld [tilespmem:$0x1F740];
	_ =	sdelay $0x1  }
0x378: {  	v42 =	vadd.f32 $-1.388888920e-03, v42;
	_ =	sdelay $0x1  }
0x379: {  	v15 =	vmul.f32 v42, v9  }
0x37a: {  	v1 =	vmul.f32 v1, v0;
	[tilespmem:v3+s0+$0x0] =	vst.idx.add.f32.msk $0xffff, v6  }
0x37b: {  	v15 =	vadd.f32 $4.166666790e-02, v15;
	v3 =	vld [tilespmem:$0x1F750]  }
0x37c: {  	v1 =	vadd.f32 $-5.000000000e-01, v1  }
0x37d: {  	v15 =	vmul.f32 v15, v9  }
0x37e: {  	v16 =	vmul.f32 v1, v0;
	v1 =	vld [tilespmem:$0x1F760]  }
0x37f: {  	v15 =	vadd.f32 $-5.000000000e-01, v15  }
0x380: {  	v48 =	vmul.f32 v48, v20;
	v8 =	vmul.f32 v24, v24;
	v2 =	vadd.f32 $-1.666666720e-01, v2  }
0x381: {  	v20 =	vmul.f32 v4, v9;
	v28 =	vmul.f32 v15, v9  }
0x382: {  	v9 =	vmul.f32 v2, v0;
	v2 =	vmul.f32 $1.984127010e-04, v8  }
0x383: {  	[tilespmem:v3+s31+$0x0] =	vst.idx.add.f32.msk $0xffff, v1  }
0x384: {  	v1 =	vsub.f32 $8.333333770e-03, v2;
	v2 =	vld [tilespmem:$0x1F770];
	_ =	sdelay $0x4  }
0x385: {  	[tilespmem:v3+s0+$0x0] =	vst.idx.add.f32.msk $0xffff, v2  }
0x386: {  	v2 =	vld [tilespmem:$0x1F780]  }
0x387: {  	v63 =	vld.idx.msk [tilespmem:v33+s18+$0x0], $0xffff  }
0x388: {  	v42 =	vld.idx.msk [tilespmem:v12+s18+$0x0], $0xffff  }
0x389: {  	v3 =	vld [tilespmem:$0x1F790];
	_ =	sdelay $0x4  }
0x38a: {  	v42 =	vsub.f32 v63, v42;
	v63 =	vmul.f32 v25, v25;
	[tilespmem:v2+s31+$0x0] =	vst.idx.add.f32.msk $0xffff, v3  }
0x38b: {  	v3 =	vld [tilespmem:$0x1F7A0]  }
0x38c: {  	v44 =	vmul.f32 $1.984127010e-04, v63;
	v60 =	vmul.f32 v13, v13;
	_ =	sdelay $0x1  }
0x38d: {  	v4 =	vmul.f32 $2.480158760e-05, v63;
	v61 =	vsub.f32 $8.333333770e-03, v44;
	v5 =	vmul.f32 $2.480158760e-05, v60;
	_ =	sdelay $0x1  }
0x38e: {  	v4 =	vadd.f32 $-1.388888920e-03, v4;
	v0 =	vadd.f32 $-1.388888920e-03, v5;
	v5 =	vmul.f32 v61, v63;
	[tilespmem:v2+s0+$0x0] =	vst.idx.add.f32.msk $0xffff, v3  }
0x38f: {  	v2 =	vld [tilespmem:$0x1F7B0]  }
0x390: {  	v4 =	vmul.f32 v4, v63;
	v5 =	vadd.f32 $-1.666666720e-01, v5;
	_ =	sdelay $0x1  }
0x391: {  	v4 =	vadd.f32 $4.166666790e-02, v4;
	v6 =	vmul.f32 v5, v63;
	v5 =	vld [tilespmem:$0x1F7C0];
	_ =	sdelay $0x1  }
0x392: {  	v4 =	vmul.f32 v4, v63;
	_ =	sdelay $0x1  }
0x393: {  	v4 =	vadd.f32 $-5.000000000e-01, v4  }
0x394: {  	[tilespmem:v2+s31+$0x0] =	vst.idx.add.f32.msk $0xffff, v5  }
0x395: {  	v12 =	vmul.f32 v4, v63;
	v4 =	vld [tilespmem:$0x1F7D0];
	_ =	sdelay $0x4  }
0x396: {  	[tilespmem:v2+s0+$0x0] =	vst.idx.add.f32.msk $0xffff, v4  }
0x397: {  	v2 =	vld [tilespmem:$0x1F7E0]  }
0x398: {  	v1 =	vmul.f32 v1, v8;
	_ =	sdelay $0x1  }
0x399: {  	v5 =	vadd.f32 $-1.666666720e-01, v1;
	v1 =	vld [tilespmem:$0x1F7F0];
	_ =	sdelay $0x1  }
0x39a: {  	v0 =	vmul.f32 v0, v60;
	_ =	sdelay $0x1  }
0x39b: {  	v0 =	vadd.f32 $4.166666790e-02, v0  }
0x39c: {  	[tilespmem:v2+s31+$0x0] =	vst.idx.add.f32.msk $0xffff, v1  }
0x39d: {  	v4 =	vmul.f32 v0, v60;
	v0 =	vld [tilespmem:$0x1F800];
	_ =	sdelay $0x4  }
0x39e: {  	v44 =	vmul.f32 $1.984127010e-04, v60;
	v3 =	vmul.f32 v42, v42;
	[tilespmem:v2+s0+$0x0] =	vst.idx.add.f32.msk $0xffff, v0  }
0x39f: {  	v0 =	vld [tilespmem:$0x1F810]  }
0x3a0: {  	v61 =	vsub.f32 $8.333333770e-03, v44;
	v44 =	vmul.f32 $2.480158760e-05, v3;
	_ =	sdelay $0x1  }
0x3a1: {  	v63 =	vadd.f32 $-1.388888920e-03, v44;
	v44 =	vld [tilespmem:$0x1F820];
	_ =	sdelay $0x4  }
0x3a2: {  	[tilespmem:v0+s31+$0x0] =	vst.idx.add.f32.msk $0xffff, v44  }
0x3a3: {  	v44 =	vld [tilespmem:$0x1F830];
	_ =	sdelay $0x1  }
0x3a4: {  	v15 =	vmul.f32 $2.480158760e-05, v8  }
0x3a5: {  	[tilespmem:v34+s31+$0x0] =	vst.idx.add.f32.msk $0xffff, v59  }
0x3a6: {  	v15 =	vadd.f32 $-1.388888920e-03, v15;
	[tilespmem:v34+s0+$0x0] =	vst.idx.add.f32.msk $0xffff, v11  }
0x3a7: {  	[tilespmem:v0+s0+$0x0] =	vst.idx.add.f32.msk $0xffff, v44  }
0x3a8: {  	v15 =	vmul.f32 v15, v8;
	v44 =	vld [tilespmem:$0x1F840];
	_ =	sdelay $0x1  }
0x3a9: {  	v15 =	vadd.f32 $4.166666790e-02, v15;
	_ =	sdelay $0x1  }
0x3aa: {  	v15 =	vmul.f32 v15, v8;
	_ =	sdelay $0x1  }
0x3ab: {  	v15 =	vadd.f32 $-5.000000000e-01, v15;
	v61 =	vmul.f32 v61, v60  }
0x3ac: {  	v5 =	vmul.f32 v5, v8  }
0x3ad: {  	v8 =	vmul.f32 v15, v8;
	v15 =	vadd.f32 $-1.666666720e-01, v61;
	v4 =	vadd.f32 $-5.000000000e-01, v4;
	[tilespmem:v44+s31+$0x0] =	vst.idx.add.f32.msk $0xffff, v39  }
0x3ae: {  	[tilespmem:v44+s0+$0x0] =	vst.idx.add.f32.msk $0xffff, v45  }
0x3af: {  	v15 =	vmul.f32 v15, v60;
	v4 =	vmul.f32 v4, v60;
	v60 =	vld [tilespmem:$0x1F850];
	_ =	sdelay $0x7  }
0x3b0: {  	[tilespmem:v60+s31+$0x0] =	vst.idx.add.f32.msk $0xffff, v46  }
0x3b1: {  	v1 =	vmul.f32 v10, v10;
	v44 =	vld [tilespmem:$0x1F860];
	_ =	sdelay $0x1  }
0x3b2: {  	v61 =	vmul.f32 $2.480158760e-05, v1;
	_ =	sdelay $0x1  }
0x3b3: {  	v63 =	vmul.f32 v63, v3;
	v59 =	vadd.f32 $-1.388888920e-03, v61  }
0x3b4: {  	[tilespmem:v60+s0+$0x0] =	vst.idx.add.f32.msk $0xffff, v44  }
0x3b5: {  	v34 =	vmul.f32 v59, v1;
	v59 =	vadd.f32 $4.166666790e-02, v63;
	v63 =	vld [tilespmem:$0x1F870];
	_ =	sdelay $0x7  }
0x3b6: {  	[tilespmem:v63+s31+$0x0] =	vst.idx.add.f32.msk $0xffff, v48  }
0x3b7: {  	[tilespmem:v63+s0+$0x0] =	vst.idx.add.f32.msk $0xffff, v47  }
0x3b8: {  	v47 =	vld [tilespmem:$0x1F880]  }
0x3b9: {  	v61 =	vmul.f32 $1.984127010e-04, v3  }
0x3ba: {  	v2 =	vmul.f32 v7, v7  }
0x3bb: {  	v39 =	vsub.f32 $8.333333770e-03, v61  }
0x3bc: {  	v0 =	vmul.f32 $2.480158760e-05, v2  }
0x3bd: {  	v61 =	vmul.f32 v59, v3;
	v39 =	vmul.f32 v39, v3  }
0x3be: {  	v11 =	vmul.f32 $1.984127010e-04, v1;
	v0 =	vadd.f32 $-1.388888920e-03, v0  }
0x3bf: {  	v39 =	vadd.f32 $-1.666666720e-01, v39;
	v46 =	vadd.f32 $-5.000000000e-01, v61  }
0x3c0: {  	v11 =	vsub.f32 $8.333333770e-03, v11;
	v0 =	vmul.f32 v0, v2;
	[tilespmem:v47+s31+$0x0] =	vst.idx.add.f32.msk $0xffff, v49  }
0x3c1: {  	v34 =	vadd.f32 $4.166666790e-02, v34;
	v39 =	vmul.f32 v39, v3;
	v60 =	vmul.f32 v46, v3;
	v3 =	vld [tilespmem:$0x1F890];
	_ =	sdelay $0x1  }
0x3c2: {  	v11 =	vmul.f32 v11, v1;
	v34 =	vmul.f32 v34, v1;
	v0 =	vadd.f32 $4.166666790e-02, v0;
	_ =	sdelay $0x1  }
0x3c3: {  	v11 =	vadd.f32 $-1.666666720e-01, v11;
	v34 =	vadd.f32 $-5.000000000e-01, v34;
	v0 =	vmul.f32 v0, v2  }
0x3c4: {  	[tilespmem:v47+s0+$0x0] =	vst.idx.add.f32.msk $0xffff, v3  }
0x3c5: {  	v11 =	vmul.f32 v11, v1;
	v3 =	vadd.f32 $-5.000000000e-01, v0;
	v0 =	vmul.f32 v34, v1;
	v1 =	vld [tilespmem:$0x1F8A0]  }
0x3c6: {  	v45 =	vmul.f32 $1.984127010e-04, v2;
	_ =	sdelay $0x1  }
0x3c7: {  	v45 =	vsub.f32 $8.333333770e-03, v45;
	_ =	sdelay $0x1  }
0x3c8: {  	v45 =	vmul.f32 v45, v2;
	_ =	sdelay $0x1  }
0x3c9: {  	v45 =	vadd.f32 $-1.666666720e-01, v45  }
0x3ca: {  	v34 =	vld.idx.msk [tilespmem:v1+s1+$0x0], $0xffff  }
0x3cb: {  	v45 =	vmul.f32 v45, v2;
	v1 =	vmul.f32 v3, v2;
	v2 =	vld [tilespmem:$0x1F8B0];
	_ =	sdelay $0x7  }
0x3cc: {  	v3 =	vld.idx.msk [tilespmem:v2+s1+$0x0], $0xffff  }
0x3cd: {  	v2 =	vld [tilespmem:$0x1F8C0];
	_ =	sdelay $0x5  }
0x3ce: {  	v9 =	vadd.f32 $1.000000000e+00, v9;
	_ =	sdelay $0x1  }
0x3cf: {  	v9 =	vmul.f32 v9, v38;
	v5 =	vadd.f32 $1.000000000e+00, v5;
	v38 =	vld.idx.msk [tilespmem:v2+s1+$0x0], $0xffff  }
0x3d0: {  	v2 =	vld [tilespmem:$0x1F8D0]  }
0x3d1: {  	v5 =	vmul.f32 v5, v24;
	v24 =	vadd.f32 $1.000000000e+00, v45;
	_ =	sdelay $0x1  }
0x3d2: {  	v7 =	vmul.f32 v24, v7;
	v24 =	vld [tilespmem:$0x1F8E0];
	_ =	sdelay $0x4  }
0x3d3: {  	[tilespmem:v2+s31+$0x0] =	vst.idx.add.f32.msk $0xffff, v24  }
0x3d4: {  	v61 =	vld [tilespmem:$0x1F8F0];
	_ =	sdelay $0x4  }
0x3d5: {  	[tilespmem:v2+s0+$0x0] =	vst.idx.add.f32.msk $0xffff, v61  }
0x3d6: {  	v2 =	vld [tilespmem:$0x1F900];
	_ =	sdelay $0x5  }
0x3d7: {  	v49 =	vld [tilespmem:$0x1F910];
	_ =	sdelay $0x1  }
0x3d8: {  	v46 =	vld.idx.msk [tilespmem:v2+s1+$0x0], $0xffff  }
0x3d9: {  	v2 =	vld [tilespmem:$0x1F920];
	_ =	sdelay $0x4  }
0x3da: {  	[tilespmem:v49+s31+$0x0] =	vst.idx.add.f32.msk $0xffff, v2  }
0x3db: {  	v44 =	vld [tilespmem:$0x1F930];
	_ =	sdelay $0x4  }
0x3dc: {  	[tilespmem:v49+s0+$0x0] =	vst.idx.add.f32.msk $0xffff, v44  }
0x3dd: {  	v63 =	vld [tilespmem:$0x1F940];
	_ =	sdelay $0x7  }
0x3de: {  	v6 =	vadd.f32 $1.000000000e+00, v6;
	[tilespmem:v63+s31+$0x0] =	vst.idx.add.f32.msk $0xffff, v50  }
0x3df: {  	v20 =	vadd.f32 $1.000000000e+00, v20;
	v15 =	vadd.f32 $1.000000000e+00, v15;
	[tilespmem:v63+s0+$0x0] =	vst.idx.add.f32.msk $0xffff, v31  }
0x3e0: {  	v6 =	vmul.f32 v6, v25;
	v11 =	vadd.f32 $1.000000000e+00, v11;
	v25 =	vadd.f32 $1.000000000e+00, v39;
	v59 =	vld [tilespmem:$0x1F950]  }
0x3e1: {  	v20 =	vmul.f32 v20, v56;
	v16 =	vadd.f32 $1.000000000e+00, v16;
	v13 =	vmul.f32 v15, v13  }
0x3e2: {  	v10 =	vmul.f32 v11, v10;
	v15 =	vmul.f32 v25, v42  }
0x3e3: {  	v8 =	vadd.f32 $1.000000000e+00, v8;
	v42 =	vmul.f32 v16, v37;
	v16 =	vmul.f32 v16, v41;
	v61 =	vld [tilespmem:$0x1F960]  }
0x3e4: {  	v41 =	vmul.f32 v9, v41;
	v9 =	vmul.f32 v9, v37  }
0x3e5: {  	v12 =	vadd.f32 $1.000000000e+00, v12;
	v48 =	vmul.f32 v8, v43;
	v8 =	vmul.f32 v8, v26  }
0x3e6: {  	v25 =	vadd.f32 $1.000000000e+00, v28;
	v28 =	vld.idx.msk [tilespmem:v57+s1+$0x0], $0xffff;
	v26 =	vmul.f32 v5, v26;
	v5 =	vmul.f32 v5, v43  }
0x3e7: {  	v45 =	vld.idx.msk [tilespmem:v52+s1+$0x0], $0xffff;
	v43 =	vmul.f32 v13, v51;
	v13 =	vmul.f32 v13, v27  }
0x3e8: {  	v47 =	vmul.f32 v12, v40;
	v12 =	vmul.f32 v12, v62;
	v1 =	vadd.f32 $1.000000000e+00, v1;
	[tilespmem:v59+s31+$0x0] =	vst.idx.add.f32.msk $0xffff, v61  }
0x3e9: {  	v62 =	vmul.f32 v6, v62;
	v6 =	vmul.f32 v6, v40;
	v63 =	vld [tilespmem:$0x1F970]  }
0x3ea: {  	v56 =	vmul.f32 v1, v18;
	v1 =	vmul.f32 v1, v14  }
0x3eb: {  	v39 =	vld.idx.msk [tilespmem:v54+s1+$0x0], $0xffff;
	v6 =	vadd.f32 v12, v6;
	v14 =	vmul.f32 v7, v14;
	v7 =	vmul.f32 v7, v18  }
0x3ec: {  	v3 =	vmul.f32 v3, v45;
	v12 =	vmul.f32 v38, v28;
	v2 =	vadd.f32 $1.000000000e+00, v60  }
0x3ed: {  	v11 =	vld.idx.msk [tilespmem:v53+s1+$0x0], $0xffff;
	v24 =	vmul.f32 v25, v35;
	v25 =	vmul.f32 v25, v36  }
0x3ee: {  	v4 =	vadd.f32 $1.000000000e+00, v4;
	v36 =	vmul.f32 v20, v36;
	v49 =	vmul.f32 v2, v23;
	[tilespmem:v59+s0+$0x0] =	vst.idx.add.f32.msk $0xffff, v63  }
0x3ef: {  	v0 =	vadd.f32 $1.000000000e+00, v0;
	v2 =	vmul.f32 v2, v22;
	v22 =	vmul.f32 v15, v22;
	v40 =	vld [tilespmem:$0x1F980]  }
0x3f0: {  	v9 =	vadd.f32 v16, v9;
	v15 =	vmul.f32 v15, v23;
	v23 =	vld.idx.msk [tilespmem:v29+s1+$0x0], $0xffff;
	v29 =	vmul.f32 v34, v39  }
0x3f1: {  	v16 =	vld.idx.msk [tilespmem:v30+s1+$0x0], $0xffff;
	v26 =	vsub.f32 v48, v26;
	v31 =	vmul.f32 v0, v21;
	v0 =	vmul.f32 v0, v19  }
0x3f2: {  	v5 =	vadd.f32 v8, v5;
	v19 =	vmul.f32 v10, v19;
	v10 =	vmul.f32 v10, v21;
	v21 =	vld.idx.msk [tilespmem:v17+s1+$0x0], $0xffff  }
0x3f3: {  	v55 =	vld.idx.msk [tilespmem:v55+s1+$0x0], $0xffff;
	v30 =	vpop (erf);
	v18 =	vsub.f32 v47, v62;
	v20 =	vmul.f32 v20, v35;
	v11 =	vmul.f32 v46, v11  }
0x3f4: {  	v24 =	vsub.f32 v24, v36;
	v44 =	vmul.f32 v4, v27;
	v27 =	vld.idx.msk [tilespmem:v32+s1+$0x0], $0xffff;
	v29 =	vmul.f32 v30, v29;
	v30 =	vpop (erf)  }
0x3f5: {  	v20 =	vadd.f32 v25, v20;
	v4 =	vmul.f32 v4, v51;
	v3 =	vmul.f32 v30, v3;
	v30 =	vpop (erf);
	v50 =	vld.idx.msk [tilespmem:v58+s1+$0x0], $0xffff  }
0x3f6: {  	v25 =	vsub.f32 v42, v41;
	v60 =	vld.idx.msk [tilespmem:v33+s1+$0x0], $0xffff;
	v24 =	vmul.f32 v24, v29;
	v12 =	vmul.f32 v30, v12  }
0x3f7: {  	v4 =	vadd.f32 v4, v13;
	v13 =	vmul.f32 v16, v21;
	v16 =	vmul.f32 v20, v29;
	v40 =	vld.idx.msk [tilespmem:v40+s1+$0x0], $0xffff  }
0x3f8: {  	v22 =	vsub.f32 v49, v22;
	v20 =	vmul.f32 v25, v3;
	v21 =	vpop (erf);
	v3 =	vmul.f32 v9, v3  }
0x3f9: {  	v9 =	vmul.f32 v21, v11;
	v11 =	vmul.f32 v18, v12;
	[tilespmem:v54+s31+$0x0] =	vst.idx.add.f32.msk $0xffff, v24  }
0x3fa: {  	v23 =	vmul.f32 v23, v27;
	v28 =	vmul.f32 v55, v50;
	[tilespmem:v52+s31+$0x0] =	vst.idx.add.f32.msk $0xffff, v20  }
0x3fb: {  	v27 =	vsub.f32 v44, v43;
	v6 =	vmul.f32 v6, v12;
	[tilespmem:v54+s0+$0x0] =	vst.idx.add.f32.msk $0xffff, v16;
	v16 =	vpop (erf)  }
0x3fc: {  	[tilespmem:v52+s0+$0x0] =	vst.idx.add.f32.msk $0xffff, v3;
	v3 =	vmul.f32 v16, v28;
	v8 =	vmul.f32 v40, v60  }
0x3fd: {  	v12 =	vmul.f32 v26, v9;
	v5 =	vmul.f32 v5, v9;
	[tilespmem:v57+s31+$0x0] =	vst.idx.add.f32.msk $0xffff, v11;
	v11 =	vpop (erf)  }
0x3fe: {  	[tilespmem:v57+s0+$0x0] =	vst.idx.add.f32.msk $0xffff, v6;
	v6 =	vmul.f32 v11, v8;
	v8 =	vmul.f32 v27, v3  }
0x3ff: {  	v2 =	vadd.f32 v2, v15;
	v15 =	vsub.f32 v31, v19;
	[tilespmem:v53+s31+$0x0] =	vst.idx.add.f32.msk $0xffff, v12;
	v9 =	vpop (erf)  }
0x400: {  	[tilespmem:v53+s0+$0x0] =	vst.idx.add.f32.msk $0xffff, v5;
	v3 =	vmul.f32 v4, v3;
	v4 =	vmul.f32 v9, v23  }
0x401: {  	v0 =	vadd.f32 v0, v10;
	v5 =	vmul.f32 v22, v6;
	[tilespmem:v58+s31+$0x0] =	vst.idx.add.f32.msk $0xffff, v8  }
0x402: {  	p3 =	seq.s32 s12, $0x13;
	v2 =	vmul.f32 v2, v6;
	v6 =	vmul.f32 v15, v4;
	[tilespmem:v58+s0+$0x0] =	vst.idx.add.f32.msk $0xffff, v3;
	v8 =	vpop (erf)  }
0x403: {  	s8 =	smul.u32 @!p3 $0x1F40, s12;
	v9 =	vsub.f32 v56, v14;
	[tilespmem:v33+s31+$0x0] =	vst.idx.add.f32.msk $0xffff, v5;
	v3 =	vmul.f32 v8, v13  }
0x404: {  	v1 =	vadd.f32 v1, v7;
	v0 =	vmul.f32 v0, v4;
	[tilespmem:v32+s31+$0x0] =	vst.idx.add.f32.msk $0xffff, v6  }
0x405: {  	s8 =	sadd.s32 @!p3 $0x1F40, s8;
	[tilespmem:v33+s0+$0x0] =	vst.idx.add.f32.msk $0xffff, v2;
	v2 =	vmul.f32 v9, v3  }
0x406: {  	s9 =	sadd.s32 @!p3 s4, s8;
	[tilespmem:v32+s0+$0x0] =	vst.idx.add.f32.msk $0xffff, v0;
	v1 =	vmul.f32 v1, v3  }
0x407: {  	s21 =	simm.s32 @!p3 $0x0;
	s9 =	sshrl.u32 @!p3 s9, $0x3;
	[tilespmem:v17+s31+$0x0] =	vst.idx.add.f32.msk $0xffff, v2  }
0x408: {  	s22 =	simm.s32 @!p3 $0x9E00;
	s8 =	sadd.s32 @!p3 s7, s8;
	s9 =	sadd.s32 @!p3 s6, s9;
	[tilespmem:v17+s0+$0x0] =	vst.idx.add.f32.msk $0xffff, v1  }
0x409: {  	[tilespmem:s22], [sflag:$0x1] =	stream.linear.gather @!p3 [hbm4b:s9+s21], $0xFA0, $0x38;
	[tilespmem:$0x17790] =	vst v63  }
0x40a: {  	s8 =	sshrl.u32 @!p3 s8, $0x3;
	s9 =	sadd.s32 @!p3 $0x13880, s9;
	s22 =	simm.s32 @!p3 $0xAE00  }
0x40b: {  	[tilespmem:s22], [sflag:$0x1] =	stream.linear.gather @!p3 [hbm4b:s9+s21], $0xFA0, $0x38;
	[tilespmem:$0x17790] =	vst v63  }
0x40c: {  	s9 =	sadd.s32 @!p3 s3, s8;
	s22 =	simm.s32 @!p3 $0xBE00  }
0x40d: {  	[tilespmem:s22], [sflag:$0x1] =	stream.linear.gather @!p3 [hbm4b:s9+s21], $0xFA0, $0x38;
	[tilespmem:$0x17790] =	vst v63  }
0x40e: {  	s8 =	sadd.s32 @!p3 s5, s8;
	s9 =	simm.s32 @!p3 $0xCE00  }
0x40f: {  	[tilespmem:s9], [sflag:$0x1] =	stream.linear.gather @!p3 [hbm4b:s8+s21], $0xFA0, $0x38;
	[tilespmem:$0x17790] =	vst v63  }
0x410: {  	_ =	swait.ge [sflag:s2], $0xFA0  }
0x411: {  	[sflag:s2] =	ssyncset.done $0x0  }
0x412: {  	[sflag:s2] =	ssyncadd.s32 $0xFFFFF060  }
0x413: {  	_ =	swait.ge [sflag:s2], $0xFA0  }
0x414: {  	[sflag:s2] =	ssyncset.done $0x0  }
0x415: {  	[sflag:s2] =	ssyncadd.s32 $0xFFFFF060  }
0x416: {  	_ =	swait.ge [sflag:s2], $0xFA0  }
0x417: {  	[sflag:s2] =	ssyncset.done $0x0  }
0x418: {  	[sflag:s2] =	ssyncadd.s32 $0xFFFFF060  }
0x419: {  	_ =	swait.ge [sflag:s2], $0xFA0  }
0x41a: {  	s9 =	simm.s32 $0x0;
	[sflag:s2] =	ssyncset.done $0x0  }
0x41b: {  	s8 =	sand.u32 $0xFE0, s9;
	[sflag:s2] =	ssyncadd.s32 $0xFFFFF060  }
0x41c: {  	v1 =	vld [tilespmem:s8+$0xDE80]  }
0x41d: {  	v0 =	vld [tilespmem:s8+$0xEE80]  }
0x41e: {  	s21 =	simm.s32 $0xA0;
	v6 =	vld [tilespmem:s8+$0xFE80]  }
0x41f: {  	s22 =	sand.u32 $0xFE0, s21;
	v7 =	vld [tilespmem:s8+$0x10E80]  }
0x420: {  	v8 =	vld [tilespmem:s22+$0xFE80]  }
0x421: {  	v39 =	vld [tilespmem:s22+$0xDE80]  }
0x422: {  	s23 =	simm.s32 $0x140;
	v3 =	vld [tilespmem:s22+$0xEE80]  }
0x423: {  	s24 =	sand.u32 $0xFE0, s23;
	v9 =	vld [tilespmem:s22+$0x10E80]  }
0x424: {  	v24 =	vld [tilespmem:s24+$0xFE80]  }
0x425: {  	s21 =	simm.s32 $0xDE50;
	v26 =	vld [tilespmem:s24+$0x10E80]  }
0x426: {  	v60 =	vld [tilespmem:s21+$0xFFFFFFB0]  }
0x427: {  	v2 =	vld.idx.msk [tilespmem:v1+s18+$0x0], $0xffff  }
0x428: {  	v4 =	vld.idx.msk [tilespmem:v0+s18+$0x0], $0xffff  }
0x429: {  	v63 =	vld [tilespmem:s21+$0xFFFFFFC0]  }
0x42a: {  	s22 =	simm.s32 $0xEE50;
	v62 =	vld [tilespmem:s21+$0xFFFFFFD0]  }
0x42b: {  	v20 =	vld [tilespmem:s22+$0x40]  }
0x42c: {  	v61 =	vld [tilespmem:s22+$0xFFFFFFD0]  }
0x42d: {  	v10 =	vld.idx.msk [tilespmem:v1+s1+$0x0], $0xffff;
	v11 =	vsub.f32 v2, v4  }
0x42e: {  	v12 =	vld.idx.msk [tilespmem:v0+s1+$0x0], $0xffff  }
0x42f: {  	v2 =	vld [tilespmem:s21+$0x40];
	v13 =	vmul.f32 v11, v11  }
0x430: {  	v0 =	vld.idx.msk [tilespmem:v39+s18+$0x0], $0xffff  }
0x431: {  	v5 =	vmul.f32 v7, v7;
	v14 =	vld.idx.msk [tilespmem:v3+s18+$0x0], $0xffff;
	v4 =	vmul.f32 $2.480158760e-05, v13  }
0x432: {  	v19 =	vld.idx.msk [tilespmem:v3+s1+$0x0], $0xffff;
	v3 =	vmul.f32 v6, v6;
	v15 =	vmul.f32 $1.984127010e-04, v13  }
0x433: {  	v17 =	vld.idx.msk [tilespmem:v39+s1+$0x0], $0xffff;
	v4 =	vadd.f32 $-1.388888920e-03, v4  }
0x434: {  	v16 =	vmul.f32 v8, v8;
	v23 =	vld.idx.msk [tilespmem:v20+s18+$0x0], $0xffff;
	v3 =	vadd.f32 v5, v3;
	v5 =	vsub.f32 $8.333333770e-03, v15  }
0x435: {  	v18 =	vmul.f32 v9, v9;
	v15 =	vmul.f32 v4, v13;
	v4 =	vld [tilespmem:s22+$0xFFFFFFB0]  }
0x436: {  	(erf) = vrcp.f32 v3;
	v3 =	vmul.f32 v5, v13;
	v5 =	vld [tilespmem:s22+$0xFFFFFFC0]  }
0x437: {  	v22 =	vld.idx.msk [tilespmem:v2+s18+$0x0], $0xffff;
	[tilespmem:$0x1F990] =	vst v24  }
0x438: {  	v18 =	vadd.f32 v18, v16;
	v16 =	vld [tilespmem:s21+$0xFFFFFFE0];
	[tilespmem:$0x1F9A0] =	vst v26  }
0x439: {  	v51 =	vld [tilespmem:s22+$0xFFFFFFE0];
	_ =	sdelay $0x4  }
0x43a: {  	[tilespmem:$0x1FA90] =	vst v51  }
0x43b: {  	v14 =	vsub.f32 v0, v14;
	v0 =	vld [tilespmem:s21+$0xFFFFFFF0];
	_ =	sdelay $0x4  }
0x43c: {  	v15 =	vadd.f32 $4.166666790e-02, v15;
	[tilespmem:$0x1FAC0] =	vst v0  }
0x43d: {  	v52 =	vld [tilespmem:s22+$0xFFFFFFF0]  }
0x43e: {  	v21 =	vmul.f32 v14, v14;
	v3 =	vadd.f32 $-1.666666720e-01, v3;
	v15 =	vmul.f32 v15, v13;
	_ =	sdelay $0x1  }
0x43f: {  	v25 =	vmul.f32 $2.480158760e-05, v21;
	v3 =	vmul.f32 v3, v13;
	v15 =	vadd.f32 $-5.000000000e-01, v15;
	_ =	sdelay $0x1  }
0x440: {  	v10 =	vmul.f32 v12, v10;
	v3 =	vadd.f32 $1.000000000e+00, v3;
	v13 =	vmul.f32 v15, v13;
	[tilespmem:$0x1FAA0] =	vst v52  }
0x441: {  	(erf) = vrcp.f32 v18;
	v12 =	vmul.f32 $1.984127010e-04, v21;
	v15 =	vadd.f32 $-1.388888920e-03, v25;
	v18 =	vld [tilespmem:s21+$0x0]  }
0x442: {  	v24 =	vmul.f32 v24, v24;
	v25 =	vpop (erf);
	v11 =	vmul.f32 v3, v11;
	v13 =	vadd.f32 $1.000000000e+00, v13  }
0x443: {  	v12 =	vsub.f32 $8.333333770e-03, v12;
	v10 =	vmul.f32 v25, v10;
	v15 =	vmul.f32 v15, v21  }
0x444: {  	v23 =	vsub.f32 v22, v23;
	v27 =	vmul.f32 v11, v7;
	v25 =	vmul.f32 v13, v6  }
0x445: {  	v6 =	vmul.f32 v11, v6;
	v11 =	vmul.f32 v12, v21;
	v12 =	vadd.f32 $4.166666790e-02, v15  }
0x446: {  	v26 =	vmul.f32 v26, v26;
	v7 =	vmul.f32 v13, v7;
	[tilespmem:$0x1FAE0] =	vst v18  }
0x447: {  	s8 =	simm.s32 $0xFE50;
	v13 =	vmul.f32 v23, v23;
	v11 =	vadd.f32 $-1.666666720e-01, v11;
	v12 =	vmul.f32 v12, v21;
	v3 =	vld [tilespmem:s22+$0x0]  }
0x448: {  	s9 =	simm.s32 $0x10E50;
	v22 =	vadd.f32 v26, v24;
	v15 =	vsub.f32 v25, v27;
	v28 =	vld [tilespmem:s8+$0x40]  }
0x449: {  	v26 =	vmul.f32 $2.480158760e-05, v13;
	v11 =	vmul.f32 v11, v21;
	v12 =	vadd.f32 $-5.000000000e-01, v12;
	v25 =	vld [tilespmem:s9+$0x40]  }
0x44a: {  	v17 =	vmul.f32 v19, v17;
	v19 =	vmul.f32 $1.984127010e-04, v13;
	v24 =	vld.idx.msk [tilespmem:v60+s18+$0x0], $0xffff  }
0x44b: {  	v26 =	vadd.f32 $-1.388888920e-03, v26;
	v11 =	vadd.f32 $1.000000000e+00, v11;
	v12 =	vmul.f32 v12, v21;
	v27 =	vld.idx.msk [tilespmem:v4+s18+$0x0], $0xffff  }
0x44c: {  	(erf) = vrcp.f32 v22;
	v15 =	vmul.f32 v15, v10;
	v19 =	vsub.f32 $8.333333770e-03, v19;
	v22 =	vld.idx.msk [tilespmem:v63+s18+$0x0], $0xffff  }
0x44d: {  	v31 =	vpop (erf);
	v26 =	vmul.f32 v26, v13;
	v11 =	vmul.f32 v11, v14;
	v12 =	vadd.f32 $1.000000000e+00, v12;
	v29 =	vld.idx.msk [tilespmem:v5+s18+$0x0], $0xffff  }
0x44e: {  	v19 =	vmul.f32 v19, v13;
	v14 =	vmul.f32 v31, v17;
	v30 =	vld.idx.msk [tilespmem:v62+s18+$0x0], $0xffff  }
0x44f: {  	v6 =	vadd.f32 v7, v6;
	v7 =	vmul.f32 v12, v8;
	v31 =	vmul.f32 v11, v9;
	v54 =	vld.idx.msk [tilespmem:v2+s1+$0x0], $0xffff  }
0x450: {  	v19 =	vadd.f32 $-1.666666720e-01, v19;
	v17 =	vld.idx.msk [tilespmem:v20+s1+$0x0], $0xffff;
	v21 =	vmul.f32 v28, v28;
	v53 =	vmul.f32 v25, v25  }
0x451: {  	v8 =	vmul.f32 v11, v8;
	v9 =	vmul.f32 v12, v9;
	v7 =	vsub.f32 v7, v31;
	v55 =	vld.idx.msk [tilespmem:v16+s18+$0x0], $0xffff  }
0x452: {  	v34 =	vmul.f32 v6, v10;
	v56 =	vld.idx.msk [tilespmem:v51+s18+$0x0], $0xffff;
	v20 =	vadd.f32 v53, v21;
	v21 =	vadd.f32 $4.166666790e-02, v26  }
0x453: {  	v10 =	vmul.f32 v19, v13;
	v12 =	vld.idx.msk [tilespmem:v0+s18+$0x0], $0xffff;
	v0 =	vmul.f32 v7, v14;
	v7 =	vadd.f32 v9, v8  }
0x454: {  	v19 =	vld.idx.msk [tilespmem:v52+s18+$0x0], $0xffff;
	v22 =	vsub.f32 v22, v29;
	v21 =	vmul.f32 v21, v13  }
0x455: {  	v9 =	vadd.f32 $1.000000000e+00, v10;
	v26 =	vld.idx.msk [tilespmem:v61+s18+$0x0], $0xffff;
	[tilespmem:$0x1FA50] =	vst v0;
	v0 =	vmul.f32 v7, v14  }
0x456: {  	v43 =	vmul.f32 v22, v22;
	(erf) = vrcp.f32 v20;
	v11 =	vadd.f32 $-5.000000000e-01, v21  }
0x457: {  	v8 =	vld.idx.msk [tilespmem:v18+s18+$0x0], $0xffff  }
0x458: {  	v14 =	vmul.f32 v9, v23;
	v31 =	vld.idx.msk [tilespmem:v3+s18+$0x0], $0xffff;
	v20 =	vsub.f32 v24, v27;
	[tilespmem:$0x1FA60] =	vst v0;
	v44 =	vmul.f32 $2.480158760e-05, v43  }
0x459: {  	v17 =	vmul.f32 v17, v54;
	v9 =	vld [tilespmem:s9+$0xFFFFFFB0];
	v10 =	vmul.f32 v11, v13  }
0x45a: {  	v27 =	vmul.f32 v14, v25;
	v40 =	vld [tilespmem:s8+$0xFFFFFFC0];
	v42 =	vmul.f32 v20, v20;
	v44 =	vadd.f32 $-1.388888920e-03, v44;
	v11 =	vpop (erf)  }
0x45b: {  	v7 =	vld [tilespmem:s8+$0xFFFFFFB0];
	v23 =	vsub.f32 v30, v26;
	v26 =	vmul.f32 v14, v28;
	v10 =	vadd.f32 $1.000000000e+00, v10;
	[tilespmem:$0x1F9B0] =	vst v11  }
0x45c: {  	v36 =	vmul.f32 $2.480158760e-05, v42;
	v53 =	vmul.f32 $1.984127010e-04, v42;
	v13 =	vld [tilespmem:s9+$0xFFFFFFC0]  }
0x45d: {  	v44 =	vmul.f32 v44, v43;
	v21 =	vmul.f32 v10, v28;
	v41 =	vld [tilespmem:s8+$0xFFFFFFD0]  }
0x45e: {  	v24 =	vsub.f32 v55, v56;
	v45 =	vmul.f32 v23, v23;
	v33 =	vmul.f32 v9, v9;
	v29 =	vld [tilespmem:s8+$0xFFFFFFE0]  }
0x45f: {  	v48 =	vmul.f32 v40, v40;
	v44 =	vadd.f32 $4.166666790e-02, v44;
	v14 =	vpop (erf);
	v21 =	vsub.f32 v21, v27;
	v27 =	vld [tilespmem:s9+$0x0]  }
0x460: {  	v10 =	vmul.f32 v10, v25;
	v25 =	vsub.f32 v12, v19;
	v28 =	vmul.f32 v14, v17;
	v17 =	vld [tilespmem:s9+$0xFFFFFFE0]  }
0x461: {  	v11 =	vmul.f32 v24, v24;
	v12 =	vmul.f32 $2.480158760e-05, v45;
	v46 =	vld [tilespmem:s8+$0xFFFFFFF0]  }
0x462: {  	v19 =	vld [tilespmem:s9+$0xFFFFFFF0];
	v44 =	vmul.f32 v44, v43;
	v10 =	vadd.f32 v10, v26;
	v47 =	vmul.f32 v25, v25  }
0x463: {  	v18 =	vld [tilespmem:s8+$0x0];
	v26 =	vmul.f32 v7, v7;
	v12 =	vadd.f32 $-1.388888920e-03, v12;
	v38 =	vmul.f32 v21, v28  }
0x464: {  	v14 =	vld [tilespmem:s9+$0xFFFFFFD0];
	v37 =	vmul.f32 v10, v28;
	v10 =	vmul.f32 $2.480158760e-05, v11;
	[tilespmem:$0x1FAD0] =	vst v27  }
0x465: {  	v35 =	vsub.f32 v8, v31;
	v12 =	vmul.f32 v12, v45;
	v49 =	vmul.f32 v13, v13;
	v31 =	vmovc v17;
	v17 =	vld [tilespmem:s9+$0x10]  }
0x466: {  	v26 =	vadd.f32 v33, v26;
	v50 =	vmul.f32 v41, v41;
	v8 =	vmul.f32 v29, v29  }
0x467: {  	v58 =	vmul.f32 v46, v46;
	v59 =	vmul.f32 v19, v19  }
0x468: {  	(erf) = vrcp.f32 v26;
	v10 =	vadd.f32 $-1.388888920e-03, v10;
	v12 =	vadd.f32 $4.166666790e-02, v12  }
0x469: {  	v51 =	vmul.f32 v14, v14;
	v48 =	vadd.f32 v49, v48;
	v49 =	vmul.f32 v18, v18  }
0x46a: {  	v6 =	vld [tilespmem:s8+$0x10];
	v57 =	vmul.f32 v31, v31;
	v10 =	vmul.f32 v10, v11;
	[tilespmem:$0x1FAF0] =	vst v17  }
0x46b: {  	v12 =	vmul.f32 v12, v45;
	v50 =	vadd.f32 v51, v50;
	(erf) = vrcp.f32 v48;
	v32 =	vld [tilespmem:s8+$0x20]  }
0x46c: {  	v51 =	vmul.f32 $1.984127010e-04, v43;
	v8 =	vadd.f32 v57, v8;
	v10 =	vadd.f32 $4.166666790e-02, v10;
	v0 =	vld [tilespmem:s9+$0x20]  }
0x46d: {  	v36 =	vadd.f32 $-1.388888920e-03, v36;
	v57 =	vmul.f32 v27, v27;
	(erf) = vrcp.f32 v50;
	v21 =	vld [tilespmem:s21+$0x10]  }
0x46e: {  	v33 =	vmovc v18;
	v58 =	vadd.f32 v59, v58;
	(erf) = vrcp.f32 v8;
	v10 =	vmul.f32 v10, v11;
	v18 =	vld [tilespmem:s22+$0x10]  }
0x46f: {  	v44 =	vadd.f32 $-5.000000000e-01, v44;
	v59 =	vmul.f32 v6, v6;
	v56 =	vmul.f32 v17, v17  }
0x470: {  	v49 =	vadd.f32 v57, v49;
	(erf) = vrcp.f32 v58;
	v58 =	vmul.f32 v36, v42;
	v27 =	vld [tilespmem:s21+$0x20]  }
0x471: {  	v51 =	vsub.f32 $8.333333770e-03, v51;
	v36 =	vld [tilespmem:s22+$0x20];
	v57 =	vmul.f32 v32, v32;
	v8 =	vmul.f32 v0, v0  }
0x472: {  	(erf) = vrcp.f32 v49;
	v48 =	vadd.f32 v56, v59;
	v52 =	vadd.f32 $4.166666790e-02, v58  }
0x473: {  	v59 =	vmul.f32 $1.984127010e-04, v45;
	v8 =	vadd.f32 v8, v57;
	v57 =	vsub.f32 $8.333333770e-03, v53  }
0x474: {  	v12 =	vadd.f32 $-5.000000000e-01, v12;
	v51 =	vmul.f32 v51, v43;
	(erf) = vrcp.f32 v48  }
0x475: {  	v52 =	vmul.f32 v52, v42;
	v49 =	vsub.f32 $8.333333770e-03, v59;
	v56 =	vld.idx.msk [tilespmem:v21+s18+$0x0], $0xffff;
	v50 =	vmul.f32 v57, v42  }
0x476: {  	v10 =	vadd.f32 $-5.000000000e-01, v10;
	v58 =	vmul.f32 $1.984127010e-04, v11;
	(erf) = vrcp.f32 v8;
	v8 =	vld.idx.msk [tilespmem:v18+s18+$0x0], $0xffff  }
0x477: {  	v52 =	vadd.f32 $-5.000000000e-01, v52;
	v49 =	vmul.f32 v49, v45;
	v50 =	vadd.f32 $-1.666666720e-01, v50  }
0x478: {  	v51 =	vadd.f32 $-1.666666720e-01, v51;
	v10 =	vmul.f32 v10, v11;
	v59 =	vmul.f32 $2.480158760e-05, v47;
	v48 =	vld.idx.msk [tilespmem:v27+s18+$0x0], $0xffff  }
0x479: {  	v49 =	vadd.f32 $-1.666666720e-01, v49;
	v50 =	vmul.f32 v50, v42;
	v42 =	vmul.f32 v52, v42;
	v52 =	vld.idx.msk [tilespmem:v36+s18+$0x0], $0xffff  }
0x47a: {  	v51 =	vmul.f32 v51, v43;
	v43 =	vmul.f32 v44, v43;
	v53 =	vsub.f32 $8.333333770e-03, v58  }
0x47b: {  	v58 =	vmul.f32 $1.984127010e-04, v47;
	v49 =	vmul.f32 v49, v45;
	v8 =	vsub.f32 v56, v8  }
0x47c: {  	v57 =	vadd.f32 $-1.388888920e-03, v59;
	v45 =	vmul.f32 v12, v45;
	v12 =	vmul.f32 v53, v11  }
0x47d: {  	[tilespmem:v1+s31+$0x0] =	vst.idx.add.f32.msk $0xffff, v15;
	v53 =	vmul.f32 v35, v35;
	v55 =	vmul.f32 v8, v8  }
0x47e: {  	v4 =	vld.idx.msk [tilespmem:v4+s1+$0x0], $0xffff;
	v44 =	vmul.f32 v57, v47;
	v12 =	vadd.f32 $-1.666666720e-01, v12;
	v52 =	vsub.f32 v48, v52  }
0x47f: {  	v17 =	vld [tilespmem:s24+$0xEE80];
	v54 =	vmul.f32 $2.480158760e-05, v53;
	v48 =	vsub.f32 $8.333333770e-03, v58;
	v57 =	vmul.f32 $2.480158760e-05, v55  }
0x480: {  	[tilespmem:v2+s31+$0x0] =	vst.idx.add.f32.msk $0xffff, v38;
	v12 =	vmul.f32 v12, v11;
	v44 =	vadd.f32 $4.166666790e-02, v44;
	v56 =	vmul.f32 v52, v52  }
0x481: {  	[tilespmem:v1+s0+$0x0] =	vst.idx.add.f32.msk $0xffff, v34;
	v11 =	vadd.f32 $-1.388888920e-03, v54;
	v48 =	vmul.f32 v48, v47;
	v54 =	vadd.f32 $-1.388888920e-03, v57  }
0x482: {  	[tilespmem:v2+s0+$0x0] =	vst.idx.add.f32.msk $0xffff, v37;
	v44 =	vmul.f32 v44, v47;
	v58 =	vmul.f32 $2.480158760e-05, v56  }
0x483: {  	v15 =	vmul.f32 v11, v53;
	v48 =	vadd.f32 $-1.666666720e-01, v48;
	v11 =	vmul.f32 v54, v55;
	v54 =	vld [tilespmem:s24+$0xDE80];
	[tilespmem:$0x1F9C0] =	vst v4  }
0x484: {  	v44 =	vadd.f32 $-5.000000000e-01, v44;
	v5 =	vld.idx.msk [tilespmem:v5+s1+$0x0], $0xffff;
	v57 =	vadd.f32 $-1.388888920e-03, v58  }
0x485: {  	v59 =	vmul.f32 $1.984127010e-04, v55;
	v58 =	vmul.f32 $1.984127010e-04, v53  }
0x486: {  	v15 =	vadd.f32 $4.166666790e-02, v15;
	v44 =	vmul.f32 v44, v47;
	v57 =	vmul.f32 v57, v56  }
0x487: {  	v34 =	vsub.f32 $8.333333770e-03, v59;
	v1 =	vsub.f32 $8.333333770e-03, v58;
	v58 =	vmul.f32 v48, v47;
	v48 =	vmovc v17  }
0x488: {  	s23 =	simm.s32 $0x1E0;
	v15 =	vmul.f32 v15, v53;
	v11 =	vadd.f32 $4.166666790e-02, v11;
	v2 =	vadd.f32 $4.166666790e-02, v57  }
0x489: {  	v34 =	vmul.f32 v34, v55;
	s24 =	sand.u32 $0xFE0, s23;
	v1 =	vmul.f32 v1, v53;
	[tilespmem:$0x1F9D0] =	vst v5  }
0x48a: {  	v15 =	vadd.f32 $-5.000000000e-01, v15;
	v47 =	vmul.f32 v11, v55;
	v30 =	vld [tilespmem:s24+$0xFE80];
	v2 =	vmul.f32 v2, v56  }
0x48b: {  	v34 =	vadd.f32 $-1.666666720e-01, v34;
	v28 =	vld [tilespmem:s24+$0x10E80];
	v1 =	vadd.f32 $-1.666666720e-01, v1  }
0x48c: {  	v37 =	vmul.f32 v15, v53;
	v5 =	vadd.f32 $-5.000000000e-01, v47;
	v11 =	vld.idx.msk [tilespmem:v48+s18+$0x0], $0xffff;
	v2 =	vadd.f32 $-5.000000000e-01, v2  }
0x48d: {  	v15 =	vmul.f32 v34, v55;
	v1 =	vmul.f32 v1, v53;
	v53 =	vld.idx.msk [tilespmem:v54+s18+$0x0], $0xffff;
	[tilespmem:$0x1F9E0] =	vst v60  }
0x48e: {  	v34 =	vmul.f32 v5, v55;
	v55 =	vmul.f32 v2, v56;
	v2 =	vadd.f32 $1.000000000e+00, v12;
	v12 =	vld.idx.msk [tilespmem:v60+s1+$0x0], $0xffff;
	_ =	sdelay $0x3  }
0x48f: {  	[tilespmem:$0x1FA00] =	vst v63  }
0x490: {  	[tilespmem:$0x1F9F0] =	vst v12  }
0x491: {  	v12 =	vld.idx.msk [tilespmem:v63+s1+$0x0], $0xffff;
	_ =	sdelay $0x3  }
0x492: {  	[tilespmem:$0x1FA20] =	vst v62  }
0x493: {  	v59 =	vmul.f32 $1.984127010e-04, v56;
	[tilespmem:$0x1FA10] =	vst v12  }
0x494: {  	v60 =	vmul.f32 v2, v24;
	v2 =	vadd.f32 $1.000000000e+00, v15;
	v15 =	vld.idx.msk [tilespmem:v62+s1+$0x0], $0xffff  }
0x495: {  	v59 =	vsub.f32 $8.333333770e-03, v59;
	_ =	sdelay $0x1  }
0x496: {  	v4 =	vmul.f32 v59, v56  }
0x497: {  	v5 =	vadd.f32 $1.000000000e+00, v50;
	v1 =	vadd.f32 $1.000000000e+00, v1  }
0x498: {  	v4 =	vadd.f32 $-1.666666720e-01, v4;
	[tilespmem:$0x1FA30] =	vst v15  }
0x499: {  	v20 =	vmul.f32 v5, v20;
	v5 =	vadd.f32 $1.000000000e+00, v58;
	v58 =	vmul.f32 v1, v35;
	v1 =	vld.idx.msk [tilespmem:v61+s1+$0x0], $0xffff  }
0x49a: {  	v4 =	vmul.f32 v4, v56;
	v56 =	vmul.f32 v2, v8;
	v2 =	vld [tilespmem:$0x1FA50];
	_ =	sdelay $0x3  }
0x49b: {  	[tilespmem:$0x1FA40] =	vst v1  }
0x49c: {  	[tilespmem:v39+s31+$0x0] =	vst.idx.add.f32.msk $0xffff, v2  }
0x49d: {  	v2 =	vld [tilespmem:$0x1FA60];
	_ =	sdelay $0x3  }
0x49e: {  	v1 =	vadd.f32 $1.000000000e+00, v43  }
0x49f: {  	[tilespmem:v39+s0+$0x0] =	vst.idx.add.f32.msk $0xffff, v2  }
0x4a0: {  	v15 =	vmul.f32 v1, v40;
	v24 =	vmul.f32 v1, v13;
	v1 =	vld [tilespmem:$0x1FA90]  }
0x4a1: {  	[tilespmem:$0x1FA70] =	vst v16  }
0x4a2: {  	v2 =	vld.idx.msk [tilespmem:v16+s1+$0x0], $0xffff;
	_ =	sdelay $0x4  }
0x4a3: {  	[tilespmem:$0x1FA80] =	vst v2  }
0x4a4: {  	v62 =	vld.idx.msk [tilespmem:v1+s1+$0x0], $0xffff  }
0x4a5: {  	v1 =	vld [tilespmem:$0x1FAA0];
	_ =	sdelay $0x7  }
0x4a6: {  	v17 =	vadd.f32 $1.000000000e+00, v49;
	v1 =	vld.idx.msk [tilespmem:v1+s1+$0x0], $0xffff  }
0x4a7: {  	v57 =	vadd.f32 $1.000000000e+00, v51  }
0x4a8: {  	v59 =	vadd.f32 $1.000000000e+00, v10;
	v23 =	vmul.f32 v17, v23;
	v4 =	vadd.f32 $1.000000000e+00, v4  }
0x4a9: {  	v22 =	vmul.f32 v57, v22;
	v12 =	vmul.f32 v5, v25;
	v5 =	vadd.f32 $1.000000000e+00, v42  }
0x4aa: {  	v57 =	vmul.f32 v59, v31;
	v50 =	vmul.f32 v4, v52;
	v8 =	vadd.f32 $1.000000000e+00, v45  }
0x4ab: {  	v10 =	vmul.f32 v20, v7;
	v4 =	vmul.f32 v5, v7;
	[tilespmem:$0x1FAB0] =	vst v1  }
0x4ac: {  	v7 =	vmul.f32 v23, v41;
	v61 =	vmul.f32 v8, v41;
	v26 =	vld.idx.msk [tilespmem:v3+s1+$0x0], $0xffff;
	v3 =	vadd.f32 $1.000000000e+00, v44  }
0x4ad: {  	v41 =	vmov v19;
	v43 =	vmul.f32 v59, v29;
	v1 =	vmul.f32 v22, v40  }
0x4ae: {  	v59 =	vmul.f32 v3, v46;
	v40 =	vmul.f32 v3, v41;
	v3 =	vld [tilespmem:$0x1FAE0];
	_ =	sdelay $0x3  }
0x4af: {  	v2 =	vld [tilespmem:$0x1FAC0];
	_ =	sdelay $0x3  }
0x4b0: {  	v38 =	vmul.f32 v22, v13;
	v13 =	vmul.f32 v23, v14;
	v23 =	vmov v46;
	v46 =	vld.idx.msk [tilespmem:v3+s1+$0x0], $0xffff  }
0x4b1: {  	v3 =	vld [tilespmem:$0x1FAF0]  }
0x4b2: {  	v63 =	vld.idx.msk [tilespmem:v18+s1+$0x0], $0xffff  }
0x4b3: {  	v51 =	vmul.f32 v8, v14;
	v14 =	vadd.f32 $1.000000000e+00, v34;
	v39 =	vld.idx.msk [tilespmem:v36+s1+$0x0], $0xffff  }
0x4b4: {  	v25 =	vmul.f32 v5, v9;
	v19 =	vadd.f32 $1.000000000e+00, v55;
	v5 =	vld.idx.msk [tilespmem:v2+s1+$0x0], $0xffff;
	v2 =	vsub.f32 v53, v11  }
0x4b5: {  	v17 =	vmul.f32 v20, v9;
	v11 =	vld [tilespmem:$0x1FAD0];
	v36 =	vmul.f32 v14, v6;
	[tilespmem:$0x1FB00] =	vst v21  }
0x4b6: {  	v52 =	vld.idx.msk [tilespmem:v21+s1+$0x0], $0xffff;
	[tilespmem:$0x1FB10] =	vst v2;
	v35 =	vmul.f32 v14, v3;
	v14 =	vmul.f32 v19, v0  }
0x4b7: {  	v9 =	vmovc v0;
	v16 =	vadd.f32 $1.000000000e+00, v37;
	[tilespmem:$0x1FB20] =	vst v27;
	v0 =	vmul.f32 v2, v2;
	v2 =	vmul.f32 v30, v30  }
0x4b8: {  	v45 =	vpop (erf);
	v55 =	vld.idx.msk [tilespmem:v27+s1+$0x0], $0xffff;
	[tilespmem:$0x1FB30] =	vst v30  }
0x4b9: {  	v47 =	vpop (erf);
	[tilespmem:$0x1FB40] =	vst v2;
	v2 =	vmul.f32 v28, v28  }
0x4ba: {  	v42 =	vpop (erf);
	v37 =	vmul.f32 v16, v33;
	[tilespmem:$0x1FB50] =	vst v28  }
0x4bb: {  	v34 =	vmul.f32 v16, v11;
	v16 =	vpop (erf);
	[tilespmem:$0x1FB60] =	vst v2;
	v2 =	vmul.f32 $1.984127010e-04, v0  }
0x4bc: {  	v20 =	vmul.f32 v19, v32;
	v44 =	vpop (erf);
	v19 =	vld [tilespmem:s24+$0xDE80];
	[tilespmem:$0x1FB80] =	vst v0;
	v0 =	vmul.f32 $2.480158760e-05, v0  }
0x4bd: {  	v53 =	vpop (erf);
	[tilespmem:$0x1FB70] =	vst v2  }
0x4be: {  	v28 =	vmov v3;
	v3 =	vpop (erf);
	[tilespmem:$0x1FB90] =	vst v0  }
0x4bf: {  	v8 =	vmov v32;
	v27 =	vmov v11;
	v11 =	vsub.f32 v4, v17;
	v4 =	vpop (erf);
	v22 =	vld [tilespmem:s24+$0xEE80]  }
.LBB2_7:
0x4c0: {  	v2 =	vld [tilespmem:$0x1F9C0]  }
0x4c1: {  	v17 =	vmul.f32 v60, v29;
	v29 =	vmul.f32 v56, v6;
	v6 =	vld [tilespmem:$0x1F9F0];
	_ =	sdelay $0x3  }
0x4c2: {  	v0 =	vmov v19  }
0x4c3: {  	v25 =	vadd.f32 v25, v10;
	v10 =	vmul.f32 v60, v31;
	v60 =	vmul.f32 v2, v6;
	v2 =	vld [tilespmem:$0x1F9D0]  }
0x4c4: {  	v6 =	vld [tilespmem:$0x1FA10];
	_ =	sdelay $0x1  }
0x4c5: {  	v30 =	vld.idx.msk [tilespmem:v54+s1+$0x0], $0xffff  }
0x4c6: {  	[tilespmem:$0x1F4C0] =	vst v54;
	v54 =	vld.idx.msk [tilespmem:v0+s18+$0x0], $0xffff  }
0x4c7: {  	[tilespmem:$0x1F4F0] =	vst v0;
	v0 =	vld [tilespmem:$0x1FA30]  }
0x4c8: {  	v13 =	vsub.f32 v61, v13;
	v61 =	vmul.f32 v2, v6;
	v2 =	vld [tilespmem:$0x1FA40];
	_ =	sdelay $0x4  }
0x4c9: {  	v0 =	vmul.f32 v2, v0;
	v2 =	vld [tilespmem:$0x1FA80];
	_ =	sdelay $0x4  }
0x4ca: {  	v31 =	vmul.f32 v50, v8;
	v2 =	vmul.f32 v62, v2  }
0x4cb: {  	v8 =	vmov v22;
	v62 =	vld.idx.msk [tilespmem:v22+s18+$0x0], $0xffff;
	v22 =	vmul.f32 v39, v55;
	v55 =	vmul.f32 v45, v60  }
0x4cc: {  	v19 =	vadd.f32 v24, v1;
	v24 =	vmul.f32 v58, v27;
	v27 =	vmul.f32 v58, v33  }
0x4cd: {  	v58 =	vmul.f32 v42, v0;
	v0 =	vmul.f32 v11, v55  }
0x4ce: {  	v15 =	vsub.f32 v15, v38  }
0x4cf: {  	v17 =	vadd.f32 v57, v17;
	v57 =	vmul.f32 v47, v61;
	[tilespmem:$0x1F2F0] =	vst v0;
	v0 =	vmul.f32 v25, v55;
	_ =	sdelay $0x1  }
0x4d0: {  	[tilespmem:$0x1F300] =	vst v0;
	v0 =	vmul.f32 v15, v57;
	_ =	sdelay $0x1  }
0x4d1: {  	[tilespmem:$0x1F310] =	vst v0;
	v0 =	vmul.f32 v19, v57  }
0x4d2: {  	v6 =	vld [tilespmem:$0x1FAB0]  }
0x4d3: {  	v32 =	vadd.f32 v51, v7;
	[tilespmem:$0x1F320] =	vst v0;
	v0 =	vmul.f32 v13, v58;
	_ =	sdelay $0x1  }
0x4d4: {  	v43 =	vsub.f32 v43, v10;
	v16 =	vmul.f32 v16, v2;
	[tilespmem:$0x1F330] =	vst v0;
	v0 =	vmul.f32 v32, v58  }
0x4d5: {  	v21 =	vmul.f32 v12, v41  }
0x4d6: {  	v6 =	vmul.f32 v6, v5;
	[tilespmem:$0x1F340] =	vst v0;
	v0 =	vmul.f32 v43, v16  }
0x4d7: {  	v12 =	vmul.f32 v12, v23  }
0x4d8: {  	v21 =	vsub.f32 v59, v21;
	v6 =	vmul.f32 v44, v6;
	[tilespmem:$0x1F350] =	vst v0;
	v0 =	vmul.f32 v17, v16  }
0x4d9: {  	v33 =	vmul.f32 v50, v9  }
0x4da: {  	v9 =	vmul.f32 v26, v46;
	v40 =	vadd.f32 v40, v12;
	[tilespmem:$0x1F360] =	vst v0;
	v0 =	vmul.f32 v21, v6;
	_ =	sdelay $0x1  }
0x4db: {  	v24 =	vsub.f32 v37, v24;
	v9 =	vmul.f32 v53, v9;
	[tilespmem:$0x1F370] =	vst v0;
	v0 =	vmul.f32 v40, v6;
	_ =	sdelay $0x1  }
0x4dc: {  	[tilespmem:$0x1F380] =	vst v0;
	v0 =	vmul.f32 v24, v9;
	_ =	sdelay $0x1  }
0x4dd: {  	[tilespmem:$0x1F390] =	vst v0;
	v0 =	vld [tilespmem:$0x1FB90];
	_ =	sdelay $0x1  }
0x4de: {  	v28 =	vmul.f32 v56, v28  }
0x4df: {  	v12 =	vmul.f32 v63, v52;
	v27 =	vadd.f32 v34, v27  }
0x4e0: {  	v28 =	vsub.f32 v36, v28  }
0x4e1: {  	v3 =	vmul.f32 v3, v12;
	v15 =	vadd.f32 $-1.388888920e-03, v0;
	v0 =	vmul.f32 v27, v9;
	_ =	sdelay $0x1  }
0x4e2: {  	s21 =	sadd.s32 $0xA0, s21;
	v29 =	vadd.f32 v35, v29;
	[tilespmem:$0x1F3A0] =	vst v0;
	v0 =	vmul.f32 v28, v3  }
0x4e3: {  	s22 =	sadd.s32 $0xA0, s22;
	v7 =	vld [tilespmem:s21+$0x40]  }
0x4e4: {  	v10 =	vld [tilespmem:s22+$0x40];
	v20 =	vsub.f32 v20, v33;
	v4 =	vmul.f32 v4, v22;
	[tilespmem:$0x1F3B0] =	vst v0;
	v0 =	vmul.f32 v29, v3;
	_ =	sdelay $0x1  }
0x4e5: {  	[tilespmem:$0x1F3D0] =	vst v0;
	v0 =	vmul.f32 v20, v4;
	_ =	sdelay $0x1  }
0x4e6: {  	[tilespmem:$0x1F3F0] =	vst v0;
	v0 =	vld [tilespmem:$0x1FB70];
	_ =	sdelay $0x2  }
0x4e7: {  	v11 =	vld.idx.msk [tilespmem:v7+s18+$0x0], $0xffff  }
0x4e8: {  	v13 =	vld.idx.msk [tilespmem:v10+s18+$0x0], $0xffff  }
0x4e9: {  	s23 =	sadd.s32 $0xA0, s23;
	v3 =	vsub.f32 $8.333333770e-03, v0;
	v0 =	vld [tilespmem:$0x1FB80]  }
0x4ea: {  	s24 =	sand.u32 $0xFE0, s23  }
0x4eb: {  	v41 =	vld [tilespmem:s24+$0xFE80];
	v5 =	vmov v8  }
0x4ec: {  	v14 =	vadd.f32 v14, v31;
	[tilespmem:$0x1F2E0] =	vst v5;
	v5 =	vld [tilespmem:$0x1FB60]  }
0x4ed: {  	v11 =	vsub.f32 v11, v13;
	v13 =	vld [tilespmem:$0x1FB40]  }
0x4ee: {  	v23 =	vld [tilespmem:s21+$0xFFFFFFB0];
	v4 =	vmul.f32 v14, v4;
	v15 =	vmul.f32 v15, v0  }
0x4ef: {  	s9 =	sadd.s32 $0xA0, s9;
	v49 =	vld [tilespmem:s21+$0xFFFFFFC0]  }
0x4f0: {  	v51 =	vld [tilespmem:s9+$0xFFFFFFE0];
	[tilespmem:$0x1F410] =	vst v4;
	v4 =	vmul.f32 v41, v41;
	v14 =	vadd.f32 $4.166666790e-02, v15  }
0x4f1: {  	v1 =	vld [tilespmem:s24+$0x10E80]  }
0x4f2: {  	v36 =	vld [tilespmem:s22+$0xFFFFFFB0];
	v13 =	vadd.f32 v5, v13;
	v5 =	vmovc v4;
	v3 =	vmul.f32 v3, v0;
	v4 =	vmul.f32 v14, v0  }
0x4f3: {  	v59 =	vld [tilespmem:s21+$0xFFFFFFD0]  }
0x4f4: {  	v35 =	vld [tilespmem:s22+$0xFFFFFFE0];
	v3 =	vadd.f32 $-1.666666720e-01, v3;
	v4 =	vadd.f32 $-5.000000000e-01, v4  }
0x4f5: {  	v31 =	vld [tilespmem:s21+$0x0]  }
0x4f6: {  	v3 =	vmul.f32 v3, v0;
	v4 =	vmul.f32 v4, v0;
	v0 =	vld [tilespmem:$0x1FB10]  }
0x4f7: {  	s8 =	sadd.s32 $0xA0, s8;
	v63 =	vld [tilespmem:s21+$0x20]  }
0x4f8: {  	v37 =	vld [tilespmem:s8+$0xFFFFFFE0]  }
0x4f9: {  	v50 =	vld.idx.msk [tilespmem:v48+s1+$0x0], $0xffff;
	v3 =	vadd.f32 $1.000000000e+00, v3  }
0x4fa: {  	v12 =	vld [tilespmem:s22+$0xFFFFFFD0];
	v15 =	vsub.f32 v54, v62  }
0x4fb: {  	v3 =	vmul.f32 v3, v0;
	v0 =	vld [tilespmem:$0x1F9B0]  }
0x4fc: {  	v61 =	vld [tilespmem:s21+$0x10];
	v14 =	vmul.f32 v15, v15  }
0x4fd: {  	v39 =	vld [tilespmem:s22+$0xFFFFFFF0]  }
0x4fe: {  	v19 =	vmul.f32 v50, v30;
	v16 =	vld [tilespmem:s8+$0x40];
	[tilespmem:$0x1FB40] =	vst v5;
	v5 =	vmul.f32 $1.984127010e-04, v14  }
0x4ff: {  	(erf) = vrcp.f32 v13;
	v13 =	vld [tilespmem:s9+$0x40]  }
0x500: {  	[tilespmem:$0x1FB70] =	vst v5;
	v5 =	vld [tilespmem:$0x1F9A0];
	v19 =	vmul.f32 v0, v19;
	v0 =	vmov v15  }
0x501: {  	v17 =	vmul.f32 v11, v11;
	[tilespmem:$0x1FB10] =	vst v0;
	v0 =	vld [tilespmem:$0x1F990]  }
0x502: {  	v60 =	vld [tilespmem:s22+$0x0]  }
0x503: {  	v45 =	vld [tilespmem:s22+$0x20];
	v18 =	vmul.f32 $2.480158760e-05, v17  }
0x504: {  	v2 =	vld [tilespmem:s22+$0xFFFFFFC0];
	v24 =	vmul.f32 v16, v16;
	v25 =	vmul.f32 v13, v13;
	v4 =	vadd.f32 $1.000000000e+00, v4  }
0x505: {  	v22 =	vld [tilespmem:s21+$0xFFFFFFE0];
	v18 =	vadd.f32 $-1.388888920e-03, v18  }
0x506: {  	v30 =	vld.idx.msk [tilespmem:v7+s1+$0x0], $0xffff;
	v24 =	vadd.f32 v25, v24;
	v28 =	vmul.f32 v3, v5;
	v25 =	vmul.f32 v4, v0  }
0x507: {  	v21 =	vld.idx.msk [tilespmem:v23+s18+$0x0], $0xffff;
	v40 =	vmov v23;
	v18 =	vmul.f32 v18, v17;
	v20 =	vmul.f32 $1.984127010e-04, v17  }
0x508: {  	v23 =	vpop (erf);
	(erf) = vrcp.f32 v24;
	v24 =	vsub.f32 v25, v28;
	v25 =	vmul.f32 v3, v0;
	v0 =	vld [tilespmem:$0x1FB30]  }
0x509: {  	v10 =	vld.idx.msk [tilespmem:v10+s1+$0x0], $0xffff;
	v18 =	vadd.f32 $4.166666790e-02, v18;
	v20 =	vsub.f32 $8.333333770e-03, v20  }
0x50a: {  	v26 =	vmov v14;
	v14 =	vld.idx.msk [tilespmem:v36+s18+$0x0], $0xffff  }
0x50b: {  	v8 =	vmul.f32 v1, v1;
	v27 =	vld.idx.msk [tilespmem:v49+s18+$0x0], $0xffff;
	v20 =	vmul.f32 v20, v17  }
0x50c: {  	v15 =	vld.idx.msk [tilespmem:v2+s18+$0x0], $0xffff  }
0x50d: {  	[tilespmem:$0x1FB60] =	vst v8;
	v6 =	vld [tilespmem:s21+$0xFFFFFFF0];
	v8 =	vmul.f32 v18, v17;
	v20 =	vadd.f32 $-1.666666720e-01, v20;
	v18 =	vmovc v0;
	v0 =	vmov v41  }
0x50e: {  	v4 =	vmul.f32 v4, v5;
	[tilespmem:$0x1FB30] =	vst v0;
	v0 =	vld [tilespmem:$0x1FB50]  }
0x50f: {  	v29 =	vld.idx.msk [tilespmem:v59+s18+$0x0], $0xffff;
	v20 =	vmul.f32 v20, v17;
	v5 =	vsub.f32 v21, v14;
	v21 =	vadd.f32 $-5.000000000e-01, v8  }
0x510: {  	v62 =	vld [tilespmem:s22+$0x10];
	v8 =	vmul.f32 $2.480158760e-05, v26;
	[tilespmem:$0x1F990] =	vst v18;
	v18 =	vmul.f32 v24, v19;
	v24 =	vadd.f32 v4, v25  }
0x511: {  	v14 =	vld.idx.msk [tilespmem:v12+s18+$0x0], $0xffff;
	v4 =	vsub.f32 v27, v15;
	v15 =	vadd.f32 $1.000000000e+00, v20  }
0x512: {  	v10 =	vmul.f32 v10, v30;
	[tilespmem:$0x1FB90] =	vst v8;
	v8 =	vld.idx.msk [tilespmem:v35+s18+$0x0], $0xffff  }
0x513: {  	v17 =	vmul.f32 v21, v17;
	v25 =	vld.idx.msk [tilespmem:v22+s18+$0x0], $0xffff;
	v11 =	vmul.f32 v15, v11;
	v3 =	vmov v0  }
0x514: {  	v42 =	vmul.f32 v5, v5;
	v0 =	vmov v1;
	v1 =	vld.idx.msk [tilespmem:v39+s18+$0x0], $0xffff;
	[tilespmem:$0x1F9A0] =	vst v3;
	v3 =	vmul.f32 v24, v19  }
0x515: {  	v44 =	vmul.f32 v4, v4;
	v28 =	vmul.f32 v11, v13;
	v19 =	vld.idx.msk [tilespmem:v6+s18+$0x0], $0xffff;
	[tilespmem:$0x1FB50] =	vst v0  }
0x516: {  	v12 =	vld.idx.msk [tilespmem:v12+s1+$0x0], $0xffff;
	v11 =	vmul.f32 v11, v16;
	v15 =	vpop (erf);
	v0 =	vsub.f32 v29, v14;
	[tilespmem:$0x1F4E0] =	vst v3;
	v3 =	vadd.f32 $1.000000000e+00, v17  }
0x517: {  	v21 =	vld.idx.msk [tilespmem:v31+s18+$0x0], $0xffff;
	v10 =	vmul.f32 v15, v10;
	v17 =	vmul.f32 $2.480158760e-05, v42  }
0x518: {  	[tilespmem:$0x1F2D0] =	vst v61;
	v24 =	vld.idx.msk [tilespmem:v60+s18+$0x0], $0xffff;
	v53 =	vmul.f32 v0, v0;
	v27 =	vmul.f32 v3, v16  }
0x519: {  	[tilespmem:$0x1F3E0] =	vst v4;
	v4 =	vld [tilespmem:s8+$0x0];
	v17 =	vadd.f32 $-1.388888920e-03, v17;
	v13 =	vmul.f32 v3, v13;
	v3 =	vsub.f32 v25, v8  }
0x51a: {  	[tilespmem:$0x1F2C0] =	vst v60;
	v29 =	vld.idx.msk [tilespmem:v61+s18+$0x0], $0xffff;
	v25 =	vmul.f32 $2.480158760e-05, v44;
	v1 =	vsub.f32 v19, v1;
	v15 =	vsub.f32 v27, v28  }
0x51b: {  	v8 =	vld.idx.msk [tilespmem:v62+s18+$0x0], $0xffff;
	v11 =	vadd.f32 v13, v11;
	v16 =	vmul.f32 v3, v3;
	v48 =	vmul.f32 v17, v42  }
0x51c: {  	[tilespmem:$0x1F3C0] =	vst v5;
	v27 =	vld.idx.msk [tilespmem:v63+s18+$0x0], $0xffff;
	v19 =	vadd.f32 $-1.388888920e-03, v25;
	v56 =	vmul.f32 v1, v1;
	v15 =	vmul.f32 v15, v10  }
0x51d: {  	v13 =	vld.idx.msk [tilespmem:v45+s18+$0x0], $0xffff;
	[tilespmem:$0x1F430] =	vst v1;
	v1 =	vsub.f32 v21, v24;
	v10 =	vmul.f32 v11, v10;
	v28 =	vmul.f32 $2.480158760e-05, v16  }
0x51e: {  	[tilespmem:$0x1F420] =	vst v3;
	v3 =	vld [tilespmem:s9+$0xFFFFFFB0];
	v30 =	vmul.f32 $1.984127010e-04, v16;
	v54 =	vmul.f32 v19, v44  }
0x51f: {  	[tilespmem:$0x1F400] =	vst v0;
	v0 =	vld [tilespmem:s8+$0xFFFFFFB0];
	v21 =	vmul.f32 $2.480158760e-05, v56;
	v57 =	vmul.f32 v1, v1  }
0x520: {  	v11 =	vld [tilespmem:s9+$0xFFFFFFC0];
	[tilespmem:$0x1F440] =	vst v1;
	v1 =	vsub.f32 v29, v8;
	v29 =	vmul.f32 $1.984127010e-04, v53;
	v32 =	vmul.f32 $1.984127010e-04, v56  }
0x521: {  	[tilespmem:v7+s31+$0x0] =	vst.idx.add.f32.msk $0xffff, v15;
	v28 =	vadd.f32 $-1.388888920e-03, v28;
	v5 =	vsub.f32 $8.333333770e-03, v30;
	v30 =	vmul.f32 v37, v37  }
0x522: {  	v20 =	vmovc v31;
	v8 =	vld [tilespmem:s8+$0xFFFFFFC0];
	[tilespmem:$0x1F450] =	vst v1;
	v31 =	vmul.f32 $2.480158760e-05, v57;
	v58 =	vmul.f32 v1, v1;
	v1 =	vsub.f32 v27, v13  }
0x523: {  	[tilespmem:v7+s0+$0x0] =	vst.idx.add.f32.msk $0xffff, v10;
	v27 =	vadd.f32 $-1.388888920e-03, v21;
	v33 =	vmul.f32 $1.984127010e-04, v57;
	v21 =	vmul.f32 v3, v3  }
0x524: {  	[tilespmem:$0x1FB80] =	vst v26;
	v10 =	vld [tilespmem:s8+$0xFFFFFFD0];
	v17 =	vsub.f32 $8.333333770e-03, v32;
	v32 =	vmul.f32 v4, v4;
	v61 =	vmul.f32 v28, v16  }
0x525: {  	[tilespmem:$0x1F470] =	vst v0;
	v13 =	vld [tilespmem:s9+$0xFFFFFFD0];
	v26 =	vsub.f32 $8.333333770e-03, v29;
	v34 =	vmul.f32 $2.480158760e-05, v58;
	v60 =	vmul.f32 v1, v1  }
0x526: {  	v9 =	vmovc v6;
	[tilespmem:$0x1F460] =	vst v1;
	v31 =	vadd.f32 $-1.388888920e-03, v31;
	v52 =	vmul.f32 $1.984127010e-04, v58;
	v1 =	vmul.f32 v0, v0;
	v0 =	vld.idx.msk [tilespmem:v40+s1+$0x0], $0xffff  }
0x527: {  	[tilespmem:$0x1F9B0] =	vst v23;
	v23 =	vld [tilespmem:s8+$0xFFFFFFF0];
	v14 =	vmovc v63;
	v63 =	vmul.f32 v27, v56;
	v19 =	vsub.f32 $8.333333770e-03, v33;
	v28 =	vmul.f32 v11, v11  }
0x528: {  	v43 =	vmovc v49;
	v49 =	vmovc v59;
	v27 =	vmul.f32 v8, v8;
	v41 =	vadd.f32 $-1.388888920e-03, v34;
	v46 =	vmul.f32 $1.984127010e-04, v60;
	v34 =	vld [tilespmem:s9+$0x0]  }
0x529: {  	v47 =	vmovc v62;
	[tilespmem:$0x1F4D0] =	vst v18;
	v6 =	vld [tilespmem:s8+$0x10];
	v18 =	vmul.f32 v31, v57;
	v52 =	vsub.f32 $8.333333770e-03, v52;
	v31 =	vmul.f32 v51, v51  }
0x52a: {  	[tilespmem:$0x1FA40] =	vst v12;
	v7 =	vld [tilespmem:s9+$0xFFFFFFF0];
	v1 =	vadd.f32 v21, v1;
	v29 =	vmul.f32 v10, v10;
	v50 =	vmul.f32 v13, v13  }
0x52b: {  	v19 =	vmul.f32 v19, v57;
	v12 =	vadd.f32 v28, v27;
	v59 =	vsub.f32 $8.333333770e-03, v46;
	[tilespmem:$0x1F9F0] =	vst v0;
	v0 =	vld.idx.msk [tilespmem:v36+s1+$0x0], $0xffff  }
0x52c: {  	v28 =	vadd.f32 v50, v29;
	v29 =	vadd.f32 v31, v30;
	v50 =	vld.idx.msk [tilespmem:v9+s1+$0x0], $0xffff;
	v30 =	vmul.f32 v52, v58  }
0x52d: {  	v62 =	vmovc v9;
	v54 =	vadd.f32 $4.166666790e-02, v54;
	v9 =	vld.idx.msk [tilespmem:v39+s1+$0x0], $0xffff;
	v31 =	vmul.f32 v59, v60;
	v33 =	vmul.f32 v34, v34  }
0x52e: {  	[tilespmem:$0x1F480] =	vst v3;
	v3 =	vld.idx.msk [tilespmem:v49+s1+$0x0], $0xffff;
	(erf) = vrcp.f32 v1;
	v1 =	vadd.f32 $-1.666666720e-01, v19;
	v19 =	vadd.f32 $-1.666666720e-01, v30  }
0x52f: {  	v30 =	vadd.f32 $-1.666666720e-01, v31;
	v31 =	vld [tilespmem:$0x1F9E0];
	v32 =	vadd.f32 v33, v32;
	v33 =	vmul.f32 v54, v44  }
0x530: {  	[tilespmem:$0x1F490] =	vst v8;
	v8 =	vld [tilespmem:s9+$0x10]  }
0x531: {  	[tilespmem:$0x1F9C0] =	vst v0;
	v0 =	vld.idx.msk [tilespmem:v43+s1+$0x0], $0xffff  }
0x532: {  	(erf) = vrcp.f32 v12;
	[tilespmem:$0x1FAB0] =	vst v9;
	v9 =	vld [tilespmem:$0x1F2F0]  }
0x533: {  	v38 =	vmul.f32 $2.480158760e-05, v60;
	(erf) = vrcp.f32 v28;
	v28 =	vadd.f32 $-5.000000000e-01, v33;
	v33 =	vmovc v4;
	v4 =	vld [tilespmem:$0x1F300]  }
0x534: {  	[tilespmem:$0x1F4A0] =	vst v10;
	v10 =	vld [tilespmem:s8+$0x20]  }
0x535: {  	v55 =	vadd.f32 $-1.388888920e-03, v38;
	v38 =	vld [tilespmem:s9+$0x20]  }
0x536: {  	[tilespmem:$0x1FA10] =	vst v0;
	v0 =	vld.idx.msk [tilespmem:v2+s1+$0x0], $0xffff  }
0x537: {  	v46 =	vmul.f32 v23, v23;
	v36 =	vadd.f32 $4.166666790e-02, v61;
	v61 =	vmul.f32 v7, v7;
	[tilespmem:v31+s31+$0x0] =	vst.idx.add.f32.msk $0xffff, v9  }
0x538: {  	v15 =	vmul.f32 $1.984127010e-04, v42;
	v41 =	vmul.f32 v41, v58;
	[tilespmem:v31+s0+$0x0] =	vst.idx.add.f32.msk $0xffff, v4  }
0x539: {  	[tilespmem:$0x1F4B0] =	vst v23;
	v23 =	vmul.f32 v6, v6;
	v59 =	vadd.f32 v61, v46;
	(erf) = vrcp.f32 v29;
	v31 =	vld [tilespmem:$0x1FA00]  }
0x53a: {  	[tilespmem:$0x1FA30] =	vst v3;
	v3 =	vadd.f32 $4.166666790e-02, v41;
	v41 =	vmul.f32 v38, v38;
	v2 =	vmul.f32 v8, v8  }
0x53b: {  	(erf) = vrcp.f32 v59;
	v59 =	vld [tilespmem:$0x1FA20];
	[tilespmem:$0x1F9D0] =	vst v0;
	v0 =	vmul.f32 v10, v10  }
0x53c: {  	v24 =	vmul.f32 $1.984127010e-04, v44;
	v2 =	vadd.f32 v2, v23;
	v4 =	vld [tilespmem:$0x1F310]  }
0x53d: {  	v15 =	vsub.f32 $8.333333770e-03, v15;
	(erf) = vrcp.f32 v32;
	v0 =	vadd.f32 v41, v0  }
0x53e: {  	(erf) = vrcp.f32 v2;
	v2 =	vld [tilespmem:$0x1F330]  }
0x53f: {  	v24 =	vsub.f32 $8.333333770e-03, v24;
	v15 =	vmul.f32 v15, v42;
	(erf) = vrcp.f32 v0;
	v0 =	vld [tilespmem:$0x1F340];
	_ =	sdelay $0x1  }
0x540: {  	v21 =	vmul.f32 v24, v44;
	v24 =	vmul.f32 v26, v53;
	v15 =	vadd.f32 $-1.666666720e-01, v15;
	[tilespmem:v31+s31+$0x0] =	vst.idx.add.f32.msk $0xffff, v4  }
0x541: {  	v4 =	vld [tilespmem:$0x1F320]  }
0x542: {  	v24 =	vadd.f32 $-1.666666720e-01, v24;
	v15 =	vmul.f32 v15, v42;
	[tilespmem:v59+s31+$0x0] =	vst.idx.add.f32.msk $0xffff, v2  }
0x543: {  	[tilespmem:v59+s0+$0x0] =	vst.idx.add.f32.msk $0xffff, v0;
	v0 =	vmov v49  }
0x544: {  	[tilespmem:$0x1FA20] =	vst v0;
	v0 =	vadd.f32 $1.000000000e+00, v15;
	v15 =	vmul.f32 v24, v53;
	v24 =	vld [tilespmem:$0x1FA70];
	_ =	sdelay $0x1  }
0x545: {  	[tilespmem:v31+s0+$0x0] =	vst.idx.add.f32.msk $0xffff, v4  }
0x546: {  	v4 =	vld [tilespmem:$0x1F350];
	_ =	sdelay $0x2  }
0x547: {  	v35 =	vld.idx.msk [tilespmem:v35+s1+$0x0], $0xffff  }
0x548: {  	v26 =	vld.idx.msk [tilespmem:v22+s1+$0x0], $0xffff  }
0x549: {  	[tilespmem:v24+s31+$0x0] =	vst.idx.add.f32.msk $0xffff, v4  }
0x54a: {  	v4 =	vld [tilespmem:$0x1F360];
	_ =	sdelay $0x4  }
0x54b: {  	[tilespmem:v24+s0+$0x0] =	vst.idx.add.f32.msk $0xffff, v4  }
0x54c: {  	v24 =	vmul.f32 v30, v60;
	v30 =	vld [tilespmem:$0x1FAC0];
	_ =	sdelay $0x2  }
0x54d: {  	v4 =	vld [tilespmem:$0x1F370];
	_ =	sdelay $0x4  }
0x54e: {  	[tilespmem:v30+s31+$0x0] =	vst.idx.add.f32.msk $0xffff, v4  }
0x54f: {  	v4 =	vld [tilespmem:$0x1F380];
	_ =	sdelay $0x3  }
0x550: {  	v27 =	vmul.f32 v5, v16;
	v5 =	vld [tilespmem:$0x1F2C0]  }
0x551: {  	[tilespmem:v30+s0+$0x0] =	vst.idx.add.f32.msk $0xffff, v4  }
0x552: {  	v30 =	vld [tilespmem:$0x1FAE0];
	_ =	sdelay $0x1  }
0x553: {  	v25 =	vmul.f32 $2.480158760e-05, v53  }
0x554: {  	v4 =	vld [tilespmem:$0x1F390]  }
0x555: {  	v25 =	vadd.f32 $-1.388888920e-03, v25;
	_ =	sdelay $0x1  }
0x556: {  	v25 =	vmul.f32 v25, v53;
	v46 =	vld.idx.msk [tilespmem:v20+s1+$0x0], $0xffff  }
0x557: {  	v48 =	vadd.f32 $4.166666790e-02, v48;
	v55 =	vmul.f32 v55, v60;
	v5 =	vld.idx.msk [tilespmem:v5+s1+$0x0], $0xffff  }
0x558: {  	v25 =	vadd.f32 $4.166666790e-02, v25;
	[tilespmem:v30+s31+$0x0] =	vst.idx.add.f32.msk $0xffff, v4  }
0x559: {  	v48 =	vmul.f32 v48, v42;
	v63 =	vadd.f32 $4.166666790e-02, v63;
	v55 =	vadd.f32 $4.166666790e-02, v55;
	v4 =	vld [tilespmem:$0x1F3A0]  }
0x55a: {  	v23 =	vmul.f32 v25, v53;
	v25 =	vmul.f32 v36, v16  }
0x55b: {  	v12 =	vadd.f32 $-5.000000000e-01, v48;
	v36 =	vmul.f32 v63, v56;
	v63 =	vld.idx.msk [tilespmem:v47+s1+$0x0], $0xffff;
	v47 =	vmul.f32 v55, v60  }
0x55c: {  	v31 =	vmov v43  }
0x55d: {  	v12 =	vmul.f32 v12, v42;
	[tilespmem:$0x1FA00] =	vst v31;
	v31 =	vadd.f32 $-5.000000000e-01, v47  }
0x55e: {  	[tilespmem:v30+s0+$0x0] =	vst.idx.add.f32.msk $0xffff, v4  }
0x55f: {  	v30 =	vmul.f32 v31, v60;
	v31 =	vadd.f32 $1.000000000e+00, v12;
	v12 =	vld [tilespmem:$0x1FB20];
	_ =	sdelay $0x2  }
0x560: {  	v41 =	vmov v7;
	v7 =	vld [tilespmem:$0x1F3F0];
	_ =	sdelay $0x2  }
0x561: {  	v39 =	vld.idx.msk [tilespmem:v45+s1+$0x0], $0xffff  }
0x562: {  	v55 =	vld.idx.msk [tilespmem:v14+s1+$0x0], $0xffff  }
0x563: {  	[tilespmem:v12+s31+$0x0] =	vst.idx.add.f32.msk $0xffff, v7  }
0x564: {  	v7 =	vld [tilespmem:$0x1F400];
	_ =	sdelay $0x2  }
0x565: {  	v15 =	vadd.f32 $1.000000000e+00, v15  }
0x566: {  	v21 =	vadd.f32 $-1.666666720e-01, v21;
	v3 =	vmul.f32 v3, v58  }
0x567: {  	v27 =	vadd.f32 $-1.666666720e-01, v27;
	v29 =	vmov v40;
	v32 =	vmul.f32 v15, v7;
	v7 =	vld [tilespmem:$0x1F410]  }
0x568: {  	v61 =	vld [tilespmem:$0x1F2D0];
	[tilespmem:$0x1F9E0] =	vst v29;
	v3 =	vadd.f32 $-5.000000000e-01, v3;
	v29 =	vadd.f32 $-5.000000000e-01, v36;
	v2 =	vmul.f32 v21, v44  }
0x569: {  	v21 =	vmul.f32 v27, v16;
	v27 =	vmul.f32 v28, v44;
	v60 =	vld [tilespmem:$0x1FB00]  }
0x56a: {  	v28 =	vmul.f32 v29, v56;
	v29 =	vmul.f32 v3, v58;
	v3 =	vld [tilespmem:$0x1F3B0]  }
0x56b: {  	v4 =	vld [tilespmem:$0x1F3D0]  }
0x56c: {  	[tilespmem:v12+s0+$0x0] =	vst.idx.add.f32.msk $0xffff, v7  }
0x56d: {  	v7 =	vld [tilespmem:$0x1F420];
	_ =	sdelay $0x2  }
0x56e: {  	v17 =	vmul.f32 v17, v56;
	v52 =	vld.idx.msk [tilespmem:v61+s1+$0x0], $0xffff;
	v21 =	vadd.f32 $1.000000000e+00, v21  }
0x56f: {  	[tilespmem:v60+s31+$0x0] =	vst.idx.add.f32.msk $0xffff, v3  }
0x570: {  	v17 =	vadd.f32 $-1.666666720e-01, v17;
	[tilespmem:v60+s0+$0x0] =	vst.idx.add.f32.msk $0xffff, v4;
	v60 =	vmul.f32 v21, v7;
	v7 =	vmov v62  }
0x571: {  	[tilespmem:$0x1FAC0] =	vst v7;
	v7 =	vld [tilespmem:$0x1F430]  }
0x572: {  	v17 =	vmul.f32 v17, v56;
	_ =	sdelay $0x1  }
0x573: {  	v17 =	vadd.f32 $1.000000000e+00, v17;
	v54 =	vmov v20  }
0x574: {  	v12 =	vmov v54  }
0x575: {  	[tilespmem:$0x1FAE0] =	vst v12;
	v12 =	vmul.f32 v17, v7;
	v7 =	vld [tilespmem:$0x1F440]  }
0x576: {  	v1 =	vmul.f32 v1, v57  }
0x577: {  	v18 =	vadd.f32 $4.166666790e-02, v18  }
0x578: {  	v1 =	vadd.f32 $1.000000000e+00, v1  }
0x579: {  	v18 =	vmul.f32 v18, v57  }
0x57a: {  	v19 =	vmul.f32 v19, v58;
	v25 =	vadd.f32 $-5.000000000e-01, v25;
	v58 =	vmul.f32 v1, v7;
	v7 =	vmovc v61  }
0x57b: {  	v18 =	vadd.f32 $-5.000000000e-01, v18;
	[tilespmem:$0x1FB00] =	vst v7;
	v7 =	vld [tilespmem:$0x1F450]  }
0x57c: {  	v9 =	vmov v22;
	v22 =	vld [tilespmem:$0x1F480];
	v23 =	vadd.f32 $-5.000000000e-01, v23;
	v25 =	vmul.f32 v25, v16  }
0x57d: {  	v18 =	vmul.f32 v18, v57;
	v21 =	vld [tilespmem:$0x1F470]  }
0x57e: {  	v19 =	vadd.f32 $1.000000000e+00, v19;
	v23 =	vmul.f32 v23, v53;
	v20 =	vadd.f32 $1.000000000e+00, v25;
	v49 =	vld [tilespmem:$0x1F4A0]  }
0x57f: {  	[tilespmem:$0x1FA80] =	vst v26;
	v26 =	vmov v14;
	v14 =	vadd.f32 $1.000000000e+00, v18;
	v1 =	vadd.f32 $1.000000000e+00, v30;
	v30 =	vld [tilespmem:$0x1F490]  }
0x580: {  	v23 =	vadd.f32 $1.000000000e+00, v23;
	v43 =	vmul.f32 v20, v37;
	v56 =	vmul.f32 v19, v7;
	v7 =	vld [tilespmem:$0x1F460]  }
0x581: {  	v18 =	vadd.f32 $1.000000000e+00, v29;
	v29 =	vmovc v37;
	v37 =	vmul.f32 v14, v33;
	v25 =	vmul.f32 v31, v22  }
0x582: {  	v27 =	vadd.f32 $1.000000000e+00, v27;
	v3 =	vld [tilespmem:$0x1F3C0];
	v17 =	vmul.f32 v31, v21;
	v31 =	vmovc v51;
	v51 =	vmul.f32 v23, v13  }
0x583: {  	v24 =	vadd.f32 $1.000000000e+00, v24;
	v15 =	vmovc v26;
	v57 =	vmul.f32 v20, v31;
	v61 =	vmul.f32 v23, v49  }
0x584: {  	[tilespmem:$0x1FB20] =	vst v15;
	v20 =	vmul.f32 v1, v10;
	v15 =	vmul.f32 v27, v30  }
0x585: {  	v26 =	vmovc v5;
	v5 =	vmov v50;
	v23 =	vld [tilespmem:$0x1F4B0];
	v50 =	vmul.f32 v24, v7;
	v24 =	vmul.f32 v27, v11  }
0x586: {  	v28 =	vadd.f32 $1.000000000e+00, v28;
	v27 =	vmovc v34;
	v34 =	vmul.f32 v14, v34;
	v14 =	vmul.f32 v1, v38;
	v1 =	vld [tilespmem:$0x1F4C0]  }
0x587: {  	v0 =	vmul.f32 v0, v3  }
0x588: {  	v40 =	vmul.f32 v28, v41;
	v36 =	vmul.f32 v18, v6  }
0x589: {  	v62 =	vmov v35;
	v35 =	vmul.f32 v18, v8;
	v18 =	vmul.f32 v0, v22;
	v7 =	vld [tilespmem:$0x1F4D0]  }
0x58a: {  	v59 =	vmul.f32 v28, v23;
	v28 =	vmovc v8;
	v8 =	vmov v10;
	v10 =	vmul.f32 v0, v21;
	v0 =	vld [tilespmem:$0x1F4E0];
	_ =	sdelay $0x1  }
0x58b: {  	v4 =	vld [tilespmem:$0x1F3E0]  }
0x58c: {  	v45 =	vpop (erf);
	v19 =	vld [tilespmem:s24+$0xDE80]  }
0x58d: {  	v47 =	vpop (erf);
	[tilespmem:v1+s31+$0x0] =	vst.idx.add.f32.msk $0xffff, v7  }
0x58e: {  	v42 =	vpop (erf);
	[tilespmem:v1+s0+$0x0] =	vst.idx.add.f32.msk $0xffff, v0  }
0x58f: {  	p4 =	slt.u32 s23, $0xF00;
	v2 =	vadd.f32 $1.000000000e+00, v2;
	v16 =	vpop (erf);
	v0 =	vld [tilespmem:$0x1F4F0]  }
.Ltmp4:
0x590: {  	v44 =	vpop (erf);
	(pc) =	sbr.rel @p4 .LBB2_7-.Ltmp4, $4  }
0x591: {  	v53 =	vpop (erf);
	v2 =	vmul.f32 v2, v4  }
0x592: {  	v3 =	vpop (erf)  }
0x593: {  	v48 =	vld [tilespmem:$0x1F2E0];
	[tilespmem:$0x1FA70] =	vst v9;
	v9 =	vmov v38;
	v4 =	vpop (erf);
	v13 =	vmul.f32 v32, v13;
	v38 =	vmul.f32 v2, v11  }
0x594: {  	v11 =	vsub.f32 v17, v18;
	v7 =	vmul.f32 v32, v49;
	v1 =	vmul.f32 v2, v30;
	v22 =	vld [tilespmem:s24+$0xEE80];
	v54 =	vmovc v0  }
0x595: {  	v2 =	vmul.f32 v60, v31;
	v17 =	vmul.f32 v60, v29;
	v0 =	vld [tilespmem:$0x1F9C0]  }
0x596: {  	v18 =	vmul.f32 v12, v41;
	v12 =	vmul.f32 v12, v23;
	v49 =	vld [tilespmem:$0x1F9F0]  }
0x597: {  	v31 =	vmul.f32 v50, v9;
	v32 =	vmul.f32 v50, v8;
	v50 =	vld [tilespmem:$0x1F9D0]  }
0x598: {  	v29 =	vmul.f32 v56, v28;
	v30 =	vmul.f32 v56, v6;
	v56 =	vld [tilespmem:$0x1FA10]  }
0x599: {  	[tilespmem:$0x1F150] =	vst v19;
	v19 =	vmul.f32 v58, v27;
	v23 =	vmul.f32 v58, v33;
	v58 =	vld [tilespmem:$0x1FA30]  }
0x59a: {  	v60 =	vld [tilespmem:$0x1FA40]  }
0x59b: {  	v6 =	vld [tilespmem:$0x1FA80]  }
0x59c: {  	s23 =	sadd.s32 $0xA0, s21;
	v9 =	vld [tilespmem:$0x1FAB0]  }
0x59d: {  	s22 =	sadd.s32 $0xA0, s22;
	v21 =	vld [tilespmem:s23+$0x40]  }
0x59e: {  	v41 =	vld [tilespmem:s22+$0xFFFFFFB0]  }
0x59f: {  	v10 =	vadd.f32 v25, v10;
	v27 =	vld.idx.msk [tilespmem:v48+s1+$0x0], $0xffff  }
0x5a0: {  	v13 =	vsub.f32 v61, v13;
	v61 =	vmul.f32 v63, v52;
	v48 =	vld [tilespmem:s22+$0x40];
	v25 =	vmul.f32 v0, v49  }
0x5a1: {  	v8 =	vsub.f32 v15, v38;
	v33 =	vmul.f32 v50, v56;
	v50 =	vld.idx.msk [tilespmem:v54+s1+$0x0], $0xffff;
	v15 =	vmul.f32 v60, v58  }
0x5a2: {  	v0 =	vmul.f32 v62, v6;
	v49 =	vld [tilespmem:s23+$0xFFFFFFB0];
	v28 =	vmul.f32 v9, v5  }
0x5a3: {  	v24 =	vadd.f32 v24, v1;
	v60 =	vmul.f32 v26, v46;
	v1 =	vld [tilespmem:s23+$0xFFFFFFC0];
	v25 =	vmul.f32 v45, v25  }
0x5a4: {  	v62 =	vmul.f32 v39, v55;
	v39 =	vld [tilespmem:s22+$0xFFFFFFC0];
	v33 =	vmul.f32 v47, v33  }
0x5a5: {  	v5 =	vmul.f32 v16, v0;
	v0 =	vld [tilespmem:s23+$0xFFFFFFD0];
	v52 =	vmul.f32 v11, v25  }
0x5a6: {  	v63 =	vmul.f32 v42, v15;
	v15 =	vadd.f32 v57, v17;
	v17 =	vld.idx.msk [tilespmem:v21+s18+$0x0], $0xffff;
	[tilespmem:$0x1EEA0] =	vst v21  }
0x5a7: {  	v7 =	vadd.f32 v51, v7;
	v55 =	vmul.f32 v10, v25;
	[tilespmem:$0x1EED0] =	vst v52  }
0x5a8: {  	v38 =	vsub.f32 v43, v2;
	v9 =	vmul.f32 v53, v60;
	v58 =	vmul.f32 v8, v33;
	v53 =	vld.idx.msk [tilespmem:v48+s18+$0x0], $0xffff  }
0x5a9: {  	v43 =	vsub.f32 v59, v18;
	v16 =	vmul.f32 v44, v28;
	v59 =	vmul.f32 v24, v33;
	v28 =	vld [tilespmem:s22+$0xFFFFFFD0];
	[tilespmem:$0x1EEE0] =	vst v55  }
0x5aa: {  	v51 =	vmul.f32 v3, v61;
	v61 =	vmul.f32 v13, v63;
	[tilespmem:$0x1EEF0] =	vst v58  }
0x5ab: {  	v4 =	vmul.f32 v4, v62;
	v62 =	vsub.f32 v36, v29;
	v29 =	vld [tilespmem:$0x1FB70];
	v2 =	vmul.f32 v7, v63;
	[tilespmem:$0x1EF00] =	vst v59  }
0x5ac: {  	v63 =	vmul.f32 v38, v5;
	v45 =	vld [tilespmem:s23+$0xFFFFFFE0];
	[tilespmem:$0x1EF10] =	vst v61  }
0x5ad: {  	v12 =	vadd.f32 v40, v12;
	v5 =	vmul.f32 v15, v5;
	v15 =	vld [tilespmem:$0x1FB90];
	[tilespmem:$0x1EF20] =	vst v2  }
0x5ae: {  	v57 =	vsub.f32 v37, v19;
	v13 =	vmul.f32 v43, v16;
	v33 =	vld [tilespmem:s22+$0xFFFFFFE0];
	[tilespmem:$0x1EF30] =	vst v63  }
0x5af: {  	v60 =	vadd.f32 v34, v23;
	v34 =	vld [tilespmem:$0x1FB80];
	v25 =	vmul.f32 v12, v16;
	[tilespmem:$0x1EF40] =	vst v5  }
0x5b0: {  	v26 =	vmul.f32 v57, v9;
	v36 =	vld [tilespmem:s23+$0xFFFFFFF0];
	[tilespmem:$0x1EF50] =	vst v13  }
0x5b1: {  	v42 =	vmov v21;
	v21 =	vld [tilespmem:s22+$0xFFFFFFF0];
	[tilespmem:$0x1EF60] =	vst v25  }
0x5b2: {  	v8 =	vmul.f32 v60, v9;
	v19 =	vadd.f32 $-1.388888920e-03, v15;
	[tilespmem:$0x1EF70] =	vst v26  }
0x5b3: {  	s8 =	sadd.s32 $0xA0, s8;
	v24 =	vadd.f32 v35, v30;
	v7 =	vmul.f32 v62, v51;
	v35 =	vld [tilespmem:s23+$0x0]  }
0x5b4: {  	v5 =	vmul.f32 v19, v34;
	v12 =	vld [tilespmem:s8+$0x40];
	[tilespmem:$0x1EF80] =	vst v8  }
0x5b5: {  	s9 =	sadd.s32 $0xA0, s9;
	v47 =	vadd.f32 v14, v32;
	v43 =	vsub.f32 v20, v31;
	v57 =	vld [tilespmem:$0x1FB40];
	[tilespmem:$0x1EF90] =	vst v7  }
0x5b6: {  	v51 =	vmul.f32 v24, v51;
	v30 =	vsub.f32 $8.333333770e-03, v29;
	v20 =	vld [tilespmem:s9+$0x40];
	v5 =	vadd.f32 $4.166666790e-02, v5  }
0x5b7: {  	v52 =	vmul.f32 v43, v4;
	v59 =	vmul.f32 v27, v50;
	v19 =	vld.idx.msk [tilespmem:v49+s18+$0x0], $0xffff;
	[tilespmem:$0x1EFF0] =	vst v49  }
0x5b8: {  	v50 =	vld [tilespmem:$0x1F9A0];
	v44 =	vmul.f32 v30, v34;
	[tilespmem:$0x1EFA0] =	vst v51;
	v5 =	vmul.f32 v5, v34  }
0x5b9: {  	v11 =	vsub.f32 v17, v53;
	v53 =	vmul.f32 v47, v4;
	v47 =	vld [tilespmem:$0x1F990];
	[tilespmem:$0x1EFB0] =	vst v52  }
0x5ba: {  	v7 =	vadd.f32 $-1.666666720e-01, v44;
	v13 =	vld.idx.msk [tilespmem:v41+s18+$0x0], $0xffff;
	v5 =	vadd.f32 $-5.000000000e-01, v5  }
0x5bb: {  	v56 =	vmov v22;
	v15 =	vmul.f32 v11, v11;
	v22 =	vld.idx.msk [tilespmem:v1+s18+$0x0], $0xffff;
	[tilespmem:$0x1F000] =	vst v1  }
0x5bc: {  	[tilespmem:$0x1EFC0] =	vst v53;
	v7 =	vmul.f32 v7, v34;
	v5 =	vmul.f32 v5, v34;
	v34 =	vld [tilespmem:$0x1FB10]  }
0x5bd: {  	v23 =	vld.idx.msk [tilespmem:v39+s18+$0x0], $0xffff  }
0x5be: {  	v26 =	vld.idx.msk [tilespmem:v0+s18+$0x0], $0xffff;
	[tilespmem:$0x1F030] =	vst v0;
	v46 =	vmul.f32 $2.480158760e-05, v15;
	v58 =	vmul.f32 $1.984127010e-04, v15  }
0x5bf: {  	v61 =	vld.idx.msk [tilespmem:v42+s1+$0x0], $0xffff;
	v7 =	vadd.f32 $1.000000000e+00, v7  }
0x5c0: {  	v42 =	vld [tilespmem:$0x1F9B0];
	v8 =	vadd.f32 $-1.388888920e-03, v46;
	v60 =	vsub.f32 $8.333333770e-03, v58  }
0x5c1: {  	v55 =	vld [tilespmem:$0x1FB60];
	v63 =	vmul.f32 v12, v12;
	v37 =	vadd.f32 $1.000000000e+00, v5;
	v7 =	vmul.f32 v7, v34  }
0x5c2: {  	v62 =	vld.idx.msk [tilespmem:v48+s1+$0x0], $0xffff;
	v8 =	vmul.f32 v8, v15;
	v32 =	vmul.f32 v60, v15  }
0x5c3: {  	v6 =	vld [tilespmem:s8+$0xFFFFFFB0];
	v48 =	vmul.f32 v37, v47;
	v51 =	vmul.f32 v7, v50  }
0x5c4: {  	v44 =	vld.idx.msk [tilespmem:v28+s18+$0x0], $0xffff;
	v8 =	vadd.f32 $4.166666790e-02, v8;
	v18 =	vmul.f32 v37, v50;
	v7 =	vmul.f32 v7, v47  }
0x5c5: {  	v31 =	vld.idx.msk [tilespmem:v45+s18+$0x0], $0xffff;
	v40 =	vmul.f32 v20, v20;
	v10 =	vmul.f32 v42, v59;
	v29 =	vsub.f32 v48, v51  }
0x5c6: {  	v5 =	vld [tilespmem:s9+$0xFFFFFFB0];
	[tilespmem:$0x1F060] =	vst v45;
	v17 =	vadd.f32 $-1.666666720e-01, v32;
	v8 =	vmul.f32 v8, v15;
	v18 =	vadd.f32 v18, v7  }
0x5c7: {  	v4 =	vadd.f32 v55, v57;
	v24 =	vadd.f32 v40, v63;
	v16 =	vld [tilespmem:s9+$0xFFFFFFC0];
	v55 =	vmul.f32 v29, v10  }
0x5c8: {  	v17 =	vmul.f32 v17, v15;
	v46 =	vadd.f32 $-5.000000000e-01, v8;
	v8 =	vld [tilespmem:s8+$0xFFFFFFC0];
	v58 =	vmul.f32 v18, v10  }
0x5c9: {  	(erf) = vrcp.f32 v4;
	v7 =	vld [tilespmem:s8+$0xFFFFFFD0];
	[tilespmem:$0x1EFD0] =	vst v55  }
0x5ca: {  	(erf) = vrcp.f32 v24;
	v24 =	vsub.f32 v19, v13;
	v57 =	vadd.f32 $1.000000000e+00, v17;
	v17 =	vld [tilespmem:s9+$0xFFFFFFD0];
	[tilespmem:$0x1EFE0] =	vst v58  }
0x5cb: {  	v52 =	vmul.f32 v6, v6;
	v10 =	vld [tilespmem:s8+$0xFFFFFFE0]  }
0x5cc: {  	v40 =	vmul.f32 v24, v24;
	v15 =	vmul.f32 v46, v15;
	v18 =	vld [tilespmem:s9+$0xFFFFFFE0]  }
0x5cd: {  	v53 =	vmul.f32 v5, v5;
	v11 =	vmul.f32 v57, v11;
	v9 =	vld [tilespmem:s8+$0xFFFFFFF0]  }
0x5ce: {  	v43 =	vmovc v1;
	v63 =	vmul.f32 $2.480158760e-05, v40;
	v2 =	vmul.f32 v16, v16;
	v15 =	vadd.f32 $1.000000000e+00, v15;
	v14 =	vld [tilespmem:s9+$0xFFFFFFF0]  }
0x5cf: {  	v25 =	vadd.f32 v53, v52;
	v3 =	vmul.f32 v11, v20;
	v1 =	vmul.f32 v8, v8;
	v4 =	vld.idx.msk [tilespmem:v33+s18+$0x0], $0xffff  }
0x5d0: {  	v38 =	vmovc v0;
	v42 =	vadd.f32 $-1.388888920e-03, v63;
	v0 =	vmul.f32 v15, v12;
	v12 =	vmul.f32 v11, v12;
	v11 =	vld [tilespmem:s8+$0x0]  }
0x5d1: {  	v59 =	vmul.f32 v62, v61;
	(erf) = vrcp.f32 v25;
	v25 =	vsub.f32 v22, v23;
	v19 =	vld [tilespmem:s9+$0x0]  }
0x5d2: {  	v42 =	vmul.f32 v42, v40;
	v51 =	vmul.f32 v15, v20;
	v13 =	vadd.f32 v2, v1;
	v23 =	vld [tilespmem:s8+$0x10]  }
0x5d3: {  	v34 =	vmul.f32 v7, v7;
	v20 =	vld [tilespmem:s9+$0x10];
	v32 =	vsub.f32 v0, v3;
	v3 =	vmul.f32 $1.984127010e-04, v40  }
0x5d4: {  	v15 =	vld [tilespmem:s8+$0x20];
	(erf) = vrcp.f32 v13;
	v37 =	vmul.f32 v17, v17  }
0x5d5: {  	v61 =	vpop (erf);
	v22 =	vld [tilespmem:s9+$0x20];
	v48 =	vmul.f32 v10, v10;
	v50 =	vmul.f32 v18, v18  }
0x5d6: {  	v26 =	vsub.f32 v26, v44;
	v55 =	vpop (erf);
	v57 =	vmul.f32 v9, v9;
	v58 =	vmul.f32 v14, v14  }
0x5d7: {  	v27 =	vsub.f32 v31, v4;
	v31 =	vmul.f32 v55, v59;
	v60 =	vmul.f32 v11, v11  }
0x5d8: {  	v12 =	vadd.f32 v51, v12;
	v62 =	vmul.f32 v19, v19;
	v1 =	vmul.f32 v23, v23  }
0x5d9: {  	v2 =	vmul.f32 v20, v20;
	v4 =	vmul.f32 v15, v15;
	v52 =	vadd.f32 v37, v34  }
0x5da: {  	v29 =	vld [tilespmem:s22+$0x0];
	v13 =	vmul.f32 v22, v22;
	v37 =	vsub.f32 $8.333333770e-03, v3;
	v53 =	vadd.f32 v50, v48  }
0x5db: {  	v30 =	vld [tilespmem:s22+$0x10];
	v59 =	vadd.f32 v58, v57;
	v48 =	vmul.f32 v25, v25;
	v58 =	vmul.f32 v32, v31  }
0x5dc: {  	v47 =	vld.idx.msk [tilespmem:v36+s18+$0x0], $0xffff;
	v63 =	vmul.f32 v12, v31;
	(erf) = vrcp.f32 v52  }
0x5dd: {  	v34 =	vld [tilespmem:s23+$0x10];
	[tilespmem:$0x1F090] =	vst v36;
	v0 =	vadd.f32 v62, v60;
	v60 =	vmul.f32 v37, v40;
	v52 =	vmul.f32 v26, v26  }
0x5de: {  	v46 =	vadd.f32 v2, v1;
	v55 =	vld.idx.msk [tilespmem:v21+s18+$0x0], $0xffff;
	(erf) = vrcp.f32 v53;
	v57 =	vmul.f32 $2.480158760e-05, v48  }
0x5df: {  	[tilespmem:$0x1EEB0] =	vst v58;
	v53 =	vmul.f32 v27, v27;
	(erf) = vrcp.f32 v59;
	v59 =	vadd.f32 $4.166666790e-02, v42  }
0x5e0: {  	v62 =	vld.idx.msk [tilespmem:v35+s18+$0x0], $0xffff;
	[tilespmem:$0x1EEC0] =	vst v63;
	(erf) = vrcp.f32 v0;
	v3 =	vadd.f32 $-1.388888920e-03, v57;
	v57 =	vmul.f32 $1.984127010e-04, v48  }
0x5e1: {  	v42 =	vadd.f32 $-1.666666720e-01, v60;
	v63 =	vmul.f32 $2.480158760e-05, v53;
	v0 =	vmul.f32 $1.984127010e-04, v52  }
0x5e2: {  	v51 =	vadd.f32 v13, v4;
	[tilespmem:$0x1F0C0] =	vst v35;
	v2 =	vmul.f32 $1.984127010e-04, v53;
	(erf) = vrcp.f32 v46  }
0x5e3: {  	v4 =	vld.idx.msk [tilespmem:v29+s18+$0x0], $0xffff;
	v32 =	vmul.f32 v59, v40;
	v47 =	vsub.f32 v47, v55;
	v42 =	vmul.f32 v42, v40  }
0x5e4: {  	(erf) = vrcp.f32 v51;
	v12 =	vmul.f32 v3, v48;
	v51 =	vsub.f32 $8.333333770e-03, v57  }
0x5e5: {  	v59 =	vmul.f32 $2.480158760e-05, v52;
	v55 =	vsub.f32 $8.333333770e-03, v0;
	v32 =	vadd.f32 $-5.000000000e-01, v32  }
0x5e6: {  	v37 =	vld.idx.msk [tilespmem:v34+s18+$0x0], $0xffff;
	[tilespmem:$0x1F0F0] =	vst v34;
	v50 =	vmul.f32 v47, v47;
	v42 =	vadd.f32 $1.000000000e+00, v42;
	v12 =	vadd.f32 $4.166666790e-02, v12  }
0x5e7: {  	v58 =	vld.idx.msk [tilespmem:v30+s18+$0x0], $0xffff;
	[tilespmem:$0x1F4C0] =	vst v54;
	v60 =	vmul.f32 v51, v48;
	v54 =	vadd.f32 $-1.388888920e-03, v63;
	v55 =	vmul.f32 v55, v52  }
0x5e8: {  	v31 =	vsub.f32 v62, v4;
	v32 =	vmul.f32 v32, v40;
	v13 =	vld [tilespmem:s23+$0x20];
	v62 =	vadd.f32 $-1.388888920e-03, v59  }
0x5e9: {  	v1 =	vmul.f32 $2.480158760e-05, v50;
	v4 =	vsub.f32 $8.333333770e-03, v2;
	v0 =	vmul.f32 $1.984127010e-04, v50  }
0x5ea: {  	v51 =	vld [tilespmem:s22+$0x20];
	v12 =	vmul.f32 v12, v48;
	v40 =	vadd.f32 $-1.666666720e-01, v60;
	v54 =	vmul.f32 v54, v53  }
0x5eb: {  	v55 =	vadd.f32 $-1.666666720e-01, v55;
	v44 =	vmul.f32 v62, v52;
	v3 =	vadd.f32 $-1.388888920e-03, v1  }
0x5ec: {  	v57 =	vmul.f32 v4, v53;
	v60 =	vsub.f32 $8.333333770e-03, v0;
	v12 =	vadd.f32 $-5.000000000e-01, v12  }
0x5ed: {  	v40 =	vmul.f32 v40, v48;
	v54 =	vadd.f32 $4.166666790e-02, v54;
	v55 =	vmul.f32 v55, v52  }
0x5ee: {  	v46 =	vsub.f32 v37, v58;
	v44 =	vadd.f32 $4.166666790e-02, v44;
	v12 =	vmul.f32 v12, v48  }
0x5ef: {  	v2 =	vadd.f32 $-1.666666720e-01, v57;
	v48 =	vmul.f32 v3, v50;
	v54 =	vmul.f32 v54, v53  }
0x5f0: {  	v3 =	vmul.f32 v60, v50;
	v60 =	vmul.f32 v31, v31;
	v40 =	vadd.f32 $1.000000000e+00, v40  }
0x5f1: {  	v62 =	vadd.f32 $1.000000000e+00, v55;
	v44 =	vmul.f32 v44, v52;
	v48 =	vadd.f32 $4.166666790e-02, v48;
	v37 =	vld.idx.msk [tilespmem:v13+s18+$0x0], $0xffff;
	[tilespmem:$0x1F120] =	vst v13  }
0x5f2: {  	v57 =	vadd.f32 $-1.666666720e-01, v3;
	v4 =	vmul.f32 $2.480158760e-05, v60;
	v63 =	vmul.f32 $1.984127010e-04, v60;
	v1 =	vld.idx.msk [tilespmem:v51+s18+$0x0], $0xffff  }
0x5f3: {  	v25 =	vmul.f32 v40, v25;
	v26 =	vmul.f32 v62, v26;
	v44 =	vadd.f32 $-5.000000000e-01, v44  }
0x5f4: {  	v54 =	vadd.f32 $-5.000000000e-01, v54;
	v48 =	vmul.f32 v48, v50;
	v57 =	vmul.f32 v57, v50  }
0x5f5: {  	v59 =	vadd.f32 $-1.388888920e-03, v4;
	v63 =	vsub.f32 $8.333333770e-03, v63;
	v44 =	vmul.f32 v44, v52  }
0x5f6: {  	v52 =	vmul.f32 v2, v53;
	v53 =	vmul.f32 v54, v53;
	v48 =	vadd.f32 $-5.000000000e-01, v48  }
0x5f7: {  	v54 =	vmul.f32 v46, v46;
	v63 =	vmul.f32 v63, v60;
	v58 =	vsub.f32 v37, v1  }
0x5f8: {  	v12 =	vadd.f32 $1.000000000e+00, v12;
	v48 =	vmul.f32 v48, v50;
	v50 =	vmul.f32 v59, v60  }
0x5f9: {  	v32 =	vadd.f32 $1.000000000e+00, v32;
	v59 =	vmul.f32 $1.984127010e-04, v54;
	v0 =	vmul.f32 v58, v58  }
0x5fa: {  	v55 =	vadd.f32 $1.000000000e+00, v52;
	v52 =	vmul.f32 v12, v8;
	v37 =	vmul.f32 $2.480158760e-05, v54  }
0x5fb: {  	v2 =	vsub.f32 $8.333333770e-03, v59;
	v50 =	vadd.f32 $4.166666790e-02, v50;
	v59 =	vmul.f32 $1.984127010e-04, v0  }
0x5fc: {  	v41 =	vld.idx.msk [tilespmem:v41+s1+$0x0], $0xffff;
	v12 =	vmul.f32 v12, v16;
	v16 =	vmul.f32 v25, v16;
	v3 =	vadd.f32 $-1.388888920e-03, v37  }
0x5fd: {  	v39 =	vld.idx.msk [tilespmem:v39+s1+$0x0], $0xffff;
	v2 =	vmul.f32 v2, v54;
	v50 =	vmul.f32 v50, v60;
	v1 =	vsub.f32 $8.333333770e-03, v59  }
0x5fe: {  	v28 =	vld.idx.msk [tilespmem:v28+s1+$0x0], $0xffff;
	v63 =	vadd.f32 $-1.666666720e-01, v63;
	v37 =	vmul.f32 $2.480158760e-05, v0;
	v3 =	vmul.f32 v3, v54  }
0x5ff: {  	v33 =	vld.idx.msk [tilespmem:v33+s1+$0x0], $0xffff;
	v2 =	vadd.f32 $-1.666666720e-01, v2;
	v50 =	vadd.f32 $-5.000000000e-01, v50;
	v1 =	vmul.f32 v1, v0  }
0x600: {  	v21 =	vld.idx.msk [tilespmem:v21+s1+$0x0], $0xffff;
	v63 =	vmul.f32 v63, v60;
	v37 =	vadd.f32 $-1.388888920e-03, v37;
	v3 =	vadd.f32 $4.166666790e-02, v3  }
0x601: {  	v29 =	vld.idx.msk [tilespmem:v29+s1+$0x0], $0xffff;
	v50 =	vmul.f32 v50, v60;
	v2 =	vmul.f32 v2, v54;
	v1 =	vadd.f32 $-1.666666720e-01, v1  }
0x602: {  	s22 =	sadd.s32 $0xA0, s22;
	v30 =	vld.idx.msk [tilespmem:v30+s1+$0x0], $0xffff;
	v60 =	vadd.f32 $1.000000000e+00, v57;
	v4 =	vmul.f32 v37, v0;
	v3 =	vmul.f32 v3, v54  }
0x603: {  	v62 =	vadd.f32 $1.000000000e+00, v63;
	v59 =	vld [tilespmem:s22+$0x40];
	v37 =	vmul.f32 v42, v24;
	v1 =	vmul.f32 v1, v0  }
0x604: {  	v38 =	vld.idx.msk [tilespmem:v38+s1+$0x0], $0xffff;
	v24 =	vmul.f32 v55, v27;
	v2 =	vadd.f32 $1.000000000e+00, v2;
	v40 =	vmul.f32 v60, v47  }
0x605: {  	v57 =	vld.idx.msk [tilespmem:v43+s1+$0x0], $0xffff;
	v47 =	vmul.f32 v32, v6;
	v32 =	vmul.f32 v32, v5;
	v1 =	vadd.f32 $1.000000000e+00, v1  }
0x606: {  	v4 =	vadd.f32 $4.166666790e-02, v4;
	v5 =	vmul.f32 v37, v5;
	v6 =	vmul.f32 v37, v6;
	v37 =	vld.idx.msk [tilespmem:v56+s1+$0x0], $0xffff  }
0x607: {  	v63 =	vadd.f32 $1.000000000e+00, v53;
	v27 =	vmul.f32 v62, v31;
	v31 =	vmul.f32 v1, v58;
	v1 =	vld [tilespmem:$0x1F150]  }
0x608: {  	v44 =	vadd.f32 $1.000000000e+00, v44;
	v2 =	vmul.f32 v2, v46;
	v46 =	vld.idx.msk [tilespmem:v51+s1+$0x0], $0xffff;
	v4 =	vmul.f32 v4, v0  }
0x609: {  	v8 =	vmul.f32 v25, v8;
	v25 =	vmul.f32 v63, v18;
	v3 =	vadd.f32 $-5.000000000e-01, v3;
	v51 =	vld.idx.msk [tilespmem:v56+s18+$0x0], $0xffff  }
0x60a: {  	v42 =	vmul.f32 v44, v7;
	v5 =	vsub.f32 v47, v5;
	v47 =	vld.idx.msk [tilespmem:v13+s1+$0x0], $0xffff;
	v4 =	vadd.f32 $-5.000000000e-01, v4  }
0x60b: {  	v44 =	vmul.f32 v44, v17;
	v3 =	vmul.f32 v3, v54;
	v55 =	vld.idx.msk [tilespmem:v59+s18+$0x0], $0xffff  }
0x60c: {  	v17 =	vmul.f32 v26, v17;
	v56 =	vld.idx.msk [tilespmem:v59+s1+$0x0], $0xffff;
	v4 =	vmul.f32 v4, v0;
	v0 =	vadd.f32 $1.000000000e+00, v48  }
0x60d: {  	v7 =	vmul.f32 v26, v7;
	v18 =	vmul.f32 v24, v18;
	v3 =	vadd.f32 $1.000000000e+00, v3;
	v48 =	vld.idx.msk [tilespmem:v49+s1+$0x0], $0xffff  }
0x60e: {  	v13 =	vmul.f32 v2, v23;
	v58 =	vld.idx.msk [tilespmem:v45+s1+$0x0], $0xffff;
	v60 =	vmul.f32 v0, v9  }
0x60f: {  	s24 =	sadd.s32 $0xA0, s23;
	v26 =	vmul.f32 v0, v14;
	v0 =	vmul.f32 v3, v23;
	v53 =	vld.idx.msk [tilespmem:v1+s18+$0x0], $0xffff  }
0x610: {  	v3 =	vmul.f32 v3, v20;
	v20 =	vmul.f32 v2, v20;
	v2 =	vld [tilespmem:s24+$0xFFFFFFB0]  }
0x611: {  	v54 =	vmul.f32 v63, v10;
	v10 =	vmul.f32 v24, v10;
	v24 =	vadd.f32 $1.000000000e+00, v50;
	v45 =	vld [tilespmem:s24+$0x40]  }
0x612: {  	v14 =	vmul.f32 v40, v14;
	v9 =	vmul.f32 v40, v9;
	v40 =	vld.idx.msk [tilespmem:v36+s1+$0x0], $0xffff  }
0x613: {  	v63 =	vmul.f32 v24, v11;
	v1 =	vld.idx.msk [tilespmem:v1+s1+$0x0], $0xffff  }
0x614: {  	v24 =	vmul.f32 v24, v19;
	v51 =	vsub.f32 v53, v51;
	v53 =	vmul.f32 v27, v19;
	v19 =	vld.idx.msk [tilespmem:v35+s1+$0x0], $0xffff  }
0x615: {  	v11 =	vmul.f32 v27, v11;
	v49 =	vpop (erf);
	v27 =	vld.idx.msk [tilespmem:v34+s1+$0x0], $0xffff;
	[tilespmem:$0x1F180] =	vst v2  }
0x616: {  	v28 =	vmul.f32 v28, v38;
	v50 =	vpop (erf);
	v43 =	vld [tilespmem:s22+$0xFFFFFFB0]  }
0x617: {  	v4 =	vadd.f32 $1.000000000e+00, v4;
	v23 =	vpop (erf)  }
0x618: {  	v28 =	vmul.f32 v23, v28  }
0x619: {  	v6 =	vadd.f32 v32, v6;
	v32 =	vmul.f32 v4, v15;
	v4 =	vmul.f32 v4, v22  }
0x61a: {  	v7 =	vadd.f32 v44, v7;
	v22 =	vmul.f32 v31, v22;
	v31 =	vmul.f32 v31, v15  }
0x61b: {  	v16 =	vsub.f32 v52, v16;
	v59 =	vmul.f32 v41, v48;
	v48 =	vmul.f32 v39, v57;
	[tilespmem:$0x1F010] =	vst v43  }
0x61c: {  	v8 =	vadd.f32 v12, v8;
	v33 =	vmul.f32 v33, v58;
	v7 =	vmul.f32 v7, v28;
	v62 =	vld [tilespmem:s24+$0xFFFFFFC0]  }
0x61d: {  	v41 =	vsub.f32 v42, v17;
	v15 =	vmul.f32 v49, v59;
	v29 =	vmul.f32 v29, v19;
	v19 =	vld [tilespmem:s22+$0xFFFFFFC0]  }
0x61e: {  	v52 =	vpop (erf);
	v42 =	vsub.f32 v54, v18;
	v21 =	vmul.f32 v21, v40;
	v54 =	vmul.f32 v50, v48;
	v59 =	vld [tilespmem:s24+$0xFFFFFFD0]  }
0x61f: {  	v9 =	vadd.f32 v26, v9;
	v26 =	vmul.f32 v52, v33;
	v57 =	vmul.f32 v6, v15;
	v18 =	vld [tilespmem:s22+$0xFFFFFFD0]  }
0x620: {  	v8 =	vmul.f32 v8, v54;
	v34 =	vmul.f32 v46, v47;
	v35 =	vpop (erf);
	v38 =	vld.idx.msk [tilespmem:v45+s18+$0x0], $0xffff  }
0x621: {  	v36 =	vpop (erf);
	v47 =	vmul.f32 v35, v21;
	v27 =	vmul.f32 v30, v27;
	v49 =	vld [tilespmem:s24+$0xFFFFFFE0]  }
0x622: {  	v10 =	vadd.f32 v25, v10;
	v21 =	vmul.f32 v16, v54;
	v40 =	vmul.f32 v51, v51;
	v58 =	vpop (erf);
	v17 =	vld [tilespmem:s22+$0xFFFFFFE0]  }
0x623: {  	v14 =	vsub.f32 v60, v14;
	v60 =	vmul.f32 v58, v27;
	v58 =	vld [tilespmem:s24+$0xFFFFFFF0];
	v27 =	vmul.f32 v41, v28  }
0x624: {  	v35 =	vmul.f32 v10, v26;
	v46 =	vsub.f32 v63, v53;
	v12 =	vpop (erf);
	v63 =	vmul.f32 $2.480158760e-05, v40;
	v33 =	vld [tilespmem:s22+$0xFFFFFFF0];
	[tilespmem:$0x1F020] =	vst v8  }
0x625: {  	v0 =	vsub.f32 v0, v20;
	v20 =	vmul.f32 v12, v34;
	v34 =	vmul.f32 v42, v26;
	v54 =	vld [tilespmem:s24+$0x0];
	[tilespmem:$0x1F040] =	vst v27  }
0x626: {  	v11 =	vadd.f32 v24, v11;
	v39 =	vmul.f32 v14, v47;
	v25 =	vmul.f32 $1.984127010e-04, v40;
	v16 =	vld [tilespmem:s22+$0x0];
	[tilespmem:$0x1F050] =	vst v7  }
0x627: {  	v30 =	vmul.f32 v5, v15;
	v15 =	vadd.f32 $-1.388888920e-03, v63;
	v29 =	vmul.f32 v36, v29;
	[tilespmem:$0x1F070] =	vst v34  }
0x628: {  	s21 =	sadd.s32 $0xA0, s8;
	v6 =	vsub.f32 $8.333333770e-03, v25;
	v41 =	vmul.f32 v9, v47;
	v36 =	vld [tilespmem:s24+$0x10];
	[tilespmem:$0x1F080] =	vst v35;
	v25 =	vsub.f32 v38, v55  }
0x629: {  	s9 =	sadd.s32 $0xA0, s9;
	v5 =	vmul.f32 v15, v40;
	v42 =	vmul.f32 v46, v29;
	v10 =	vld [tilespmem:s21+$0x40];
	[tilespmem:$0x1F0A0] =	vst v39  }
0x62a: {  	v3 =	vadd.f32 v3, v13;
	v46 =	vmul.f32 v11, v29;
	v26 =	vld [tilespmem:s9+$0x40];
	[tilespmem:$0x1F0B0] =	vst v41;
	v13 =	vmul.f32 v25, v25  }
0x62b: {  	v6 =	vmul.f32 v6, v40;
	v5 =	vadd.f32 $4.166666790e-02, v5;
	v38 =	vsub.f32 v32, v22;
	v22 =	vld.idx.msk [tilespmem:v2+s18+$0x0], $0xffff;
	[tilespmem:$0x1F0D0] =	vst v42  }
0x62c: {  	v0 =	vmul.f32 v0, v60;
	v27 =	vld.idx.msk [tilespmem:v43+s18+$0x0], $0xffff;
	[tilespmem:$0x1F0E0] =	vst v46;
	v44 =	vmul.f32 $2.480158760e-05, v13  }
0x62d: {  	v6 =	vadd.f32 $-1.666666720e-01, v6;
	v5 =	vmul.f32 v5, v40;
	v28 =	vld.idx.msk [tilespmem:v62+s18+$0x0], $0xffff;
	[tilespmem:$0x1F1A0] =	vst v62  }
0x62e: {  	v23 =	vld [tilespmem:$0x1FB30];
	v50 =	vmul.f32 v3, v60;
	[tilespmem:$0x1F100] =	vst v0;
	v47 =	vadd.f32 $-1.388888920e-03, v44  }
0x62f: {  	v4 =	vadd.f32 v4, v31;
	v6 =	vmul.f32 v6, v40;
	v5 =	vadd.f32 $-5.000000000e-01, v5;
	v29 =	vld.idx.msk [tilespmem:v19+s18+$0x0], $0xffff  }
0x630: {  	v55 =	vmul.f32 v38, v20;
	[tilespmem:$0x1F110] =	vst v50;
	v0 =	vmul.f32 v47, v13;
	v47 =	vld [tilespmem:$0x1FB50]  }
0x631: {  	v12 =	vmul.f32 v4, v20;
	v53 =	vadd.f32 $1.000000000e+00, v6;
	v52 =	vmul.f32 v5, v40;
	v6 =	vld.idx.msk [tilespmem:v59+s18+$0x0], $0xffff;
	[tilespmem:$0x1F1B0] =	vst v59  }
0x632: {  	[tilespmem:$0x1F130] =	vst v55  }
0x633: {  	v14 =	vmul.f32 v53, v51;
	v3 =	vadd.f32 $1.000000000e+00, v52;
	v63 =	vld.idx.msk [tilespmem:v45+s1+$0x0], $0xffff;
	[tilespmem:$0x1F140] =	vst v12  }
0x634: {  	v1 =	vmul.f32 v37, v1;
	v48 =	vmul.f32 $1.984127010e-04, v13;
	v20 =	vld.idx.msk [tilespmem:v18+s18+$0x0], $0xffff  }
0x635: {  	v31 =	vld.idx.msk [tilespmem:v49+s18+$0x0], $0xffff;
	[tilespmem:$0x1F1D0] =	vst v49;
	v24 =	vmul.f32 v3, v23;
	v4 =	vmul.f32 v14, v47  }
0x636: {  	v46 =	vmul.f32 v14, v23;
	v32 =	vld.idx.msk [tilespmem:v17+s18+$0x0], $0xffff;
	v3 =	vmul.f32 v3, v47  }
0x637: {  	v1 =	vmul.f32 v61, v1;
	v60 =	vsub.f32 $8.333333770e-03, v48;
	v39 =	vld.idx.msk [tilespmem:v58+s18+$0x0], $0xffff;
	[tilespmem:$0x1F200] =	vst v58;
	v4 =	vsub.f32 v24, v4  }
0x638: {  	v48 =	vmul.f32 v10, v10;
	v50 =	vmul.f32 v26, v26;
	v42 =	vld [tilespmem:s21+$0xFFFFFFB0];
	v3 =	vadd.f32 v3, v46  }
0x639: {  	v15 =	vmul.f32 v60, v13;
	v12 =	vld [tilespmem:s9+$0xFFFFFFB0];
	v51 =	vmul.f32 v4, v1  }
0x63a: {  	v23 =	vadd.f32 v50, v48;
	v7 =	vld [tilespmem:s9+$0xFFFFFFC0];
	v1 =	vmul.f32 v3, v1  }
0x63b: {  	v0 =	vadd.f32 $4.166666790e-02, v0;
	v5 =	vadd.f32 $-1.666666720e-01, v15;
	v14 =	vld [tilespmem:s21+$0xFFFFFFC0];
	[tilespmem:$0x1F160] =	vst v51  }
0x63c: {  	(erf) = vrcp.f32 v23;
	v15 =	vld [tilespmem:s21+$0xFFFFFFD0];
	[tilespmem:$0x1F170] =	vst v1  }
0x63d: {  	v0 =	vmul.f32 v0, v13;
	v5 =	vmul.f32 v5, v13;
	v8 =	vld [tilespmem:s9+$0xFFFFFFD0]  }
0x63e: {  	v40 =	vld [tilespmem:s21+$0xFFFFFFE0]  }
0x63f: {  	v0 =	vadd.f32 $-5.000000000e-01, v0;
	v5 =	vadd.f32 $1.000000000e+00, v5;
	v11 =	vld [tilespmem:s9+$0xFFFFFFE0]  }
0x640: {  	v53 =	vmul.f32 v42, v42;
	v55 =	vmul.f32 v12, v12;
	v44 =	vld [tilespmem:s21+$0xFFFFFFF0]  }
0x641: {  	v0 =	vmul.f32 v0, v13;
	v52 =	vmul.f32 v5, v25;
	v13 =	vld [tilespmem:s9+$0xFFFFFFF0]  }
0x642: {  	v22 =	vsub.f32 v22, v27;
	v34 =	vmul.f32 v56, v63;
	v3 =	vadd.f32 v55, v53;
	v27 =	vld.idx.msk [tilespmem:v33+s18+$0x0], $0xffff  }
0x643: {  	v0 =	vadd.f32 $1.000000000e+00, v0;
	v60 =	vmul.f32 v52, v10;
	v61 =	vmul.f32 v52, v26;
	v52 =	vld [tilespmem:s21+$0x0]  }
0x644: {  	v5 =	vmul.f32 v7, v7;
	v63 =	vmul.f32 v14, v14;
	v9 =	vld [tilespmem:s9+$0x0]  }
0x645: {  	v24 =	vsub.f32 v6, v20;
	(erf) = vrcp.f32 v3;
	v50 =	vpop (erf);
	v56 =	vmul.f32 v0, v10;
	v53 =	vld [tilespmem:s21+$0x10]  }
0x646: {  	v25 =	vsub.f32 v31, v32;
	v26 =	vmul.f32 v0, v26;
	v32 =	vmul.f32 v50, v34;
	v6 =	vld [tilespmem:s9+$0x10]  }
0x647: {  	v23 =	vsub.f32 v28, v29;
	v10 =	vld [tilespmem:s21+$0x20];
	v38 =	vmul.f32 v15, v15;
	v43 =	vmul.f32 v8, v8  }
0x648: {  	v37 =	vadd.f32 v5, v63;
	v5 =	vld [tilespmem:s9+$0x20];
	v46 =	vmul.f32 v40, v40;
	v47 =	vmul.f32 v11, v11  }
0x649: {  	v20 =	vld [tilespmem:s24+$0x20];
	v51 =	vmul.f32 v44, v44;
	v55 =	vmul.f32 v13, v13;
	v28 =	vadd.f32 v43, v38  }
0x64a: {  	v29 =	vld [tilespmem:s22+$0x20];
	(erf) = vrcp.f32 v37;
	v34 =	vsub.f32 v56, v61;
	v48 =	vadd.f32 v47, v46  }
0x64b: {  	v60 =	vadd.f32 v26, v60;
	v26 =	vld [tilespmem:s22+$0x10];
	v56 =	vadd.f32 v55, v51;
	(erf) = vrcp.f32 v28  }
0x64c: {  	v46 =	vld.idx.msk [tilespmem:v54+s18+$0x0], $0xffff;
	[tilespmem:$0x1F210] =	vst v54;
	(erf) = vrcp.f32 v48  }
0x64d: {  	(erf) = vrcp.f32 v56;
	v56 =	vld.idx.msk [tilespmem:v16+s18+$0x0], $0xffff;
	_ =	sdelay $0x4  }
0x64e: {  	v46 =	vsub.f32 v46, v56;
	v56 =	vld [tilespmem:$0x1EEA0]  }
0x64f: {  	v61 =	vmul.f32 v52, v52;
	v63 =	vmul.f32 v9, v9  }
0x650: {  	v1 =	vmul.f32 v53, v53;
	v2 =	vmul.f32 v6, v6  }
0x651: {  	v4 =	vmul.f32 v10, v10;
	v35 =	vadd.f32 v63, v61;
	v43 =	vmul.f32 v5, v5;
	v61 =	vld [tilespmem:$0x1EEB0]  }
0x652: {  	v41 =	vadd.f32 v2, v1;
	[tilespmem:$0x1F230] =	vst v36  }
0x653: {  	v50 =	vadd.f32 v43, v4;
	(erf) = vrcp.f32 v35;
	v51 =	vld.idx.msk [tilespmem:v36+s18+$0x0], $0xffff  }
0x654: {  	(erf) = vrcp.f32 v41;
	v41 =	vld.idx.msk [tilespmem:v26+s18+$0x0], $0xffff  }
0x655: {  	(erf) = vrcp.f32 v50;
	v50 =	vld.idx.msk [tilespmem:v20+s18+$0x0], $0xffff;
	[tilespmem:$0x1F260] =	vst v20  }
0x656: {  	[tilespmem:v56+s31+$0x0] =	vst.idx.add.f32.msk $0xffff, v61  }
0x657: {  	v1 =	vld [tilespmem:$0x1EEC0];
	_ =	sdelay $0x1  }
0x658: {  	v31 =	vmul.f32 v22, v22;
	_ =	sdelay $0x1  }
0x659: {  	v0 =	vmul.f32 $2.480158760e-05, v31  }
0x65a: {  	[tilespmem:v56+s0+$0x0] =	vst.idx.add.f32.msk $0xffff, v1  }
0x65b: {  	v27 =	vsub.f32 v39, v27;
	v39 =	vadd.f32 $-1.388888920e-03, v0;
	v0 =	vld [tilespmem:$0x1F9E0];
	_ =	sdelay $0x2  }
0x65c: {  	v1 =	vld [tilespmem:$0x1EED0];
	_ =	sdelay $0x4  }
0x65d: {  	[tilespmem:v0+s31+$0x0] =	vst.idx.add.f32.msk $0xffff, v1  }
0x65e: {  	v1 =	vld [tilespmem:$0x1EEE0];
	_ =	sdelay $0x4  }
0x65f: {  	[tilespmem:v0+s0+$0x0] =	vst.idx.add.f32.msk $0xffff, v1  }
0x660: {  	v0 =	vld [tilespmem:$0x1FA00];
	_ =	sdelay $0x2  }
0x661: {  	v1 =	vld [tilespmem:$0x1EEF0];
	_ =	sdelay $0x4  }
0x662: {  	[tilespmem:v0+s31+$0x0] =	vst.idx.add.f32.msk $0xffff, v1  }
0x663: {  	v1 =	vld [tilespmem:$0x1EF00];
	_ =	sdelay $0x4  }
0x664: {  	[tilespmem:v0+s0+$0x0] =	vst.idx.add.f32.msk $0xffff, v1  }
0x665: {  	v0 =	vld [tilespmem:$0x1FA20];
	_ =	sdelay $0x2  }
0x666: {  	v1 =	vld [tilespmem:$0x1EF10];
	_ =	sdelay $0x4  }
0x667: {  	[tilespmem:v0+s31+$0x0] =	vst.idx.add.f32.msk $0xffff, v1  }
0x668: {  	v1 =	vld [tilespmem:$0x1EF20];
	_ =	sdelay $0x4  }
0x669: {  	[tilespmem:v0+s0+$0x0] =	vst.idx.add.f32.msk $0xffff, v1  }
0x66a: {  	v0 =	vld [tilespmem:$0x1FA70];
	_ =	sdelay $0x2  }
0x66b: {  	v1 =	vld [tilespmem:$0x1EF30];
	_ =	sdelay $0x4  }
0x66c: {  	[tilespmem:v0+s31+$0x0] =	vst.idx.add.f32.msk $0xffff, v1  }
0x66d: {  	v1 =	vld [tilespmem:$0x1EF40];
	_ =	sdelay $0x4  }
0x66e: {  	[tilespmem:v0+s0+$0x0] =	vst.idx.add.f32.msk $0xffff, v1  }
0x66f: {  	v0 =	vld [tilespmem:$0x1FAC0];
	_ =	sdelay $0x2  }
0x670: {  	v1 =	vld [tilespmem:$0x1EF50];
	_ =	sdelay $0x4  }
0x671: {  	[tilespmem:v0+s31+$0x0] =	vst.idx.add.f32.msk $0xffff, v1  }
0x672: {  	v1 =	vld [tilespmem:$0x1EF60];
	_ =	sdelay $0x4  }
0x673: {  	[tilespmem:v0+s0+$0x0] =	vst.idx.add.f32.msk $0xffff, v1  }
0x674: {  	v0 =	vld [tilespmem:$0x1FAE0];
	_ =	sdelay $0x2  }
0x675: {  	v1 =	vld [tilespmem:$0x1EF70];
	_ =	sdelay $0x4  }
0x676: {  	[tilespmem:v0+s31+$0x0] =	vst.idx.add.f32.msk $0xffff, v1  }
0x677: {  	v1 =	vld [tilespmem:$0x1EF80];
	_ =	sdelay $0x4  }
0x678: {  	[tilespmem:v0+s0+$0x0] =	vst.idx.add.f32.msk $0xffff, v1  }
0x679: {  	v0 =	vld [tilespmem:$0x1FB00];
	_ =	sdelay $0x2  }
0x67a: {  	v3 =	vmul.f32 $1.984127010e-04, v31;
	v48 =	vmul.f32 v23, v23;
	v1 =	vld [tilespmem:$0x1EF90]  }
0x67b: {  	v39 =	vmul.f32 v39, v31  }
0x67c: {  	v55 =	vsub.f32 $8.333333770e-03, v3;
	v63 =	vmul.f32 $2.480158760e-05, v48  }
0x67d: {  	v34 =	vmul.f32 v34, v32;
	v39 =	vadd.f32 $4.166666790e-02, v39  }
0x67e: {  	v35 =	vmul.f32 v55, v31;
	v55 =	vmul.f32 $1.984127010e-04, v48;
	v4 =	vadd.f32 $-1.388888920e-03, v63;
	v47 =	vld.idx.msk [tilespmem:v29+s18+$0x0], $0xffff  }
0x67f: {  	v39 =	vmul.f32 v39, v31;
	v63 =	vmul.f32 v24, v24;
	[tilespmem:v0+s31+$0x0] =	vst.idx.add.f32.msk $0xffff, v1  }
0x680: {  	v32 =	vmul.f32 v60, v32;
	v60 =	vsub.f32 $8.333333770e-03, v55;
	v28 =	vmul.f32 v4, v48;
	v1 =	vld [tilespmem:$0x1EFA0]  }
0x681: {  	v39 =	vadd.f32 $-5.000000000e-01, v39;
	v43 =	vmul.f32 $2.480158760e-05, v63  }
0x682: {  	v35 =	vadd.f32 $-1.666666720e-01, v35;
	v55 =	vmul.f32 v60, v48;
	v4 =	vadd.f32 $4.166666790e-02, v28  }
0x683: {  	v60 =	vadd.f32 $-1.388888920e-03, v43;
	v43 =	vsub.f32 v50, v47;
	v47 =	vmul.f32 v27, v27  }
0x684: {  	v35 =	vmul.f32 v35, v31;
	v31 =	vmul.f32 v39, v31  }
0x685: {  	v3 =	vmovc v36;
	v39 =	vadd.f32 $-1.666666720e-01, v55;
	v36 =	vmul.f32 v4, v48;
	v55 =	vmul.f32 $2.480158760e-05, v47;
	[tilespmem:v0+s0+$0x0] =	vst.idx.add.f32.msk $0xffff, v1  }
0x686: {  	v1 =	vld [tilespmem:$0x1FB20]  }
0x687: {  	v36 =	vadd.f32 $-5.000000000e-01, v36;
	v55 =	vadd.f32 $-1.388888920e-03, v55  }
0x688: {  	v39 =	vmul.f32 v39, v48  }
0x689: {  	v36 =	vmul.f32 v36, v48;
	v48 =	vmul.f32 v55, v47;
	v55 =	vld [tilespmem:$0x1EFB0];
	_ =	sdelay $0x4  }
0x68a: {  	[tilespmem:v1+s31+$0x0] =	vst.idx.add.f32.msk $0xffff, v55  }
0x68b: {  	v28 =	vsub.f32 v51, v41;
	v4 =	vmul.f32 $1.984127010e-04, v63;
	v41 =	vmul.f32 v60, v63;
	v2 =	vld [tilespmem:$0x1EFC0]  }
0x68c: {  	v56 =	vmul.f32 v25, v25  }
0x68d: {  	v50 =	vsub.f32 $8.333333770e-03, v4;
	v41 =	vadd.f32 $4.166666790e-02, v41  }
0x68e: {  	v61 =	vmul.f32 $2.480158760e-05, v56  }
0x68f: {  	v50 =	vmul.f32 v50, v63;
	v41 =	vmul.f32 v41, v63  }
0x690: {  	v4 =	vmul.f32 $1.984127010e-04, v56;
	v37 =	vadd.f32 $-1.388888920e-03, v61;
	[tilespmem:v1+s0+$0x0] =	vst.idx.add.f32.msk $0xffff, v2  }
0x691: {  	v50 =	vadd.f32 $-1.666666720e-01, v50;
	v41 =	vadd.f32 $-5.000000000e-01, v41;
	v55 =	vld [tilespmem:$0x1F4C0]  }
0x692: {  	v60 =	vsub.f32 $8.333333770e-03, v4;
	v37 =	vmul.f32 v37, v56  }
0x693: {  	v50 =	vmul.f32 v50, v63;
	v41 =	vmul.f32 v41, v63  }
0x694: {  	v38 =	vmul.f32 v60, v56;
	v60 =	vmul.f32 v46, v46;
	v37 =	vadd.f32 $4.166666790e-02, v37;
	v2 =	vld [tilespmem:$0x1EFD0]  }
0x695: {  	v63 =	vmul.f32 v28, v28;
	v61 =	vmul.f32 $1.984127010e-04, v47  }
0x696: {  	v4 =	vmul.f32 $2.480158760e-05, v60;
	v37 =	vmul.f32 v37, v56  }
0x697: {  	v51 =	vsub.f32 $8.333333770e-03, v61;
	v38 =	vadd.f32 $-1.666666720e-01, v38  }
0x698: {  	v61 =	vadd.f32 $-1.388888920e-03, v4;
	v4 =	vmul.f32 $2.480158760e-05, v63;
	v37 =	vadd.f32 $-5.000000000e-01, v37  }
0x699: {  	[tilespmem:v55+s31+$0x0] =	vst.idx.add.f32.msk $0xffff, v2  }
0x69a: {  	v38 =	vmul.f32 v38, v56;
	v37 =	vmul.f32 v37, v56;
	v56 =	vadd.f32 $-1.388888920e-03, v4;
	v4 =	vld [tilespmem:$0x1EFE0];
	_ =	sdelay $0x3  }
0x69b: {  	[tilespmem:v45+s31+$0x0] =	vst.idx.add.f32.msk $0xffff, v34  }
0x69c: {  	[tilespmem:v55+s0+$0x0] =	vst.idx.add.f32.msk $0xffff, v4;
	v4 =	vmul.f32 $1.984127010e-04, v63  }
0x69d: {  	[tilespmem:v45+s0+$0x0] =	vst.idx.add.f32.msk $0xffff, v32  }
0x69e: {  	v32 =	vsub.f32 $8.333333770e-03, v4;
	v4 =	vld [tilespmem:$0x1EFF0];
	_ =	sdelay $0x4  }
0x69f: {  	v48 =	vadd.f32 $4.166666790e-02, v48  }
0x6a0: {  	v19 =	vld.idx.msk [tilespmem:v19+s1+$0x0], $0xffff  }
0x6a1: {  	v18 =	vld.idx.msk [tilespmem:v18+s1+$0x0], $0xffff;
	v48 =	vmul.f32 v48, v47;
	v0 =	vmul.f32 v43, v43  }
0x6a2: {  	v61 =	vmul.f32 v61, v60;
	v34 =	vmul.f32 v56, v63;
	[tilespmem:v4+s31+$0x0] =	vst.idx.add.f32.msk $0xffff, v30  }
0x6a3: {  	v48 =	vadd.f32 $-5.000000000e-01, v48;
	v51 =	vmul.f32 v51, v47;
	v1 =	vmul.f32 $2.480158760e-05, v0;
	[tilespmem:v4+s0+$0x0] =	vst.idx.add.f32.msk $0xffff, v57  }
0x6a4: {  	v56 =	vadd.f32 $4.166666790e-02, v61;
	v61 =	vadd.f32 $4.166666790e-02, v34;
	v55 =	vmul.f32 $1.984127010e-04, v0;
	v57 =	vld [tilespmem:$0x1F000]  }
0x6a5: {  	s8 =	sadd.s32 $0xA0, s22;
	v17 =	vld.idx.msk [tilespmem:v17+s1+$0x0], $0xffff;
	v51 =	vadd.f32 $-1.666666720e-01, v51;
	v1 =	vadd.f32 $-1.388888920e-03, v1  }
0x6a6: {  	v2 =	vmul.f32 $1.984127010e-04, v60;
	v45 =	vsub.f32 $8.333333770e-03, v55;
	v55 =	vmul.f32 v61, v63;
	v61 =	vld [tilespmem:s8+$0x40]  }
0x6a7: {  	v33 =	vld.idx.msk [tilespmem:v33+s1+$0x0], $0xffff;
	v35 =	vadd.f32 $1.000000000e+00, v35;
	v51 =	vmul.f32 v51, v47  }
0x6a8: {  	v16 =	vld.idx.msk [tilespmem:v16+s1+$0x0], $0xffff;
	v47 =	vmul.f32 v48, v47;
	v1 =	vmul.f32 v1, v0;
	v2 =	vsub.f32 $8.333333770e-03, v2  }
0x6a9: {  	v26 =	vld.idx.msk [tilespmem:v26+s1+$0x0], $0xffff;
	v39 =	vadd.f32 $1.000000000e+00, v39;
	v48 =	vmul.f32 v56, v60;
	v45 =	vmul.f32 v45, v0  }
0x6aa: {  	v29 =	vld.idx.msk [tilespmem:v29+s1+$0x0], $0xffff;
	v38 =	vadd.f32 $1.000000000e+00, v38;
	v1 =	vadd.f32 $4.166666790e-02, v1;
	v2 =	vmul.f32 v2, v60  }
0x6ab: {  	v22 =	vmul.f32 v35, v22;
	v56 =	vadd.f32 $-5.000000000e-01, v48;
	v48 =	vld.idx.msk [tilespmem:v49+s1+$0x0], $0xffff;
	v45 =	vadd.f32 $-1.666666720e-01, v45  }
0x6ac: {  	v23 =	vmul.f32 v39, v23;
	v25 =	vmul.f32 v38, v25;
	v2 =	vadd.f32 $-1.666666720e-01, v2;
	[tilespmem:v57+s31+$0x0] =	vst.idx.add.f32.msk $0xffff, v21  }
0x6ad: {  	v1 =	vmul.f32 v1, v0;
	v45 =	vmul.f32 v45, v0;
	v4 =	vld [tilespmem:$0x1F010]  }
0x6ae: {  	v39 =	vadd.f32 $1.000000000e+00, v51;
	v2 =	vmul.f32 v2, v60;
	v32 =	vmul.f32 v32, v63;
	v38 =	vld.idx.msk [tilespmem:v61+s18+$0x0], $0xffff  }
0x6af: {  	s22 =	sadd.s32 $0xA0, s24;
	v1 =	vadd.f32 $-5.000000000e-01, v1;
	v30 =	vmul.f32 v56, v60;
	v45 =	vadd.f32 $1.000000000e+00, v45;
	v56 =	vld.idx.msk [tilespmem:v54+s1+$0x0], $0xffff  }
0x6b0: {  	v27 =	vmul.f32 v39, v27;
	v2 =	vadd.f32 $1.000000000e+00, v2;
	v32 =	vadd.f32 $-1.666666720e-01, v32;
	v54 =	vld [tilespmem:s22+$0xFFFFFFC0]  }
0x6b1: {  	v51 =	vadd.f32 $1.000000000e+00, v36;
	v1 =	vmul.f32 v1, v0;
	v35 =	vmul.f32 v45, v43;
	v45 =	vld.idx.msk [tilespmem:v62+s1+$0x0], $0xffff  }
0x6b2: {  	v2 =	vmul.f32 v2, v46;
	v32 =	vmul.f32 v32, v63;
	v62 =	vld.idx.msk [tilespmem:v20+s1+$0x0], $0xffff  }
0x6b3: {  	v43 =	vmul.f32 v51, v7;
	v7 =	vmul.f32 v23, v7;
	v60 =	vld [tilespmem:$0x1F180]  }
0x6b4: {  	v21 =	vadd.f32 $-5.000000000e-01, v55;
	v55 =	vld.idx.msk [tilespmem:v61+s1+$0x0], $0xffff;
	v61 =	vadd.f32 $1.000000000e+00, v41;
	v41 =	vmul.f32 v51, v14  }
0x6b5: {  	v14 =	vmul.f32 v23, v14;
	v34 =	vld.idx.msk [tilespmem:v4+s1+$0x0], $0xffff;
	v4 =	vadd.f32 $1.000000000e+00, v50;
	v50 =	vadd.f32 $1.000000000e+00, v31  }
0x6b6: {  	v23 =	vld.idx.msk [tilespmem:v59+s1+$0x0], $0xffff;
	v51 =	vmul.f32 v25, v11;
	v21 =	vmul.f32 v21, v63;
	v63 =	vadd.f32 $1.000000000e+00, v37  }
0x6b7: {  	v59 =	vld [tilespmem:s8+$0xFFFFFFB0];
	v37 =	vmul.f32 v61, v15;
	v36 =	vmul.f32 v50, v42  }
0x6b8: {  	v39 =	vmul.f32 v50, v12;
	v50 =	vmul.f32 v63, v11;
	v11 =	vld [tilespmem:s8+$0xFFFFFFC0]  }
0x6b9: {  	v0 =	vadd.f32 $1.000000000e+00, v47;
	v46 =	vmul.f32 v61, v8;
	v61 =	vld.idx.msk [tilespmem:v3+s1+$0x0], $0xffff;
	v24 =	vmul.f32 v4, v24  }
0x6ba: {  	v31 =	vld [tilespmem:s22+$0x40];
	v12 =	vmul.f32 v22, v12;
	v22 =	vmul.f32 v22, v42  }
0x6bb: {  	v42 =	vld.idx.msk [tilespmem:v60+s1+$0x0], $0xffff;
	v4 =	vadd.f32 $1.000000000e+00, v30;
	v30 =	vmul.f32 v0, v44;
	v60 =	vmul.f32 v0, v13  }
0x6bc: {  	v13 =	vmul.f32 v27, v13;
	v44 =	vmul.f32 v27, v44;
	v27 =	vld [tilespmem:s22+$0xFFFFFFB0]  }
0x6bd: {  	v32 =	vadd.f32 $1.000000000e+00, v32;
	v49 =	vmul.f32 v24, v8;
	v15 =	vmul.f32 v24, v15;
	v24 =	vld.idx.msk [tilespmem:v58+s1+$0x0], $0xffff;
	[tilespmem:$0x1F280] =	vst v11  }
0x6be: {  	v17 =	vmul.f32 v17, v48;
	v8 =	vld [tilespmem:s8+$0xFFFFFFD0]  }
0x6bf: {  	v32 =	vmul.f32 v32, v28;
	v16 =	vmul.f32 v16, v56  }
0x6c0: {  	v19 =	vmul.f32 v19, v45;
	v62 =	vmul.f32 v29, v62  }
0x6c1: {  	v47 =	vmul.f32 v63, v40;
	v40 =	vmul.f32 v25, v40  }
0x6c2: {  	v0 =	vmul.f32 v2, v9;
	v3 =	vmul.f32 v4, v9;
	v9 =	vld.idx.msk [tilespmem:v31+s18+$0x0], $0xffff  }
0x6c3: {  	v21 =	vadd.f32 $1.000000000e+00, v21;
	v25 =	vmul.f32 v32, v6;
	v32 =	vmul.f32 v32, v53;
	v28 =	vld [tilespmem:s22+$0xFFFFFFD0];
	[tilespmem:$0x1F2A0] =	vst v8  }
0x6c4: {  	v18 =	vmul.f32 v18, v23;
	v22 =	vadd.f32 v39, v22;
	v39 =	vsub.f32 v41, v7;
	v7 =	vld [tilespmem:s8+$0xFFFFFFE0]  }
0x6c5: {  	v1 =	vadd.f32 $1.000000000e+00, v1;
	v26 =	vmul.f32 v26, v61;
	v2 =	vmul.f32 v2, v52  }
0x6c6: {  	v63 =	vmul.f32 v4, v52;
	v52 =	vmul.f32 v21, v53  }
0x6c7: {  	v45 =	vpop (erf);
	v4 =	vmul.f32 v21, v6;
	v12 =	vsub.f32 v36, v12;
	v36 =	vmul.f32 v1, v10  }
0x6c8: {  	v1 =	vmul.f32 v1, v5;
	v53 =	vpop (erf);
	v34 =	vmul.f32 v34, v42  }
0x6c9: {  	v14 =	vadd.f32 v43, v14;
	v5 =	vmul.f32 v35, v5;
	v35 =	vmul.f32 v35, v10;
	v58 =	vpop (erf);
	v48 =	vld [tilespmem:s22+$0xFFFFFFE0];
	[tilespmem:$0x1F2B0] =	vst v7  }
0x6ca: {  	v24 =	vmul.f32 v33, v24;
	v34 =	vmul.f32 v45, v34;
	v38 =	vsub.f32 v9, v38;
	v9 =	vpop (erf);
	v29 =	vld [tilespmem:s22+$0xFFFFFFF0]  }
0x6cb: {  	v41 =	vsub.f32 v47, v51;
	v19 =	vmul.f32 v53, v19;
	v33 =	vmul.f32 v58, v18;
	v10 =	vpop (erf);
	v6 =	vld [tilespmem:s8+$0xFFFFFFF0]  }
0x6cc: {  	s21 =	sadd.s32 $0xA0, s21;
	v40 =	vadd.f32 v50, v40;
	v58 =	vmul.f32 v12, v34;
	v21 =	vpop (erf);
	v45 =	vmul.f32 v38, v38;
	v53 =	vld [tilespmem:s22+$0x0]  }
0x6cd: {  	s9 =	sadd.s32 $0xA0, s9;
	v13 =	vsub.f32 v30, v13;
	v23 =	vpop (erf);
	v47 =	vmul.f32 v21, v16;
	v21 =	vmul.f32 v22, v34;
	v56 =	vld [tilespmem:s21+$0x40]  }
0x6ce: {  	v15 =	vadd.f32 v46, v15;
	v43 =	vmul.f32 v9, v17;
	v46 =	vmul.f32 v10, v24;
	v24 =	vpop (erf);
	v50 =	vld [tilespmem:s9+$0x40]  }
0x6cf: {  	v30 =	vadd.f32 v60, v44;
	v51 =	vmul.f32 $2.480158760e-05, v45;
	v42 =	vmul.f32 v24, v62;
	v60 =	vld.idx.msk [tilespmem:v27+s18+$0x0], $0xffff;
	[tilespmem:$0x1F190] =	vst v21  }
0x6d0: {  	v62 =	vmul.f32 v39, v19;
	v39 =	vmul.f32 v15, v33;
	v34 =	vld.idx.msk [tilespmem:v59+s18+$0x0], $0xffff  }
0x6d1: {  	v61 =	vmul.f32 v14, v19;
	v19 =	vmul.f32 v41, v43;
	v22 =	vadd.f32 $-1.388888920e-03, v51;
	v51 =	vld.idx.msk [tilespmem:v54+s18+$0x0], $0xffff  }
0x6d2: {  	v20 =	vmul.f32 v40, v43;
	v12 =	vld.idx.msk [tilespmem:v11+s18+$0x0], $0xffff;
	[tilespmem:$0x1F1C0] =	vst v39  }
0x6d3: {  	v0 =	vsub.f32 v63, v0;
	v15 =	vld.idx.msk [tilespmem:v28+s18+$0x0], $0xffff;
	[tilespmem:$0x1F1E0] =	vst v19  }
0x6d4: {  	v37 =	vsub.f32 v37, v49;
	[tilespmem:$0x1F1F0] =	vst v20  }
0x6d5: {  	v25 =	vsub.f32 v52, v25;
	v44 =	vmul.f32 v23, v26;
	v0 =	vmul.f32 v0, v47;
	v19 =	vld.idx.msk [tilespmem:v31+s1+$0x0], $0xffff  }
0x6d6: {  	v2 =	vadd.f32 v3, v2;
	v4 =	vadd.f32 v4, v32;
	v63 =	vmul.f32 v37, v33;
	v37 =	vld [tilespmem:s21+$0xFFFFFFB0]  }
0x6d7: {  	v23 =	vmul.f32 $1.984127010e-04, v45;
	v26 =	vmul.f32 v25, v44;
	v41 =	vld [tilespmem:s9+$0xFFFFFFB0];
	[tilespmem:$0x1F220] =	vst v0  }
0x6d8: {  	v47 =	vmul.f32 v2, v47;
	v4 =	vmul.f32 v4, v44;
	v2 =	vld.idx.msk [tilespmem:v8+s18+$0x0], $0xffff  }
0x6d9: {  	v5 =	vsub.f32 v36, v5;
	v49 =	vsub.f32 $8.333333770e-03, v23;
	v33 =	vld.idx.msk [tilespmem:v48+s18+$0x0], $0xffff;
	[tilespmem:$0x1F240] =	vst v26  }
0x6da: {  	v1 =	vadd.f32 v1, v35;
	v52 =	vmul.f32 v13, v46;
	v30 =	vmul.f32 v30, v46;
	[tilespmem:$0x1F250] =	vst v4  }
0x6db: {  	v46 =	vmul.f32 v5, v42;
	v21 =	vmul.f32 v49, v45;
	v43 =	vld [tilespmem:s21+$0xFFFFFFC0]  }
0x6dc: {  	v1 =	vmul.f32 v1, v42;
	v49 =	vld [tilespmem:s9+$0xFFFFFFC0]  }
0x6dd: {  	v24 =	vmul.f32 v22, v45;
	v22 =	vadd.f32 $-1.666666720e-01, v21;
	v39 =	vld [tilespmem:s21+$0xFFFFFFD0];
	[tilespmem:$0x1F270] =	vst v46  }
0x6de: {  	v23 =	vmul.f32 v56, v56;
	v44 =	vld [tilespmem:s9+$0xFFFFFFD0];
	[tilespmem:$0x1F290] =	vst v1  }
0x6df: {  	v3 =	vadd.f32 $4.166666790e-02, v24;
	v24 =	vmul.f32 v50, v50;
	v0 =	vmul.f32 v22, v45;
	v42 =	vld [tilespmem:s9+$0xFFFFFFE0]  }
0x6e0: {  	v60 =	vsub.f32 v60, v34;
	v11 =	vld.idx.msk [tilespmem:v7+s18+$0x0], $0xffff  }
0x6e1: {  	v32 =	vadd.f32 v24, v23;
	v0 =	vadd.f32 $1.000000000e+00, v0;
	v34 =	vld [tilespmem:s21+$0x0]  }
0x6e2: {  	v35 =	vld [tilespmem:s9+$0x0];
	v36 =	vmul.f32 v37, v37;
	v40 =	vmul.f32 v41, v41  }
0x6e3: {  	(erf) = vrcp.f32 v32;
	v0 =	vmul.f32 v0, v38;
	v38 =	vld [tilespmem:s9+$0xFFFFFFF0]  }
0x6e4: {  	v13 =	vmul.f32 v55, v19;
	v8 =	vadd.f32 v40, v36;
	v40 =	vld [tilespmem:s21+$0xFFFFFFE0]  }
0x6e5: {  	v36 =	vld [tilespmem:s21+$0xFFFFFFF0];
	v9 =	vmul.f32 v43, v43;
	v10 =	vmul.f32 v49, v49  }
0x6e6: {  	v25 =	vmul.f32 v39, v39;
	v26 =	vmul.f32 v44, v44  }
0x6e7: {  	(erf) = vrcp.f32 v8;
	v14 =	vadd.f32 v10, v9;
	v17 =	vsub.f32 v33, v11  }
0x6e8: {  	v10 =	vmul.f32 v34, v34;
	v11 =	vmul.f32 v35, v35;
	v20 =	vadd.f32 v26, v25;
	v25 =	vld [tilespmem:s21+$0x10]  }
0x6e9: {  	v22 =	vsub.f32 v51, v12;
	v32 =	vld [tilespmem:s9+$0x10];
	v55 =	vmul.f32 v42, v42;
	v51 =	vmul.f32 v40, v40  }
0x6ea: {  	v8 =	vmul.f32 v38, v38;
	v24 =	vadd.f32 v11, v10;
	v10 =	vld [tilespmem:$0x1F020];
	v7 =	vmul.f32 v36, v36  }
0x6eb: {  	v21 =	vsub.f32 v15, v2;
	(erf) = vrcp.f32 v14;
	v2 =	vadd.f32 v55, v51  }
0x6ec: {  	v9 =	vadd.f32 v8, v7;
	v5 =	vpop (erf);
	(erf) = vrcp.f32 v20  }
0x6ed: {  	v8 =	vmul.f32 v25, v25;
	(erf) = vrcp.f32 v2  }
0x6ee: {  	(erf) = vrcp.f32 v9;
	v9 =	vmul.f32 v32, v32  }
0x6ef: {  	[tilespmem:v57+s0+$0x0] =	vst.idx.add.f32.msk $0xffff, v10  }
0x6f0: {  	v51 =	vadd.f32 v9, v8;
	v8 =	vld [tilespmem:$0x1F030]  }
0x6f1: {  	v3 =	vmul.f32 v3, v45;
	_ =	sdelay $0x1  }
0x6f2: {  	v3 =	vadd.f32 $-5.000000000e-01, v3;
	(erf) = vrcp.f32 v24;
	v24 =	vld [tilespmem:$0x1F040];
	_ =	sdelay $0x1  }
0x6f3: {  	v3 =	vmul.f32 v3, v45;
	_ =	sdelay $0x1  }
0x6f4: {  	v3 =	vadd.f32 $1.000000000e+00, v3  }
0x6f5: {  	v12 =	vmul.f32 v0, v56;
	[tilespmem:v8+s31+$0x0] =	vst.idx.add.f32.msk $0xffff, v24  }
0x6f6: {  	v0 =	vmul.f32 v0, v50;
	v1 =	vmul.f32 v3, v56;
	v24 =	vld [tilespmem:$0x1F050]  }
0x6f7: {  	v33 =	vld [tilespmem:s9+$0x20];
	v56 =	vmul.f32 v3, v50;
	v50 =	vmul.f32 v60, v60  }
0x6f8: {  	v26 =	vld [tilespmem:s21+$0x20]  }
0x6f9: {  	v11 =	vmul.f32 $1.984127010e-04, v50;
	_ =	sdelay $0x1  }
0x6fa: {  	v19 =	vmul.f32 v5, v13;
	v5 =	vsub.f32 v1, v0;
	v0 =	vsub.f32 $8.333333770e-03, v11;
	[tilespmem:v8+s0+$0x0] =	vst.idx.add.f32.msk $0xffff, v24  }
0x6fb: {  	v14 =	vmul.f32 v33, v33;
	v8 =	vld [tilespmem:$0x1F060]  }
0x6fc: {  	v13 =	vmul.f32 v26, v26;
	v0 =	vmul.f32 v0, v50;
	_ =	sdelay $0x1  }
0x6fd: {  	v2 =	vadd.f32 v14, v13;
	v14 =	vadd.f32 $-1.666666720e-01, v0;
	v0 =	vld [tilespmem:$0x1F070];
	_ =	sdelay $0x1  }
0x6fe: {  	v16 =	vmul.f32 $2.480158760e-05, v50;
	_ =	sdelay $0x1  }
0x6ff: {  	v20 =	vadd.f32 $-1.388888920e-03, v16  }
0x700: {  	[tilespmem:v8+s31+$0x0] =	vst.idx.add.f32.msk $0xffff, v0  }
0x701: {  	v16 =	vmul.f32 v22, v22;
	v15 =	vmul.f32 v20, v50;
	v0 =	vld [tilespmem:$0x1F080];
	_ =	sdelay $0x1  }
0x702: {  	v57 =	vmul.f32 $2.480158760e-05, v16;
	v4 =	vadd.f32 $4.166666790e-02, v15;
	v15 =	vmul.f32 $1.984127010e-04, v16;
	_ =	sdelay $0x1  }
0x703: {  	v3 =	vadd.f32 $-1.388888920e-03, v57;
	v57 =	vsub.f32 $8.333333770e-03, v15  }
0x704: {  	[tilespmem:v8+s0+$0x0] =	vst.idx.add.f32.msk $0xffff, v0  }
0x705: {  	v10 =	vmul.f32 v5, v19;
	v5 =	vmul.f32 v57, v16;
	v57 =	vld [tilespmem:$0x1F090];
	_ =	sdelay $0x2  }
0x706: {  	v0 =	vld [tilespmem:$0x1F0A0];
	_ =	sdelay $0x4  }
0x707: {  	[tilespmem:v57+s31+$0x0] =	vst.idx.add.f32.msk $0xffff, v0  }
0x708: {  	v0 =	vld [tilespmem:$0x1F0B0];
	_ =	sdelay $0x3  }
0x709: {  	v23 =	vld [tilespmem:s22+$0x10]  }
0x70a: {  	[tilespmem:v57+s0+$0x0] =	vst.idx.add.f32.msk $0xffff, v0  }
0x70b: {  	v9 =	vld [tilespmem:$0x1F0C0];
	_ =	sdelay $0x1  }
0x70c: {  	v45 =	vld [tilespmem:s8+$0x10]  }
0x70d: {  	v0 =	vld [tilespmem:$0x1F0D0]  }
0x70e: {  	v12 =	vadd.f32 v56, v12;
	v56 =	vld.idx.msk [tilespmem:v29+s18+$0x0], $0xffff  }
0x70f: {  	v20 =	vld.idx.msk [tilespmem:v6+s18+$0x0], $0xffff;
	_ =	sdelay $0x1  }
0x710: {  	v7 =	vld.idx.msk [tilespmem:v23+s18+$0x0], $0xffff  }
0x711: {  	[tilespmem:v9+s31+$0x0] =	vst.idx.add.f32.msk $0xffff, v0  }
0x712: {  	v0 =	vld [tilespmem:$0x1F0E0]  }
0x713: {  	v1 =	vmul.f32 v21, v21;
	v4 =	vmul.f32 v4, v50;
	v56 =	vsub.f32 v56, v20;
	v20 =	vld.idx.msk [tilespmem:v45+s18+$0x0], $0xffff;
	_ =	sdelay $0x1  }
0x714: {  	v11 =	vmul.f32 $2.480158760e-05, v1;
	v4 =	vadd.f32 $-5.000000000e-01, v4  }
0x715: {  	v15 =	vmul.f32 $1.984127010e-04, v1  }
0x716: {  	v18 =	vmul.f32 v14, v50;
	v50 =	vmul.f32 v4, v50;
	v4 =	vadd.f32 $-1.388888920e-03, v11;
	[tilespmem:v9+s0+$0x0] =	vst.idx.add.f32.msk $0xffff, v0  }
0x717: {  	v11 =	vsub.f32 v7, v20;
	v7 =	vsub.f32 $8.333333770e-03, v15;
	v15 =	vld [tilespmem:$0x1F0F0];
	_ =	sdelay $0x2  }
0x718: {  	v0 =	vld [tilespmem:$0x1F100];
	_ =	sdelay $0x1  }
0x719: {  	v12 =	vmul.f32 v12, v19;
	v19 =	vmul.f32 v17, v17;
	_ =	sdelay $0x1  }
0x71a: {  	v57 =	vmul.f32 $1.984127010e-04, v19  }
0x71b: {  	(erf) = vrcp.f32 v51;
	[tilespmem:v15+s31+$0x0] =	vst.idx.add.f32.msk $0xffff, v0  }
0x71c: {  	(erf) = vrcp.f32 v2;
	v2 =	vsub.f32 $8.333333770e-03, v57;
	v57 =	vld [tilespmem:$0x1F110];
	_ =	sdelay $0x3  }
0x71d: {  	v46 =	vld [tilespmem:s8+$0x0]  }
0x71e: {  	[tilespmem:v15+s0+$0x0] =	vst.idx.add.f32.msk $0xffff, v57  }
0x71f: {  	v57 =	vld [tilespmem:$0x1F120]  }
0x720: {  	v4 =	vmul.f32 v4, v1;
	_ =	sdelay $0x1  }
0x721: {  	v4 =	vadd.f32 $4.166666790e-02, v4;
	v15 =	vld [tilespmem:$0x1F130];
	_ =	sdelay $0x1  }
0x722: {  	v4 =	vmul.f32 v4, v1  }
0x723: {  	v13 =	vld.idx.msk [tilespmem:v46+s18+$0x0], $0xffff  }
0x724: {  	v51 =	vld.idx.msk [tilespmem:v53+s18+$0x0], $0xffff;
	v4 =	vadd.f32 $-5.000000000e-01, v4  }
0x725: {  	[tilespmem:v57+s31+$0x0] =	vst.idx.add.f32.msk $0xffff, v15  }
0x726: {  	v15 =	vmul.f32 v4, v1;
	v4 =	vld [tilespmem:$0x1F140]  }
0x727: {  	v3 =	vmul.f32 v3, v16  }
0x728: {  	v20 =	vmul.f32 v56, v56  }
0x729: {  	v3 =	vadd.f32 $4.166666790e-02, v3;
	v51 =	vsub.f32 v51, v13;
	v13 =	vmul.f32 $2.480158760e-05, v19  }
0x72a: {  	v5 =	vadd.f32 $-1.666666720e-01, v5;
	v24 =	vld [tilespmem:s8+$0x20];
	v0 =	vmul.f32 $1.984127010e-04, v20  }
0x72b: {  	v55 =	vmov v6;
	v6 =	vmul.f32 v3, v16;
	v8 =	vadd.f32 $-1.388888920e-03, v13;
	[tilespmem:v57+s0+$0x0] =	vst.idx.add.f32.msk $0xffff, v4  }
0x72c: {  	v13 =	vmul.f32 v5, v16;
	v5 =	vsub.f32 $8.333333770e-03, v0;
	v0 =	vld [tilespmem:$0x1F150]  }
0x72d: {  	v6 =	vadd.f32 $-5.000000000e-01, v6;
	v9 =	vmul.f32 v8, v19  }
0x72e: {  	v14 =	vld [tilespmem:s22+$0x20]  }
0x72f: {  	v16 =	vmul.f32 v6, v16;
	v6 =	vadd.f32 $4.166666790e-02, v9;
	v57 =	vld [tilespmem:$0x1F160];
	_ =	sdelay $0x1  }
0x730: {  	v2 =	vmul.f32 v2, v19;
	v6 =	vmul.f32 v6, v19;
	_ =	sdelay $0x1  }
0x731: {  	v2 =	vadd.f32 $-1.666666720e-01, v2;
	v8 =	vld.idx.msk [tilespmem:v24+s18+$0x0], $0xffff;
	v4 =	vadd.f32 $-5.000000000e-01, v6  }
0x732: {  	[tilespmem:v0+s31+$0x0] =	vst.idx.add.f32.msk $0xffff, v57  }
0x733: {  	v2 =	vmul.f32 v2, v19;
	v4 =	vmul.f32 v4, v19;
	v19 =	vld [tilespmem:$0x1F170]  }
0x734: {  	v9 =	vld.idx.msk [tilespmem:v14+s18+$0x0], $0xffff  }
0x735: {  	v7 =	vmul.f32 v7, v1  }
0x736: {  	[tilespmem:v31+s31+$0x0] =	vst.idx.add.f32.msk $0xffff, v10  }
0x737: {  	v7 =	vadd.f32 $-1.666666720e-01, v7;
	[tilespmem:v31+s0+$0x0] =	vst.idx.add.f32.msk $0xffff, v12  }
0x738: {  	[tilespmem:v0+s0+$0x0] =	vst.idx.add.f32.msk $0xffff, v19  }
0x739: {  	v7 =	vmul.f32 v7, v1;
	v1 =	vmul.f32 v5, v20;
	v5 =	vsub.f32 v9, v8;
	v9 =	vld [tilespmem:$0x1F180];
	_ =	sdelay $0x7  }
0x73a: {  	[tilespmem:v9+s31+$0x0] =	vst.idx.add.f32.msk $0xffff, v58  }
0x73b: {  	v31 =	vld [tilespmem:$0x1F190];
	_ =	sdelay $0x4  }
0x73c: {  	[tilespmem:v9+s0+$0x0] =	vst.idx.add.f32.msk $0xffff, v31  }
0x73d: {  	v9 =	vld [tilespmem:$0x1F1A0];
	_ =	sdelay $0x5  }
0x73e: {  	v3 =	vmul.f32 $2.480158760e-05, v20;
	_ =	sdelay $0x1  }
0x73f: {  	v3 =	vadd.f32 $-1.388888920e-03, v3;
	[tilespmem:v9+s31+$0x0] =	vst.idx.add.f32.msk $0xffff, v62  }
0x740: {  	[tilespmem:v9+s0+$0x0] =	vst.idx.add.f32.msk $0xffff, v61  }
0x741: {  	v3 =	vmul.f32 v3, v20;
	v9 =	vld [tilespmem:$0x1F1B0];
	_ =	sdelay $0x1  }
0x742: {  	v3 =	vadd.f32 $4.166666790e-02, v3  }
0x743: {  	v8 =	vmul.f32 v11, v11  }
0x744: {  	v3 =	vmul.f32 v3, v20  }
0x745: {  	v57 =	vmul.f32 $2.480158760e-05, v8;
	v0 =	vmul.f32 v5, v5  }
0x746: {  	v3 =	vadd.f32 $-5.000000000e-01, v3  }
0x747: {  	v1 =	vadd.f32 $-1.666666720e-01, v1;
	v10 =	vadd.f32 $-1.388888920e-03, v57;
	v57 =	vmul.f32 $2.480158760e-05, v0  }
0x748: {  	[tilespmem:v9+s31+$0x0] =	vst.idx.add.f32.msk $0xffff, v63  }
0x749: {  	v3 =	vmul.f32 v3, v20;
	v1 =	vmul.f32 v1, v20;
	v20 =	vadd.f32 $-1.388888920e-03, v57;
	v57 =	vld [tilespmem:$0x1F1C0];
	_ =	sdelay $0x4  }
0x74a: {  	[tilespmem:v9+s0+$0x0] =	vst.idx.add.f32.msk $0xffff, v57  }
0x74b: {  	v9 =	vld [tilespmem:$0x1F1D0];
	_ =	sdelay $0x2  }
0x74c: {  	v57 =	vld [tilespmem:$0x1F1E0];
	_ =	sdelay $0x4  }
0x74d: {  	[tilespmem:v9+s31+$0x0] =	vst.idx.add.f32.msk $0xffff, v57  }
0x74e: {  	v57 =	vld [tilespmem:$0x1F1F0];
	_ =	sdelay $0x4  }
0x74f: {  	[tilespmem:v9+s0+$0x0] =	vst.idx.add.f32.msk $0xffff, v57  }
0x750: {  	v9 =	vld [tilespmem:$0x1F200];
	_ =	sdelay $0x7  }
0x751: {  	[tilespmem:v9+s31+$0x0] =	vst.idx.add.f32.msk $0xffff, v52  }
0x752: {  	[tilespmem:v9+s0+$0x0] =	vst.idx.add.f32.msk $0xffff, v30  }
0x753: {  	v9 =	vld [tilespmem:$0x1F210];
	_ =	sdelay $0x2  }
0x754: {  	v63 =	vld [tilespmem:$0x1F220];
	_ =	sdelay $0x2  }
0x755: {  	v58 =	vmul.f32 $1.984127010e-04, v8;
	v62 =	vmul.f32 $1.984127010e-04, v0;
	_ =	sdelay $0x1  }
0x756: {  	v31 =	vsub.f32 $8.333333770e-03, v58;
	v58 =	vsub.f32 $8.333333770e-03, v62;
	[tilespmem:v9+s31+$0x0] =	vst.idx.add.f32.msk $0xffff, v63  }
0x757: {  	[tilespmem:v9+s0+$0x0] =	vst.idx.add.f32.msk $0xffff, v47  }
0x758: {  	v58 =	vmul.f32 v58, v0;
	v9 =	vld [tilespmem:$0x1F230];
	_ =	sdelay $0x1  }
0x759: {  	v61 =	vadd.f32 $-1.666666720e-01, v58;
	v58 =	vld.idx.msk [tilespmem:v59+s1+$0x0], $0xffff  }
0x75a: {  	v59 =	vld [tilespmem:$0x1F240]  }
0x75b: {  	v6 =	vmul.f32 v51, v51;
	_ =	sdelay $0x1  }
0x75c: {  	v19 =	vmul.f32 $2.480158760e-05, v6  }
0x75d: {  	v7 =	vadd.f32 $1.000000000e+00, v7  }
0x75e: {  	v12 =	vadd.f32 $-1.388888920e-03, v19;
	[tilespmem:v9+s31+$0x0] =	vst.idx.add.f32.msk $0xffff, v59  }
0x75f: {  	v7 =	vmul.f32 v7, v21;
	v21 =	vld [tilespmem:$0x1F250]  }
0x760: {  	v19 =	vmul.f32 $1.984127010e-04, v6;
	v12 =	vmul.f32 v12, v6;
	_ =	sdelay $0x1  }
0x761: {  	v19 =	vsub.f32 $8.333333770e-03, v19;
	v12 =	vadd.f32 $4.166666790e-02, v12  }
0x762: {  	v13 =	vadd.f32 $1.000000000e+00, v13;
	v10 =	vmul.f32 v10, v8  }
0x763: {  	v18 =	vadd.f32 $1.000000000e+00, v18;
	v19 =	vmul.f32 v19, v6;
	v12 =	vmul.f32 v12, v6;
	[tilespmem:v9+s0+$0x0] =	vst.idx.add.f32.msk $0xffff, v21  }
0x764: {  	v13 =	vmul.f32 v13, v22;
	v2 =	vadd.f32 $1.000000000e+00, v2;
	v10 =	vadd.f32 $4.166666790e-02, v10;
	v63 =	vld [tilespmem:$0x1F260]  }
0x765: {  	v20 =	vmul.f32 v20, v0;
	v19 =	vadd.f32 $-1.666666720e-01, v19;
	v12 =	vadd.f32 $-5.000000000e-01, v12  }
0x766: {  	v1 =	vadd.f32 $1.000000000e+00, v1;
	v10 =	vmul.f32 v10, v8;
	v31 =	vmul.f32 v31, v8  }
0x767: {  	v20 =	vadd.f32 $4.166666790e-02, v20;
	v19 =	vmul.f32 v19, v6;
	v6 =	vmul.f32 v12, v6;
	v9 =	vld [tilespmem:$0x1F270]  }
0x768: {  	v2 =	vmul.f32 v2, v17;
	v10 =	vadd.f32 $-5.000000000e-01, v10;
	v31 =	vadd.f32 $-1.666666720e-01, v31;
	v57 =	vld.idx.msk [tilespmem:v27+s1+$0x0], $0xffff  }
0x769: {  	v1 =	vmul.f32 v1, v56;
	v20 =	vmul.f32 v20, v0;
	v6 =	vadd.f32 $1.000000000e+00, v6  }
0x76a: {  	v62 =	vmul.f32 v31, v8;
	v8 =	vmul.f32 v10, v8  }
0x76b: {  	v10 =	vmul.f32 v18, v60;
	v60 =	vadd.f32 $1.000000000e+00, v19;
	v31 =	vmul.f32 v6, v34  }
0x76c: {  	v12 =	vmul.f32 v61, v0;
	v61 =	vadd.f32 $1.000000000e+00, v62;
	v62 =	vadd.f32 $1.000000000e+00, v50;
	[tilespmem:v63+s31+$0x0] =	vst.idx.add.f32.msk $0xffff, v9  }
0x76d: {  	v17 =	vmul.f32 v60, v51;
	v18 =	vmul.f32 v58, v57;
	v57 =	vld [tilespmem:$0x1F290]  }
0x76e: {  	v56 =	vmul.f32 v10, v41;
	v12 =	vadd.f32 $1.000000000e+00, v12;
	v50 =	vmul.f32 v62, v37;
	v51 =	vld [tilespmem:$0x1F280]  }
0x76f: {  	v10 =	vmul.f32 v10, v37;
	v58 =	vpop (erf);
	v21 =	vmul.f32 v62, v41  }
0x770: {  	v5 =	vmul.f32 v12, v5;
	v12 =	vsub.f32 v50, v56;
	v18 =	vmul.f32 v58, v18  }
0x771: {  	v6 =	vmul.f32 v6, v35;
	v60 =	vmul.f32 v13, v49;
	v47 =	vld.idx.msk [tilespmem:v54+s1+$0x0], $0xffff;
	v10 =	vadd.f32 v21, v10  }
0x772: {  	v3 =	vadd.f32 $1.000000000e+00, v3;
	v13 =	vmul.f32 v13, v43;
	v12 =	vmul.f32 v12, v18;
	[tilespmem:v63+s0+$0x0] =	vst.idx.add.f32.msk $0xffff, v57  }
0x773: {  	v52 =	vadd.f32 $-5.000000000e-01, v20;
	v10 =	vmul.f32 v10, v18;
	v9 =	vmul.f32 v61, v11;
	v11 =	vld [tilespmem:$0x1F2A0]  }
0x774: {  	v56 =	vmul.f32 v3, v36;
	v3 =	vmul.f32 v3, v38;
	[tilespmem:v27+s31+$0x0] =	vst.idx.add.f32.msk $0xffff, v12  }
0x775: {  	v16 =	vadd.f32 $1.000000000e+00, v16;
	v58 =	vmul.f32 v1, v38;
	v0 =	vmul.f32 v52, v0;
	[tilespmem:v27+s0+$0x0] =	vst.idx.add.f32.msk $0xffff, v10  }
0x776: {  	v1 =	vmul.f32 v1, v36;
	v36 =	vmul.f32 v17, v35;
	v52 =	vld.idx.msk [tilespmem:v51+s1+$0x0], $0xffff  }
0x777: {  	v38 =	vmul.f32 v17, v34;
	v0 =	vadd.f32 $1.000000000e+00, v0;
	v59 =	vmul.f32 v16, v43;
	v50 =	vld [tilespmem:$0x1F2B0]  }
0x778: {  	v45 =	vld.idx.msk [tilespmem:v45+s1+$0x0], $0xffff;
	v15 =	vadd.f32 $1.000000000e+00, v15;
	v16 =	vmul.f32 v16, v49;
	v49 =	vmul.f32 v2, v42  }
0x779: {  	v2 =	vmul.f32 v2, v40;
	v20 =	vsub.f32 v59, v60;
	v60 =	vld.idx.msk [tilespmem:v55+s1+$0x0], $0xffff;
	v55 =	vmul.f32 v0, v26  }
0x77a: {  	v4 =	vadd.f32 $1.000000000e+00, v4;
	v0 =	vmul.f32 v0, v33;
	v41 =	vmul.f32 v7, v44;
	v61 =	vld.idx.msk [tilespmem:v28+s1+$0x0], $0xffff  }
0x77b: {  	v8 =	vadd.f32 $1.000000000e+00, v8;
	v63 =	vmul.f32 v15, v39;
	v19 =	vmul.f32 v52, v47;
	v52 =	vld.idx.msk [tilespmem:v29+s1+$0x0], $0xffff  }
0x77c: {  	v13 =	vadd.f32 v16, v13;
	v15 =	vmul.f32 v15, v44;
	v44 =	vmul.f32 v4, v40;
	v62 =	vld.idx.msk [tilespmem:v11+s1+$0x0], $0xffff  }
0x77d: {  	v43 =	vpop (erf);
	v7 =	vmul.f32 v7, v39;
	v4 =	vmul.f32 v4, v42;
	v42 =	vld.idx.msk [tilespmem:v23+s1+$0x0], $0xffff;
	v10 =	vsub.f32 v63, v41  }
0x77e: {  	v41 =	vsub.f32 v44, v49;
	v49 =	vmul.f32 v8, v25;
	v47 =	vld.idx.msk [tilespmem:v48+s1+$0x0], $0xffff;
	v19 =	vmul.f32 v43, v19  }
0x77f: {  	v44 =	vsub.f32 v56, v58;
	v56 =	vmul.f32 v5, v33;
	v5 =	vmul.f32 v5, v26;
	v51 =	vld.idx.msk [tilespmem:v50+s1+$0x0], $0xffff  }
0x780: {  	v57 =	vpop (erf);
	v20 =	vmul.f32 v20, v19;
	v13 =	vmul.f32 v13, v19  }
0x781: {  	v40 =	vpop (erf);
	v63 =	vld.idx.msk [tilespmem:v46+s1+$0x0], $0xffff;
	v2 =	vadd.f32 v4, v2;
	v39 =	vmul.f32 v60, v52;
	v18 =	vmul.f32 v62, v61  }
0x782: {  	v4 =	vmul.f32 v45, v42;
	v43 =	vpop (erf);
	v50 =	vmul.f32 v8, v32;
	[tilespmem:v54+s31+$0x0] =	vst.idx.add.f32.msk $0xffff, v20  }
0x783: {  	[tilespmem:v54+s0+$0x0] =	vst.idx.add.f32.msk $0xffff, v13;
	v13 =	vmul.f32 v43, v39;
	v59 =	vmul.f32 v57, v18  }
0x784: {  	v1 =	vadd.f32 v3, v1;
	v52 =	vpop (erf);
	v61 =	vld.idx.msk [tilespmem:v53+s1+$0x0], $0xffff;
	v62 =	vmul.f32 v51, v47;
	v51 =	vmul.f32 v9, v32  }
0x785: {  	v7 =	vadd.f32 v15, v7;
	v9 =	vmul.f32 v9, v25;
	v57 =	vpop (erf);
	v19 =	vmul.f32 v44, v13  }
0x786: {  	v46 =	vld.idx.msk [tilespmem:v14+s1+$0x0], $0xffff;
	v1 =	vmul.f32 v1, v13;
	v4 =	vmul.f32 v57, v4  }
0x787: {  	v6 =	vadd.f32 v6, v38;
	v47 =	vld.idx.msk [tilespmem:v24+s1+$0x0], $0xffff;
	v10 =	vmul.f32 v10, v59;
	v7 =	vmul.f32 v7, v59  }
0x788: {  	v16 =	vmul.f32 v40, v62;
	v8 =	vsub.f32 v49, v51;
	[tilespmem:v29+s31+$0x0] =	vst.idx.add.f32.msk $0xffff, v19  }
0x789: {  	v59 =	vsub.f32 v55, v56;
	v15 =	vmul.f32 v63, v61;
	[tilespmem:v28+s31+$0x0] =	vst.idx.add.f32.msk $0xffff, v10  }
0x78a: {  	v17 =	vmul.f32 v41, v16;
	v2 =	vmul.f32 v2, v16;
	[tilespmem:v29+s0+$0x0] =	vst.idx.add.f32.msk $0xffff, v1  }
0x78b: {  	v10 =	vsub.f32 v31, v36;
	[tilespmem:v28+s0+$0x0] =	vst.idx.add.f32.msk $0xffff, v7;
	v54 =	vmul.f32 v52, v15  }
0x78c: {  	v61 =	vmul.f32 v8, v4;
	v3 =	vmul.f32 v47, v46;
	[tilespmem:v48+s31+$0x0] =	vst.idx.add.f32.msk $0xffff, v17  }
0x78d: {  	v60 =	vpop (erf);
	[tilespmem:v48+s0+$0x0] =	vst.idx.add.f32.msk $0xffff, v2;
	v58 =	vmul.f32 v10, v54;
	v2 =	vadd.f32 v50, v9  }
0x78e: {  	[tilespmem:v23+s31+$0x0] =	vst.idx.add.f32.msk $0xffff, v61;
	v1 =	vmul.f32 v6, v54;
	v3 =	vmul.f32 v60, v3  }
.Ltmp5:
0x78f: {  	v0 =	vadd.f32 v0, v5;
	[tilespmem:v53+s31+$0x0] =	vst.idx.add.f32.msk $0xffff, v58;
	v62 =	vmul.f32 v2, v4;
	(pc) =	sbr.rel @p3 .LBB2_10-.Ltmp5, $4  }
0x790: {  	v63 =	vmul.f32 v59, v3;
	[tilespmem:v53+s0+$0x0] =	vst.idx.add.f32.msk $0xffff, v1  }
0x791: {  	v0 =	vmul.f32 v0, v3;
	[tilespmem:v23+s0+$0x0] =	vst.idx.add.f32.msk $0xffff, v62  }
0x792: {  	[tilespmem:v14+s31+$0x0] =	vst.idx.add.f32.msk $0xffff, v63  }
0x793: {  	[tilespmem:v14+s0+$0x0] =	vst.idx.add.f32.msk $0xffff, v0  }
0x794: {  	s8 =	smul.u32 $0x1F40, s12;
	_ =	sdelay $0x1  }
0x795: {  	s8 =	sadd.s32 $0x2EE0, s8  }
0x796: {  	s9 =	sadd.s32 s4, s8  }
0x797: {  	s9 =	sshrl.u32 s9, $0x3  }
0x798: {  	s9 =	sadd.s32 s6, s9  }
0x799: {  	[tilespmem:s13], [sflag:$0x2] =	stream.linear.gather [hbm4b:s9+s1], $0xFA0, $0x38;
	[tilespmem:$0x17790] =	vst v63  }
0x79a: {  	s8 =	sadd.s32 s7, s8;
	s9 =	sadd.s32 $0x13880, s9  }
0x79b: {  	[tilespmem:s14], [sflag:$0x2] =	stream.linear.gather [hbm4b:s9+s1], $0xFA0, $0x38;
	[tilespmem:$0x17790] =	vst v63  }
.Ltmp6:
0x79c: {  	s8 =	sshrl.u32 s8, $0x3;
	(pc) =	sbr.rel .LBB2_4-.Ltmp6, $4  }
0x79d: {  	s24 =	sadd.s32 s3, s8  }
0x79e: {  	[tilespmem:s15], [sflag:$0x2] =	stream.linear.gather [hbm4b:s24+s1], $0xFA0, $0x38;
	[tilespmem:$0x17790] =	vst v63  }
0x79f: {  	s12 =	sadd.s32 $0x1, s12;
	s8 =	sadd.s32 s5, s8  }
0x7a0: {  	[tilespmem:s16], [sflag:$0x2] =	stream.linear.gather [hbm4b:s8+s1], $0xFA0, $0x38;
	[tilespmem:$0x17790] =	vst v63  }
.LBB2_10:
0x7a1: {  	v9 =	vimm.f32 $0.0e+00  }
0x7a2: {  	[tilespmem:$0x15000] =	vst v9  }
0x7a3: {  	[bflag:$0x0] =	sbarrier.arrive $0xFFFF  }
0x7a4: {  	[spmem:s10] =	stream.linear.scatter [tilespmem:s31], [sflag:$0x3], $0x2710, $0x38;
	[tilespmem:$0x17790] =	vst v63  }
.Ltmp7:
0x7a5: {  	_ =	swait.ge [sflag:s17], $0x2710;
	(pc) =	sbr.rel @p0 .LBB2_21-.Ltmp7, $4  }
0x7a6: {  	[sflag:s17] =	ssyncset.done $0x0  }
0x7a7: {  	[sflag:s17] =	ssyncadd.s32 $0xFFFFD8F0  }
0x7a8: {  	s21 =	simm.s32 $0x12800;
	s22 =	simm.s32 $0x13200;
	[bflag:$0x0] =	sbarrier.arrive $0xFFFF  }
0x7a9: {  	s23 =	simm.s32 $0x13C00;
	s12 =	simm.s32 $0x11E00;
	s24 =	simm.s32 $0x14600  }
.Ltmp8:
0x7aa: {  	(pc) =	sbr.rel @!p1 .LBB2_15-.Ltmp8, $1  }
0x7ab: {  	_ =	sdelay $0x3  }
0x7ac: {  	s8 =	rddreg [dreg:$0x7]  }
0x7ad: {  	[tilespmem:s12], [sflag:$0x3] =	stream.linear.gather [spmem:s8], $0x9D0, $0x38;
	[tilespmem:$0x17790] =	vst v63  }
0x7ae: {  	_ =	swait.ge [sflag:s17], $0x9D0  }
0x7af: {  	[sflag:s17] =	ssyncset.done $0x0  }
0x7b0: {  	s9 =	rddreg [dreg:$0x14];
	[sflag:s17] =	ssyncadd.s32 $0xFFFFF630  }
0x7b1: {  	[tilespmem:s21], [sflag:$0x3] =	stream.linear.gather [spmem:s9], $0x9D0, $0x38;
	[tilespmem:$0x17790] =	vst v63  }
0x7b2: {  	_ =	swait.ge [sflag:s17], $0x9D0  }
0x7b3: {  	[sflag:s17] =	ssyncset.done $0x0  }
0x7b4: {  	s9 =	rddreg [dreg:$0x15];
	[sflag:s17] =	ssyncadd.s32 $0xFFFFF630  }
0x7b5: {  	[tilespmem:s22], [sflag:$0x3] =	stream.linear.gather [spmem:s9], $0x9D0, $0x38;
	[tilespmem:$0x17790] =	vst v63  }
0x7b6: {  	_ =	swait.ge [sflag:s17], $0x9D0  }
0x7b7: {  	[sflag:s17] =	ssyncset.done $0x0  }
0x7b8: {  	s9 =	rddreg [dreg:$0x16];
	[sflag:s17] =	ssyncadd.s32 $0xFFFFF630  }
0x7b9: {  	[tilespmem:s23], [sflag:$0x3] =	stream.linear.gather [spmem:s9], $0x9D0, $0x38;
	[tilespmem:$0x17790] =	vst v63  }
0x7ba: {  	_ =	swait.ge [sflag:s17], $0x9D0  }
0x7bb: {  	[sflag:s17] =	ssyncset.done $0x0  }
0x7bc: {  	s8 =	simm.s32 $0x0;
	s9 =	rddreg [dreg:$0x8];
	[sflag:s17] =	ssyncadd.s32 $0xFFFFF630  }
0x7bd: {  	[tilespmem:s24], [sflag:$0x3] =	stream.linear.gather [hbm4b:s9+s8], $0x9D0, $0x38;
	[tilespmem:$0x17790] =	vst v63  }
0x7be: {  	_ =	swait.ge [sflag:s17], $0x9D0  }
0x7bf: {  	[sflag:s17] =	ssyncset.done $0x0  }
0x7c0: {  	s9 =	simm.s32 $0x0;
	[sflag:s17] =	ssyncadd.s32 $0xFFFFF630  }
0x7c1: {  	v0 =	vld [tilespmem:s9+$0x11E00]  }
0x7c2: {  	v1 =	vld [tilespmem:s9+$0x12800];
	_ =	sdelay $0x1  }
0x7c3: {  	v3 =	vld [tilespmem:s9+$0x13200]  }
0x7c4: {  	v6 =	vld [tilespmem:s9+$0x13C00]  }
0x7c5: {  	s8 =	simm.s32 $0x10;
	v2 =	vld [tilespmem:s9+$0x14600]  }
0x7c6: {  	v4 =	vld [tilespmem:s8+$0x12800];
	v0 =	vadd.f32 v1, v0  }
0x7c7: {  	v1 =	vld [tilespmem:s8+$0x11E00]  }
0x7c8: {  	v7 =	vadd.f32 v3, v0  }
0x7c9: {  	v5 =	vld [tilespmem:s8+$0x13200]  }
0x7ca: {  	s9 =	simm.s32 $0x80;
	v0 =	vimm.f32 $0.0e+00;
	v3 =	vld [tilespmem:s8+$0x14600];
	v6 =	vadd.f32 v6, v7  }
.LBB2_13:
0x7cb: {  	v7 =	vld [tilespmem:s8+$0x13C00];
	s8 =	sshra.s32 s9, $0x2;
	p3 =	seq.s32 s9, $0x2700  }
.Ltmp9:
0x7cc: {  	s9 =	sadd.s32 $0x40, s9;
	v8 =	vadd.f32 v4, v1;
	v1 =	vld [tilespmem:s8+$0x11E00];
	v10 =	vsub.f32 v6, v2;
	(pc) =	sbr.rel @!p3 .LBB2_13-.Ltmp9, $4  }
0x7cd: {  	v4 =	vld [tilespmem:s8+$0x12800]  }
0x7ce: {  	v6 =	vadd.f32 v5, v8;
	v8 =	vmul.f32 v10, v10  }
0x7cf: {  	v5 =	vld [tilespmem:s8+$0x13200];
	v2 =	vmov v3  }
0x7d0: {  	v3 =	vld [tilespmem:s8+$0x14600];
	v6 =	vadd.f32 v7, v6;
	v0 =	vadd.f32 v8, v0  }
0x7d1: {  	v7 =	vld [tilespmem:s8+$0x13C00]  }
0x7d2: {  	v1 =	vadd.f32 v4, v1;
	_ =	sdelay $0x1  }
0x7d3: {  	v1 =	vadd.f32 v5, v1;
	_ =	sdelay $0x1  }
0x7d4: {  	v2 =	vsub.f32 v6, v2;
	v1 =	vadd.f32 v7, v1;
	_ =	sdelay $0x1  }
.Ltmp10:
0x7d5: {  	v2 =	vmul.f32 v2, v2;
	v1 =	vsub.f32 v1, v3;
	(pc) =	sbr.rel .LBB2_25-.Ltmp10, $3  }
0x7d6: {  	_ = 	snop  }
0x7d7: {  	v0 =	vadd.f32 v2, v0;
	v1 =	vmul.f32 v1, v1;
	_ =	sdelay $0x1  }
0x7d8: {  	v0 =	vadd.f32 v1, v0  }
.LBB2_21:
.Ltmp11:
0x7d9: {  	(pc) =	sbr.rel @!p2 .LBB2_22-.Ltmp11, $1  }
0x7da: {  	_ =	sdelay $0x3  }
0x7db: {  	s8 =	rddreg [dreg:$0x1b]  }
0x7dc: {  	[tilespmem:s12], [sflag:$0x3] =	stream.linear.gather [spmem:s8], $0x9D0, $0x38;
	[tilespmem:$0x17790] =	vst v63  }
0x7dd: {  	_ =	swait.ge [sflag:s17], $0x9D0  }
0x7de: {  	[sflag:s17] =	ssyncset.done $0x0  }
0x7df: {  	s9 =	rddreg [dreg:$0x1c];
	[sflag:s17] =	ssyncadd.s32 $0xFFFFF630  }
0x7e0: {  	[tilespmem:s21], [sflag:$0x3] =	stream.linear.gather [spmem:s9], $0x9D0, $0x38;
	[tilespmem:$0x17790] =	vst v63  }
0x7e1: {  	_ =	swait.ge [sflag:s17], $0x9D0  }
0x7e2: {  	[sflag:s17] =	ssyncset.done $0x0  }
0x7e3: {  	s9 =	rddreg [dreg:$0x1d];
	[sflag:s17] =	ssyncadd.s32 $0xFFFFF630  }
0x7e4: {  	[tilespmem:s22], [sflag:$0x3] =	stream.linear.gather [spmem:s9], $0x9D0, $0x38;
	[tilespmem:$0x17790] =	vst v63  }
0x7e5: {  	_ =	swait.ge [sflag:s17], $0x9D0  }
0x7e6: {  	[sflag:s17] =	ssyncset.done $0x0  }
0x7e7: {  	s9 =	rddreg [dreg:$0x1e];
	[sflag:s17] =	ssyncadd.s32 $0xFFFFF630  }
0x7e8: {  	[tilespmem:s23], [sflag:$0x3] =	stream.linear.gather [spmem:s9], $0x9D0, $0x38;
	[tilespmem:$0x17790] =	vst v63  }
0x7e9: {  	_ =	swait.ge [sflag:s17], $0x9D0  }
0x7ea: {  	[sflag:s17] =	ssyncset.done $0x0  }
0x7eb: {  	s8 =	simm.s32 $0x0;
	s9 =	rddreg [dreg:$0xa];
	[sflag:s17] =	ssyncadd.s32 $0xFFFFF630  }
0x7ec: {  	[tilespmem:s24], [sflag:$0x3] =	stream.linear.gather [hbm4b:s9+s8], $0x9D0, $0x38;
	[tilespmem:$0x17790] =	vst v63  }
0x7ed: {  	_ =	swait.ge [sflag:s17], $0x9D0  }
0x7ee: {  	[sflag:s17] =	ssyncset.done $0x0  }
0x7ef: {  	s9 =	simm.s32 $0x0;
	[sflag:s17] =	ssyncadd.s32 $0xFFFFF630  }
0x7f0: {  	v0 =	vld [tilespmem:s9+$0x11E00]  }
0x7f1: {  	v1 =	vld [tilespmem:s9+$0x12800];
	_ =	sdelay $0x1  }
0x7f2: {  	v3 =	vld [tilespmem:s9+$0x13200]  }
0x7f3: {  	v6 =	vld [tilespmem:s9+$0x13C00]  }
0x7f4: {  	s8 =	simm.s32 $0x10;
	v2 =	vld [tilespmem:s9+$0x14600]  }
0x7f5: {  	v4 =	vld [tilespmem:s8+$0x12800];
	v0 =	vadd.f32 v1, v0  }
0x7f6: {  	v1 =	vld [tilespmem:s8+$0x11E00]  }
0x7f7: {  	v7 =	vadd.f32 v3, v0  }
0x7f8: {  	v5 =	vld [tilespmem:s8+$0x13200]  }
0x7f9: {  	s9 =	simm.s32 $0x80;
	v0 =	vimm.f32 $0.0e+00;
	v3 =	vld [tilespmem:s8+$0x14600];
	v6 =	vadd.f32 v6, v7  }
.LBB2_19:
0x7fa: {  	v7 =	vld [tilespmem:s8+$0x13C00];
	s8 =	sshra.s32 s9, $0x2;
	p3 =	seq.s32 s9, $0x2700  }
.Ltmp12:
0x7fb: {  	s9 =	sadd.s32 $0x40, s9;
	v8 =	vadd.f32 v4, v1;
	v1 =	vld [tilespmem:s8+$0x11E00];
	v10 =	vsub.f32 v6, v2;
	(pc) =	sbr.rel @!p3 .LBB2_19-.Ltmp12, $4  }
0x7fc: {  	v4 =	vld [tilespmem:s8+$0x12800]  }
0x7fd: {  	v6 =	vadd.f32 v5, v8;
	v8 =	vmul.f32 v10, v10  }
0x7fe: {  	v5 =	vld [tilespmem:s8+$0x13200];
	v2 =	vmov v3  }
0x7ff: {  	v3 =	vld [tilespmem:s8+$0x14600];
	v6 =	vadd.f32 v7, v6;
	v0 =	vadd.f32 v8, v0  }
0x800: {  	v7 =	vld [tilespmem:s8+$0x13C00]  }
0x801: {  	v1 =	vadd.f32 v4, v1;
	_ =	sdelay $0x1  }
0x802: {  	v1 =	vadd.f32 v5, v1;
	_ =	sdelay $0x1  }
0x803: {  	v2 =	vsub.f32 v6, v2;
	v1 =	vadd.f32 v7, v1;
	_ =	sdelay $0x1  }
.Ltmp13:
0x804: {  	v2 =	vmul.f32 v2, v2;
	v1 =	vsub.f32 v1, v3;
	(pc) =	sbr.rel .LBB2_25-.Ltmp13, $3  }
0x805: {  	_ = 	snop  }
0x806: {  	v0 =	vadd.f32 v2, v0;
	v1 =	vmul.f32 v1, v1;
	_ =	sdelay $0x1  }
0x807: {  	v0 =	vadd.f32 v1, v0  }
.LBB2_15:
0x808: {  	s8 =	rddreg [dreg:$0x17]  }
0x809: {  	[tilespmem:s12], [sflag:$0x3] =	stream.linear.gather [spmem:s8], $0x9D0, $0x38;
	[tilespmem:$0x17790] =	vst v63  }
0x80a: {  	_ =	swait.ge [sflag:s17], $0x9D0  }
0x80b: {  	[sflag:s17] =	ssyncset.done $0x0  }
0x80c: {  	s9 =	rddreg [dreg:$0x18];
	[sflag:s17] =	ssyncadd.s32 $0xFFFFF630  }
0x80d: {  	[tilespmem:s21], [sflag:$0x3] =	stream.linear.gather [spmem:s9], $0x9D0, $0x38;
	[tilespmem:$0x17790] =	vst v63  }
0x80e: {  	_ =	swait.ge [sflag:s17], $0x9D0  }
0x80f: {  	[sflag:s17] =	ssyncset.done $0x0  }
0x810: {  	s9 =	rddreg [dreg:$0x19];
	[sflag:s17] =	ssyncadd.s32 $0xFFFFF630  }
0x811: {  	[tilespmem:s22], [sflag:$0x3] =	stream.linear.gather [spmem:s9], $0x9D0, $0x38;
	[tilespmem:$0x17790] =	vst v63  }
0x812: {  	_ =	swait.ge [sflag:s17], $0x9D0  }
0x813: {  	[sflag:s17] =	ssyncset.done $0x0  }
0x814: {  	s9 =	rddreg [dreg:$0x1a];
	[sflag:s17] =	ssyncadd.s32 $0xFFFFF630  }
0x815: {  	[tilespmem:s23], [sflag:$0x3] =	stream.linear.gather [spmem:s9], $0x9D0, $0x38;
	[tilespmem:$0x17790] =	vst v63  }
0x816: {  	_ =	swait.ge [sflag:s17], $0x9D0  }
0x817: {  	[sflag:s17] =	ssyncset.done $0x0  }
0x818: {  	s8 =	simm.s32 $0x0;
	s9 =	rddreg [dreg:$0x9];
	[sflag:s17] =	ssyncadd.s32 $0xFFFFF630  }
0x819: {  	[tilespmem:s24], [sflag:$0x3] =	stream.linear.gather [hbm4b:s9+s8], $0x9D0, $0x38;
	[tilespmem:$0x17790] =	vst v63  }
0x81a: {  	_ =	swait.ge [sflag:s17], $0x9D0  }
0x81b: {  	[sflag:s17] =	ssyncset.done $0x0  }
0x81c: {  	s9 =	simm.s32 $0x0;
	[sflag:s17] =	ssyncadd.s32 $0xFFFFF630  }
0x81d: {  	v0 =	vld [tilespmem:s9+$0x11E00]  }
0x81e: {  	v1 =	vld [tilespmem:s9+$0x12800];
	_ =	sdelay $0x1  }
0x81f: {  	v3 =	vld [tilespmem:s9+$0x13200]  }
0x820: {  	v6 =	vld [tilespmem:s9+$0x13C00]  }
0x821: {  	s8 =	simm.s32 $0x10;
	v2 =	vld [tilespmem:s9+$0x14600]  }
0x822: {  	v4 =	vld [tilespmem:s8+$0x12800];
	v0 =	vadd.f32 v1, v0  }
0x823: {  	v1 =	vld [tilespmem:s8+$0x11E00]  }
0x824: {  	v7 =	vadd.f32 v3, v0  }
0x825: {  	v5 =	vld [tilespmem:s8+$0x13200]  }
0x826: {  	s9 =	simm.s32 $0x80;
	v0 =	vimm.f32 $0.0e+00;
	v3 =	vld [tilespmem:s8+$0x14600];
	v6 =	vadd.f32 v6, v7  }
.LBB2_16:
0x827: {  	v7 =	vld [tilespmem:s8+$0x13C00];
	s8 =	sshra.s32 s9, $0x2;
	p3 =	seq.s32 s9, $0x2700  }
.Ltmp14:
0x828: {  	s9 =	sadd.s32 $0x40, s9;
	v8 =	vadd.f32 v4, v1;
	v1 =	vld [tilespmem:s8+$0x11E00];
	v10 =	vsub.f32 v6, v2;
	(pc) =	sbr.rel @!p3 .LBB2_16-.Ltmp14, $4  }
0x829: {  	v4 =	vld [tilespmem:s8+$0x12800]  }
0x82a: {  	v6 =	vadd.f32 v5, v8;
	v8 =	vmul.f32 v10, v10  }
0x82b: {  	v5 =	vld [tilespmem:s8+$0x13200];
	v2 =	vmov v3  }
0x82c: {  	v3 =	vld [tilespmem:s8+$0x14600];
	v6 =	vadd.f32 v7, v6;
	v0 =	vadd.f32 v8, v0  }
0x82d: {  	v7 =	vld [tilespmem:s8+$0x13C00]  }
0x82e: {  	v1 =	vadd.f32 v4, v1;
	_ =	sdelay $0x1  }
0x82f: {  	v1 =	vadd.f32 v5, v1;
	_ =	sdelay $0x1  }
0x830: {  	v2 =	vsub.f32 v6, v2;
	v1 =	vadd.f32 v7, v1;
	_ =	sdelay $0x1  }
.Ltmp15:
0x831: {  	v2 =	vmul.f32 v2, v2;
	v1 =	vsub.f32 v1, v3;
	(pc) =	sbr.rel .LBB2_25-.Ltmp15, $3  }
0x832: {  	_ = 	snop  }
0x833: {  	v0 =	vadd.f32 v2, v0;
	v1 =	vmul.f32 v1, v1;
	_ =	sdelay $0x1  }
0x834: {  	v0 =	vadd.f32 v1, v0  }
.LBB2_22:
0x835: {  	s8 =	rddreg [dreg:$0x1f]  }
0x836: {  	[tilespmem:s12], [sflag:$0x3] =	stream.linear.gather [spmem:s8], $0x9A0, $0x38;
	[tilespmem:$0x17790] =	vst v63  }
0x837: {  	_ =	swait.ge [sflag:s17], $0x9A0  }
0x838: {  	s9 =	sld [smem:$0x7FB]  }
0x839: {  	[sflag:s17] =	ssyncset.done $0x0  }
0x83a: {  	[sflag:s17] =	ssyncadd.s32 $0xFFFFF660  }
0x83b: {  	[tilespmem:s21], [sflag:$0x3] =	stream.linear.gather [spmem:s9], $0x9A0, $0x38;
	[tilespmem:$0x17790] =	vst v63  }
0x83c: {  	_ =	swait.ge [sflag:s17], $0x9A0  }
0x83d: {  	s9 =	sld [smem:$0x7FC]  }
0x83e: {  	[sflag:s17] =	ssyncset.done $0x0  }
0x83f: {  	[sflag:s17] =	ssyncadd.s32 $0xFFFFF660  }
0x840: {  	[tilespmem:s22], [sflag:$0x3] =	stream.linear.gather [spmem:s9], $0x9A0, $0x38;
	[tilespmem:$0x17790] =	vst v63  }
0x841: {  	_ =	swait.ge [sflag:s17], $0x9A0  }
0x842: {  	s9 =	sld [smem:$0x7FD]  }
0x843: {  	[sflag:s17] =	ssyncset.done $0x0  }
0x844: {  	[sflag:s17] =	ssyncadd.s32 $0xFFFFF660  }
0x845: {  	[tilespmem:s23], [sflag:$0x3] =	stream.linear.gather [spmem:s9], $0x9A0, $0x38;
	[tilespmem:$0x17790] =	vst v63  }
0x846: {  	_ =	swait.ge [sflag:s17], $0x9A0  }
0x847: {  	[sflag:s17] =	ssyncset.done $0x0  }
0x848: {  	s8 =	simm.s32 $0x0;
	s9 =	rddreg [dreg:$0xb];
	[sflag:s17] =	ssyncadd.s32 $0xFFFFF660  }
0x849: {  	[tilespmem:s24], [sflag:$0x3] =	stream.linear.gather [hbm4b:s9+s8], $0x9A0, $0x38;
	[tilespmem:$0x17790] =	vst v63  }
0x84a: {  	_ =	swait.ge [sflag:s17], $0x9A0  }
0x84b: {  	[sflag:s17] =	ssyncset.done $0x0  }
0x84c: {  	s9 =	simm.s32 $0x0;
	[sflag:s17] =	ssyncadd.s32 $0xFFFFF660  }
0x84d: {  	v0 =	vld [tilespmem:s9+$0x11E00]  }
0x84e: {  	v1 =	vld [tilespmem:s9+$0x12800];
	_ =	sdelay $0x1  }
0x84f: {  	v3 =	vld [tilespmem:s9+$0x13200]  }
0x850: {  	v6 =	vld [tilespmem:s9+$0x13C00]  }
0x851: {  	s8 =	simm.s32 $0x10;
	v2 =	vld [tilespmem:s9+$0x14600]  }
0x852: {  	v4 =	vld [tilespmem:s8+$0x12800];
	v0 =	vadd.f32 v1, v0  }
0x853: {  	v1 =	vld [tilespmem:s8+$0x11E00]  }
0x854: {  	v7 =	vadd.f32 v3, v0  }
0x855: {  	v5 =	vld [tilespmem:s8+$0x13200]  }
0x856: {  	s9 =	simm.s32 $0x80;
	v0 =	vimm.f32 $0.0e+00;
	v3 =	vld [tilespmem:s8+$0x14600];
	v6 =	vadd.f32 v6, v7  }
.LBB2_23:
0x857: {  	v7 =	vld [tilespmem:s8+$0x13C00];
	s8 =	sshra.s32 s9, $0x2;
	p3 =	sne.s32 s9, $0x2640  }
.Ltmp16:
0x858: {  	s9 =	sadd.s32 $0x40, s9;
	v8 =	vadd.f32 v4, v1;
	v1 =	vld [tilespmem:s8+$0x11E00];
	v10 =	vsub.f32 v6, v2;
	(pc) =	sbr.rel @p3 .LBB2_23-.Ltmp16, $4  }
0x859: {  	v4 =	vld [tilespmem:s8+$0x12800]  }
0x85a: {  	v6 =	vadd.f32 v5, v8;
	v8 =	vmul.f32 v10, v10  }
0x85b: {  	v5 =	vld [tilespmem:s8+$0x13200];
	v2 =	vmov v3  }
0x85c: {  	v3 =	vld [tilespmem:s8+$0x14600];
	v6 =	vadd.f32 v7, v6;
	v0 =	vadd.f32 v8, v0  }
0x85d: {  	v7 =	vld [tilespmem:s8+$0x13C00]  }
0x85e: {  	v1 =	vadd.f32 v4, v1;
	_ =	sdelay $0x1  }
0x85f: {  	v1 =	vadd.f32 v5, v1;
	_ =	sdelay $0x1  }
0x860: {  	v2 =	vsub.f32 v6, v2;
	v1 =	vadd.f32 v7, v1;
	_ =	sdelay $0x1  }
0x861: {  	v2 =	vmul.f32 v2, v2;
	v1 =	vsub.f32 v1, v3;
	_ =	sdelay $0x1  }
0x862: {  	v0 =	vadd.f32 v2, v0;
	v1 =	vmul.f32 v1, v1;
	_ =	sdelay $0x1  }
0x863: {  	v0 =	vadd.f32 v1, v0  }
.LBB2_25:
0x864: {  	v1 =	vld [tilespmem:$0x15000];
	_ =	sdelay $0x4  }
0x865: {  	v0 =	vadd.f32 v1, v0;
	_ =	sdelay $0x1  }
0x866: {  	[tilespmem:$0x15000] =	vst v0  }
0x867: {  	[bflag:$0x0] =	sbarrier.arrive $0xFFFF  }
0x868: {  	[spmem:s10] =	stream.linear.scatter [tilespmem:s0], [sflag:$0x3], $0x2710, $0x38;
	[tilespmem:$0x17790] =	vst v63  }
.Ltmp17:
0x869: {  	_ =	swait.ge [sflag:s17], $0x2710;
	(pc) =	sbr.rel @p0 .LBB2_42-.Ltmp17, $3  }
0x86a: {  	[sflag:s17] =	ssyncset.done $0x0  }
0x86b: {  	[sflag:s17] =	ssyncadd.s32 $0xFFFFD8F0  }
0x86c: {  	[bflag:$0x0] =	sbarrier.arrive $0xFFFF;
	_ =	sdelay $0x1  }
.Ltmp18:
0x86d: {  	(pc) =	sbr.rel @!p1 .LBB2_32-.Ltmp18, $1  }
0x86e: {  	_ =	sdelay $0x3  }
0x86f: {  	s8 =	rddreg [dreg:$0x7]  }
0x870: {  	[tilespmem:s12], [sflag:$0x3] =	stream.linear.gather [spmem:s8], $0x9D0, $0x38;
	[tilespmem:$0x17790] =	vst v63  }
0x871: {  	_ =	swait.ge [sflag:s17], $0x9D0  }
0x872: {  	[sflag:s17] =	ssyncset.done $0x0  }
0x873: {  	s12 =	rddreg [dreg:$0x14];
	[sflag:s17] =	ssyncadd.s32 $0xFFFFF630  }
0x874: {  	[tilespmem:s21], [sflag:$0x3] =	stream.linear.gather [spmem:s12], $0x9D0, $0x38;
	[tilespmem:$0x17790] =	vst v63  }
0x875: {  	_ =	swait.ge [sflag:s17], $0x9D0  }
0x876: {  	[sflag:s17] =	ssyncset.done $0x0  }
0x877: {  	s21 =	rddreg [dreg:$0x15];
	[sflag:s17] =	ssyncadd.s32 $0xFFFFF630  }
0x878: {  	[tilespmem:s22], [sflag:$0x3] =	stream.linear.gather [spmem:s21], $0x9D0, $0x38;
	[tilespmem:$0x17790] =	vst v63  }
0x879: {  	_ =	swait.ge [sflag:s17], $0x9D0  }
0x87a: {  	[sflag:s17] =	ssyncset.done $0x0  }
0x87b: {  	s22 =	rddreg [dreg:$0x16];
	[sflag:s17] =	ssyncadd.s32 $0xFFFFF630  }
0x87c: {  	[tilespmem:s23], [sflag:$0x3] =	stream.linear.gather [spmem:s22], $0x9D0, $0x38;
	[tilespmem:$0x17790] =	vst v63  }
0x87d: {  	_ =	swait.ge [sflag:s17], $0x9D0  }
0x87e: {  	[sflag:s17] =	ssyncset.done $0x0  }
0x87f: {  	s23 =	simm.s32 $0x0;
	s9 =	rddreg [dreg:$0xc];
	[sflag:s17] =	ssyncadd.s32 $0xFFFFF630  }
0x880: {  	[tilespmem:s24], [sflag:$0x3] =	stream.linear.gather [hbm4b:s9+s23], $0x9D0, $0x38;
	[tilespmem:$0x17790] =	vst v63  }
0x881: {  	_ =	swait.ge [sflag:s17], $0x9D0  }
0x882: {  	[sflag:s17] =	ssyncset.done $0x0  }
0x883: {  	s24 =	simm.s32 $0x0;
	[sflag:s17] =	ssyncadd.s32 $0xFFFFF630  }
0x884: {  	v0 =	vld [tilespmem:s24+$0x11E00]  }
0x885: {  	v1 =	vld [tilespmem:s24+$0x12800];
	_ =	sdelay $0x1  }
0x886: {  	v3 =	vld [tilespmem:s24+$0x13200]  }
0x887: {  	v6 =	vld [tilespmem:s24+$0x13C00]  }
0x888: {  	s8 =	simm.s32 $0x10;
	v2 =	vld [tilespmem:s24+$0x14600]  }
0x889: {  	v4 =	vld [tilespmem:s8+$0x12800];
	v0 =	vadd.f32 v1, v0  }
0x88a: {  	v1 =	vld [tilespmem:s8+$0x11E00]  }
0x88b: {  	v7 =	vadd.f32 v3, v0  }
0x88c: {  	v5 =	vld [tilespmem:s8+$0x13200]  }
0x88d: {  	s9 =	simm.s32 $0x80;
	v0 =	vimm.f32 $0.0e+00;
	v3 =	vld [tilespmem:s8+$0x14600];
	v6 =	vadd.f32 v6, v7  }
.LBB2_28:
0x88e: {  	v7 =	vld [tilespmem:s8+$0x13C00];
	s8 =	sshra.s32 s9, $0x2;
	p3 =	seq.s32 s9, $0x2700  }
.Ltmp19:
0x88f: {  	s9 =	sadd.s32 $0x40, s9;
	v8 =	vadd.f32 v4, v1;
	v1 =	vld [tilespmem:s8+$0x11E00];
	v10 =	vsub.f32 v6, v2;
	(pc) =	sbr.rel @!p3 .LBB2_28-.Ltmp19, $4  }
0x890: {  	v4 =	vld [tilespmem:s8+$0x12800]  }
0x891: {  	v6 =	vadd.f32 v5, v8;
	v8 =	vmul.f32 v10, v10  }
0x892: {  	v5 =	vld [tilespmem:s8+$0x13200];
	v2 =	vmov v3  }
0x893: {  	v3 =	vld [tilespmem:s8+$0x14600];
	v6 =	vadd.f32 v7, v6;
	v0 =	vadd.f32 v8, v0  }
0x894: {  	v7 =	vld [tilespmem:s8+$0x13C00]  }
0x895: {  	v1 =	vadd.f32 v4, v1;
	_ =	sdelay $0x1  }
0x896: {  	v1 =	vadd.f32 v5, v1;
	_ =	sdelay $0x1  }
0x897: {  	v2 =	vsub.f32 v6, v2;
	v1 =	vadd.f32 v7, v1;
	_ =	sdelay $0x1  }
0x898: {  	v2 =	vmul.f32 v2, v2;
	v1 =	vsub.f32 v1, v3;
	_ =	sdelay $0x1  }
0x899: {  	v0 =	vadd.f32 v2, v0;
	v1 =	vmul.f32 v1, v1;
	_ =	sdelay $0x1  }
0x89a: {  	v0 =	vadd.f32 v1, v0;
	v1 =	vld [tilespmem:$0x15000];
	_ =	sdelay $0x4  }
0x89b: {  	v0 =	vadd.f32 v1, v0;
	_ =	sdelay $0x1  }
0x89c: {  	s24 =	simm.s32 $0x0;
	[tilespmem:$0x15000] =	vst v0  }
0x89d: {  	v0 =	vld [tilespmem:s24+$0x0];
	_ =	sdelay $0x4  }
0x89e: {  	v1 =	vsub.f32 $9.499999880e-01, v0;
	v0 =	vadd.f32 $-1.049999950e+00, v0  }
0x89f: {  	s9 =	simm.s32 $0x10  }
0x8a0: {  	v3 =	vmax.f32 v0, $0.0e+00;
	v0 =	vld [tilespmem:s9+$0x0]  }
0x8a1: {  	v1 =	vmax.f32 v1, $0.0e+00  }
0x8a2: {  	v1 =	vmul.f32 v1, v1  }
0x8a3: {  	v2 =	vimm.f32 $0.0e+00  }
0x8a4: {  	s8 =	simm.s32 $0x80;
	v1 =	vadd.f32 v1, v2;
	v2 =	vmul.f32 v3, v3  }
.LBB2_30:
0x8a5: {  	s9 =	sshra.s32 s8, $0x2;
	p3 =	seq.s32 s8, $0x2700;
	s8 =	sadd.s32 $0x40, s8;
	v3 =	vsub.f32 $9.499999880e-01, v0;
	v4 =	vmov v0  }
.Ltmp20:
0x8a6: {  	v0 =	vld [tilespmem:s9+$0x0];
	v1 =	vadd.f32 v1, v2;
	(pc) =	sbr.rel @!p3 .LBB2_30-.Ltmp20, $4  }
0x8a7: {  	v2 =	vmax.f32 v3, $0.0e+00;
	v3 =	vadd.f32 $-1.049999950e+00, v4  }
0x8a8: {  	v2 =	vmul.f32 v2, v2  }
0x8a9: {  	v3 =	vmax.f32 v3, $0.0e+00  }
0x8aa: {  	v1 =	vadd.f32 v2, v1;
	v2 =	vmul.f32 v3, v3  }
0x8ab: {  	v3 =	vsub.f32 $9.499999880e-01, v0;
	_ =	sdelay $0x1  }
0x8ac: {  	v0 =	vadd.f32 $-1.049999950e+00, v0;
	v3 =	vmax.f32 v3, $0.0e+00  }
.Ltmp21:
0x8ad: {  	v1 =	vadd.f32 v1, v2;
	v2 =	vmul.f32 v3, v3;
	(pc) =	sbr.rel .LBB2_48-.Ltmp21, $3  }
0x8ae: {  	v0 =	vmax.f32 v0, $0.0e+00  }
0x8af: {  	v0 =	vmul.f32 v0, v0;
	v1 =	vadd.f32 v2, v1;
	_ =	sdelay $0x1  }
0x8b0: {  	v0 =	vadd.f32 v1, v0  }
.LBB2_42:
.Ltmp22:
0x8b1: {  	(pc) =	sbr.rel @!p2 .LBB2_43-.Ltmp22, $1  }
0x8b2: {  	_ =	sdelay $0x3  }
0x8b3: {  	s8 =	rddreg [dreg:$0x1b]  }
0x8b4: {  	[tilespmem:s12], [sflag:$0x3] =	stream.linear.gather [spmem:s8], $0x9D0, $0x38;
	[tilespmem:$0x17790] =	vst v63  }
0x8b5: {  	_ =	swait.ge [sflag:s17], $0x9D0  }
0x8b6: {  	[sflag:s17] =	ssyncset.done $0x0  }
0x8b7: {  	s12 =	rddreg [dreg:$0x1c];
	[sflag:s17] =	ssyncadd.s32 $0xFFFFF630  }
0x8b8: {  	[tilespmem:s21], [sflag:$0x3] =	stream.linear.gather [spmem:s12], $0x9D0, $0x38;
	[tilespmem:$0x17790] =	vst v63  }
0x8b9: {  	_ =	swait.ge [sflag:s17], $0x9D0  }
0x8ba: {  	[sflag:s17] =	ssyncset.done $0x0  }
0x8bb: {  	s21 =	rddreg [dreg:$0x1d];
	[sflag:s17] =	ssyncadd.s32 $0xFFFFF630  }
0x8bc: {  	[tilespmem:s22], [sflag:$0x3] =	stream.linear.gather [spmem:s21], $0x9D0, $0x38;
	[tilespmem:$0x17790] =	vst v63  }
0x8bd: {  	_ =	swait.ge [sflag:s17], $0x9D0  }
0x8be: {  	[sflag:s17] =	ssyncset.done $0x0  }
0x8bf: {  	s22 =	rddreg [dreg:$0x1e];
	[sflag:s17] =	ssyncadd.s32 $0xFFFFF630  }
0x8c0: {  	[tilespmem:s23], [sflag:$0x3] =	stream.linear.gather [spmem:s22], $0x9D0, $0x38;
	[tilespmem:$0x17790] =	vst v63  }
0x8c1: {  	_ =	swait.ge [sflag:s17], $0x9D0  }
0x8c2: {  	[sflag:s17] =	ssyncset.done $0x0  }
0x8c3: {  	s23 =	simm.s32 $0x0;
	s9 =	rddreg [dreg:$0xe];
	[sflag:s17] =	ssyncadd.s32 $0xFFFFF630  }
0x8c4: {  	[tilespmem:s24], [sflag:$0x3] =	stream.linear.gather [hbm4b:s9+s23], $0x9D0, $0x38;
	[tilespmem:$0x17790] =	vst v63  }
0x8c5: {  	_ =	swait.ge [sflag:s17], $0x9D0  }
0x8c6: {  	[sflag:s17] =	ssyncset.done $0x0  }
0x8c7: {  	s24 =	simm.s32 $0x0;
	[sflag:s17] =	ssyncadd.s32 $0xFFFFF630  }
0x8c8: {  	v0 =	vld [tilespmem:s24+$0x11E00]  }
0x8c9: {  	v1 =	vld [tilespmem:s24+$0x12800];
	_ =	sdelay $0x1  }
0x8ca: {  	v3 =	vld [tilespmem:s24+$0x13200]  }
0x8cb: {  	v6 =	vld [tilespmem:s24+$0x13C00]  }
0x8cc: {  	s8 =	simm.s32 $0x10;
	v2 =	vld [tilespmem:s24+$0x14600]  }
0x8cd: {  	v4 =	vld [tilespmem:s8+$0x12800];
	v0 =	vadd.f32 v1, v0  }
0x8ce: {  	v1 =	vld [tilespmem:s8+$0x11E00]  }
0x8cf: {  	v7 =	vadd.f32 v3, v0  }
0x8d0: {  	v5 =	vld [tilespmem:s8+$0x13200]  }
0x8d1: {  	s9 =	simm.s32 $0x80;
	v0 =	vimm.f32 $0.0e+00;
	v3 =	vld [tilespmem:s8+$0x14600];
	v6 =	vadd.f32 v6, v7  }
.LBB2_38:
0x8d2: {  	v7 =	vld [tilespmem:s8+$0x13C00];
	s8 =	sshra.s32 s9, $0x2;
	p3 =	seq.s32 s9, $0x2700  }
.Ltmp23:
0x8d3: {  	s9 =	sadd.s32 $0x40, s9;
	v8 =	vadd.f32 v4, v1;
	v1 =	vld [tilespmem:s8+$0x11E00];
	v10 =	vsub.f32 v6, v2;
	(pc) =	sbr.rel @!p3 .LBB2_38-.Ltmp23, $4  }
0x8d4: {  	v4 =	vld [tilespmem:s8+$0x12800]  }
0x8d5: {  	v6 =	vadd.f32 v5, v8;
	v8 =	vmul.f32 v10, v10  }
0x8d6: {  	v5 =	vld [tilespmem:s8+$0x13200];
	v2 =	vmov v3  }
0x8d7: {  	v3 =	vld [tilespmem:s8+$0x14600];
	v6 =	vadd.f32 v7, v6;
	v0 =	vadd.f32 v8, v0  }
0x8d8: {  	v7 =	vld [tilespmem:s8+$0x13C00]  }
0x8d9: {  	v1 =	vadd.f32 v4, v1;
	_ =	sdelay $0x1  }
0x8da: {  	v1 =	vadd.f32 v5, v1;
	_ =	sdelay $0x1  }
0x8db: {  	v2 =	vsub.f32 v6, v2;
	v1 =	vadd.f32 v7, v1;
	_ =	sdelay $0x1  }
0x8dc: {  	v2 =	vmul.f32 v2, v2;
	v1 =	vsub.f32 v1, v3;
	_ =	sdelay $0x1  }
0x8dd: {  	v0 =	vadd.f32 v2, v0;
	v1 =	vmul.f32 v1, v1;
	_ =	sdelay $0x1  }
0x8de: {  	v0 =	vadd.f32 v1, v0;
	v1 =	vld [tilespmem:$0x15000];
	_ =	sdelay $0x4  }
0x8df: {  	v0 =	vadd.f32 v1, v0;
	_ =	sdelay $0x1  }
0x8e0: {  	s24 =	simm.s32 $0x0;
	[tilespmem:$0x15000] =	vst v0  }
0x8e1: {  	v0 =	vld [tilespmem:s24+$0x13A0];
	_ =	sdelay $0x4  }
0x8e2: {  	v1 =	vsub.f32 $9.499999880e-01, v0;
	v0 =	vadd.f32 $-1.049999950e+00, v0  }
0x8e3: {  	s9 =	simm.s32 $0x10  }
0x8e4: {  	v3 =	vmax.f32 v0, $0.0e+00;
	v0 =	vld [tilespmem:s9+$0x13A0]  }
0x8e5: {  	v1 =	vmax.f32 v1, $0.0e+00  }
0x8e6: {  	v1 =	vmul.f32 v1, v1  }
0x8e7: {  	v2 =	vimm.f32 $0.0e+00  }
0x8e8: {  	s8 =	simm.s32 $0x80;
	v1 =	vadd.f32 v1, v2;
	v2 =	vmul.f32 v3, v3  }
.LBB2_40:
0x8e9: {  	s9 =	sshra.s32 s8, $0x2;
	p3 =	seq.s32 s8, $0x2700;
	s8 =	sadd.s32 $0x40, s8;
	v3 =	vsub.f32 $9.499999880e-01, v0;
	v4 =	vmov v0  }
.Ltmp24:
0x8ea: {  	v0 =	vld [tilespmem:s9+$0x13A0];
	v1 =	vadd.f32 v1, v2;
	(pc) =	sbr.rel @!p3 .LBB2_40-.Ltmp24, $4  }
0x8eb: {  	v2 =	vmax.f32 v3, $0.0e+00;
	v3 =	vadd.f32 $-1.049999950e+00, v4  }
0x8ec: {  	v2 =	vmul.f32 v2, v2  }
0x8ed: {  	v3 =	vmax.f32 v3, $0.0e+00  }
0x8ee: {  	v1 =	vadd.f32 v2, v1;
	v2 =	vmul.f32 v3, v3  }
0x8ef: {  	v3 =	vsub.f32 $9.499999880e-01, v0;
	_ =	sdelay $0x1  }
0x8f0: {  	v0 =	vadd.f32 $-1.049999950e+00, v0;
	v3 =	vmax.f32 v3, $0.0e+00  }
.Ltmp25:
0x8f1: {  	v1 =	vadd.f32 v1, v2;
	v2 =	vmul.f32 v3, v3;
	(pc) =	sbr.rel .LBB2_48-.Ltmp25, $3  }
0x8f2: {  	v0 =	vmax.f32 v0, $0.0e+00  }
0x8f3: {  	v0 =	vmul.f32 v0, v0;
	v1 =	vadd.f32 v2, v1;
	_ =	sdelay $0x1  }
0x8f4: {  	v0 =	vadd.f32 v1, v0  }
.LBB2_32:
0x8f5: {  	s8 =	rddreg [dreg:$0x17]  }
0x8f6: {  	[tilespmem:s12], [sflag:$0x3] =	stream.linear.gather [spmem:s8], $0x9D0, $0x38;
	[tilespmem:$0x17790] =	vst v63  }
0x8f7: {  	_ =	swait.ge [sflag:s17], $0x9D0  }
0x8f8: {  	[sflag:s17] =	ssyncset.done $0x0  }
0x8f9: {  	s12 =	rddreg [dreg:$0x18];
	[sflag:s17] =	ssyncadd.s32 $0xFFFFF630  }
0x8fa: {  	[tilespmem:s21], [sflag:$0x3] =	stream.linear.gather [spmem:s12], $0x9D0, $0x38;
	[tilespmem:$0x17790] =	vst v63  }
0x8fb: {  	_ =	swait.ge [sflag:s17], $0x9D0  }
0x8fc: {  	[sflag:s17] =	ssyncset.done $0x0  }
0x8fd: {  	s21 =	rddreg [dreg:$0x19];
	[sflag:s17] =	ssyncadd.s32 $0xFFFFF630  }
0x8fe: {  	[tilespmem:s22], [sflag:$0x3] =	stream.linear.gather [spmem:s21], $0x9D0, $0x38;
	[tilespmem:$0x17790] =	vst v63  }
0x8ff: {  	_ =	swait.ge [sflag:s17], $0x9D0  }
0x900: {  	[sflag:s17] =	ssyncset.done $0x0  }
0x901: {  	s22 =	rddreg [dreg:$0x1a];
	[sflag:s17] =	ssyncadd.s32 $0xFFFFF630  }
0x902: {  	[tilespmem:s23], [sflag:$0x3] =	stream.linear.gather [spmem:s22], $0x9D0, $0x38;
	[tilespmem:$0x17790] =	vst v63  }
0x903: {  	_ =	swait.ge [sflag:s17], $0x9D0  }
0x904: {  	[sflag:s17] =	ssyncset.done $0x0  }
0x905: {  	s23 =	simm.s32 $0x0;
	s9 =	rddreg [dreg:$0xd];
	[sflag:s17] =	ssyncadd.s32 $0xFFFFF630  }
0x906: {  	[tilespmem:s24], [sflag:$0x3] =	stream.linear.gather [hbm4b:s9+s23], $0x9D0, $0x38;
	[tilespmem:$0x17790] =	vst v63  }
0x907: {  	_ =	swait.ge [sflag:s17], $0x9D0  }
0x908: {  	[sflag:s17] =	ssyncset.done $0x0  }
0x909: {  	s24 =	simm.s32 $0x0;
	[sflag:s17] =	ssyncadd.s32 $0xFFFFF630  }
0x90a: {  	v0 =	vld [tilespmem:s24+$0x11E00]  }
0x90b: {  	v1 =	vld [tilespmem:s24+$0x12800];
	_ =	sdelay $0x1  }
0x90c: {  	v3 =	vld [tilespmem:s24+$0x13200]  }
0x90d: {  	v6 =	vld [tilespmem:s24+$0x13C00]  }
0x90e: {  	s8 =	simm.s32 $0x10;
	v2 =	vld [tilespmem:s24+$0x14600]  }
0x90f: {  	v4 =	vld [tilespmem:s8+$0x12800];
	v0 =	vadd.f32 v1, v0  }
0x910: {  	v1 =	vld [tilespmem:s8+$0x11E00]  }
0x911: {  	v7 =	vadd.f32 v3, v0  }
0x912: {  	v5 =	vld [tilespmem:s8+$0x13200]  }
0x913: {  	s9 =	simm.s32 $0x80;
	v0 =	vimm.f32 $0.0e+00;
	v3 =	vld [tilespmem:s8+$0x14600];
	v6 =	vadd.f32 v6, v7  }
.LBB2_33:
0x914: {  	v7 =	vld [tilespmem:s8+$0x13C00];
	s8 =	sshra.s32 s9, $0x2;
	p3 =	seq.s32 s9, $0x2700  }
.Ltmp26:
0x915: {  	s9 =	sadd.s32 $0x40, s9;
	v8 =	vadd.f32 v4, v1;
	v1 =	vld [tilespmem:s8+$0x11E00];
	v10 =	vsub.f32 v6, v2;
	(pc) =	sbr.rel @!p3 .LBB2_33-.Ltmp26, $4  }
0x916: {  	v4 =	vld [tilespmem:s8+$0x12800]  }
0x917: {  	v6 =	vadd.f32 v5, v8;
	v8 =	vmul.f32 v10, v10  }
0x918: {  	v5 =	vld [tilespmem:s8+$0x13200];
	v2 =	vmov v3  }
0x919: {  	v3 =	vld [tilespmem:s8+$0x14600];
	v6 =	vadd.f32 v7, v6;
	v0 =	vadd.f32 v8, v0  }
0x91a: {  	v7 =	vld [tilespmem:s8+$0x13C00]  }
0x91b: {  	v1 =	vadd.f32 v4, v1;
	_ =	sdelay $0x1  }
0x91c: {  	v1 =	vadd.f32 v5, v1;
	_ =	sdelay $0x1  }
0x91d: {  	v2 =	vsub.f32 v6, v2;
	v1 =	vadd.f32 v7, v1;
	_ =	sdelay $0x1  }
0x91e: {  	v2 =	vmul.f32 v2, v2;
	v1 =	vsub.f32 v1, v3;
	_ =	sdelay $0x1  }
0x91f: {  	v0 =	vadd.f32 v2, v0;
	v1 =	vmul.f32 v1, v1;
	_ =	sdelay $0x1  }
0x920: {  	v0 =	vadd.f32 v1, v0;
	v1 =	vld [tilespmem:$0x15000];
	_ =	sdelay $0x4  }
0x921: {  	v0 =	vadd.f32 v1, v0;
	_ =	sdelay $0x1  }
0x922: {  	s24 =	simm.s32 $0x0;
	[tilespmem:$0x15000] =	vst v0  }
0x923: {  	v0 =	vld [tilespmem:s24+$0x9D0];
	_ =	sdelay $0x4  }
0x924: {  	v1 =	vsub.f32 $9.499999880e-01, v0;
	v0 =	vadd.f32 $-1.049999950e+00, v0  }
0x925: {  	s9 =	simm.s32 $0x10  }
0x926: {  	v3 =	vmax.f32 v0, $0.0e+00;
	v0 =	vld [tilespmem:s9+$0x9D0]  }
0x927: {  	v1 =	vmax.f32 v1, $0.0e+00  }
0x928: {  	v1 =	vmul.f32 v1, v1  }
0x929: {  	v2 =	vimm.f32 $0.0e+00  }
0x92a: {  	s8 =	simm.s32 $0x80;
	v1 =	vadd.f32 v1, v2;
	v2 =	vmul.f32 v3, v3  }
.LBB2_35:
0x92b: {  	s9 =	sshra.s32 s8, $0x2;
	p3 =	seq.s32 s8, $0x2700;
	s8 =	sadd.s32 $0x40, s8;
	v3 =	vsub.f32 $9.499999880e-01, v0;
	v4 =	vmov v0  }
.Ltmp27:
0x92c: {  	v0 =	vld [tilespmem:s9+$0x9D0];
	v1 =	vadd.f32 v1, v2;
	(pc) =	sbr.rel @!p3 .LBB2_35-.Ltmp27, $4  }
0x92d: {  	v2 =	vmax.f32 v3, $0.0e+00;
	v3 =	vadd.f32 $-1.049999950e+00, v4  }
0x92e: {  	v2 =	vmul.f32 v2, v2  }
0x92f: {  	v3 =	vmax.f32 v3, $0.0e+00  }
0x930: {  	v1 =	vadd.f32 v2, v1;
	v2 =	vmul.f32 v3, v3  }
0x931: {  	v3 =	vsub.f32 $9.499999880e-01, v0;
	_ =	sdelay $0x1  }
0x932: {  	v0 =	vadd.f32 $-1.049999950e+00, v0;
	v3 =	vmax.f32 v3, $0.0e+00  }
.Ltmp28:
0x933: {  	v1 =	vadd.f32 v1, v2;
	v2 =	vmul.f32 v3, v3;
	(pc) =	sbr.rel .LBB2_48-.Ltmp28, $3  }
0x934: {  	v0 =	vmax.f32 v0, $0.0e+00  }
0x935: {  	v0 =	vmul.f32 v0, v0;
	v1 =	vadd.f32 v2, v1;
	_ =	sdelay $0x1  }
0x936: {  	v0 =	vadd.f32 v1, v0  }
.LBB2_43:
0x937: {  	s8 =	rddreg [dreg:$0x1f]  }
0x938: {  	[tilespmem:s12], [sflag:$0x3] =	stream.linear.gather [spmem:s8], $0x9A0, $0x38;
	[tilespmem:$0x17790] =	vst v63  }
0x939: {  	_ =	swait.ge [sflag:s17], $0x9A0  }
0x93a: {  	s12 =	sld [smem:$0x7FB]  }
0x93b: {  	[sflag:s17] =	ssyncset.done $0x0  }
0x93c: {  	[sflag:s17] =	ssyncadd.s32 $0xFFFFF660  }
0x93d: {  	[tilespmem:s21], [sflag:$0x3] =	stream.linear.gather [spmem:s12], $0x9A0, $0x38;
	[tilespmem:$0x17790] =	vst v63  }
0x93e: {  	_ =	swait.ge [sflag:s17], $0x9A0  }
0x93f: {  	s21 =	sld [smem:$0x7FC]  }
0x940: {  	[sflag:s17] =	ssyncset.done $0x0  }
0x941: {  	[sflag:s17] =	ssyncadd.s32 $0xFFFFF660  }
0x942: {  	[tilespmem:s22], [sflag:$0x3] =	stream.linear.gather [spmem:s21], $0x9A0, $0x38;
	[tilespmem:$0x17790] =	vst v63  }
0x943: {  	_ =	swait.ge [sflag:s17], $0x9A0  }
0x944: {  	s22 =	sld [smem:$0x7FD]  }
0x945: {  	[sflag:s17] =	ssyncset.done $0x0  }
0x946: {  	[sflag:s17] =	ssyncadd.s32 $0xFFFFF660  }
0x947: {  	[tilespmem:s23], [sflag:$0x3] =	stream.linear.gather [spmem:s22], $0x9A0, $0x38;
	[tilespmem:$0x17790] =	vst v63  }
0x948: {  	_ =	swait.ge [sflag:s17], $0x9A0  }
0x949: {  	[sflag:s17] =	ssyncset.done $0x0  }
0x94a: {  	s23 =	simm.s32 $0x0;
	s9 =	rddreg [dreg:$0xf];
	[sflag:s17] =	ssyncadd.s32 $0xFFFFF660  }
0x94b: {  	[tilespmem:s24], [sflag:$0x3] =	stream.linear.gather [hbm4b:s9+s23], $0x9A0, $0x38;
	[tilespmem:$0x17790] =	vst v63  }
0x94c: {  	_ =	swait.ge [sflag:s17], $0x9A0  }
0x94d: {  	[sflag:s17] =	ssyncset.done $0x0  }
0x94e: {  	s24 =	simm.s32 $0x0;
	[sflag:s17] =	ssyncadd.s32 $0xFFFFF660  }
0x94f: {  	v0 =	vld [tilespmem:s24+$0x11E00]  }
0x950: {  	v1 =	vld [tilespmem:s24+$0x12800];
	_ =	sdelay $0x1  }
0x951: {  	v3 =	vld [tilespmem:s24+$0x13200]  }
0x952: {  	v6 =	vld [tilespmem:s24+$0x13C00]  }
0x953: {  	s8 =	simm.s32 $0x10;
	v2 =	vld [tilespmem:s24+$0x14600]  }
0x954: {  	v4 =	vld [tilespmem:s8+$0x12800];
	v0 =	vadd.f32 v1, v0  }
0x955: {  	v1 =	vld [tilespmem:s8+$0x11E00]  }
0x956: {  	v7 =	vadd.f32 v3, v0  }
0x957: {  	v5 =	vld [tilespmem:s8+$0x13200]  }
0x958: {  	s9 =	simm.s32 $0x80;
	v0 =	vimm.f32 $0.0e+00;
	v3 =	vld [tilespmem:s8+$0x14600];
	v6 =	vadd.f32 v6, v7  }
.LBB2_44:
0x959: {  	v7 =	vld [tilespmem:s8+$0x13C00];
	s8 =	sshra.s32 s9, $0x2;
	p3 =	seq.s32 s9, $0x2640  }
.Ltmp29:
0x95a: {  	s9 =	sadd.s32 $0x40, s9;
	v8 =	vadd.f32 v4, v1;
	v1 =	vld [tilespmem:s8+$0x11E00];
	v10 =	vsub.f32 v6, v2;
	(pc) =	sbr.rel @!p3 .LBB2_44-.Ltmp29, $4  }
0x95b: {  	v4 =	vld [tilespmem:s8+$0x12800]  }
0x95c: {  	v6 =	vadd.f32 v5, v8;
	v8 =	vmul.f32 v10, v10  }
0x95d: {  	v5 =	vld [tilespmem:s8+$0x13200];
	v2 =	vmov v3  }
0x95e: {  	v3 =	vld [tilespmem:s8+$0x14600];
	v6 =	vadd.f32 v7, v6;
	v0 =	vadd.f32 v8, v0  }
0x95f: {  	v7 =	vld [tilespmem:s8+$0x13C00]  }
0x960: {  	v1 =	vadd.f32 v4, v1;
	_ =	sdelay $0x1  }
0x961: {  	v1 =	vadd.f32 v5, v1;
	_ =	sdelay $0x1  }
0x962: {  	v2 =	vsub.f32 v6, v2;
	v1 =	vadd.f32 v7, v1;
	_ =	sdelay $0x1  }
0x963: {  	v2 =	vmul.f32 v2, v2;
	v1 =	vsub.f32 v1, v3;
	_ =	sdelay $0x1  }
0x964: {  	v0 =	vadd.f32 v2, v0;
	v1 =	vmul.f32 v1, v1;
	_ =	sdelay $0x1  }
0x965: {  	v0 =	vadd.f32 v1, v0;
	v1 =	vld [tilespmem:$0x15000];
	_ =	sdelay $0x4  }
0x966: {  	v0 =	vadd.f32 v1, v0;
	_ =	sdelay $0x1  }
0x967: {  	s24 =	simm.s32 $0x0;
	[tilespmem:$0x15000] =	vst v0  }
0x968: {  	v0 =	vld [tilespmem:s24+$0x1D70];
	_ =	sdelay $0x4  }
0x969: {  	v1 =	vsub.f32 $9.499999880e-01, v0;
	v0 =	vadd.f32 $-1.049999950e+00, v0  }
0x96a: {  	s9 =	simm.s32 $0x10  }
0x96b: {  	v3 =	vmax.f32 v0, $0.0e+00;
	v0 =	vld [tilespmem:s9+$0x1D70]  }
0x96c: {  	v1 =	vmax.f32 v1, $0.0e+00  }
0x96d: {  	v1 =	vmul.f32 v1, v1  }
0x96e: {  	v2 =	vimm.f32 $0.0e+00  }
0x96f: {  	s8 =	simm.s32 $0x80;
	v1 =	vadd.f32 v1, v2;
	v2 =	vmul.f32 v3, v3  }
.LBB2_46:
0x970: {  	s9 =	sshra.s32 s8, $0x2;
	p3 =	sne.s32 s8, $0x2640;
	s8 =	sadd.s32 $0x40, s8;
	v3 =	vsub.f32 $9.499999880e-01, v0;
	v4 =	vmov v0  }
.Ltmp30:
0x971: {  	v0 =	vld [tilespmem:s9+$0x1D70];
	v1 =	vadd.f32 v1, v2;
	(pc) =	sbr.rel @p3 .LBB2_46-.Ltmp30, $4  }
0x972: {  	v2 =	vmax.f32 v3, $0.0e+00;
	v3 =	vadd.f32 $-1.049999950e+00, v4  }
0x973: {  	v2 =	vmul.f32 v2, v2  }
0x974: {  	v3 =	vmax.f32 v3, $0.0e+00  }
0x975: {  	v1 =	vadd.f32 v2, v1;
	v2 =	vmul.f32 v3, v3  }
0x976: {  	v3 =	vsub.f32 $9.499999880e-01, v0;
	_ =	sdelay $0x1  }
0x977: {  	v0 =	vadd.f32 $-1.049999950e+00, v0;
	v3 =	vmax.f32 v3, $0.0e+00  }
.Ltmp31:
0x978: {  	v1 =	vadd.f32 v1, v2;
	v2 =	vmul.f32 v3, v3;
	(pc) =	sbr.rel .LBB2_48-.Ltmp31, $3  }
0x979: {  	v0 =	vmax.f32 v0, $0.0e+00  }
0x97a: {  	v0 =	vmul.f32 v0, v0;
	v1 =	vadd.f32 v2, v1;
	_ =	sdelay $0x1  }
0x97b: {  	v0 =	vadd.f32 v1, v0  }
.LBB2_49:
0x97c: {  	_ =	sfence.sel $0x180000  }
0x97d: {  	[bflag:$0x0] =	sbarrier.arrive $0xFFFF  }
0x97e: {  	_ =	strace $0x90000047  }
0x97f: {  	s0 =	stileid.u32;
	[bflag:$0x2] =	sbarrier.arrive $0xFFFF  }
0x980: {  	p0 =	sne.s32 s0, $0x0;
	s0 =	rddreg [dreg:$0x4]  }
0x981: {  	s0 =	sadd.s32 @!p0 $0x100000, s0  }
0x982: {  	[sflag:s0] =	ssyncadd.tile.s32 @!p0 $0x1;
	_ =	shalt  }
.Lfunc_end2:
_tile_overlayer_lowered:
.L_overlay_start_2:
0x983: {  	(tag) =	ssettag $0x2  }
0x984: {  	s0 =	rddreg [dreg:$0x0];
	s2 =	stileid.u32  }
0x985: {  	s1 =	rddreg [dreg:$0x1];
	p0 =	sne.s32 s2, $0x0  }
0x986: {  	s3 =	rddreg [dreg:$0x2];
	[bflag:$0x3] =	sbarrier.arrive $0xFFFF;
	s2 =	simm.s32 @!p0 $0x1C03  }
0x987: {  	[timem:s3], [sflag:s2] =	dma.local @!p0 [hbm:s0], s1  }
0x988: {  	s0 =	simm.s32 @!p0 $0x3  }
0x989: {  	_ =	swait.ge @!p0 [sflag:s0], s1  }
0x98a: {  	s1 =	ssub.s32 @!p0 $0x0, s1;
	[sflag:s0] =	ssyncset.done @!p0 $0x0  }
0x98b: {  	[sflag:s0] =	ssyncadd.s32 @!p0 s1  }
0x98c: {  	[bflag:$0x3] =	sbarrier.arrive $0xFFFF  }
0x98d: {  	_ =	shalt  }

</sc_bundles>
